<compile_context>
chip_gen: v7x
topology: tpu7x:2x2x1
jax: 0.10.2.dev20260603
libtpu: 0.0.44.dev20260713+nightly
codegen_flags: <defaults>
</compile_context>

<pallas_src>
import functools
import jax
import jax.numpy as jnp
from jax import lax
from jax.experimental import pallas as pl
from jax.experimental.pallas import tpu as pltpu
from jax.experimental.pallas import tpu_sc as plsc

NC = 2
NS = 16
L = 16
NW = NC * NS
KSEG = 1024
STRIP = 4096
SPAN = 8
NPLN = 3
NIL = 3
SUB = 8


def _pool(B, C, HW):
  P = B * C
  PPW = P // NW
  NPASS = PPW // NPLN
  NSTRIP = HW // STRIP
  ACC_W = SUB * KSEG
  mesh = plsc.VectorSubcoreMesh(core_axis_name="c", subcore_axis_name="s")

  @functools.partial(
      pl.kernel,
      mesh=mesh,
      out_type=jax.ShapeDtypeStruct((P, KSEG), jnp.float32),
      compiler_params=pltpu.CompilerParams(
          needs_layout_passes=False, use_tc_tiling_on_sc=False
      ),
      scratch_types=[
          pltpu.VMEM((2, STRIP), jnp.int32),
          pltpu.VMEM((2, NPLN, STRIP), jnp.float32),
      ] + [pltpu.VMEM((ACC_W,), jnp.float32) for _ in range(NPLN * NIL)] + [
          pltpu.VMEM((KSEG,), jnp.float32),
          pltpu.SemaphoreType.DMA,
          pltpu.SemaphoreType.DMA,
      ],
  )
  def k(img_hbm, spx_hbm, out_hbm, lbl_v, d_v, *rest):
    accs = rest[:NPLN * NIL]
    row_v = rest[NPLN * NIL]
    sems = rest[NPLN * NIL + 1:]
    wid = lax.axis_index("s") * NC + lax.axis_index("c")
    lane = lax.iota(jnp.int32, L)
    lane_k = jnp.minimum(lane, 15 - lane) * KSEG
    neg_inf = jnp.full((L,), -jnp.inf, jnp.float32)

    def issue(s, slot, p0, b):
      off = s * STRIP
      pltpu.async_copy(
          spx_hbm.at[b, pl.ds(off, STRIP)], lbl_v.at[slot], sems[slot])
      pltpu.async_copy(
          img_hbm.at[pl.ds(p0, NPLN), pl.ds(off, STRIP)], d_v.at[slot],
          sems[slot])

    def wait(slot):
      pltpu.make_async_copy(
          spx_hbm.at[0, pl.ds(0, STRIP)], lbl_v.at[slot], sems[slot]).wait()
      pltpu.make_async_copy(
          img_hbm.at[pl.ds(0, NPLN), pl.ds(0, STRIP)], d_v.at[slot],
          sems[slot]).wait()

    for ps in range(NPASS):
      p0 = wid * PPW + NPLN * ps
      b = p0 // C

      def init_body(j, _):
        o = j * (4 * L)
        for a in accs:
          for u in range(4):
            a[pl.ds(o + u * L, L)] = neg_inf
        return 0

      lax.fori_loop(0, ACC_W // (4 * L), init_body, 0)

      issue(0, 0, p0, b)

      def process(slot):
        def span_body(t, _):
          base = t * (SPAN * L)
          for g in range(SPAN):
            o = base + g * L
            lbl = lbl_v[slot, pl.ds(o, L)]
            idx = lane_k + lbl
            idx_r = lax.rev(idx, (0,))
            eq = idx == idx_r
            for p in range(NPLN):
              acc = accs[p * NIL + (g % NIL)]
              v = d_v[slot, p, pl.ds(o, L)]
              v2 = jnp.where(eq, jnp.maximum(v, lax.rev(v, (0,))), v)
              c = plsc.load_gather(acc, [idx])
              plsc.store_scatter(acc, [idx], jnp.maximum(c, v2))
          return 0

        lax.fori_loop(0, STRIP // (SPAN * L), span_body, 0)

      def strip_body(s2, _):
        s = s2 * 2
        issue(s + 1, 1, p0, b)
        wait(0)
        process(0)

        @pl.when(s2 + 1 < NSTRIP // 2)
        def _():
          issue(s + 2, 0, p0, b)

        wait(1)
        process(1)
        return 0

      lax.fori_loop(0, NSTRIP // 2, strip_body, 0)

      for p in range(NPLN):
        acc_set = accs[p * NIL:(p + 1) * NIL]

        def fin_body(jj, _):
          m = neg_inf
          for a in acc_set:
            for l in range(SUB):
              m = jnp.maximum(m, a[pl.ds(l * KSEG + jj * L, L)])
          row_v[pl.ds(jj * L, L)] = m
          return 0

        lax.fori_loop(0, KSEG // L, fin_body, 0)
        pltpu.sync_copy(row_v, out_hbm.at[p0 + p])

  return k


@jax.jit
def kernel(img, spx):
  B, C, H, W = img.shape
  HW = H * W
  img2 = img.reshape(B * C, HW)
  spx2 = spx.reshape(B, HW).astype(jnp.int32)
  out = _pool(B, C, HW)(img2, spx2)
  return out.reshape(B, C, KSEG)

# --- scband reference (transcript-rebuilt; emitter-appended) ---
"""Pipeline reference for scband-sup-pix-pool-25366076850473 (READ-ONLY COPY).

The authoritative reference and input builder live on the scoring server;
editing this copy changes nothing except your own understanding.
"""

import jax, jax.numpy as jnp
import numpy as np

K = 1024  # number of superpixels; module computes K = len(unique(spx)), which equals 1024 w.h.p. for 512K pixels with labels drawn uniformly from [0, 1024)


def setup_inputs(seed: int = 0) -> dict:
    key = jax.random.key(seed)
    k1, k2 = jax.random.split(key)
    img = jax.random.normal(k1, (2, 96, 512, 512), dtype=jnp.float32)
    spx = jax.random.randint(k2, (2, 512, 512), 0, K, dtype=jnp.int32)
    return {"img": img, "spx": spx}


def reference(img, spx):
    # SupPixPool: superpixel max-pooling. For each batch b, channel c, superpixel k:
    #   pooled[b, c, k] = max over pixels p with spx[b, p] == k of img[b, c, p]
    B, C, H, W = img.shape
    spx = spx.astype(jnp.int32)
    data = img.reshape(B, C, H * W).transpose(0, 2, 1)  # [B, HW, C]
    ids = spx.reshape(B, H * W)  # [B, HW]

    def pool_one(d, i):
        return jax.ops.segment_max(d, i, num_segments=K)  # [K, C]

    pooled = jax.vmap(pool_one)(data, ids)  # [B, K, C]
    return pooled.transpose(0, 2, 1)  # [B, C, K]

if __name__ == "__main__":
    import jax
    _d = setup_inputs()
    print(jax.jit(kernel)(*tuple(_d.values())))

</pallas_src>

<mosaic_0001>
#map = affine_map<(d0, d1) -> (0, 0)>
module attributes {stable_mosaic.version = 14 : i64} {
  func.func @k(%arg0: i32, %arg1: i32, %arg2: memref<192x262144xf32, #tpu.memory_space<hbm>>, %arg3: memref<2x262144xi32, #tpu.memory_space<hbm>>, %arg4: memref<192x1024xf32, #tpu.memory_space<hbm>>, %arg5: memref<2x4096xi32, #tpu.memory_space<vmem>>, %arg6: memref<2x3x4096xf32, #tpu.memory_space<vmem>>, %arg7: memref<8192xf32, #tpu.memory_space<vmem>>, %arg8: memref<8192xf32, #tpu.memory_space<vmem>>, %arg9: memref<8192xf32, #tpu.memory_space<vmem>>, %arg10: memref<8192xf32, #tpu.memory_space<vmem>>, %arg11: memref<8192xf32, #tpu.memory_space<vmem>>, %arg12: memref<8192xf32, #tpu.memory_space<vmem>>, %arg13: memref<8192xf32, #tpu.memory_space<vmem>>, %arg14: memref<8192xf32, #tpu.memory_space<vmem>>, %arg15: memref<8192xf32, #tpu.memory_space<vmem>>, %arg16: memref<1024xf32, #tpu.memory_space<vmem>>, %arg17: memref<!tpu.dma_semaphore, #tpu.memory_space<semaphore_mem>>, %arg18: memref<!tpu.dma_semaphore, #tpu.memory_space<semaphore_mem>>) attributes {dimension_semantics = [#tpu.dimension_semantics<core_parallel>, #tpu.dimension_semantics<subcore_parallel>], iteration_bounds = array<i64: 2, 16>, scalar_prefetch = 0 : i64, scratch_operands = 14 : i64, tpu.core_type = #tpu.core_type<sc_vector_subcore>, window_params = [{transform_indices = #map}, {transform_indices = #map}, {transform_indices = #map}]} {
    %mul3A = arith.constant 2 : i32
    %mul3A_0 = arith.muli %arg1, %mul3A : i32
    %add3A = arith.addi %mul3A_0, %arg0 : i32
    %iota3A = tpu.iota {dimensions = array<i32: 0>} : vector<16xi32>
    %sub3A = arith.constant 15 : i32
    %sub3A_1 = vector.broadcast %sub3A : i32 to vector<16xi32>
    %sub3A_2 = arith.subi %sub3A_1, %iota3A : vector<16xi32>
    %min3A = arith.minsi %iota3A, %sub3A_2 : vector<16xi32>
    %mul3A_3 = arith.constant 1024 : i32
    %mul3A_4 = vector.broadcast %mul3A_3 : i32 to vector<16xi32>
    %mul3A_5 = arith.muli %min3A, %mul3A_4 : vector<16xi32>
    %broadcast_in_dim3A = arith.constant 0xFF800000 : f32
    %broadcast_in_dim3A_6 = vector.broadcast %broadcast_in_dim3A : f32 to vector<16xf32>
    %mul3A_7 = arith.constant 6 : i32
    %mul3A_8 = arith.muli %add3A, %mul3A_7 : i32
    %add3A_9 = arith.constant 0 : i32
    %add3A_10 = arith.addi %mul3A_8, %add3A_9 : i32
    %jit3A = arith.constant 96 : i32
    %div3A = arith.divsi %add3A_10, %jit3A : i32
    %sign3A = arith.constant 0 : i32
    %sign3A_11 = arith.cmpi sgt, %add3A_10, %sign3A : i32
    %sign3A_12 = arith.extui %sign3A_11 : i1 to i32
    %sign3A_13 = arith.constant 0 : i32
    %sign3A_14 = arith.cmpi slt, %add3A_10, %sign3A_13 : i32
    %sign3A_15 = arith.extui %sign3A_14 : i1 to i32
    %sign3A_16 = arith.subi %sign3A_12, %sign3A_15 : i32
    %sign3A_17 = arith.constant 0 : i32
    %sign3A_18 = arith.cmpi sgt, %jit3A, %sign3A_17 : i32
    %sign3A_19 = arith.extui %sign3A_18 : i1 to i32
    %sign3A_20 = arith.constant 0 : i32
    %sign3A_21 = arith.cmpi slt, %jit3A, %sign3A_20 : i32
    %sign3A_22 = arith.extui %sign3A_21 : i1 to i32
    %sign3A_23 = arith.subi %sign3A_19, %sign3A_22 : i32
    %ne3A = arith.cmpi ne, %sign3A_16, %sign3A_23 : i32
    %rem3A = arith.remsi %add3A_10, %jit3A : i32
    %ne3A_24 = arith.constant 0 : i32
    %ne3A_25 = arith.cmpi ne, %rem3A, %ne3A_24 : i32
    %and3A = arith.andi %ne3A, %ne3A_25 : i1
    %sub3A_26 = arith.constant 1 : i32
    %sub3A_27 = arith.subi %div3A, %sub3A_26 : i32
    %select_n3A = arith.select %and3A, %sub3A_27, %div3A : i32
    %scan3A = arith.constant 0 : i32
    %scan3A_28 = arith.constant 0 : i32
    %scan3A_29 = arith.constant 128 : i32
    %scan3A_30 = arith.addi %scan3A_28, %scan3A_29 : i32
    %scan3A_31 = arith.constant 1 : i32
    %scan3A_32 = scf.for %scan3A_188 = %scan3A_28 to %scan3A_30 step %scan3A_31 iter_args(%scan3A_189 = %scan3A) -> (i32)  : i32 {
      %mul3A_190 = arith.constant 64 : i32
      %mul3A_191 = arith.muli %scan3A_188, %mul3A_190 : i32
      %add3A_192 = arith.constant 0 : i32
      %add3A_193 = arith.addi %mul3A_191, %add3A_192 : i32
      %swap3A = arith.index_cast %add3A_193 : i32 to index
      %swap3A_194 = tpu.vector_load %arg7[%swap3A] {strides = array<i32>} : memref<8192xf32, #tpu.memory_space<vmem>>, vector<16xf32>,
      tpu.vector_store %arg7[%swap3A], %broadcast_in_dim3A_6 {strides = array<i32>} : memref<8192xf32, #tpu.memory_space<vmem>>, vector<16xf32>,
      %add3A_195 = arith.constant 16 : i32
      %add3A_196 = arith.addi %mul3A_191, %add3A_195 : i32
      %swap3A_197 = arith.index_cast %add3A_196 : i32 to index
      %swap3A_198 = tpu.vector_load %arg7[%swap3A_197] {strides = array<i32>} : memref<8192xf32, #tpu.memory_space<vmem>>, vector<16xf32>,
      tpu.vector_store %arg7[%swap3A_197], %broadcast_in_dim3A_6 {strides = array<i32>} : memref<8192xf32, #tpu.memory_space<vmem>>, vector<16xf32>,
      %add3A_199 = arith.constant 32 : i32
      %add3A_200 = arith.addi %mul3A_191, %add3A_199 : i32
      %swap3A_201 = arith.index_cast %add3A_200 : i32 to index
      %swap3A_202 = tpu.vector_load %arg7[%swap3A_201] {strides = array<i32>} : memref<8192xf32, #tpu.memory_space<vmem>>, vector<16xf32>,
      tpu.vector_store %arg7[%swap3A_201], %broadcast_in_dim3A_6 {strides = array<i32>} : memref<8192xf32, #tpu.memory_space<vmem>>, vector<16xf32>,
      %add3A_203 = arith.constant 48 : i32
      %add3A_204 = arith.addi %mul3A_191, %add3A_203 : i32
      %swap3A_205 = arith.index_cast %add3A_204 : i32 to index
      %swap3A_206 = tpu.vector_load %arg7[%swap3A_205] {strides = array<i32>} : memref<8192xf32, #tpu.memory_space<vmem>>, vector<16xf32>,
      tpu.vector_store %arg7[%swap3A_205], %broadcast_in_dim3A_6 {strides = array<i32>} : memref<8192xf32, #tpu.memory_space<vmem>>, vector<16xf32>,
      %add3A_207 = arith.constant 0 : i32
      %add3A_208 = arith.addi %mul3A_191, %add3A_207 : i32
      %swap3A_209 = arith.index_cast %add3A_208 : i32 to index
      %swap3A_210 = tpu.vector_load %arg8[%swap3A_209] {strides = array<i32>} : memref<8192xf32, #tpu.memory_space<vmem>>, vector<16xf32>,
      tpu.vector_store %arg8[%swap3A_209], %broadcast_in_dim3A_6 {strides = array<i32>} : memref<8192xf32, #tpu.memory_space<vmem>>, vector<16xf32>,
      %add3A_211 = arith.constant 16 : i32
      %add3A_212 = arith.addi %mul3A_191, %add3A_211 : i32
      %swap3A_213 = arith.index_cast %add3A_212 : i32 to index
      %swap3A_214 = tpu.vector_load %arg8[%swap3A_213] {strides = array<i32>} : memref<8192xf32, #tpu.memory_space<vmem>>, vector<16xf32>,
      tpu.vector_store %arg8[%swap3A_213], %broadcast_in_dim3A_6 {strides = array<i32>} : memref<8192xf32, #tpu.memory_space<vmem>>, vector<16xf32>,
      %add3A_215 = arith.constant 32 : i32
      %add3A_216 = arith.addi %mul3A_191, %add3A_215 : i32
      %swap3A_217 = arith.index_cast %add3A_216 : i32 to index
      %swap3A_218 = tpu.vector_load %arg8[%swap3A_217] {strides = array<i32>} : memref<8192xf32, #tpu.memory_space<vmem>>, vector<16xf32>,
      tpu.vector_store %arg8[%swap3A_217], %broadcast_in_dim3A_6 {strides = array<i32>} : memref<8192xf32, #tpu.memory_space<vmem>>, vector<16xf32>,
      %add3A_219 = arith.constant 48 : i32
      %add3A_220 = arith.addi %mul3A_191, %add3A_219 : i32
      %swap3A_221 = arith.index_cast %add3A_220 : i32 to index
      %swap3A_222 = tpu.vector_load %arg8[%swap3A_221] {strides = array<i32>} : memref<8192xf32, #tpu.memory_space<vmem>>, vector<16xf32>,
      tpu.vector_store %arg8[%swap3A_221], %broadcast_in_dim3A_6 {strides = array<i32>} : memref<8192xf32, #tpu.memory_space<vmem>>, vector<16xf32>,
      %add3A_223 = arith.constant 0 : i32
      %add3A_224 = arith.addi %mul3A_191, %add3A_223 : i32
      %swap3A_225 = arith.index_cast %add3A_224 : i32 to index
      %swap3A_226 = tpu.vector_load %arg9[%swap3A_225] {strides = array<i32>} : memref<8192xf32, #tpu.memory_space<vmem>>, vector<16xf32>,
      tpu.vector_store %arg9[%swap3A_225], %broadcast_in_dim3A_6 {strides = array<i32>} : memref<8192xf32, #tpu.memory_space<vmem>>, vector<16xf32>,
      %add3A_227 = arith.constant 16 : i32
      %add3A_228 = arith.addi %mul3A_191, %add3A_227 : i32
      %swap3A_229 = arith.index_cast %add3A_228 : i32 to index
      %swap3A_230 = tpu.vector_load %arg9[%swap3A_229] {strides = array<i32>} : memref<8192xf32, #tpu.memory_space<vmem>>, vector<16xf32>,
      tpu.vector_store %arg9[%swap3A_229], %broadcast_in_dim3A_6 {strides = array<i32>} : memref<8192xf32, #tpu.memory_space<vmem>>, vector<16xf32>,
      %add3A_231 = arith.constant 32 : i32
      %add3A_232 = arith.addi %mul3A_191, %add3A_231 : i32
      %swap3A_233 = arith.index_cast %add3A_232 : i32 to index
      %swap3A_234 = tpu.vector_load %arg9[%swap3A_233] {strides = array<i32>} : memref<8192xf32, #tpu.memory_space<vmem>>, vector<16xf32>,
      tpu.vector_store %arg9[%swap3A_233], %broadcast_in_dim3A_6 {strides = array<i32>} : memref<8192xf32, #tpu.memory_space<vmem>>, vector<16xf32>,
      %add3A_235 = arith.constant 48 : i32
      %add3A_236 = arith.addi %mul3A_191, %add3A_235 : i32
      %swap3A_237 = arith.index_cast %add3A_236 : i32 to index
      %swap3A_238 = tpu.vector_load %arg9[%swap3A_237] {strides = array<i32>} : memref<8192xf32, #tpu.memory_space<vmem>>, vector<16xf32>,
      tpu.vector_store %arg9[%swap3A_237], %broadcast_in_dim3A_6 {strides = array<i32>} : memref<8192xf32, #tpu.memory_space<vmem>>, vector<16xf32>,
      %add3A_239 = arith.constant 0 : i32
      %add3A_240 = arith.addi %mul3A_191, %add3A_239 : i32
      %swap3A_241 = arith.index_cast %add3A_240 : i32 to index
      %swap3A_242 = tpu.vector_load %arg10[%swap3A_241] {strides = array<i32>} : memref<8192xf32, #tpu.memory_space<vmem>>, vector<16xf32>,
      tpu.vector_store %arg10[%swap3A_241], %broadcast_in_dim3A_6 {strides = array<i32>} : memref<8192xf32, #tpu.memory_space<vmem>>, vector<16xf32>,
      %add3A_243 = arith.constant 16 : i32
      %add3A_244 = arith.addi %mul3A_191, %add3A_243 : i32
      %swap3A_245 = arith.index_cast %add3A_244 : i32 to index
      %swap3A_246 = tpu.vector_load %arg10[%swap3A_245] {strides = array<i32>} : memref<8192xf32, #tpu.memory_space<vmem>>, vector<16xf32>,
      tpu.vector_store %arg10[%swap3A_245], %broadcast_in_dim3A_6 {strides = array<i32>} : memref<8192xf32, #tpu.memory_space<vmem>>, vector<16xf32>,
      %add3A_247 = arith.constant 32 : i32
      %add3A_248 = arith.addi %mul3A_191, %add3A_247 : i32
      %swap3A_249 = arith.index_cast %add3A_248 : i32 to index
      %swap3A_250 = tpu.vector_load %arg10[%swap3A_249] {strides = array<i32>} : memref<8192xf32, #tpu.memory_space<vmem>>, vector<16xf32>,
      tpu.vector_store %arg10[%swap3A_249], %broadcast_in_dim3A_6 {strides = array<i32>} : memref<8192xf32, #tpu.memory_space<vmem>>, vector<16xf32>,
      %add3A_251 = arith.constant 48 : i32
      %add3A_252 = arith.addi %mul3A_191, %add3A_251 : i32
      %swap3A_253 = arith.index_cast %add3A_252 : i32 to index
      %swap3A_254 = tpu.vector_load %arg10[%swap3A_253] {strides = array<i32>} : memref<8192xf32, #tpu.memory_space<vmem>>, vector<16xf32>,
      tpu.vector_store %arg10[%swap3A_253], %broadcast_in_dim3A_6 {strides = array<i32>} : memref<8192xf32, #tpu.memory_space<vmem>>, vector<16xf32>,
      %add3A_255 = arith.constant 0 : i32
      %add3A_256 = arith.addi %mul3A_191, %add3A_255 : i32
      %swap3A_257 = arith.index_cast %add3A_256 : i32 to index
      %swap3A_258 = tpu.vector_load %arg11[%swap3A_257] {strides = array<i32>} : memref<8192xf32, #tpu.memory_space<vmem>>, vector<16xf32>,
      tpu.vector_store %arg11[%swap3A_257], %broadcast_in_dim3A_6 {strides = array<i32>} : memref<8192xf32, #tpu.memory_space<vmem>>, vector<16xf32>,
      %add3A_259 = arith.constant 16 : i32
      %add3A_260 = arith.addi %mul3A_191, %add3A_259 : i32
      %swap3A_261 = arith.index_cast %add3A_260 : i32 to index
      %swap3A_262 = tpu.vector_load %arg11[%swap3A_261] {strides = array<i32>} : memref<8192xf32, #tpu.memory_space<vmem>>, vector<16xf32>,
      tpu.vector_store %arg11[%swap3A_261], %broadcast_in_dim3A_6 {strides = array<i32>} : memref<8192xf32, #tpu.memory_space<vmem>>, vector<16xf32>,
      %add3A_263 = arith.constant 32 : i32
      %add3A_264 = arith.addi %mul3A_191, %add3A_263 : i32
      %swap3A_265 = arith.index_cast %add3A_264 : i32 to index
      %swap3A_266 = tpu.vector_load %arg11[%swap3A_265] {strides = array<i32>} : memref<8192xf32, #tpu.memory_space<vmem>>, vector<16xf32>,
      tpu.vector_store %arg11[%swap3A_265], %broadcast_in_dim3A_6 {strides = array<i32>} : memref<8192xf32, #tpu.memory_space<vmem>>, vector<16xf32>,
      %add3A_267 = arith.constant 48 : i32
      %add3A_268 = arith.addi %mul3A_191, %add3A_267 : i32
      %swap3A_269 = arith.index_cast %add3A_268 : i32 to index
      %swap3A_270 = tpu.vector_load %arg11[%swap3A_269] {strides = array<i32>} : memref<8192xf32, #tpu.memory_space<vmem>>, vector<16xf32>,
      tpu.vector_store %arg11[%swap3A_269], %broadcast_in_dim3A_6 {strides = array<i32>} : memref<8192xf32, #tpu.memory_space<vmem>>, vector<16xf32>,
      %add3A_271 = arith.constant 0 : i32
      %add3A_272 = arith.addi %mul3A_191, %add3A_271 : i32
      %swap3A_273 = arith.index_cast %add3A_272 : i32 to index
      %swap3A_274 = tpu.vector_load %arg12[%swap3A_273] {strides = array<i32>} : memref<8192xf32, #tpu.memory_space<vmem>>, vector<16xf32>,
      tpu.vector_store %arg12[%swap3A_273], %broadcast_in_dim3A_6 {strides = array<i32>} : memref<8192xf32, #tpu.memory_space<vmem>>, vector<16xf32>,
      %add3A_275 = arith.constant 16 : i32
      %add3A_276 = arith.addi %mul3A_191, %add3A_275 : i32
      %swap3A_277 = arith.index_cast %add3A_276 : i32 to index
      %swap3A_278 = tpu.vector_load %arg12[%swap3A_277] {strides = array<i32>} : memref<8192xf32, #tpu.memory_space<vmem>>, vector<16xf32>,
      tpu.vector_store %arg12[%swap3A_277], %broadcast_in_dim3A_6 {strides = array<i32>} : memref<8192xf32, #tpu.memory_space<vmem>>, vector<16xf32>,
      %add3A_279 = arith.constant 32 : i32
      %add3A_280 = arith.addi %mul3A_191, %add3A_279 : i32
      %swap3A_281 = arith.index_cast %add3A_280 : i32 to index
      %swap3A_282 = tpu.vector_load %arg12[%swap3A_281] {strides = array<i32>} : memref<8192xf32, #tpu.memory_space<vmem>>, vector<16xf32>,
      tpu.vector_store %arg12[%swap3A_281], %broadcast_in_dim3A_6 {strides = array<i32>} : memref<8192xf32, #tpu.memory_space<vmem>>, vector<16xf32>,
      %add3A_283 = arith.constant 48 : i32
      %add3A_284 = arith.addi %mul3A_191, %add3A_283 : i32
      %swap3A_285 = arith.index_cast %add3A_284 : i32 to index
      %swap3A_286 = tpu.vector_load %arg12[%swap3A_285] {strides = array<i32>} : memref<8192xf32, #tpu.memory_space<vmem>>, vector<16xf32>,
      tpu.vector_store %arg12[%swap3A_285], %broadcast_in_dim3A_6 {strides = array<i32>} : memref<8192xf32, #tpu.memory_space<vmem>>, vector<16xf32>,
      %add3A_287 = arith.constant 0 : i32
      %add3A_288 = arith.addi %mul3A_191, %add3A_287 : i32
      %swap3A_289 = arith.index_cast %add3A_288 : i32 to index
      %swap3A_290 = tpu.vector_load %arg13[%swap3A_289] {strides = array<i32>} : memref<8192xf32, #tpu.memory_space<vmem>>, vector<16xf32>,
      tpu.vector_store %arg13[%swap3A_289], %broadcast_in_dim3A_6 {strides = array<i32>} : memref<8192xf32, #tpu.memory_space<vmem>>, vector<16xf32>,
      %add3A_291 = arith.constant 16 : i32
      %add3A_292 = arith.addi %mul3A_191, %add3A_291 : i32
      %swap3A_293 = arith.index_cast %add3A_292 : i32 to index
      %swap3A_294 = tpu.vector_load %arg13[%swap3A_293] {strides = array<i32>} : memref<8192xf32, #tpu.memory_space<vmem>>, vector<16xf32>,
      tpu.vector_store %arg13[%swap3A_293], %broadcast_in_dim3A_6 {strides = array<i32>} : memref<8192xf32, #tpu.memory_space<vmem>>, vector<16xf32>,
      %add3A_295 = arith.constant 32 : i32
      %add3A_296 = arith.addi %mul3A_191, %add3A_295 : i32
      %swap3A_297 = arith.index_cast %add3A_296 : i32 to index
      %swap3A_298 = tpu.vector_load %arg13[%swap3A_297] {strides = array<i32>} : memref<8192xf32, #tpu.memory_space<vmem>>, vector<16xf32>,
      tpu.vector_store %arg13[%swap3A_297], %broadcast_in_dim3A_6 {strides = array<i32>} : memref<8192xf32, #tpu.memory_space<vmem>>, vector<16xf32>,
      %add3A_299 = arith.constant 48 : i32
      %add3A_300 = arith.addi %mul3A_191, %add3A_299 : i32
      %swap3A_301 = arith.index_cast %add3A_300 : i32 to index
      %swap3A_302 = tpu.vector_load %arg13[%swap3A_301] {strides = array<i32>} : memref<8192xf32, #tpu.memory_space<vmem>>, vector<16xf32>,
      tpu.vector_store %arg13[%swap3A_301], %broadcast_in_dim3A_6 {strides = array<i32>} : memref<8192xf32, #tpu.memory_space<vmem>>, vector<16xf32>,
      %add3A_303 = arith.constant 0 : i32
      %add3A_304 = arith.addi %mul3A_191, %add3A_303 : i32
      %swap3A_305 = arith.index_cast %add3A_304 : i32 to index
      %swap3A_306 = tpu.vector_load %arg14[%swap3A_305] {strides = array<i32>} : memref<8192xf32, #tpu.memory_space<vmem>>, vector<16xf32>,
      tpu.vector_store %arg14[%swap3A_305], %broadcast_in_dim3A_6 {strides = array<i32>} : memref<8192xf32, #tpu.memory_space<vmem>>, vector<16xf32>,
      %add3A_307 = arith.constant 16 : i32
      %add3A_308 = arith.addi %mul3A_191, %add3A_307 : i32
      %swap3A_309 = arith.index_cast %add3A_308 : i32 to index
      %swap3A_310 = tpu.vector_load %arg14[%swap3A_309] {strides = array<i32>} : memref<8192xf32, #tpu.memory_space<vmem>>, vector<16xf32>,
      tpu.vector_store %arg14[%swap3A_309], %broadcast_in_dim3A_6 {strides = array<i32>} : memref<8192xf32, #tpu.memory_space<vmem>>, vector<16xf32>,
      %add3A_311 = arith.constant 32 : i32
      %add3A_312 = arith.addi %mul3A_191, %add3A_311 : i32
      %swap3A_313 = arith.index_cast %add3A_312 : i32 to index
      %swap3A_314 = tpu.vector_load %arg14[%swap3A_313] {strides = array<i32>} : memref<8192xf32, #tpu.memory_space<vmem>>, vector<16xf32>,
      tpu.vector_store %arg14[%swap3A_313], %broadcast_in_dim3A_6 {strides = array<i32>} : memref<8192xf32, #tpu.memory_space<vmem>>, vector<16xf32>,
      %add3A_315 = arith.constant 48 : i32
      %add3A_316 = arith.addi %mul3A_191, %add3A_315 : i32
      %swap3A_317 = arith.index_cast %add3A_316 : i32 to index
      %swap3A_318 = tpu.vector_load %arg14[%swap3A_317] {strides = array<i32>} : memref<8192xf32, #tpu.memory_space<vmem>>, vector<16xf32>,
      tpu.vector_store %arg14[%swap3A_317], %broadcast_in_dim3A_6 {strides = array<i32>} : memref<8192xf32, #tpu.memory_space<vmem>>, vector<16xf32>,
      %add3A_319 = arith.constant 0 : i32
      %add3A_320 = arith.addi %mul3A_191, %add3A_319 : i32
      %swap3A_321 = arith.index_cast %add3A_320 : i32 to index
      %swap3A_322 = tpu.vector_load %arg15[%swap3A_321] {strides = array<i32>} : memref<8192xf32, #tpu.memory_space<vmem>>, vector<16xf32>,
      tpu.vector_store %arg15[%swap3A_321], %broadcast_in_dim3A_6 {strides = array<i32>} : memref<8192xf32, #tpu.memory_space<vmem>>, vector<16xf32>,
      %add3A_323 = arith.constant 16 : i32
      %add3A_324 = arith.addi %mul3A_191, %add3A_323 : i32
      %swap3A_325 = arith.index_cast %add3A_324 : i32 to index
      %swap3A_326 = tpu.vector_load %arg15[%swap3A_325] {strides = array<i32>} : memref<8192xf32, #tpu.memory_space<vmem>>, vector<16xf32>,
      tpu.vector_store %arg15[%swap3A_325], %broadcast_in_dim3A_6 {strides = array<i32>} : memref<8192xf32, #tpu.memory_space<vmem>>, vector<16xf32>,
      %add3A_327 = arith.constant 32 : i32
      %add3A_328 = arith.addi %mul3A_191, %add3A_327 : i32
      %swap3A_329 = arith.index_cast %add3A_328 : i32 to index
      %swap3A_330 = tpu.vector_load %arg15[%swap3A_329] {strides = array<i32>} : memref<8192xf32, #tpu.memory_space<vmem>>, vector<16xf32>,
      tpu.vector_store %arg15[%swap3A_329], %broadcast_in_dim3A_6 {strides = array<i32>} : memref<8192xf32, #tpu.memory_space<vmem>>, vector<16xf32>,
      %add3A_331 = arith.constant 48 : i32
      %add3A_332 = arith.addi %mul3A_191, %add3A_331 : i32
      %swap3A_333 = arith.index_cast %add3A_332 : i32 to index
      %swap3A_334 = tpu.vector_load %arg15[%swap3A_333] {strides = array<i32>} : memref<8192xf32, #tpu.memory_space<vmem>>, vector<16xf32>,
      tpu.vector_store %arg15[%swap3A_333], %broadcast_in_dim3A_6 {strides = array<i32>} : memref<8192xf32, #tpu.memory_space<vmem>>, vector<16xf32>,
      %scan3A_335 = arith.constant 0 : i32
      scf.yield %scan3A_335 : i32
    }
    %scan3A_33 = arith.constant 128 : i32
    %dma_start3A = arith.constant 0 : i32
    %dma_start3A_34 = arith.constant 0 : i32
    %dma_start3A_35 = tpu.memref_slice %arg5[%dma_start3A, %dma_start3A_34] : memref<2x4096xi32, #tpu.memory_space<vmem>> -> memref<1x4096xi32, #tpu.memory_space<vmem>>
    %dma_start3A_36 = tpu.memref_squeeze %dma_start3A_35 : memref<1x4096xi32, #tpu.memory_space<vmem>> -> memref<4096xi32, #tpu.memory_space<vmem>>
    %dma_start3A_37 = arith.constant 0 : i32
    %dma_start3A_38 = tpu.memref_slice %arg3[%select_n3A, %dma_start3A_37] : memref<2x262144xi32, #tpu.memory_space<hbm>> -> memref<1x4096xi32, #tpu.memory_space<hbm>>
    %dma_start3A_39 = tpu.memref_squeeze %dma_start3A_38 : memref<1x4096xi32, #tpu.memory_space<hbm>> -> memref<4096xi32, #tpu.memory_space<hbm>>
    %dma_start3A_40 = arith.constant 0 : i32
    %dma_start3A_41 = tpu.memref_slice %arg5[%dma_start3A, %dma_start3A_40] : memref<2x4096xi32, #tpu.memory_space<vmem>> -> memref<1x4096xi32, #tpu.memory_space<vmem>>
    %dma_start3A_42 = tpu.memref_squeeze %dma_start3A_41 : memref<1x4096xi32, #tpu.memory_space<vmem>> -> memref<4096xi32, #tpu.memory_space<vmem>>
    %dma_start3A_43 = arith.constant 0 : i32
    %dma_start3A_44 = tpu.memref_slice %arg3[%select_n3A, %dma_start3A_43] : memref<2x262144xi32, #tpu.memory_space<hbm>> -> memref<1x4096xi32, #tpu.memory_space<hbm>>
    %dma_start3A_45 = tpu.memref_squeeze %dma_start3A_44 : memref<1x4096xi32, #tpu.memory_space<hbm>> -> memref<4096xi32, #tpu.memory_space<hbm>>
    tpu.enqueue_dma source(%dma_start3A_45 : memref<4096xi32, #tpu.memory_space<hbm>>) target(%dma_start3A_42 : memref<4096xi32, #tpu.memory_space<vmem>>) target_semaphore(%arg17 : memref<!tpu.dma_semaphore, #tpu.memory_space<semaphore_mem>>)
    %dma_start3A_46 = arith.constant 0 : i32
    %dma_start3A_47 = arith.constant 0 : i32
    %dma_start3A_48 = arith.constant 0 : i32
    %dma_start3A_49 = tpu.memref_slice %arg6[%dma_start3A_46, %dma_start3A_47, %dma_start3A_48] : memref<2x3x4096xf32, #tpu.memory_space<vmem>> -> memref<1x3x4096xf32, #tpu.memory_space<vmem>>
    %dma_start3A_50 = tpu.memref_squeeze %dma_start3A_49 : memref<1x3x4096xf32, #tpu.memory_space<vmem>> -> memref<3x4096xf32, #tpu.memory_space<vmem>>
    %dma_start3A_51 = arith.constant 0 : i32
    %dma_start3A_52 = tpu.memref_slice %arg2[%add3A_10, %dma_start3A_51] : memref<192x262144xf32, #tpu.memory_space<hbm>> -> memref<3x4096xf32, #tpu.memory_space<hbm>>
    %dma_start3A_53 = arith.constant 0 : i32
    %dma_start3A_54 = arith.constant 0 : i32
    %dma_start3A_55 = tpu.memref_slice %arg6[%dma_start3A_46, %dma_start3A_53, %dma_start3A_54] : memref<2x3x4096xf32, #tpu.memory_space<vmem>> -> memref<1x3x4096xf32, #tpu.memory_space<vmem>>
    %dma_start3A_56 = tpu.memref_squeeze %dma_start3A_55 : memref<1x3x4096xf32, #tpu.memory_space<vmem>> -> memref<3x4096xf32, #tpu.memory_space<vmem>>
    %dma_start3A_57 = arith.constant 0 : i32
    %dma_start3A_58 = tpu.memref_slice %arg2[%add3A_10, %dma_start3A_57] : memref<192x262144xf32, #tpu.memory_space<hbm>> -> memref<3x4096xf32, #tpu.memory_space<hbm>>
    tpu.enqueue_dma source(%dma_start3A_58 : memref<3x4096xf32, #tpu.memory_space<hbm>>) target(%dma_start3A_56 : memref<3x4096xf32, #tpu.memory_space<vmem>>) target_semaphore(%arg17 : memref<!tpu.dma_semaphore, #tpu.memory_space<semaphore_mem>>)
    %scan3A_59 = arith.constant 0 : i32
    %scan3A_60 = arith.constant 0 : i32
    %scan3A_61 = arith.constant 32 : i32
    %scan3A_62 = arith.addi %scan3A_60, %scan3A_61 : i32
    %scan3A_63 = arith.constant 1 : i32
    %scan3A_64 = scf.for %scan3A_188 = %scan3A_60 to %scan3A_62 step %scan3A_63 iter_args(%scan3A_189 = %scan3A_59) -> (i32)  : i32 {
      %mul3A_190 = arith.constant 2 : i32
      %mul3A_191 = arith.muli %scan3A_188, %mul3A_190 : i32
      %add3A_192 = arith.constant 1 : i32
      %add3A_193 = arith.addi %mul3A_191, %add3A_192 : i32
      %mul3A_194 = arith.constant 4096 : i32
      %mul3A_195 = arith.muli %add3A_193, %mul3A_194 : i32
      %dma_start3A_196 = arith.constant 1 : i32
      %dma_start3A_197 = arith.constant 0 : i32
      %dma_start3A_198 = tpu.memref_slice %arg5[%dma_start3A_196, %dma_start3A_197] : memref<2x4096xi32, #tpu.memory_space<vmem>> -> memref<1x4096xi32, #tpu.memory_space<vmem>>
      %dma_start3A_199 = tpu.memref_squeeze %dma_start3A_198 : memref<1x4096xi32, #tpu.memory_space<vmem>> -> memref<4096xi32, #tpu.memory_space<vmem>>
      %dma_start3A_200 = tpu.memref_slice %arg3[%select_n3A, %mul3A_195] : memref<2x262144xi32, #tpu.memory_space<hbm>> -> memref<1x4096xi32, #tpu.memory_space<hbm>>
      %dma_start3A_201 = tpu.memref_squeeze %dma_start3A_200 : memref<1x4096xi32, #tpu.memory_space<hbm>> -> memref<4096xi32, #tpu.memory_space<hbm>>
      %dma_start3A_202 = arith.constant 0 : i32
      %dma_start3A_203 = tpu.memref_slice %arg5[%dma_start3A_196, %dma_start3A_202] : memref<2x4096xi32, #tpu.memory_space<vmem>> -> memref<1x4096xi32, #tpu.memory_space<vmem>>
      %dma_start3A_204 = tpu.memref_squeeze %dma_start3A_203 : memref<1x4096xi32, #tpu.memory_space<vmem>> -> memref<4096xi32, #tpu.memory_space<vmem>>
      %dma_start3A_205 = tpu.memref_slice %arg3[%select_n3A, %mul3A_195] : memref<2x262144xi32, #tpu.memory_space<hbm>> -> memref<1x4096xi32, #tpu.memory_space<hbm>>
      %dma_start3A_206 = tpu.memref_squeeze %dma_start3A_205 : memref<1x4096xi32, #tpu.memory_space<hbm>> -> memref<4096xi32, #tpu.memory_space<hbm>>
      tpu.enqueue_dma source(%dma_start3A_206 : memref<4096xi32, #tpu.memory_space<hbm>>) target(%dma_start3A_204 : memref<4096xi32, #tpu.memory_space<vmem>>) target_semaphore(%arg18 : memref<!tpu.dma_semaphore, #tpu.memory_space<semaphore_mem>>)
      %dma_start3A_207 = arith.constant 1 : i32
      %dma_start3A_208 = arith.constant 0 : i32
      %dma_start3A_209 = arith.constant 0 : i32
      %dma_start3A_210 = tpu.memref_slice %arg6[%dma_start3A_207, %dma_start3A_208, %dma_start3A_209] : memref<2x3x4096xf32, #tpu.memory_space<vmem>> -> memref<1x3x4096xf32, #tpu.memory_space<vmem>>
      %dma_start3A_211 = tpu.memref_squeeze %dma_start3A_210 : memref<1x3x4096xf32, #tpu.memory_space<vmem>> -> memref<3x4096xf32, #tpu.memory_space<vmem>>
      %dma_start3A_212 = tpu.memref_slice %arg2[%add3A_10, %mul3A_195] : memref<192x262144xf32, #tpu.memory_space<hbm>> -> memref<3x4096xf32, #tpu.memory_space<hbm>>
      %dma_start3A_213 = arith.constant 0 : i32
      %dma_start3A_214 = arith.constant 0 : i32
      %dma_start3A_215 = tpu.memref_slice %arg6[%dma_start3A_207, %dma_start3A_213, %dma_start3A_214] : memref<2x3x4096xf32, #tpu.memory_space<vmem>> -> memref<1x3x4096xf32, #tpu.memory_space<vmem>>
      %dma_start3A_216 = tpu.memref_squeeze %dma_start3A_215 : memref<1x3x4096xf32, #tpu.memory_space<vmem>> -> memref<3x4096xf32, #tpu.memory_space<vmem>>
      %dma_start3A_217 = tpu.memref_slice %arg2[%add3A_10, %mul3A_195] : memref<192x262144xf32, #tpu.memory_space<hbm>> -> memref<3x4096xf32, #tpu.memory_space<hbm>>
      tpu.enqueue_dma source(%dma_start3A_217 : memref<3x4096xf32, #tpu.memory_space<hbm>>) target(%dma_start3A_216 : memref<3x4096xf32, #tpu.memory_space<vmem>>) target_semaphore(%arg18 : memref<!tpu.dma_semaphore, #tpu.memory_space<semaphore_mem>>)
      %dma_wait3A = arith.constant 0 : i32
      %dma_wait3A_218 = arith.constant 0 : i32
      %dma_wait3A_219 = arith.constant 0 : i32
      %dma_wait3A_220 = tpu.memref_slice %arg5[%dma_wait3A_218, %dma_wait3A_219] : memref<2x4096xi32, #tpu.memory_space<vmem>> -> memref<1x4096xi32, #tpu.memory_space<vmem>>
      %dma_wait3A_221 = tpu.memref_squeeze %dma_wait3A_220 : memref<1x4096xi32, #tpu.memory_space<vmem>> -> memref<4096xi32, #tpu.memory_space<vmem>>
      %dma_wait3A_222 = arith.constant 0 : i32
      %dma_wait3A_223 = tpu.memref_slice %arg3[%dma_wait3A, %dma_wait3A_222] : memref<2x262144xi32, #tpu.memory_space<hbm>> -> memref<1x4096xi32, #tpu.memory_space<hbm>>
      %dma_wait3A_224 = tpu.memref_squeeze %dma_wait3A_223 : memref<1x4096xi32, #tpu.memory_space<hbm>> -> memref<4096xi32, #tpu.memory_space<hbm>>
      %dma_wait3A_225 = arith.constant 0 : i32
      %dma_wait3A_226 = tpu.memref_slice %arg5[%dma_wait3A_218, %dma_wait3A_225] : memref<2x4096xi32, #tpu.memory_space<vmem>> -> memref<1x4096xi32, #tpu.memory_space<vmem>>
      %dma_wait3A_227 = tpu.memref_squeeze %dma_wait3A_226 : memref<1x4096xi32, #tpu.memory_space<vmem>> -> memref<4096xi32, #tpu.memory_space<vmem>>
      %dma_wait3A_228 = arith.constant 0 : i32
      %dma_wait3A_229 = tpu.memref_slice %arg3[%dma_wait3A, %dma_wait3A_228] : memref<2x262144xi32, #tpu.memory_space<hbm>> -> memref<1x4096xi32, #tpu.memory_space<hbm>>
      %dma_wait3A_230 = tpu.memref_squeeze %dma_wait3A_229 : memref<1x4096xi32, #tpu.memory_space<hbm>> -> memref<4096xi32, #tpu.memory_space<hbm>>
      tpu.wait_dma2 semaphore(%arg17 : memref<!tpu.dma_semaphore, #tpu.memory_space<semaphore_mem>>) src(%dma_wait3A_230 : memref<4096xi32, #tpu.memory_space<hbm>>) dst(%dma_wait3A_227 : memref<4096xi32, #tpu.memory_space<vmem>>)
      %dma_wait3A_231 = arith.constant 0 : i32
      %dma_wait3A_232 = arith.constant 0 : i32
      %dma_wait3A_233 = arith.constant 0 : i32
      %dma_wait3A_234 = tpu.memref_slice %arg6[%dma_wait3A_231, %dma_wait3A_232, %dma_wait3A_233] : memref<2x3x4096xf32, #tpu.memory_space<vmem>> -> memref<1x3x4096xf32, #tpu.memory_space<vmem>>
      %dma_wait3A_235 = tpu.memref_squeeze %dma_wait3A_234 : memref<1x3x4096xf32, #tpu.memory_space<vmem>> -> memref<3x4096xf32, #tpu.memory_space<vmem>>
      %dma_wait3A_236 = arith.constant 0 : i32
      %dma_wait3A_237 = arith.constant 0 : i32
      %dma_wait3A_238 = tpu.memref_slice %arg2[%dma_wait3A_236, %dma_wait3A_237] : memref<192x262144xf32, #tpu.memory_space<hbm>> -> memref<3x4096xf32, #tpu.memory_space<hbm>>
      %dma_wait3A_239 = arith.constant 0 : i32
      %dma_wait3A_240 = arith.constant 0 : i32
      %dma_wait3A_241 = tpu.memref_slice %arg6[%dma_wait3A_231, %dma_wait3A_239, %dma_wait3A_240] : memref<2x3x4096xf32, #tpu.memory_space<vmem>> -> memref<1x3x4096xf32, #tpu.memory_space<vmem>>
      %dma_wait3A_242 = tpu.memref_squeeze %dma_wait3A_241 : memref<1x3x4096xf32, #tpu.memory_space<vmem>> -> memref<3x4096xf32, #tpu.memory_space<vmem>>
      %dma_wait3A_243 = arith.constant 0 : i32
      %dma_wait3A_244 = arith.constant 0 : i32
      %dma_wait3A_245 = tpu.memref_slice %arg2[%dma_wait3A_243, %dma_wait3A_244] : memref<192x262144xf32, #tpu.memory_space<hbm>> -> memref<3x4096xf32, #tpu.memory_space<hbm>>
      tpu.wait_dma2 semaphore(%arg17 : memref<!tpu.dma_semaphore, #tpu.memory_space<semaphore_mem>>) src(%dma_wait3A_245 : memref<3x4096xf32, #tpu.memory_space<hbm>>) dst(%dma_wait3A_242 : memref<3x4096xf32, #tpu.memory_space<vmem>>)
      %scan3A_246 = arith.constant 0 : i32
      %scan3A_247 = arith.constant 0 : i32
      %scan3A_248 = arith.constant 32 : i32
      %scan3A_249 = arith.addi %scan3A_247, %scan3A_248 : i32
      %scan3A_250 = arith.constant 1 : i32
      %scan3A_251 = scf.for %scan3A_294 = %scan3A_247 to %scan3A_249 step %scan3A_250 iter_args(%scan3A_295 = %scan3A_246) -> (i32)  : i32 {
        %mul3A_296 = arith.constant 128 : i32
        %mul3A_297 = arith.muli %scan3A_294, %mul3A_296 : i32
        %add3A_298 = arith.constant 0 : i32
        %add3A_299 = arith.addi %mul3A_297, %add3A_298 : i32
        %get3A = arith.constant 0 : i32
        %get3A_300 = arith.index_cast %get3A : i32 to index
        %get3A_301 = arith.index_cast %add3A_299 : i32 to index
        %get3A_302 = tpu.vector_load %arg5[%get3A_300, %get3A_301] {strides = array<i32>} : memref<2x4096xi32, #tpu.memory_space<vmem>>, vector<16xi32>,
        %add3A_303 = arith.addi %mul3A_5, %get3A_302 : vector<16xi32>
        %rev3A = arith.constant 15 : i32
        %rev3A_304 = vector.broadcast %rev3A : i32 to vector<16xi32>
        %rev3A_305 = tpu.iota {dimensions = array<i32: 0>} : vector<16xi32>
        %rev3A_306 = arith.subi %rev3A_304, %rev3A_305 : vector<16xi32>
        %rev3A_307 = tpu.dynamic_gather %add3A_303[%rev3A_306] in [0] : vector<16xi32>, vector<16xi32> -> vector<16xi32>
        %eq3A = arith.cmpi eq, %add3A_303, %rev3A_307 : vector<16xi32>
        %get3A_308 = arith.constant 0 : i32
        %get3A_309 = arith.constant 0 : i32
        %get3A_310 = arith.index_cast %get3A_308 : i32 to index
        %get3A_311 = arith.index_cast %get3A_309 : i32 to index
        %get3A_312 = arith.index_cast %add3A_299 : i32 to index
        %get3A_313 = tpu.vector_load %arg6[%get3A_310, %get3A_311, %get3A_312] {strides = array<i32>} : memref<2x3x4096xf32, #tpu.memory_space<vmem>>, vector<16xf32>,
        %rev3A_314 = arith.constant 15 : i32
        %rev3A_315 = vector.broadcast %rev3A_314 : i32 to vector<16xi32>
        %rev3A_316 = tpu.iota {dimensions = array<i32: 0>} : vector<16xi32>
        %rev3A_317 = arith.subi %rev3A_315, %rev3A_316 : vector<16xi32>
        %rev3A_318 = tpu.dynamic_gather %get3A_313[%rev3A_317] in [0] : vector<16xf32>, vector<16xi32> -> vector<16xf32>
        %max3A = arith.maximumf %get3A_313, %rev3A_318 : vector<16xf32>
        %select_n3A_319 = arith.select %eq3A, %max3A, %get3A_313 : vector<16xi1>, vector<16xf32>
        %gather3A = tpu.vector_load_idx %arg7[%add3A_303] : memref<8192xf32, #tpu.memory_space<vmem>>[vector<16xi32>], vector<16xf32>,
        %max3A_320 = arith.maximumf %gather3A, %select_n3A_319 : vector<16xf32>
        tpu.vector_store_idx %arg7[%add3A_303], %max3A_320 : memref<8192xf32, #tpu.memory_space<vmem>>[vector<16xi32>], vector<16xf32>,
        %get3A_321 = arith.constant 0 : i32
        %get3A_322 = arith.constant 1 : i32
        %get3A_323 = arith.index_cast %get3A_321 : i32 to index
        %get3A_324 = arith.index_cast %get3A_322 : i32 to index
        %get3A_325 = arith.index_cast %add3A_299 : i32 to index
        %get3A_326 = tpu.vector_load %arg6[%get3A_323, %get3A_324, %get3A_325] {strides = array<i32>} : memref<2x3x4096xf32, #tpu.memory_space<vmem>>, vector<16xf32>,
        %rev3A_327 = arith.constant 15 : i32
        %rev3A_328 = vector.broadcast %rev3A_327 : i32 to vector<16xi32>
        %rev3A_329 = tpu.iota {dimensions = array<i32: 0>} : vector<16xi32>
        %rev3A_330 = arith.subi %rev3A_328, %rev3A_329 : vector<16xi32>
        %rev3A_331 = tpu.dynamic_gather %get3A_326[%rev3A_330] in [0] : vector<16xf32>, vector<16xi32> -> vector<16xf32>
        %max3A_332 = arith.maximumf %get3A_326, %rev3A_331 : vector<16xf32>
        %select_n3A_333 = arith.select %eq3A, %max3A_332, %get3A_326 : vector<16xi1>, vector<16xf32>
        %gather3A_334 = tpu.vector_load_idx %arg10[%add3A_303] : memref<8192xf32, #tpu.memory_space<vmem>>[vector<16xi32>], vector<16xf32>,
        %max3A_335 = arith.maximumf %gather3A_334, %select_n3A_333 : vector<16xf32>
        tpu.vector_store_idx %arg10[%add3A_303], %max3A_335 : memref<8192xf32, #tpu.memory_space<vmem>>[vector<16xi32>], vector<16xf32>,
        %get3A_336 = arith.constant 0 : i32
        %get3A_337 = arith.constant 2 : i32
        %get3A_338 = arith.index_cast %get3A_336 : i32 to index
        %get3A_339 = arith.index_cast %get3A_337 : i32 to index
        %get3A_340 = arith.index_cast %add3A_299 : i32 to index
        %get3A_341 = tpu.vector_load %arg6[%get3A_338, %get3A_339, %get3A_340] {strides = array<i32>} : memref<2x3x4096xf32, #tpu.memory_space<vmem>>, vector<16xf32>,
        %rev3A_342 = arith.constant 15 : i32
        %rev3A_343 = vector.broadcast %rev3A_342 : i32 to vector<16xi32>
        %rev3A_344 = tpu.iota {dimensions = array<i32: 0>} : vector<16xi32>
        %rev3A_345 = arith.subi %rev3A_343, %rev3A_344 : vector<16xi32>
        %rev3A_346 = tpu.dynamic_gather %get3A_341[%rev3A_345] in [0] : vector<16xf32>, vector<16xi32> -> vector<16xf32>
        %max3A_347 = arith.maximumf %get3A_341, %rev3A_346 : vector<16xf32>
        %select_n3A_348 = arith.select %eq3A, %max3A_347, %get3A_341 : vector<16xi1>, vector<16xf32>
        %gather3A_349 = tpu.vector_load_idx %arg13[%add3A_303] : memref<8192xf32, #tpu.memory_space<vmem>>[vector<16xi32>], vector<16xf32>,
        %max3A_350 = arith.maximumf %gather3A_349, %select_n3A_348 : vector<16xf32>
        tpu.vector_store_idx %arg13[%add3A_303], %max3A_350 : memref<8192xf32, #tpu.memory_space<vmem>>[vector<16xi32>], vector<16xf32>,
        %add3A_351 = arith.constant 16 : i32
        %add3A_352 = arith.addi %mul3A_297, %add3A_351 : i32
        %get3A_353 = arith.constant 0 : i32
        %get3A_354 = arith.index_cast %get3A_353 : i32 to index
        %get3A_355 = arith.index_cast %add3A_352 : i32 to index
        %get3A_356 = tpu.vector_load %arg5[%get3A_354, %get3A_355] {strides = array<i32>} : memref<2x4096xi32, #tpu.memory_space<vmem>>, vector<16xi32>,
        %add3A_357 = arith.addi %mul3A_5, %get3A_356 : vector<16xi32>
        %rev3A_358 = arith.constant 15 : i32
        %rev3A_359 = vector.broadcast %rev3A_358 : i32 to vector<16xi32>
        %rev3A_360 = tpu.iota {dimensions = array<i32: 0>} : vector<16xi32>
        %rev3A_361 = arith.subi %rev3A_359, %rev3A_360 : vector<16xi32>
        %rev3A_362 = tpu.dynamic_gather %add3A_357[%rev3A_361] in [0] : vector<16xi32>, vector<16xi32> -> vector<16xi32>
        %eq3A_363 = arith.cmpi eq, %add3A_357, %rev3A_362 : vector<16xi32>
        %get3A_364 = arith.constant 0 : i32
        %get3A_365 = arith.constant 0 : i32
        %get3A_366 = arith.index_cast %get3A_364 : i32 to index
        %get3A_367 = arith.index_cast %get3A_365 : i32 to index
        %get3A_368 = arith.index_cast %add3A_352 : i32 to index
        %get3A_369 = tpu.vector_load %arg6[%get3A_366, %get3A_367, %get3A_368] {strides = array<i32>} : memref<2x3x4096xf32, #tpu.memory_space<vmem>>, vector<16xf32>,
        %rev3A_370 = arith.constant 15 : i32
        %rev3A_371 = vector.broadcast %rev3A_370 : i32 to vector<16xi32>
        %rev3A_372 = tpu.iota {dimensions = array<i32: 0>} : vector<16xi32>
        %rev3A_373 = arith.subi %rev3A_371, %rev3A_372 : vector<16xi32>
        %rev3A_374 = tpu.dynamic_gather %get3A_369[%rev3A_373] in [0] : vector<16xf32>, vector<16xi32> -> vector<16xf32>
        %max3A_375 = arith.maximumf %get3A_369, %rev3A_374 : vector<16xf32>
        %select_n3A_376 = arith.select %eq3A_363, %max3A_375, %get3A_369 : vector<16xi1>, vector<16xf32>
        %gather3A_377 = tpu.vector_load_idx %arg8[%add3A_357] : memref<8192xf32, #tpu.memory_space<vmem>>[vector<16xi32>], vector<16xf32>,
        %max3A_378 = arith.maximumf %gather3A_377, %select_n3A_376 : vector<16xf32>
        tpu.vector_store_idx %arg8[%add3A_357], %max3A_378 : memref<8192xf32, #tpu.memory_space<vmem>>[vector<16xi32>], vector<16xf32>,
        %get3A_379 = arith.constant 0 : i32
        %get3A_380 = arith.constant 1 : i32
        %get3A_381 = arith.index_cast %get3A_379 : i32 to index
        %get3A_382 = arith.index_cast %get3A_380 : i32 to index
        %get3A_383 = arith.index_cast %add3A_352 : i32 to index
        %get3A_384 = tpu.vector_load %arg6[%get3A_381, %get3A_382, %get3A_383] {strides = array<i32>} : memref<2x3x4096xf32, #tpu.memory_space<vmem>>, vector<16xf32>,
        %rev3A_385 = arith.constant 15 : i32
        %rev3A_386 = vector.broadcast %rev3A_385 : i32 to vector<16xi32>
        %rev3A_387 = tpu.iota {dimensions = array<i32: 0>} : vector<16xi32>
        %rev3A_388 = arith.subi %rev3A_386, %rev3A_387 : vector<16xi32>
        %rev3A_389 = tpu.dynamic_gather %get3A_384[%rev3A_388] in [0] : vector<16xf32>, vector<16xi32> -> vector<16xf32>
        %max3A_390 = arith.maximumf %get3A_384, %rev3A_389 : vector<16xf32>
        %select_n3A_391 = arith.select %eq3A_363, %max3A_390, %get3A_384 : vector<16xi1>, vector<16xf32>
        %gather3A_392 = tpu.vector_load_idx %arg11[%add3A_357] : memref<8192xf32, #tpu.memory_space<vmem>>[vector<16xi32>], vector<16xf32>,
        %max3A_393 = arith.maximumf %gather3A_392, %select_n3A_391 : vector<16xf32>
        tpu.vector_store_idx %arg11[%add3A_357], %max3A_393 : memref<8192xf32, #tpu.memory_space<vmem>>[vector<16xi32>], vector<16xf32>,
        %get3A_394 = arith.constant 0 : i32
        %get3A_395 = arith.constant 2 : i32
        %get3A_396 = arith.index_cast %get3A_394 : i32 to index
        %get3A_397 = arith.index_cast %get3A_395 : i32 to index
        %get3A_398 = arith.index_cast %add3A_352 : i32 to index
        %get3A_399 = tpu.vector_load %arg6[%get3A_396, %get3A_397, %get3A_398] {strides = array<i32>} : memref<2x3x4096xf32, #tpu.memory_space<vmem>>, vector<16xf32>,
        %rev3A_400 = arith.constant 15 : i32
        %rev3A_401 = vector.broadcast %rev3A_400 : i32 to vector<16xi32>
        %rev3A_402 = tpu.iota {dimensions = array<i32: 0>} : vector<16xi32>
        %rev3A_403 = arith.subi %rev3A_401, %rev3A_402 : vector<16xi32>
        %rev3A_404 = tpu.dynamic_gather %get3A_399[%rev3A_403] in [0] : vector<16xf32>, vector<16xi32> -> vector<16xf32>
        %max3A_405 = arith.maximumf %get3A_399, %rev3A_404 : vector<16xf32>
        %select_n3A_406 = arith.select %eq3A_363, %max3A_405, %get3A_399 : vector<16xi1>, vector<16xf32>
        %gather3A_407 = tpu.vector_load_idx %arg14[%add3A_357] : memref<8192xf32, #tpu.memory_space<vmem>>[vector<16xi32>], vector<16xf32>,
        %max3A_408 = arith.maximumf %gather3A_407, %select_n3A_406 : vector<16xf32>
        tpu.vector_store_idx %arg14[%add3A_357], %max3A_408 : memref<8192xf32, #tpu.memory_space<vmem>>[vector<16xi32>], vector<16xf32>,
        %add3A_409 = arith.constant 32 : i32
        %add3A_410 = arith.addi %mul3A_297, %add3A_409 : i32
        %get3A_411 = arith.constant 0 : i32
        %get3A_412 = arith.index_cast %get3A_411 : i32 to index
        %get3A_413 = arith.index_cast %add3A_410 : i32 to index
        %get3A_414 = tpu.vector_load %arg5[%get3A_412, %get3A_413] {strides = array<i32>} : memref<2x4096xi32, #tpu.memory_space<vmem>>, vector<16xi32>,
        %add3A_415 = arith.addi %mul3A_5, %get3A_414 : vector<16xi32>
        %rev3A_416 = arith.constant 15 : i32
        %rev3A_417 = vector.broadcast %rev3A_416 : i32 to vector<16xi32>
        %rev3A_418 = tpu.iota {dimensions = array<i32: 0>} : vector<16xi32>
        %rev3A_419 = arith.subi %rev3A_417, %rev3A_418 : vector<16xi32>
        %rev3A_420 = tpu.dynamic_gather %add3A_415[%rev3A_419] in [0] : vector<16xi32>, vector<16xi32> -> vector<16xi32>
        %eq3A_421 = arith.cmpi eq, %add3A_415, %rev3A_420 : vector<16xi32>
        %get3A_422 = arith.constant 0 : i32
        %get3A_423 = arith.constant 0 : i32
        %get3A_424 = arith.index_cast %get3A_422 : i32 to index
        %get3A_425 = arith.index_cast %get3A_423 : i32 to index
        %get3A_426 = arith.index_cast %add3A_410 : i32 to index
        %get3A_427 = tpu.vector_load %arg6[%get3A_424, %get3A_425, %get3A_426] {strides = array<i32>} : memref<2x3x4096xf32, #tpu.memory_space<vmem>>, vector<16xf32>,
        %rev3A_428 = arith.constant 15 : i32
        %rev3A_429 = vector.broadcast %rev3A_428 : i32 to vector<16xi32>
        %rev3A_430 = tpu.iota {dimensions = array<i32: 0>} : vector<16xi32>
        %rev3A_431 = arith.subi %rev3A_429, %rev3A_430 : vector<16xi32>
        %rev3A_432 = tpu.dynamic_gather %get3A_427[%rev3A_431] in [0] : vector<16xf32>, vector<16xi32> -> vector<16xf32>
        %max3A_433 = arith.maximumf %get3A_427, %rev3A_432 : vector<16xf32>
        %select_n3A_434 = arith.select %eq3A_421, %max3A_433, %get3A_427 : vector<16xi1>, vector<16xf32>
        %gather3A_435 = tpu.vector_load_idx %arg9[%add3A_415] : memref<8192xf32, #tpu.memory_space<vmem>>[vector<16xi32>], vector<16xf32>,
        %max3A_436 = arith.maximumf %gather3A_435, %select_n3A_434 : vector<16xf32>
        tpu.vector_store_idx %arg9[%add3A_415], %max3A_436 : memref<8192xf32, #tpu.memory_space<vmem>>[vector<16xi32>], vector<16xf32>,
        %get3A_437 = arith.constant 0 : i32
        %get3A_438 = arith.constant 1 : i32
        %get3A_439 = arith.index_cast %get3A_437 : i32 to index
        %get3A_440 = arith.index_cast %get3A_438 : i32 to index
        %get3A_441 = arith.index_cast %add3A_410 : i32 to index
        %get3A_442 = tpu.vector_load %arg6[%get3A_439, %get3A_440, %get3A_441] {strides = array<i32>} : memref<2x3x4096xf32, #tpu.memory_space<vmem>>, vector<16xf32>,
        %rev3A_443 = arith.constant 15 : i32
        %rev3A_444 = vector.broadcast %rev3A_443 : i32 to vector<16xi32>
        %rev3A_445 = tpu.iota {dimensions = array<i32: 0>} : vector<16xi32>
        %rev3A_446 = arith.subi %rev3A_444, %rev3A_445 : vector<16xi32>
        %rev3A_447 = tpu.dynamic_gather %get3A_442[%rev3A_446] in [0] : vector<16xf32>, vector<16xi32> -> vector<16xf32>
        %max3A_448 = arith.maximumf %get3A_442, %rev3A_447 : vector<16xf32>
        %select_n3A_449 = arith.select %eq3A_421, %max3A_448, %get3A_442 : vector<16xi1>, vector<16xf32>
        %gather3A_450 = tpu.vector_load_idx %arg12[%add3A_415] : memref<8192xf32, #tpu.memory_space<vmem>>[vector<16xi32>], vector<16xf32>,
        %max3A_451 = arith.maximumf %gather3A_450, %select_n3A_449 : vector<16xf32>
        tpu.vector_store_idx %arg12[%add3A_415], %max3A_451 : memref<8192xf32, #tpu.memory_space<vmem>>[vector<16xi32>], vector<16xf32>,
        %get3A_452 = arith.constant 0 : i32
        %get3A_453 = arith.constant 2 : i32
        %get3A_454 = arith.index_cast %get3A_452 : i32 to index
        %get3A_455 = arith.index_cast %get3A_453 : i32 to index
        %get3A_456 = arith.index_cast %add3A_410 : i32 to index
        %get3A_457 = tpu.vector_load %arg6[%get3A_454, %get3A_455, %get3A_456] {strides = array<i32>} : memref<2x3x4096xf32, #tpu.memory_space<vmem>>, vector<16xf32>,
        %rev3A_458 = arith.constant 15 : i32
        %rev3A_459 = vector.broadcast %rev3A_458 : i32 to vector<16xi32>
        %rev3A_460 = tpu.iota {dimensions = array<i32: 0>} : vector<16xi32>
        %rev3A_461 = arith.subi %rev3A_459, %rev3A_460 : vector<16xi32>
        %rev3A_462 = tpu.dynamic_gather %get3A_457[%rev3A_461] in [0] : vector<16xf32>, vector<16xi32> -> vector<16xf32>
        %max3A_463 = arith.maximumf %get3A_457, %rev3A_462 : vector<16xf32>
        %select_n3A_464 = arith.select %eq3A_421, %max3A_463, %get3A_457 : vector<16xi1>, vector<16xf32>
        %gather3A_465 = tpu.vector_load_idx %arg15[%add3A_415] : memref<8192xf32, #tpu.memory_space<vmem>>[vector<16xi32>], vector<16xf32>,
        %max3A_466 = arith.maximumf %gather3A_465, %select_n3A_464 : vector<16xf32>
        tpu.vector_store_idx %arg15[%add3A_415], %max3A_466 : memref<8192xf32, #tpu.memory_space<vmem>>[vector<16xi32>], vector<16xf32>,
        %add3A_467 = arith.constant 48 : i32
        %add3A_468 = arith.addi %mul3A_297, %add3A_467 : i32
        %get3A_469 = arith.constant 0 : i32
        %get3A_470 = arith.index_cast %get3A_469 : i32 to index
        %get3A_471 = arith.index_cast %add3A_468 : i32 to index
        %get3A_472 = tpu.vector_load %arg5[%get3A_470, %get3A_471] {strides = array<i32>} : memref<2x4096xi32, #tpu.memory_space<vmem>>, vector<16xi32>,
        %add3A_473 = arith.addi %mul3A_5, %get3A_472 : vector<16xi32>
        %rev3A_474 = arith.constant 15 : i32
        %rev3A_475 = vector.broadcast %rev3A_474 : i32 to vector<16xi32>
        %rev3A_476 = tpu.iota {dimensions = array<i32: 0>} : vector<16xi32>
        %rev3A_477 = arith.subi %rev3A_475, %rev3A_476 : vector<16xi32>
        %rev3A_478 = tpu.dynamic_gather %add3A_473[%rev3A_477] in [0] : vector<16xi32>, vector<16xi32> -> vector<16xi32>
        %eq3A_479 = arith.cmpi eq, %add3A_473, %rev3A_478 : vector<16xi32>
        %get3A_480 = arith.constant 0 : i32
        %get3A_481 = arith.constant 0 : i32
        %get3A_482 = arith.index_cast %get3A_480 : i32 to index
        %get3A_483 = arith.index_cast %get3A_481 : i32 to index
        %get3A_484 = arith.index_cast %add3A_468 : i32 to index
        %get3A_485 = tpu.vector_load %arg6[%get3A_482, %get3A_483, %get3A_484] {strides = array<i32>} : memref<2x3x4096xf32, #tpu.memory_space<vmem>>, vector<16xf32>,
        %rev3A_486 = arith.constant 15 : i32
        %rev3A_487 = vector.broadcast %rev3A_486 : i32 to vector<16xi32>
        %rev3A_488 = tpu.iota {dimensions = array<i32: 0>} : vector<16xi32>
        %rev3A_489 = arith.subi %rev3A_487, %rev3A_488 : vector<16xi32>
        %rev3A_490 = tpu.dynamic_gather %get3A_485[%rev3A_489] in [0] : vector<16xf32>, vector<16xi32> -> vector<16xf32>
        %max3A_491 = arith.maximumf %get3A_485, %rev3A_490 : vector<16xf32>
        %select_n3A_492 = arith.select %eq3A_479, %max3A_491, %get3A_485 : vector<16xi1>, vector<16xf32>
        %gather3A_493 = tpu.vector_load_idx %arg7[%add3A_473] : memref<8192xf32, #tpu.memory_space<vmem>>[vector<16xi32>], vector<16xf32>,
        %max3A_494 = arith.maximumf %gather3A_493, %select_n3A_492 : vector<16xf32>
        tpu.vector_store_idx %arg7[%add3A_473], %max3A_494 : memref<8192xf32, #tpu.memory_space<vmem>>[vector<16xi32>], vector<16xf32>,
        %get3A_495 = arith.constant 0 : i32
        %get3A_496 = arith.constant 1 : i32
        %get3A_497 = arith.index_cast %get3A_495 : i32 to index
        %get3A_498 = arith.index_cast %get3A_496 : i32 to index
        %get3A_499 = arith.index_cast %add3A_468 : i32 to index
        %get3A_500 = tpu.vector_load %arg6[%get3A_497, %get3A_498, %get3A_499] {strides = array<i32>} : memref<2x3x4096xf32, #tpu.memory_space<vmem>>, vector<16xf32>,
        %rev3A_501 = arith.constant 15 : i32
        %rev3A_502 = vector.broadcast %rev3A_501 : i32 to vector<16xi32>
        %rev3A_503 = tpu.iota {dimensions = array<i32: 0>} : vector<16xi32>
        %rev3A_504 = arith.subi %rev3A_502, %rev3A_503 : vector<16xi32>
        %rev3A_505 = tpu.dynamic_gather %get3A_500[%rev3A_504] in [0] : vector<16xf32>, vector<16xi32> -> vector<16xf32>
        %max3A_506 = arith.maximumf %get3A_500, %rev3A_505 : vector<16xf32>
        %select_n3A_507 = arith.select %eq3A_479, %max3A_506, %get3A_500 : vector<16xi1>, vector<16xf32>
        %gather3A_508 = tpu.vector_load_idx %arg10[%add3A_473] : memref<8192xf32, #tpu.memory_space<vmem>>[vector<16xi32>], vector<16xf32>,
        %max3A_509 = arith.maximumf %gather3A_508, %select_n3A_507 : vector<16xf32>
        tpu.vector_store_idx %arg10[%add3A_473], %max3A_509 : memref<8192xf32, #tpu.memory_space<vmem>>[vector<16xi32>], vector<16xf32>,
        %get3A_510 = arith.constant 0 : i32
        %get3A_511 = arith.constant 2 : i32
        %get3A_512 = arith.index_cast %get3A_510 : i32 to index
        %get3A_513 = arith.index_cast %get3A_511 : i32 to index
        %get3A_514 = arith.index_cast %add3A_468 : i32 to index
        %get3A_515 = tpu.vector_load %arg6[%get3A_512, %get3A_513, %get3A_514] {strides = array<i32>} : memref<2x3x4096xf32, #tpu.memory_space<vmem>>, vector<16xf32>,
        %rev3A_516 = arith.constant 15 : i32
        %rev3A_517 = vector.broadcast %rev3A_516 : i32 to vector<16xi32>
        %rev3A_518 = tpu.iota {dimensions = array<i32: 0>} : vector<16xi32>
        %rev3A_519 = arith.subi %rev3A_517, %rev3A_518 : vector<16xi32>
        %rev3A_520 = tpu.dynamic_gather %get3A_515[%rev3A_519] in [0] : vector<16xf32>, vector<16xi32> -> vector<16xf32>
        %max3A_521 = arith.maximumf %get3A_515, %rev3A_520 : vector<16xf32>
        %select_n3A_522 = arith.select %eq3A_479, %max3A_521, %get3A_515 : vector<16xi1>, vector<16xf32>
        %gather3A_523 = tpu.vector_load_idx %arg13[%add3A_473] : memref<8192xf32, #tpu.memory_space<vmem>>[vector<16xi32>], vector<16xf32>,
        %max3A_524 = arith.maximumf %gather3A_523, %select_n3A_522 : vector<16xf32>
        tpu.vector_store_idx %arg13[%add3A_473], %max3A_524 : memref<8192xf32, #tpu.memory_space<vmem>>[vector<16xi32>], vector<16xf32>,
        %add3A_525 = arith.constant 64 : i32
        %add3A_526 = arith.addi %mul3A_297, %add3A_525 : i32
        %get3A_527 = arith.constant 0 : i32
        %get3A_528 = arith.index_cast %get3A_527 : i32 to index
        %get3A_529 = arith.index_cast %add3A_526 : i32 to index
        %get3A_530 = tpu.vector_load %arg5[%get3A_528, %get3A_529] {strides = array<i32>} : memref<2x4096xi32, #tpu.memory_space<vmem>>, vector<16xi32>,
        %add3A_531 = arith.addi %mul3A_5, %get3A_530 : vector<16xi32>
        %rev3A_532 = arith.constant 15 : i32
        %rev3A_533 = vector.broadcast %rev3A_532 : i32 to vector<16xi32>
        %rev3A_534 = tpu.iota {dimensions = array<i32: 0>} : vector<16xi32>
        %rev3A_535 = arith.subi %rev3A_533, %rev3A_534 : vector<16xi32>
        %rev3A_536 = tpu.dynamic_gather %add3A_531[%rev3A_535] in [0] : vector<16xi32>, vector<16xi32> -> vector<16xi32>
        %eq3A_537 = arith.cmpi eq, %add3A_531, %rev3A_536 : vector<16xi32>
        %get3A_538 = arith.constant 0 : i32
        %get3A_539 = arith.constant 0 : i32
        %get3A_540 = arith.index_cast %get3A_538 : i32 to index
        %get3A_541 = arith.index_cast %get3A_539 : i32 to index
        %get3A_542 = arith.index_cast %add3A_526 : i32 to index
        %get3A_543 = tpu.vector_load %arg6[%get3A_540, %get3A_541, %get3A_542] {strides = array<i32>} : memref<2x3x4096xf32, #tpu.memory_space<vmem>>, vector<16xf32>,
        %rev3A_544 = arith.constant 15 : i32
        %rev3A_545 = vector.broadcast %rev3A_544 : i32 to vector<16xi32>
        %rev3A_546 = tpu.iota {dimensions = array<i32: 0>} : vector<16xi32>
        %rev3A_547 = arith.subi %rev3A_545, %rev3A_546 : vector<16xi32>
        %rev3A_548 = tpu.dynamic_gather %get3A_543[%rev3A_547] in [0] : vector<16xf32>, vector<16xi32> -> vector<16xf32>
        %max3A_549 = arith.maximumf %get3A_543, %rev3A_548 : vector<16xf32>
        %select_n3A_550 = arith.select %eq3A_537, %max3A_549, %get3A_543 : vector<16xi1>, vector<16xf32>
        %gather3A_551 = tpu.vector_load_idx %arg8[%add3A_531] : memref<8192xf32, #tpu.memory_space<vmem>>[vector<16xi32>], vector<16xf32>,
        %max3A_552 = arith.maximumf %gather3A_551, %select_n3A_550 : vector<16xf32>
        tpu.vector_store_idx %arg8[%add3A_531], %max3A_552 : memref<8192xf32, #tpu.memory_space<vmem>>[vector<16xi32>], vector<16xf32>,
        %get3A_553 = arith.constant 0 : i32
        %get3A_554 = arith.constant 1 : i32
        %get3A_555 = arith.index_cast %get3A_553 : i32 to index
        %get3A_556 = arith.index_cast %get3A_554 : i32 to index
        %get3A_557 = arith.index_cast %add3A_526 : i32 to index
        %get3A_558 = tpu.vector_load %arg6[%get3A_555, %get3A_556, %get3A_557] {strides = array<i32>} : memref<2x3x4096xf32, #tpu.memory_space<vmem>>, vector<16xf32>,
        %rev3A_559 = arith.constant 15 : i32
        %rev3A_560 = vector.broadcast %rev3A_559 : i32 to vector<16xi32>
        %rev3A_561 = tpu.iota {dimensions = array<i32: 0>} : vector<16xi32>
        %rev3A_562 = arith.subi %rev3A_560, %rev3A_561 : vector<16xi32>
        %rev3A_563 = tpu.dynamic_gather %get3A_558[%rev3A_562] in [0] : vector<16xf32>, vector<16xi32> -> vector<16xf32>
        %max3A_564 = arith.maximumf %get3A_558, %rev3A_563 : vector<16xf32>
        %select_n3A_565 = arith.select %eq3A_537, %max3A_564, %get3A_558 : vector<16xi1>, vector<16xf32>
        %gather3A_566 = tpu.vector_load_idx %arg11[%add3A_531] : memref<8192xf32, #tpu.memory_space<vmem>>[vector<16xi32>], vector<16xf32>,
        %max3A_567 = arith.maximumf %gather3A_566, %select_n3A_565 : vector<16xf32>
        tpu.vector_store_idx %arg11[%add3A_531], %max3A_567 : memref<8192xf32, #tpu.memory_space<vmem>>[vector<16xi32>], vector<16xf32>,
        %get3A_568 = arith.constant 0 : i32
        %get3A_569 = arith.constant 2 : i32
        %get3A_570 = arith.index_cast %get3A_568 : i32 to index
        %get3A_571 = arith.index_cast %get3A_569 : i32 to index
        %get3A_572 = arith.index_cast %add3A_526 : i32 to index
        %get3A_573 = tpu.vector_load %arg6[%get3A_570, %get3A_571, %get3A_572] {strides = array<i32>} : memref<2x3x4096xf32, #tpu.memory_space<vmem>>, vector<16xf32>,
        %rev3A_574 = arith.constant 15 : i32
        %rev3A_575 = vector.broadcast %rev3A_574 : i32 to vector<16xi32>
        %rev3A_576 = tpu.iota {dimensions = array<i32: 0>} : vector<16xi32>
        %rev3A_577 = arith.subi %rev3A_575, %rev3A_576 : vector<16xi32>
        %rev3A_578 = tpu.dynamic_gather %get3A_573[%rev3A_577] in [0] : vector<16xf32>, vector<16xi32> -> vector<16xf32>
        %max3A_579 = arith.maximumf %get3A_573, %rev3A_578 : vector<16xf32>
        %select_n3A_580 = arith.select %eq3A_537, %max3A_579, %get3A_573 : vector<16xi1>, vector<16xf32>
        %gather3A_581 = tpu.vector_load_idx %arg14[%add3A_531] : memref<8192xf32, #tpu.memory_space<vmem>>[vector<16xi32>], vector<16xf32>,
        %max3A_582 = arith.maximumf %gather3A_581, %select_n3A_580 : vector<16xf32>
        tpu.vector_store_idx %arg14[%add3A_531], %max3A_582 : memref<8192xf32, #tpu.memory_space<vmem>>[vector<16xi32>], vector<16xf32>,
        %add3A_583 = arith.constant 80 : i32
        %add3A_584 = arith.addi %mul3A_297, %add3A_583 : i32
        %get3A_585 = arith.constant 0 : i32
        %get3A_586 = arith.index_cast %get3A_585 : i32 to index
        %get3A_587 = arith.index_cast %add3A_584 : i32 to index
        %get3A_588 = tpu.vector_load %arg5[%get3A_586, %get3A_587] {strides = array<i32>} : memref<2x4096xi32, #tpu.memory_space<vmem>>, vector<16xi32>,
        %add3A_589 = arith.addi %mul3A_5, %get3A_588 : vector<16xi32>
        %rev3A_590 = arith.constant 15 : i32
        %rev3A_591 = vector.broadcast %rev3A_590 : i32 to vector<16xi32>
        %rev3A_592 = tpu.iota {dimensions = array<i32: 0>} : vector<16xi32>
        %rev3A_593 = arith.subi %rev3A_591, %rev3A_592 : vector<16xi32>
        %rev3A_594 = tpu.dynamic_gather %add3A_589[%rev3A_593] in [0] : vector<16xi32>, vector<16xi32> -> vector<16xi32>
        %eq3A_595 = arith.cmpi eq, %add3A_589, %rev3A_594 : vector<16xi32>
        %get3A_596 = arith.constant 0 : i32
        %get3A_597 = arith.constant 0 : i32
        %get3A_598 = arith.index_cast %get3A_596 : i32 to index
        %get3A_599 = arith.index_cast %get3A_597 : i32 to index
        %get3A_600 = arith.index_cast %add3A_584 : i32 to index
        %get3A_601 = tpu.vector_load %arg6[%get3A_598, %get3A_599, %get3A_600] {strides = array<i32>} : memref<2x3x4096xf32, #tpu.memory_space<vmem>>, vector<16xf32>,
        %rev3A_602 = arith.constant 15 : i32
        %rev3A_603 = vector.broadcast %rev3A_602 : i32 to vector<16xi32>
        %rev3A_604 = tpu.iota {dimensions = array<i32: 0>} : vector<16xi32>
        %rev3A_605 = arith.subi %rev3A_603, %rev3A_604 : vector<16xi32>
        %rev3A_606 = tpu.dynamic_gather %get3A_601[%rev3A_605] in [0] : vector<16xf32>, vector<16xi32> -> vector<16xf32>
        %max3A_607 = arith.maximumf %get3A_601, %rev3A_606 : vector<16xf32>
        %select_n3A_608 = arith.select %eq3A_595, %max3A_607, %get3A_601 : vector<16xi1>, vector<16xf32>
        %gather3A_609 = tpu.vector_load_idx %arg9[%add3A_589] : memref<8192xf32, #tpu.memory_space<vmem>>[vector<16xi32>], vector<16xf32>,
        %max3A_610 = arith.maximumf %gather3A_609, %select_n3A_608 : vector<16xf32>
        tpu.vector_store_idx %arg9[%add3A_589], %max3A_610 : memref<8192xf32, #tpu.memory_space<vmem>>[vector<16xi32>], vector<16xf32>,
        %get3A_611 = arith.constant 0 : i32
        %get3A_612 = arith.constant 1 : i32
        %get3A_613 = arith.index_cast %get3A_611 : i32 to index
        %get3A_614 = arith.index_cast %get3A_612 : i32 to index
        %get3A_615 = arith.index_cast %add3A_584 : i32 to index
        %get3A_616 = tpu.vector_load %arg6[%get3A_613, %get3A_614, %get3A_615] {strides = array<i32>} : memref<2x3x4096xf32, #tpu.memory_space<vmem>>, vector<16xf32>,
        %rev3A_617 = arith.constant 15 : i32
        %rev3A_618 = vector.broadcast %rev3A_617 : i32 to vector<16xi32>
        %rev3A_619 = tpu.iota {dimensions = array<i32: 0>} : vector<16xi32>
        %rev3A_620 = arith.subi %rev3A_618, %rev3A_619 : vector<16xi32>
        %rev3A_621 = tpu.dynamic_gather %get3A_616[%rev3A_620] in [0] : vector<16xf32>, vector<16xi32> -> vector<16xf32>
        %max3A_622 = arith.maximumf %get3A_616, %rev3A_621 : vector<16xf32>
        %select_n3A_623 = arith.select %eq3A_595, %max3A_622, %get3A_616 : vector<16xi1>, vector<16xf32>
        %gather3A_624 = tpu.vector_load_idx %arg12[%add3A_589] : memref<8192xf32, #tpu.memory_space<vmem>>[vector<16xi32>], vector<16xf32>,
        %max3A_625 = arith.maximumf %gather3A_624, %select_n3A_623 : vector<16xf32>
        tpu.vector_store_idx %arg12[%add3A_589], %max3A_625 : memref<8192xf32, #tpu.memory_space<vmem>>[vector<16xi32>], vector<16xf32>,
        %get3A_626 = arith.constant 0 : i32
        %get3A_627 = arith.constant 2 : i32
        %get3A_628 = arith.index_cast %get3A_626 : i32 to index
        %get3A_629 = arith.index_cast %get3A_627 : i32 to index
        %get3A_630 = arith.index_cast %add3A_584 : i32 to index
        %get3A_631 = tpu.vector_load %arg6[%get3A_628, %get3A_629, %get3A_630] {strides = array<i32>} : memref<2x3x4096xf32, #tpu.memory_space<vmem>>, vector<16xf32>,
        %rev3A_632 = arith.constant 15 : i32
        %rev3A_633 = vector.broadcast %rev3A_632 : i32 to vector<16xi32>
        %rev3A_634 = tpu.iota {dimensions = array<i32: 0>} : vector<16xi32>
        %rev3A_635 = arith.subi %rev3A_633, %rev3A_634 : vector<16xi32>
        %rev3A_636 = tpu.dynamic_gather %get3A_631[%rev3A_635] in [0] : vector<16xf32>, vector<16xi32> -> vector<16xf32>
        %max3A_637 = arith.maximumf %get3A_631, %rev3A_636 : vector<16xf32>
        %select_n3A_638 = arith.select %eq3A_595, %max3A_637, %get3A_631 : vector<16xi1>, vector<16xf32>
        %gather3A_639 = tpu.vector_load_idx %arg15[%add3A_589] : memref<8192xf32, #tpu.memory_space<vmem>>[vector<16xi32>], vector<16xf32>,
        %max3A_640 = arith.maximumf %gather3A_639, %select_n3A_638 : vector<16xf32>
        tpu.vector_store_idx %arg15[%add3A_589], %max3A_640 : memref<8192xf32, #tpu.memory_space<vmem>>[vector<16xi32>], vector<16xf32>,
        %add3A_641 = arith.constant 96 : i32
        %add3A_642 = arith.addi %mul3A_297, %add3A_641 : i32
        %get3A_643 = arith.constant 0 : i32
        %get3A_644 = arith.index_cast %get3A_643 : i32 to index
        %get3A_645 = arith.index_cast %add3A_642 : i32 to index
        %get3A_646 = tpu.vector_load %arg5[%get3A_644, %get3A_645] {strides = array<i32>} : memref<2x4096xi32, #tpu.memory_space<vmem>>, vector<16xi32>,
        %add3A_647 = arith.addi %mul3A_5, %get3A_646 : vector<16xi32>
        %rev3A_648 = arith.constant 15 : i32
        %rev3A_649 = vector.broadcast %rev3A_648 : i32 to vector<16xi32>
        %rev3A_650 = tpu.iota {dimensions = array<i32: 0>} : vector<16xi32>
        %rev3A_651 = arith.subi %rev3A_649, %rev3A_650 : vector<16xi32>
        %rev3A_652 = tpu.dynamic_gather %add3A_647[%rev3A_651] in [0] : vector<16xi32>, vector<16xi32> -> vector<16xi32>
        %eq3A_653 = arith.cmpi eq, %add3A_647, %rev3A_652 : vector<16xi32>
        %get3A_654 = arith.constant 0 : i32
        %get3A_655 = arith.constant 0 : i32
        %get3A_656 = arith.index_cast %get3A_654 : i32 to index
        %get3A_657 = arith.index_cast %get3A_655 : i32 to index
        %get3A_658 = arith.index_cast %add3A_642 : i32 to index
        %get3A_659 = tpu.vector_load %arg6[%get3A_656, %get3A_657, %get3A_658] {strides = array<i32>} : memref<2x3x4096xf32, #tpu.memory_space<vmem>>, vector<16xf32>,
        %rev3A_660 = arith.constant 15 : i32
        %rev3A_661 = vector.broadcast %rev3A_660 : i32 to vector<16xi32>
        %rev3A_662 = tpu.iota {dimensions = array<i32: 0>} : vector<16xi32>
        %rev3A_663 = arith.subi %rev3A_661, %rev3A_662 : vector<16xi32>
        %rev3A_664 = tpu.dynamic_gather %get3A_659[%rev3A_663] in [0] : vector<16xf32>, vector<16xi32> -> vector<16xf32>
        %max3A_665 = arith.maximumf %get3A_659, %rev3A_664 : vector<16xf32>
        %select_n3A_666 = arith.select %eq3A_653, %max3A_665, %get3A_659 : vector<16xi1>, vector<16xf32>
        %gather3A_667 = tpu.vector_load_idx %arg7[%add3A_647] : memref<8192xf32, #tpu.memory_space<vmem>>[vector<16xi32>], vector<16xf32>,
        %max3A_668 = arith.maximumf %gather3A_667, %select_n3A_666 : vector<16xf32>
        tpu.vector_store_idx %arg7[%add3A_647], %max3A_668 : memref<8192xf32, #tpu.memory_space<vmem>>[vector<16xi32>], vector<16xf32>,
        %get3A_669 = arith.constant 0 : i32
        %get3A_670 = arith.constant 1 : i32
        %get3A_671 = arith.index_cast %get3A_669 : i32 to index
        %get3A_672 = arith.index_cast %get3A_670 : i32 to index
        %get3A_673 = arith.index_cast %add3A_642 : i32 to index
        %get3A_674 = tpu.vector_load %arg6[%get3A_671, %get3A_672, %get3A_673] {strides = array<i32>} : memref<2x3x4096xf32, #tpu.memory_space<vmem>>, vector<16xf32>,
        %rev3A_675 = arith.constant 15 : i32
        %rev3A_676 = vector.broadcast %rev3A_675 : i32 to vector<16xi32>
        %rev3A_677 = tpu.iota {dimensions = array<i32: 0>} : vector<16xi32>
        %rev3A_678 = arith.subi %rev3A_676, %rev3A_677 : vector<16xi32>
        %rev3A_679 = tpu.dynamic_gather %get3A_674[%rev3A_678] in [0] : vector<16xf32>, vector<16xi32> -> vector<16xf32>
        %max3A_680 = arith.maximumf %get3A_674, %rev3A_679 : vector<16xf32>
        %select_n3A_681 = arith.select %eq3A_653, %max3A_680, %get3A_674 : vector<16xi1>, vector<16xf32>
        %gather3A_682 = tpu.vector_load_idx %arg10[%add3A_647] : memref<8192xf32, #tpu.memory_space<vmem>>[vector<16xi32>], vector<16xf32>,
        %max3A_683 = arith.maximumf %gather3A_682, %select_n3A_681 : vector<16xf32>
        tpu.vector_store_idx %arg10[%add3A_647], %max3A_683 : memref<8192xf32, #tpu.memory_space<vmem>>[vector<16xi32>], vector<16xf32>,
        %get3A_684 = arith.constant 0 : i32
        %get3A_685 = arith.constant 2 : i32
        %get3A_686 = arith.index_cast %get3A_684 : i32 to index
        %get3A_687 = arith.index_cast %get3A_685 : i32 to index
        %get3A_688 = arith.index_cast %add3A_642 : i32 to index
        %get3A_689 = tpu.vector_load %arg6[%get3A_686, %get3A_687, %get3A_688] {strides = array<i32>} : memref<2x3x4096xf32, #tpu.memory_space<vmem>>, vector<16xf32>,
        %rev3A_690 = arith.constant 15 : i32
        %rev3A_691 = vector.broadcast %rev3A_690 : i32 to vector<16xi32>
        %rev3A_692 = tpu.iota {dimensions = array<i32: 0>} : vector<16xi32>
        %rev3A_693 = arith.subi %rev3A_691, %rev3A_692 : vector<16xi32>
        %rev3A_694 = tpu.dynamic_gather %get3A_689[%rev3A_693] in [0] : vector<16xf32>, vector<16xi32> -> vector<16xf32>
        %max3A_695 = arith.maximumf %get3A_689, %rev3A_694 : vector<16xf32>
        %select_n3A_696 = arith.select %eq3A_653, %max3A_695, %get3A_689 : vector<16xi1>, vector<16xf32>
        %gather3A_697 = tpu.vector_load_idx %arg13[%add3A_647] : memref<8192xf32, #tpu.memory_space<vmem>>[vector<16xi32>], vector<16xf32>,
        %max3A_698 = arith.maximumf %gather3A_697, %select_n3A_696 : vector<16xf32>
        tpu.vector_store_idx %arg13[%add3A_647], %max3A_698 : memref<8192xf32, #tpu.memory_space<vmem>>[vector<16xi32>], vector<16xf32>,
        %add3A_699 = arith.constant 112 : i32
        %add3A_700 = arith.addi %mul3A_297, %add3A_699 : i32
        %get3A_701 = arith.constant 0 : i32
        %get3A_702 = arith.index_cast %get3A_701 : i32 to index
        %get3A_703 = arith.index_cast %add3A_700 : i32 to index
        %get3A_704 = tpu.vector_load %arg5[%get3A_702, %get3A_703] {strides = array<i32>} : memref<2x4096xi32, #tpu.memory_space<vmem>>, vector<16xi32>,
        %add3A_705 = arith.addi %mul3A_5, %get3A_704 : vector<16xi32>
        %rev3A_706 = arith.constant 15 : i32
        %rev3A_707 = vector.broadcast %rev3A_706 : i32 to vector<16xi32>
        %rev3A_708 = tpu.iota {dimensions = array<i32: 0>} : vector<16xi32>
        %rev3A_709 = arith.subi %rev3A_707, %rev3A_708 : vector<16xi32>
        %rev3A_710 = tpu.dynamic_gather %add3A_705[%rev3A_709] in [0] : vector<16xi32>, vector<16xi32> -> vector<16xi32>
        %eq3A_711 = arith.cmpi eq, %add3A_705, %rev3A_710 : vector<16xi32>
        %get3A_712 = arith.constant 0 : i32
        %get3A_713 = arith.constant 0 : i32
        %get3A_714 = arith.index_cast %get3A_712 : i32 to index
        %get3A_715 = arith.index_cast %get3A_713 : i32 to index
        %get3A_716 = arith.index_cast %add3A_700 : i32 to index
        %get3A_717 = tpu.vector_load %arg6[%get3A_714, %get3A_715, %get3A_716] {strides = array<i32>} : memref<2x3x4096xf32, #tpu.memory_space<vmem>>, vector<16xf32>,
        %rev3A_718 = arith.constant 15 : i32
        %rev3A_719 = vector.broadcast %rev3A_718 : i32 to vector<16xi32>
        %rev3A_720 = tpu.iota {dimensions = array<i32: 0>} : vector<16xi32>
        %rev3A_721 = arith.subi %rev3A_719, %rev3A_720 : vector<16xi32>
        %rev3A_722 = tpu.dynamic_gather %get3A_717[%rev3A_721] in [0] : vector<16xf32>, vector<16xi32> -> vector<16xf32>
        %max3A_723 = arith.maximumf %get3A_717, %rev3A_722 : vector<16xf32>
        %select_n3A_724 = arith.select %eq3A_711, %max3A_723, %get3A_717 : vector<16xi1>, vector<16xf32>
        %gather3A_725 = tpu.vector_load_idx %arg8[%add3A_705] : memref<8192xf32, #tpu.memory_space<vmem>>[vector<16xi32>], vector<16xf32>,
        %max3A_726 = arith.maximumf %gather3A_725, %select_n3A_724 : vector<16xf32>
        tpu.vector_store_idx %arg8[%add3A_705], %max3A_726 : memref<8192xf32, #tpu.memory_space<vmem>>[vector<16xi32>], vector<16xf32>,
        %get3A_727 = arith.constant 0 : i32
        %get3A_728 = arith.constant 1 : i32
        %get3A_729 = arith.index_cast %get3A_727 : i32 to index
        %get3A_730 = arith.index_cast %get3A_728 : i32 to index
        %get3A_731 = arith.index_cast %add3A_700 : i32 to index
        %get3A_732 = tpu.vector_load %arg6[%get3A_729, %get3A_730, %get3A_731] {strides = array<i32>} : memref<2x3x4096xf32, #tpu.memory_space<vmem>>, vector<16xf32>,
        %rev3A_733 = arith.constant 15 : i32
        %rev3A_734 = vector.broadcast %rev3A_733 : i32 to vector<16xi32>
        %rev3A_735 = tpu.iota {dimensions = array<i32: 0>} : vector<16xi32>
        %rev3A_736 = arith.subi %rev3A_734, %rev3A_735 : vector<16xi32>
        %rev3A_737 = tpu.dynamic_gather %get3A_732[%rev3A_736] in [0] : vector<16xf32>, vector<16xi32> -> vector<16xf32>
        %max3A_738 = arith.maximumf %get3A_732, %rev3A_737 : vector<16xf32>
        %select_n3A_739 = arith.select %eq3A_711, %max3A_738, %get3A_732 : vector<16xi1>, vector<16xf32>
        %gather3A_740 = tpu.vector_load_idx %arg11[%add3A_705] : memref<8192xf32, #tpu.memory_space<vmem>>[vector<16xi32>], vector<16xf32>,
        %max3A_741 = arith.maximumf %gather3A_740, %select_n3A_739 : vector<16xf32>
        tpu.vector_store_idx %arg11[%add3A_705], %max3A_741 : memref<8192xf32, #tpu.memory_space<vmem>>[vector<16xi32>], vector<16xf32>,
        %get3A_742 = arith.constant 0 : i32
        %get3A_743 = arith.constant 2 : i32
        %get3A_744 = arith.index_cast %get3A_742 : i32 to index
        %get3A_745 = arith.index_cast %get3A_743 : i32 to index
        %get3A_746 = arith.index_cast %add3A_700 : i32 to index
        %get3A_747 = tpu.vector_load %arg6[%get3A_744, %get3A_745, %get3A_746] {strides = array<i32>} : memref<2x3x4096xf32, #tpu.memory_space<vmem>>, vector<16xf32>,
        %rev3A_748 = arith.constant 15 : i32
        %rev3A_749 = vector.broadcast %rev3A_748 : i32 to vector<16xi32>
        %rev3A_750 = tpu.iota {dimensions = array<i32: 0>} : vector<16xi32>
        %rev3A_751 = arith.subi %rev3A_749, %rev3A_750 : vector<16xi32>
        %rev3A_752 = tpu.dynamic_gather %get3A_747[%rev3A_751] in [0] : vector<16xf32>, vector<16xi32> -> vector<16xf32>
        %max3A_753 = arith.maximumf %get3A_747, %rev3A_752 : vector<16xf32>
        %select_n3A_754 = arith.select %eq3A_711, %max3A_753, %get3A_747 : vector<16xi1>, vector<16xf32>
        %gather3A_755 = tpu.vector_load_idx %arg14[%add3A_705] : memref<8192xf32, #tpu.memory_space<vmem>>[vector<16xi32>], vector<16xf32>,
        %max3A_756 = arith.maximumf %gather3A_755, %select_n3A_754 : vector<16xf32>
        tpu.vector_store_idx %arg14[%add3A_705], %max3A_756 : memref<8192xf32, #tpu.memory_space<vmem>>[vector<16xi32>], vector<16xf32>,
        %scan3A_757 = arith.constant 0 : i32
        scf.yield %scan3A_757 : i32
      }
      %scan3A_252 = arith.constant 32 : i32
      %add3A_253 = arith.constant 1 : i32
      %add3A_254 = arith.addi %scan3A_188, %add3A_253 : i32
      %lt3A = arith.constant 32 : i32
      %lt3A_255 = arith.cmpi slt, %add3A_254, %lt3A : i32
      %convert_element_type3A = arith.extui %lt3A_255 : i1 to i32
      %cond3A = arith.constant 0 : i32
      %cond3A_256 = arith.cmpi ne, %convert_element_type3A, %cond3A : i32
      scf.if %cond3A_256 {
        %add3A_294 = arith.constant 2 : i32
        %add3A_295 = arith.addi %mul3A_191, %add3A_294 : i32
        %mul3A_296 = arith.constant 4096 : i32
        %mul3A_297 = arith.muli %add3A_295, %mul3A_296 : i32
        %dma_start3A_298 = arith.constant 0 : i32
        %dma_start3A_299 = arith.constant 0 : i32
        %dma_start3A_300 = tpu.memref_slice %arg5[%dma_start3A_298, %dma_start3A_299] : memref<2x4096xi32, #tpu.memory_space<vmem>> -> memref<1x4096xi32, #tpu.memory_space<vmem>>
        %dma_start3A_301 = tpu.memref_squeeze %dma_start3A_300 : memref<1x4096xi32, #tpu.memory_space<vmem>> -> memref<4096xi32, #tpu.memory_space<vmem>>
        %dma_start3A_302 = tpu.memref_slice %arg3[%select_n3A, %mul3A_297] : memref<2x262144xi32, #tpu.memory_space<hbm>> -> memref<1x4096xi32, #tpu.memory_space<hbm>>
        %dma_start3A_303 = tpu.memref_squeeze %dma_start3A_302 : memref<1x4096xi32, #tpu.memory_space<hbm>> -> memref<4096xi32, #tpu.memory_space<hbm>>
        %dma_start3A_304 = arith.constant 0 : i32
        %dma_start3A_305 = tpu.memref_slice %arg5[%dma_start3A_298, %dma_start3A_304] : memref<2x4096xi32, #tpu.memory_space<vmem>> -> memref<1x4096xi32, #tpu.memory_space<vmem>>
        %dma_start3A_306 = tpu.memref_squeeze %dma_start3A_305 : memref<1x4096xi32, #tpu.memory_space<vmem>> -> memref<4096xi32, #tpu.memory_space<vmem>>
        %dma_start3A_307 = tpu.memref_slice %arg3[%select_n3A, %mul3A_297] : memref<2x262144xi32, #tpu.memory_space<hbm>> -> memref<1x4096xi32, #tpu.memory_space<hbm>>
        %dma_start3A_308 = tpu.memref_squeeze %dma_start3A_307 : memref<1x4096xi32, #tpu.memory_space<hbm>> -> memref<4096xi32, #tpu.memory_space<hbm>>
        tpu.enqueue_dma source(%dma_start3A_308 : memref<4096xi32, #tpu.memory_space<hbm>>) target(%dma_start3A_306 : memref<4096xi32, #tpu.memory_space<vmem>>) target_semaphore(%arg17 : memref<!tpu.dma_semaphore, #tpu.memory_space<semaphore_mem>>)
        %dma_start3A_309 = arith.constant 0 : i32
        %dma_start3A_310 = arith.constant 0 : i32
        %dma_start3A_311 = arith.constant 0 : i32
        %dma_start3A_312 = tpu.memref_slice %arg6[%dma_start3A_309, %dma_start3A_310, %dma_start3A_311] : memref<2x3x4096xf32, #tpu.memory_space<vmem>> -> memref<1x3x4096xf32, #tpu.memory_space<vmem>>
        %dma_start3A_313 = tpu.memref_squeeze %dma_start3A_312 : memref<1x3x4096xf32, #tpu.memory_space<vmem>> -> memref<3x4096xf32, #tpu.memory_space<vmem>>
        %dma_start3A_314 = tpu.memref_slice %arg2[%add3A_10, %mul3A_297] : memref<192x262144xf32, #tpu.memory_space<hbm>> -> memref<3x4096xf32, #tpu.memory_space<hbm>>
        %dma_start3A_315 = arith.constant 0 : i32
        %dma_start3A_316 = arith.constant 0 : i32
        %dma_start3A_317 = tpu.memref_slice %arg6[%dma_start3A_309, %dma_start3A_315, %dma_start3A_316] : memref<2x3x4096xf32, #tpu.memory_space<vmem>> -> memref<1x3x4096xf32, #tpu.memory_space<vmem>>
        %dma_start3A_318 = tpu.memref_squeeze %dma_start3A_317 : memref<1x3x4096xf32, #tpu.memory_space<vmem>> -> memref<3x4096xf32, #tpu.memory_space<vmem>>
        %dma_start3A_319 = tpu.memref_slice %arg2[%add3A_10, %mul3A_297] : memref<192x262144xf32, #tpu.memory_space<hbm>> -> memref<3x4096xf32, #tpu.memory_space<hbm>>
        tpu.enqueue_dma source(%dma_start3A_319 : memref<3x4096xf32, #tpu.memory_space<hbm>>) target(%dma_start3A_318 : memref<3x4096xf32, #tpu.memory_space<vmem>>) target_semaphore(%arg17 : memref<!tpu.dma_semaphore, #tpu.memory_space<semaphore_mem>>)
      } else {
      }
      %dma_wait3A_257 = arith.constant 0 : i32
      %dma_wait3A_258 = arith.constant 1 : i32
      %dma_wait3A_259 = arith.constant 0 : i32
      %dma_wait3A_260 = tpu.memref_slice %arg5[%dma_wait3A_258, %dma_wait3A_259] : memref<2x4096xi32, #tpu.memory_space<vmem>> -> memref<1x4096xi32, #tpu.memory_space<vmem>>
      %dma_wait3A_261 = tpu.memref_squeeze %dma_wait3A_260 : memref<1x4096xi32, #tpu.memory_space<vmem>> -> memref<4096xi32, #tpu.memory_space<vmem>>
      %dma_wait3A_262 = arith.constant 0 : i32
      %dma_wait3A_263 = tpu.memref_slice %arg3[%dma_wait3A_257, %dma_wait3A_262] : memref<2x262144xi32, #tpu.memory_space<hbm>> -> memref<1x4096xi32, #tpu.memory_space<hbm>>
      %dma_wait3A_264 = tpu.memref_squeeze %dma_wait3A_263 : memref<1x4096xi32, #tpu.memory_space<hbm>> -> memref<4096xi32, #tpu.memory_space<hbm>>
      %dma_wait3A_265 = arith.constant 0 : i32
      %dma_wait3A_266 = tpu.memref_slice %arg5[%dma_wait3A_258, %dma_wait3A_265] : memref<2x4096xi32, #tpu.memory_space<vmem>> -> memref<1x4096xi32, #tpu.memory_space<vmem>>
      %dma_wait3A_267 = tpu.memref_squeeze %dma_wait3A_266 : memref<1x4096xi32, #tpu.memory_space<vmem>> -> memref<4096xi32, #tpu.memory_space<vmem>>
      %dma_wait3A_268 = arith.constant 0 : i32
      %dma_wait3A_269 = tpu.memref_slice %arg3[%dma_wait3A_257, %dma_wait3A_268] : memref<2x262144xi32, #tpu.memory_space<hbm>> -> memref<1x4096xi32, #tpu.memory_space<hbm>>
      %dma_wait3A_270 = tpu.memref_squeeze %dma_wait3A_269 : memref<1x4096xi32, #tpu.memory_space<hbm>> -> memref<4096xi32, #tpu.memory_space<hbm>>
      tpu.wait_dma2 semaphore(%arg18 : memref<!tpu.dma_semaphore, #tpu.memory_space<semaphore_mem>>) src(%dma_wait3A_270 : memref<4096xi32, #tpu.memory_space<hbm>>) dst(%dma_wait3A_267 : memref<4096xi32, #tpu.memory_space<vmem>>)
      %dma_wait3A_271 = arith.constant 1 : i32
      %dma_wait3A_272 = arith.constant 0 : i32
      %dma_wait3A_273 = arith.constant 0 : i32
      %dma_wait3A_274 = tpu.memref_slice %arg6[%dma_wait3A_271, %dma_wait3A_272, %dma_wait3A_273] : memref<2x3x4096xf32, #tpu.memory_space<vmem>> -> memref<1x3x4096xf32, #tpu.memory_space<vmem>>
      %dma_wait3A_275 = tpu.memref_squeeze %dma_wait3A_274 : memref<1x3x4096xf32, #tpu.memory_space<vmem>> -> memref<3x4096xf32, #tpu.memory_space<vmem>>
      %dma_wait3A_276 = arith.constant 0 : i32
      %dma_wait3A_277 = arith.constant 0 : i32
      %dma_wait3A_278 = tpu.memref_slice %arg2[%dma_wait3A_276, %dma_wait3A_277] : memref<192x262144xf32, #tpu.memory_space<hbm>> -> memref<3x4096xf32, #tpu.memory_space<hbm>>
      %dma_wait3A_279 = arith.constant 0 : i32
      %dma_wait3A_280 = arith.constant 0 : i32
      %dma_wait3A_281 = tpu.memref_slice %arg6[%dma_wait3A_271, %dma_wait3A_279, %dma_wait3A_280] : memref<2x3x4096xf32, #tpu.memory_space<vmem>> -> memref<1x3x4096xf32, #tpu.memory_space<vmem>>
      %dma_wait3A_282 = tpu.memref_squeeze %dma_wait3A_281 : memref<1x3x4096xf32, #tpu.memory_space<vmem>> -> memref<3x4096xf32, #tpu.memory_space<vmem>>
      %dma_wait3A_283 = arith.constant 0 : i32
      %dma_wait3A_284 = arith.constant 0 : i32
      %dma_wait3A_285 = tpu.memref_slice %arg2[%dma_wait3A_283, %dma_wait3A_284] : memref<192x262144xf32, #tpu.memory_space<hbm>> -> memref<3x4096xf32, #tpu.memory_space<hbm>>
      tpu.wait_dma2 semaphore(%arg18 : memref<!tpu.dma_semaphore, #tpu.memory_space<semaphore_mem>>) src(%dma_wait3A_285 : memref<3x4096xf32, #tpu.memory_space<hbm>>) dst(%dma_wait3A_282 : memref<3x4096xf32, #tpu.memory_space<vmem>>)
      %scan3A_286 = arith.constant 0 : i32
      %scan3A_287 = arith.constant 0 : i32
      %scan3A_288 = arith.constant 32 : i32
      %scan3A_289 = arith.addi %scan3A_287, %scan3A_288 : i32
      %scan3A_290 = arith.constant 1 : i32
      %scan3A_291 = scf.for %scan3A_294 = %scan3A_287 to %scan3A_289 step %scan3A_290 iter_args(%scan3A_295 = %scan3A_286) -> (i32)  : i32 {
        %mul3A_296 = arith.constant 128 : i32
        %mul3A_297 = arith.muli %scan3A_294, %mul3A_296 : i32
        %add3A_298 = arith.constant 0 : i32
        %add3A_299 = arith.addi %mul3A_297, %add3A_298 : i32
        %get3A = arith.constant 1 : i32
        %get3A_300 = arith.index_cast %get3A : i32 to index
        %get3A_301 = arith.index_cast %add3A_299 : i32 to index
        %get3A_302 = tpu.vector_load %arg5[%get3A_300, %get3A_301] {strides = array<i32>} : memref<2x4096xi32, #tpu.memory_space<vmem>>, vector<16xi32>,
        %add3A_303 = arith.addi %mul3A_5, %get3A_302 : vector<16xi32>
        %rev3A = arith.constant 15 : i32
        %rev3A_304 = vector.broadcast %rev3A : i32 to vector<16xi32>
        %rev3A_305 = tpu.iota {dimensions = array<i32: 0>} : vector<16xi32>
        %rev3A_306 = arith.subi %rev3A_304, %rev3A_305 : vector<16xi32>
        %rev3A_307 = tpu.dynamic_gather %add3A_303[%rev3A_306] in [0] : vector<16xi32>, vector<16xi32> -> vector<16xi32>
        %eq3A = arith.cmpi eq, %add3A_303, %rev3A_307 : vector<16xi32>
        %get3A_308 = arith.constant 1 : i32
        %get3A_309 = arith.constant 0 : i32
        %get3A_310 = arith.index_cast %get3A_308 : i32 to index
        %get3A_311 = arith.index_cast %get3A_309 : i32 to index
        %get3A_312 = arith.index_cast %add3A_299 : i32 to index
        %get3A_313 = tpu.vector_load %arg6[%get3A_310, %get3A_311, %get3A_312] {strides = array<i32>} : memref<2x3x4096xf32, #tpu.memory_space<vmem>>, vector<16xf32>,
        %rev3A_314 = arith.constant 15 : i32
        %rev3A_315 = vector.broadcast %rev3A_314 : i32 to vector<16xi32>
        %rev3A_316 = tpu.iota {dimensions = array<i32: 0>} : vector<16xi32>
        %rev3A_317 = arith.subi %rev3A_315, %rev3A_316 : vector<16xi32>
        %rev3A_318 = tpu.dynamic_gather %get3A_313[%rev3A_317] in [0] : vector<16xf32>, vector<16xi32> -> vector<16xf32>
        %max3A = arith.maximumf %get3A_313, %rev3A_318 : vector<16xf32>
        %select_n3A_319 = arith.select %eq3A, %max3A, %get3A_313 : vector<16xi1>, vector<16xf32>
        %gather3A = tpu.vector_load_idx %arg7[%add3A_303] : memref<8192xf32, #tpu.memory_space<vmem>>[vector<16xi32>], vector<16xf32>,
        %max3A_320 = arith.maximumf %gather3A, %select_n3A_319 : vector<16xf32>
        tpu.vector_store_idx %arg7[%add3A_303], %max3A_320 : memref<8192xf32, #tpu.memory_space<vmem>>[vector<16xi32>], vector<16xf32>,
        %get3A_321 = arith.constant 1 : i32
        %get3A_322 = arith.constant 1 : i32
        %get3A_323 = arith.index_cast %get3A_321 : i32 to index
        %get3A_324 = arith.index_cast %get3A_322 : i32 to index
        %get3A_325 = arith.index_cast %add3A_299 : i32 to index
        %get3A_326 = tpu.vector_load %arg6[%get3A_323, %get3A_324, %get3A_325] {strides = array<i32>} : memref<2x3x4096xf32, #tpu.memory_space<vmem>>, vector<16xf32>,
        %rev3A_327 = arith.constant 15 : i32
        %rev3A_328 = vector.broadcast %rev3A_327 : i32 to vector<16xi32>
        %rev3A_329 = tpu.iota {dimensions = array<i32: 0>} : vector<16xi32>
        %rev3A_330 = arith.subi %rev3A_328, %rev3A_329 : vector<16xi32>
        %rev3A_331 = tpu.dynamic_gather %get3A_326[%rev3A_330] in [0] : vector<16xf32>, vector<16xi32> -> vector<16xf32>
        %max3A_332 = arith.maximumf %get3A_326, %rev3A_331 : vector<16xf32>
        %select_n3A_333 = arith.select %eq3A, %max3A_332, %get3A_326 : vector<16xi1>, vector<16xf32>
        %gather3A_334 = tpu.vector_load_idx %arg10[%add3A_303] : memref<8192xf32, #tpu.memory_space<vmem>>[vector<16xi32>], vector<16xf32>,
        %max3A_335 = arith.maximumf %gather3A_334, %select_n3A_333 : vector<16xf32>
        tpu.vector_store_idx %arg10[%add3A_303], %max3A_335 : memref<8192xf32, #tpu.memory_space<vmem>>[vector<16xi32>], vector<16xf32>,
        %get3A_336 = arith.constant 1 : i32
        %get3A_337 = arith.constant 2 : i32
        %get3A_338 = arith.index_cast %get3A_336 : i32 to index
        %get3A_339 = arith.index_cast %get3A_337 : i32 to index
        %get3A_340 = arith.index_cast %add3A_299 : i32 to index
        %get3A_341 = tpu.vector_load %arg6[%get3A_338, %get3A_339, %get3A_340] {strides = array<i32>} : memref<2x3x4096xf32, #tpu.memory_space<vmem>>, vector<16xf32>,
        %rev3A_342 = arith.constant 15 : i32
        %rev3A_343 = vector.broadcast %rev3A_342 : i32 to vector<16xi32>
        %rev3A_344 = tpu.iota {dimensions = array<i32: 0>} : vector<16xi32>
        %rev3A_345 = arith.subi %rev3A_343, %rev3A_344 : vector<16xi32>
        %rev3A_346 = tpu.dynamic_gather %get3A_341[%rev3A_345] in [0] : vector<16xf32>, vector<16xi32> -> vector<16xf32>
        %max3A_347 = arith.maximumf %get3A_341, %rev3A_346 : vector<16xf32>
        %select_n3A_348 = arith.select %eq3A, %max3A_347, %get3A_341 : vector<16xi1>, vector<16xf32>
        %gather3A_349 = tpu.vector_load_idx %arg13[%add3A_303] : memref<8192xf32, #tpu.memory_space<vmem>>[vector<16xi32>], vector<16xf32>,
        %max3A_350 = arith.maximumf %gather3A_349, %select_n3A_348 : vector<16xf32>
        tpu.vector_store_idx %arg13[%add3A_303], %max3A_350 : memref<8192xf32, #tpu.memory_space<vmem>>[vector<16xi32>], vector<16xf32>,
        %add3A_351 = arith.constant 16 : i32
        %add3A_352 = arith.addi %mul3A_297, %add3A_351 : i32
        %get3A_353 = arith.constant 1 : i32
        %get3A_354 = arith.index_cast %get3A_353 : i32 to index
        %get3A_355 = arith.index_cast %add3A_352 : i32 to index
        %get3A_356 = tpu.vector_load %arg5[%get3A_354, %get3A_355] {strides = array<i32>} : memref<2x4096xi32, #tpu.memory_space<vmem>>, vector<16xi32>,
        %add3A_357 = arith.addi %mul3A_5, %get3A_356 : vector<16xi32>
        %rev3A_358 = arith.constant 15 : i32
        %rev3A_359 = vector.broadcast %rev3A_358 : i32 to vector<16xi32>
        %rev3A_360 = tpu.iota {dimensions = array<i32: 0>} : vector<16xi32>
        %rev3A_361 = arith.subi %rev3A_359, %rev3A_360 : vector<16xi32>
        %rev3A_362 = tpu.dynamic_gather %add3A_357[%rev3A_361] in [0] : vector<16xi32>, vector<16xi32> -> vector<16xi32>
        %eq3A_363 = arith.cmpi eq, %add3A_357, %rev3A_362 : vector<16xi32>
        %get3A_364 = arith.constant 1 : i32
        %get3A_365 = arith.constant 0 : i32
        %get3A_366 = arith.index_cast %get3A_364 : i32 to index
        %get3A_367 = arith.index_cast %get3A_365 : i32 to index
        %get3A_368 = arith.index_cast %add3A_352 : i32 to index
        %get3A_369 = tpu.vector_load %arg6[%get3A_366, %get3A_367, %get3A_368] {strides = array<i32>} : memref<2x3x4096xf32, #tpu.memory_space<vmem>>, vector<16xf32>,
        %rev3A_370 = arith.constant 15 : i32
        %rev3A_371 = vector.broadcast %rev3A_370 : i32 to vector<16xi32>
        %rev3A_372 = tpu.iota {dimensions = array<i32: 0>} : vector<16xi32>
        %rev3A_373 = arith.subi %rev3A_371, %rev3A_372 : vector<16xi32>
        %rev3A_374 = tpu.dynamic_gather %get3A_369[%rev3A_373] in [0] : vector<16xf32>, vector<16xi32> -> vector<16xf32>
        %max3A_375 = arith.maximumf %get3A_369, %rev3A_374 : vector<16xf32>
        %select_n3A_376 = arith.select %eq3A_363, %max3A_375, %get3A_369 : vector<16xi1>, vector<16xf32>
        %gather3A_377 = tpu.vector_load_idx %arg8[%add3A_357] : memref<8192xf32, #tpu.memory_space<vmem>>[vector<16xi32>], vector<16xf32>,
        %max3A_378 = arith.maximumf %gather3A_377, %select_n3A_376 : vector<16xf32>
        tpu.vector_store_idx %arg8[%add3A_357], %max3A_378 : memref<8192xf32, #tpu.memory_space<vmem>>[vector<16xi32>], vector<16xf32>,
        %get3A_379 = arith.constant 1 : i32
        %get3A_380 = arith.constant 1 : i32
        %get3A_381 = arith.index_cast %get3A_379 : i32 to index
        %get3A_382 = arith.index_cast %get3A_380 : i32 to index
        %get3A_383 = arith.index_cast %add3A_352 : i32 to index
        %get3A_384 = tpu.vector_load %arg6[%get3A_381, %get3A_382, %get3A_383] {strides = array<i32>} : memref<2x3x4096xf32, #tpu.memory_space<vmem>>, vector<16xf32>,
        %rev3A_385 = arith.constant 15 : i32
        %rev3A_386 = vector.broadcast %rev3A_385 : i32 to vector<16xi32>
        %rev3A_387 = tpu.iota {dimensions = array<i32: 0>} : vector<16xi32>
        %rev3A_388 = arith.subi %rev3A_386, %rev3A_387 : vector<16xi32>
        %rev3A_389 = tpu.dynamic_gather %get3A_384[%rev3A_388] in [0] : vector<16xf32>, vector<16xi32> -> vector<16xf32>
        %max3A_390 = arith.maximumf %get3A_384, %rev3A_389 : vector<16xf32>
        %select_n3A_391 = arith.select %eq3A_363, %max3A_390, %get3A_384 : vector<16xi1>, vector<16xf32>
        %gather3A_392 = tpu.vector_load_idx %arg11[%add3A_357] : memref<8192xf32, #tpu.memory_space<vmem>>[vector<16xi32>], vector<16xf32>,
        %max3A_393 = arith.maximumf %gather3A_392, %select_n3A_391 : vector<16xf32>
        tpu.vector_store_idx %arg11[%add3A_357], %max3A_393 : memref<8192xf32, #tpu.memory_space<vmem>>[vector<16xi32>], vector<16xf32>,
        %get3A_394 = arith.constant 1 : i32
        %get3A_395 = arith.constant 2 : i32
        %get3A_396 = arith.index_cast %get3A_394 : i32 to index
        %get3A_397 = arith.index_cast %get3A_395 : i32 to index
        %get3A_398 = arith.index_cast %add3A_352 : i32 to index
        %get3A_399 = tpu.vector_load %arg6[%get3A_396, %get3A_397, %get3A_398] {strides = array<i32>} : memref<2x3x4096xf32, #tpu.memory_space<vmem>>, vector<16xf32>,
        %rev3A_400 = arith.constant 15 : i32
        %rev3A_401 = vector.broadcast %rev3A_400 : i32 to vector<16xi32>
        %rev3A_402 = tpu.iota {dimensions = array<i32: 0>} : vector<16xi32>
        %rev3A_403 = arith.subi %rev3A_401, %rev3A_402 : vector<16xi32>
        %rev3A_404 = tpu.dynamic_gather %get3A_399[%rev3A_403] in [0] : vector<16xf32>, vector<16xi32> -> vector<16xf32>
        %max3A_405 = arith.maximumf %get3A_399, %rev3A_404 : vector<16xf32>
        %select_n3A_406 = arith.select %eq3A_363, %max3A_405, %get3A_399 : vector<16xi1>, vector<16xf32>
        %gather3A_407 = tpu.vector_load_idx %arg14[%add3A_357] : memref<8192xf32, #tpu.memory_space<vmem>>[vector<16xi32>], vector<16xf32>,
        %max3A_408 = arith.maximumf %gather3A_407, %select_n3A_406 : vector<16xf32>
        tpu.vector_store_idx %arg14[%add3A_357], %max3A_408 : memref<8192xf32, #tpu.memory_space<vmem>>[vector<16xi32>], vector<16xf32>,
        %add3A_409 = arith.constant 32 : i32
        %add3A_410 = arith.addi %mul3A_297, %add3A_409 : i32
        %get3A_411 = arith.constant 1 : i32
        %get3A_412 = arith.index_cast %get3A_411 : i32 to index
        %get3A_413 = arith.index_cast %add3A_410 : i32 to index
        %get3A_414 = tpu.vector_load %arg5[%get3A_412, %get3A_413] {strides = array<i32>} : memref<2x4096xi32, #tpu.memory_space<vmem>>, vector<16xi32>,
        %add3A_415 = arith.addi %mul3A_5, %get3A_414 : vector<16xi32>
        %rev3A_416 = arith.constant 15 : i32
        %rev3A_417 = vector.broadcast %rev3A_416 : i32 to vector<16xi32>
        %rev3A_418 = tpu.iota {dimensions = array<i32: 0>} : vector<16xi32>
        %rev3A_419 = arith.subi %rev3A_417, %rev3A_418 : vector<16xi32>
        %rev3A_420 = tpu.dynamic_gather %add3A_415[%rev3A_419] in [0] : vector<16xi32>, vector<16xi32> -> vector<16xi32>
        %eq3A_421 = arith.cmpi eq, %add3A_415, %rev3A_420 : vector<16xi32>
        %get3A_422 = arith.constant 1 : i32
        %get3A_423 = arith.constant 0 : i32
        %get3A_424 = arith.index_cast %get3A_422 : i32 to index
        %get3A_425 = arith.index_cast %get3A_423 : i32 to index
        %get3A_426 = arith.index_cast %add3A_410 : i32 to index
        %get3A_427 = tpu.vector_load %arg6[%get3A_424, %get3A_425, %get3A_426] {strides = array<i32>} : memref<2x3x4096xf32, #tpu.memory_space<vmem>>, vector<16xf32>,
        %rev3A_428 = arith.constant 15 : i32
        %rev3A_429 = vector.broadcast %rev3A_428 : i32 to vector<16xi32>
        %rev3A_430 = tpu.iota {dimensions = array<i32: 0>} : vector<16xi32>
        %rev3A_431 = arith.subi %rev3A_429, %rev3A_430 : vector<16xi32>
        %rev3A_432 = tpu.dynamic_gather %get3A_427[%rev3A_431] in [0] : vector<16xf32>, vector<16xi32> -> vector<16xf32>
        %max3A_433 = arith.maximumf %get3A_427, %rev3A_432 : vector<16xf32>
        %select_n3A_434 = arith.select %eq3A_421, %max3A_433, %get3A_427 : vector<16xi1>, vector<16xf32>
        %gather3A_435 = tpu.vector_load_idx %arg9[%add3A_415] : memref<8192xf32, #tpu.memory_space<vmem>>[vector<16xi32>], vector<16xf32>,
        %max3A_436 = arith.maximumf %gather3A_435, %select_n3A_434 : vector<16xf32>
        tpu.vector_store_idx %arg9[%add3A_415], %max3A_436 : memref<8192xf32, #tpu.memory_space<vmem>>[vector<16xi32>], vector<16xf32>,
        %get3A_437 = arith.constant 1 : i32
        %get3A_438 = arith.constant 1 : i32
        %get3A_439 = arith.index_cast %get3A_437 : i32 to index
        %get3A_440 = arith.index_cast %get3A_438 : i32 to index
        %get3A_441 = arith.index_cast %add3A_410 : i32 to index
        %get3A_442 = tpu.vector_load %arg6[%get3A_439, %get3A_440, %get3A_441] {strides = array<i32>} : memref<2x3x4096xf32, #tpu.memory_space<vmem>>, vector<16xf32>,
        %rev3A_443 = arith.constant 15 : i32
        %rev3A_444 = vector.broadcast %rev3A_443 : i32 to vector<16xi32>
        %rev3A_445 = tpu.iota {dimensions = array<i32: 0>} : vector<16xi32>
        %rev3A_446 = arith.subi %rev3A_444, %rev3A_445 : vector<16xi32>
        %rev3A_447 = tpu.dynamic_gather %get3A_442[%rev3A_446] in [0] : vector<16xf32>, vector<16xi32> -> vector<16xf32>
        %max3A_448 = arith.maximumf %get3A_442, %rev3A_447 : vector<16xf32>
        %select_n3A_449 = arith.select %eq3A_421, %max3A_448, %get3A_442 : vector<16xi1>, vector<16xf32>
        %gather3A_450 = tpu.vector_load_idx %arg12[%add3A_415] : memref<8192xf32, #tpu.memory_space<vmem>>[vector<16xi32>], vector<16xf32>,
        %max3A_451 = arith.maximumf %gather3A_450, %select_n3A_449 : vector<16xf32>
        tpu.vector_store_idx %arg12[%add3A_415], %max3A_451 : memref<8192xf32, #tpu.memory_space<vmem>>[vector<16xi32>], vector<16xf32>,
        %get3A_452 = arith.constant 1 : i32
        %get3A_453 = arith.constant 2 : i32
        %get3A_454 = arith.index_cast %get3A_452 : i32 to index
        %get3A_455 = arith.index_cast %get3A_453 : i32 to index
        %get3A_456 = arith.index_cast %add3A_410 : i32 to index
        %get3A_457 = tpu.vector_load %arg6[%get3A_454, %get3A_455, %get3A_456] {strides = array<i32>} : memref<2x3x4096xf32, #tpu.memory_space<vmem>>, vector<16xf32>,
        %rev3A_458 = arith.constant 15 : i32
        %rev3A_459 = vector.broadcast %rev3A_458 : i32 to vector<16xi32>
        %rev3A_460 = tpu.iota {dimensions = array<i32: 0>} : vector<16xi32>
        %rev3A_461 = arith.subi %rev3A_459, %rev3A_460 : vector<16xi32>
        %rev3A_462 = tpu.dynamic_gather %get3A_457[%rev3A_461] in [0] : vector<16xf32>, vector<16xi32> -> vector<16xf32>
        %max3A_463 = arith.maximumf %get3A_457, %rev3A_462 : vector<16xf32>
        %select_n3A_464 = arith.select %eq3A_421, %max3A_463, %get3A_457 : vector<16xi1>, vector<16xf32>
        %gather3A_465 = tpu.vector_load_idx %arg15[%add3A_415] : memref<8192xf32, #tpu.memory_space<vmem>>[vector<16xi32>], vector<16xf32>,
        %max3A_466 = arith.maximumf %gather3A_465, %select_n3A_464 : vector<16xf32>
        tpu.vector_store_idx %arg15[%add3A_415], %max3A_466 : memref<8192xf32, #tpu.memory_space<vmem>>[vector<16xi32>], vector<16xf32>,
        %add3A_467 = arith.constant 48 : i32
        %add3A_468 = arith.addi %mul3A_297, %add3A_467 : i32
        %get3A_469 = arith.constant 1 : i32
        %get3A_470 = arith.index_cast %get3A_469 : i32 to index
        %get3A_471 = arith.index_cast %add3A_468 : i32 to index
        %get3A_472 = tpu.vector_load %arg5[%get3A_470, %get3A_471] {strides = array<i32>} : memref<2x4096xi32, #tpu.memory_space<vmem>>, vector<16xi32>,
        %add3A_473 = arith.addi %mul3A_5, %get3A_472 : vector<16xi32>
        %rev3A_474 = arith.constant 15 : i32
        %rev3A_475 = vector.broadcast %rev3A_474 : i32 to vector<16xi32>
        %rev3A_476 = tpu.iota {dimensions = array<i32: 0>} : vector<16xi32>
        %rev3A_477 = arith.subi %rev3A_475, %rev3A_476 : vector<16xi32>
        %rev3A_478 = tpu.dynamic_gather %add3A_473[%rev3A_477] in [0] : vector<16xi32>, vector<16xi32> -> vector<16xi32>
        %eq3A_479 = arith.cmpi eq, %add3A_473, %rev3A_478 : vector<16xi32>
        %get3A_480 = arith.constant 1 : i32
        %get3A_481 = arith.constant 0 : i32
        %get3A_482 = arith.index_cast %get3A_480 : i32 to index
        %get3A_483 = arith.index_cast %get3A_481 : i32 to index
        %get3A_484 = arith.index_cast %add3A_468 : i32 to index
        %get3A_485 = tpu.vector_load %arg6[%get3A_482, %get3A_483, %get3A_484] {strides = array<i32>} : memref<2x3x4096xf32, #tpu.memory_space<vmem>>, vector<16xf32>,
        %rev3A_486 = arith.constant 15 : i32
        %rev3A_487 = vector.broadcast %rev3A_486 : i32 to vector<16xi32>
        %rev3A_488 = tpu.iota {dimensions = array<i32: 0>} : vector<16xi32>
        %rev3A_489 = arith.subi %rev3A_487, %rev3A_488 : vector<16xi32>
        %rev3A_490 = tpu.dynamic_gather %get3A_485[%rev3A_489] in [0] : vector<16xf32>, vector<16xi32> -> vector<16xf32>
        %max3A_491 = arith.maximumf %get3A_485, %rev3A_490 : vector<16xf32>
        %select_n3A_492 = arith.select %eq3A_479, %max3A_491, %get3A_485 : vector<16xi1>, vector<16xf32>
        %gather3A_493 = tpu.vector_load_idx %arg7[%add3A_473] : memref<8192xf32, #tpu.memory_space<vmem>>[vector<16xi32>], vector<16xf32>,
        %max3A_494 = arith.maximumf %gather3A_493, %select_n3A_492 : vector<16xf32>
        tpu.vector_store_idx %arg7[%add3A_473], %max3A_494 : memref<8192xf32, #tpu.memory_space<vmem>>[vector<16xi32>], vector<16xf32>,
        %get3A_495 = arith.constant 1 : i32
        %get3A_496 = arith.constant 1 : i32
        %get3A_497 = arith.index_cast %get3A_495 : i32 to index
        %get3A_498 = arith.index_cast %get3A_496 : i32 to index
        %get3A_499 = arith.index_cast %add3A_468 : i32 to index
        %get3A_500 = tpu.vector_load %arg6[%get3A_497, %get3A_498, %get3A_499] {strides = array<i32>} : memref<2x3x4096xf32, #tpu.memory_space<vmem>>, vector<16xf32>,
        %rev3A_501 = arith.constant 15 : i32
        %rev3A_502 = vector.broadcast %rev3A_501 : i32 to vector<16xi32>
        %rev3A_503 = tpu.iota {dimensions = array<i32: 0>} : vector<16xi32>
        %rev3A_504 = arith.subi %rev3A_502, %rev3A_503 : vector<16xi32>
        %rev3A_505 = tpu.dynamic_gather %get3A_500[%rev3A_504] in [0] : vector<16xf32>, vector<16xi32> -> vector<16xf32>
        %max3A_506 = arith.maximumf %get3A_500, %rev3A_505 : vector<16xf32>
        %select_n3A_507 = arith.select %eq3A_479, %max3A_506, %get3A_500 : vector<16xi1>, vector<16xf32>
        %gather3A_508 = tpu.vector_load_idx %arg10[%add3A_473] : memref<8192xf32, #tpu.memory_space<vmem>>[vector<16xi32>], vector<16xf32>,
        %max3A_509 = arith.maximumf %gather3A_508, %select_n3A_507 : vector<16xf32>
        tpu.vector_store_idx %arg10[%add3A_473], %max3A_509 : memref<8192xf32, #tpu.memory_space<vmem>>[vector<16xi32>], vector<16xf32>,
        %get3A_510 = arith.constant 1 : i32
        %get3A_511 = arith.constant 2 : i32
        %get3A_512 = arith.index_cast %get3A_510 : i32 to index
        %get3A_513 = arith.index_cast %get3A_511 : i32 to index
        %get3A_514 = arith.index_cast %add3A_468 : i32 to index
        %get3A_515 = tpu.vector_load %arg6[%get3A_512, %get3A_513, %get3A_514] {strides = array<i32>} : memref<2x3x4096xf32, #tpu.memory_space<vmem>>, vector<16xf32>,
        %rev3A_516 = arith.constant 15 : i32
        %rev3A_517 = vector.broadcast %rev3A_516 : i32 to vector<16xi32>
        %rev3A_518 = tpu.iota {dimensions = array<i32: 0>} : vector<16xi32>
        %rev3A_519 = arith.subi %rev3A_517, %rev3A_518 : vector<16xi32>
        %rev3A_520 = tpu.dynamic_gather %get3A_515[%rev3A_519] in [0] : vector<16xf32>, vector<16xi32> -> vector<16xf32>
        %max3A_521 = arith.maximumf %get3A_515, %rev3A_520 : vector<16xf32>
        %select_n3A_522 = arith.select %eq3A_479, %max3A_521, %get3A_515 : vector<16xi1>, vector<16xf32>
        %gather3A_523 = tpu.vector_load_idx %arg13[%add3A_473] : memref<8192xf32, #tpu.memory_space<vmem>>[vector<16xi32>], vector<16xf32>,
        %max3A_524 = arith.maximumf %gather3A_523, %select_n3A_522 : vector<16xf32>
        tpu.vector_store_idx %arg13[%add3A_473], %max3A_524 : memref<8192xf32, #tpu.memory_space<vmem>>[vector<16xi32>], vector<16xf32>,
        %add3A_525 = arith.constant 64 : i32
        %add3A_526 = arith.addi %mul3A_297, %add3A_525 : i32
        %get3A_527 = arith.constant 1 : i32
        %get3A_528 = arith.index_cast %get3A_527 : i32 to index
        %get3A_529 = arith.index_cast %add3A_526 : i32 to index
        %get3A_530 = tpu.vector_load %arg5[%get3A_528, %get3A_529] {strides = array<i32>} : memref<2x4096xi32, #tpu.memory_space<vmem>>, vector<16xi32>,
        %add3A_531 = arith.addi %mul3A_5, %get3A_530 : vector<16xi32>
        %rev3A_532 = arith.constant 15 : i32
        %rev3A_533 = vector.broadcast %rev3A_532 : i32 to vector<16xi32>
        %rev3A_534 = tpu.iota {dimensions = array<i32: 0>} : vector<16xi32>
        %rev3A_535 = arith.subi %rev3A_533, %rev3A_534 : vector<16xi32>
        %rev3A_536 = tpu.dynamic_gather %add3A_531[%rev3A_535] in [0] : vector<16xi32>, vector<16xi32> -> vector<16xi32>
        %eq3A_537 = arith.cmpi eq, %add3A_531, %rev3A_536 : vector<16xi32>
        %get3A_538 = arith.constant 1 : i32
        %get3A_539 = arith.constant 0 : i32
        %get3A_540 = arith.index_cast %get3A_538 : i32 to index
        %get3A_541 = arith.index_cast %get3A_539 : i32 to index
        %get3A_542 = arith.index_cast %add3A_526 : i32 to index
        %get3A_543 = tpu.vector_load %arg6[%get3A_540, %get3A_541, %get3A_542] {strides = array<i32>} : memref<2x3x4096xf32, #tpu.memory_space<vmem>>, vector<16xf32>,
        %rev3A_544 = arith.constant 15 : i32
        %rev3A_545 = vector.broadcast %rev3A_544 : i32 to vector<16xi32>
        %rev3A_546 = tpu.iota {dimensions = array<i32: 0>} : vector<16xi32>
        %rev3A_547 = arith.subi %rev3A_545, %rev3A_546 : vector<16xi32>
        %rev3A_548 = tpu.dynamic_gather %get3A_543[%rev3A_547] in [0] : vector<16xf32>, vector<16xi32> -> vector<16xf32>
        %max3A_549 = arith.maximumf %get3A_543, %rev3A_548 : vector<16xf32>
        %select_n3A_550 = arith.select %eq3A_537, %max3A_549, %get3A_543 : vector<16xi1>, vector<16xf32>
        %gather3A_551 = tpu.vector_load_idx %arg8[%add3A_531] : memref<8192xf32, #tpu.memory_space<vmem>>[vector<16xi32>], vector<16xf32>,
        %max3A_552 = arith.maximumf %gather3A_551, %select_n3A_550 : vector<16xf32>
        tpu.vector_store_idx %arg8[%add3A_531], %max3A_552 : memref<8192xf32, #tpu.memory_space<vmem>>[vector<16xi32>], vector<16xf32>,
        %get3A_553 = arith.constant 1 : i32
        %get3A_554 = arith.constant 1 : i32
        %get3A_555 = arith.index_cast %get3A_553 : i32 to index
        %get3A_556 = arith.index_cast %get3A_554 : i32 to index
        %get3A_557 = arith.index_cast %add3A_526 : i32 to index
        %get3A_558 = tpu.vector_load %arg6[%get3A_555, %get3A_556, %get3A_557] {strides = array<i32>} : memref<2x3x4096xf32, #tpu.memory_space<vmem>>, vector<16xf32>,
        %rev3A_559 = arith.constant 15 : i32
        %rev3A_560 = vector.broadcast %rev3A_559 : i32 to vector<16xi32>
        %rev3A_561 = tpu.iota {dimensions = array<i32: 0>} : vector<16xi32>
        %rev3A_562 = arith.subi %rev3A_560, %rev3A_561 : vector<16xi32>
        %rev3A_563 = tpu.dynamic_gather %get3A_558[%rev3A_562] in [0] : vector<16xf32>, vector<16xi32> -> vector<16xf32>
        %max3A_564 = arith.maximumf %get3A_558, %rev3A_563 : vector<16xf32>
        %select_n3A_565 = arith.select %eq3A_537, %max3A_564, %get3A_558 : vector<16xi1>, vector<16xf32>
        %gather3A_566 = tpu.vector_load_idx %arg11[%add3A_531] : memref<8192xf32, #tpu.memory_space<vmem>>[vector<16xi32>], vector<16xf32>,
        %max3A_567 = arith.maximumf %gather3A_566, %select_n3A_565 : vector<16xf32>
        tpu.vector_store_idx %arg11[%add3A_531], %max3A_567 : memref<8192xf32, #tpu.memory_space<vmem>>[vector<16xi32>], vector<16xf32>,
        %get3A_568 = arith.constant 1 : i32
        %get3A_569 = arith.constant 2 : i32
        %get3A_570 = arith.index_cast %get3A_568 : i32 to index
        %get3A_571 = arith.index_cast %get3A_569 : i32 to index
        %get3A_572 = arith.index_cast %add3A_526 : i32 to index
        %get3A_573 = tpu.vector_load %arg6[%get3A_570, %get3A_571, %get3A_572] {strides = array<i32>} : memref<2x3x4096xf32, #tpu.memory_space<vmem>>, vector<16xf32>,
        %rev3A_574 = arith.constant 15 : i32
        %rev3A_575 = vector.broadcast %rev3A_574 : i32 to vector<16xi32>
        %rev3A_576 = tpu.iota {dimensions = array<i32: 0>} : vector<16xi32>
        %rev3A_577 = arith.subi %rev3A_575, %rev3A_576 : vector<16xi32>
        %rev3A_578 = tpu.dynamic_gather %get3A_573[%rev3A_577] in [0] : vector<16xf32>, vector<16xi32> -> vector<16xf32>
        %max3A_579 = arith.maximumf %get3A_573, %rev3A_578 : vector<16xf32>
        %select_n3A_580 = arith.select %eq3A_537, %max3A_579, %get3A_573 : vector<16xi1>, vector<16xf32>
        %gather3A_581 = tpu.vector_load_idx %arg14[%add3A_531] : memref<8192xf32, #tpu.memory_space<vmem>>[vector<16xi32>], vector<16xf32>,
        %max3A_582 = arith.maximumf %gather3A_581, %select_n3A_580 : vector<16xf32>
        tpu.vector_store_idx %arg14[%add3A_531], %max3A_582 : memref<8192xf32, #tpu.memory_space<vmem>>[vector<16xi32>], vector<16xf32>,
        %add3A_583 = arith.constant 80 : i32
        %add3A_584 = arith.addi %mul3A_297, %add3A_583 : i32
        %get3A_585 = arith.constant 1 : i32
        %get3A_586 = arith.index_cast %get3A_585 : i32 to index
        %get3A_587 = arith.index_cast %add3A_584 : i32 to index
        %get3A_588 = tpu.vector_load %arg5[%get3A_586, %get3A_587] {strides = array<i32>} : memref<2x4096xi32, #tpu.memory_space<vmem>>, vector<16xi32>,
        %add3A_589 = arith.addi %mul3A_5, %get3A_588 : vector<16xi32>
        %rev3A_590 = arith.constant 15 : i32
        %rev3A_591 = vector.broadcast %rev3A_590 : i32 to vector<16xi32>
        %rev3A_592 = tpu.iota {dimensions = array<i32: 0>} : vector<16xi32>
        %rev3A_593 = arith.subi %rev3A_591, %rev3A_592 : vector<16xi32>
        %rev3A_594 = tpu.dynamic_gather %add3A_589[%rev3A_593] in [0] : vector<16xi32>, vector<16xi32> -> vector<16xi32>
        %eq3A_595 = arith.cmpi eq, %add3A_589, %rev3A_594 : vector<16xi32>
        %get3A_596 = arith.constant 1 : i32
        %get3A_597 = arith.constant 0 : i32
        %get3A_598 = arith.index_cast %get3A_596 : i32 to index
        %get3A_599 = arith.index_cast %get3A_597 : i32 to index
        %get3A_600 = arith.index_cast %add3A_584 : i32 to index
        %get3A_601 = tpu.vector_load %arg6[%get3A_598, %get3A_599, %get3A_600] {strides = array<i32>} : memref<2x3x4096xf32, #tpu.memory_space<vmem>>, vector<16xf32>,
        %rev3A_602 = arith.constant 15 : i32
        %rev3A_603 = vector.broadcast %rev3A_602 : i32 to vector<16xi32>
        %rev3A_604 = tpu.iota {dimensions = array<i32: 0>} : vector<16xi32>
        %rev3A_605 = arith.subi %rev3A_603, %rev3A_604 : vector<16xi32>
        %rev3A_606 = tpu.dynamic_gather %get3A_601[%rev3A_605] in [0] : vector<16xf32>, vector<16xi32> -> vector<16xf32>
        %max3A_607 = arith.maximumf %get3A_601, %rev3A_606 : vector<16xf32>
        %select_n3A_608 = arith.select %eq3A_595, %max3A_607, %get3A_601 : vector<16xi1>, vector<16xf32>
        %gather3A_609 = tpu.vector_load_idx %arg9[%add3A_589] : memref<8192xf32, #tpu.memory_space<vmem>>[vector<16xi32>], vector<16xf32>,
        %max3A_610 = arith.maximumf %gather3A_609, %select_n3A_608 : vector<16xf32>
        tpu.vector_store_idx %arg9[%add3A_589], %max3A_610 : memref<8192xf32, #tpu.memory_space<vmem>>[vector<16xi32>], vector<16xf32>,
        %get3A_611 = arith.constant 1 : i32
        %get3A_612 = arith.constant 1 : i32
        %get3A_613 = arith.index_cast %get3A_611 : i32 to index
        %get3A_614 = arith.index_cast %get3A_612 : i32 to index
        %get3A_615 = arith.index_cast %add3A_584 : i32 to index
        %get3A_616 = tpu.vector_load %arg6[%get3A_613, %get3A_614, %get3A_615] {strides = array<i32>} : memref<2x3x4096xf32, #tpu.memory_space<vmem>>, vector<16xf32>,
        %rev3A_617 = arith.constant 15 : i32
        %rev3A_618 = vector.broadcast %rev3A_617 : i32 to vector<16xi32>
        %rev3A_619 = tpu.iota {dimensions = array<i32: 0>} : vector<16xi32>
        %rev3A_620 = arith.subi %rev3A_618, %rev3A_619 : vector<16xi32>
        %rev3A_621 = tpu.dynamic_gather %get3A_616[%rev3A_620] in [0] : vector<16xf32>, vector<16xi32> -> vector<16xf32>
        %max3A_622 = arith.maximumf %get3A_616, %rev3A_621 : vector<16xf32>
        %select_n3A_623 = arith.select %eq3A_595, %max3A_622, %get3A_616 : vector<16xi1>, vector<16xf32>
        %gather3A_624 = tpu.vector_load_idx %arg12[%add3A_589] : memref<8192xf32, #tpu.memory_space<vmem>>[vector<16xi32>], vector<16xf32>,
        %max3A_625 = arith.maximumf %gather3A_624, %select_n3A_623 : vector<16xf32>
        tpu.vector_store_idx %arg12[%add3A_589], %max3A_625 : memref<8192xf32, #tpu.memory_space<vmem>>[vector<16xi32>], vector<16xf32>,
        %get3A_626 = arith.constant 1 : i32
        %get3A_627 = arith.constant 2 : i32
        %get3A_628 = arith.index_cast %get3A_626 : i32 to index
        %get3A_629 = arith.index_cast %get3A_627 : i32 to index
        %get3A_630 = arith.index_cast %add3A_584 : i32 to index
        %get3A_631 = tpu.vector_load %arg6[%get3A_628, %get3A_629, %get3A_630] {strides = array<i32>} : memref<2x3x4096xf32, #tpu.memory_space<vmem>>, vector<16xf32>,
        %rev3A_632 = arith.constant 15 : i32
        %rev3A_633 = vector.broadcast %rev3A_632 : i32 to vector<16xi32>
        %rev3A_634 = tpu.iota {dimensions = array<i32: 0>} : vector<16xi32>
        %rev3A_635 = arith.subi %rev3A_633, %rev3A_634 : vector<16xi32>
        %rev3A_636 = tpu.dynamic_gather %get3A_631[%rev3A_635] in [0] : vector<16xf32>, vector<16xi32> -> vector<16xf32>
        %max3A_637 = arith.maximumf %get3A_631, %rev3A_636 : vector<16xf32>
        %select_n3A_638 = arith.select %eq3A_595, %max3A_637, %get3A_631 : vector<16xi1>, vector<16xf32>
        %gather3A_639 = tpu.vector_load_idx %arg15[%add3A_589] : memref<8192xf32, #tpu.memory_space<vmem>>[vector<16xi32>], vector<16xf32>,
        %max3A_640 = arith.maximumf %gather3A_639, %select_n3A_638 : vector<16xf32>
        tpu.vector_store_idx %arg15[%add3A_589], %max3A_640 : memref<8192xf32, #tpu.memory_space<vmem>>[vector<16xi32>], vector<16xf32>,
        %add3A_641 = arith.constant 96 : i32
        %add3A_642 = arith.addi %mul3A_297, %add3A_641 : i32
        %get3A_643 = arith.constant 1 : i32
        %get3A_644 = arith.index_cast %get3A_643 : i32 to index
        %get3A_645 = arith.index_cast %add3A_642 : i32 to index
        %get3A_646 = tpu.vector_load %arg5[%get3A_644, %get3A_645] {strides = array<i32>} : memref<2x4096xi32, #tpu.memory_space<vmem>>, vector<16xi32>,
        %add3A_647 = arith.addi %mul3A_5, %get3A_646 : vector<16xi32>
        %rev3A_648 = arith.constant 15 : i32
        %rev3A_649 = vector.broadcast %rev3A_648 : i32 to vector<16xi32>
        %rev3A_650 = tpu.iota {dimensions = array<i32: 0>} : vector<16xi32>
        %rev3A_651 = arith.subi %rev3A_649, %rev3A_650 : vector<16xi32>
        %rev3A_652 = tpu.dynamic_gather %add3A_647[%rev3A_651] in [0] : vector<16xi32>, vector<16xi32> -> vector<16xi32>
        %eq3A_653 = arith.cmpi eq, %add3A_647, %rev3A_652 : vector<16xi32>
        %get3A_654 = arith.constant 1 : i32
        %get3A_655 = arith.constant 0 : i32
        %get3A_656 = arith.index_cast %get3A_654 : i32 to index
        %get3A_657 = arith.index_cast %get3A_655 : i32 to index
        %get3A_658 = arith.index_cast %add3A_642 : i32 to index
        %get3A_659 = tpu.vector_load %arg6[%get3A_656, %get3A_657, %get3A_658] {strides = array<i32>} : memref<2x3x4096xf32, #tpu.memory_space<vmem>>, vector<16xf32>,
        %rev3A_660 = arith.constant 15 : i32
        %rev3A_661 = vector.broadcast %rev3A_660 : i32 to vector<16xi32>
        %rev3A_662 = tpu.iota {dimensions = array<i32: 0>} : vector<16xi32>
        %rev3A_663 = arith.subi %rev3A_661, %rev3A_662 : vector<16xi32>
        %rev3A_664 = tpu.dynamic_gather %get3A_659[%rev3A_663] in [0] : vector<16xf32>, vector<16xi32> -> vector<16xf32>
        %max3A_665 = arith.maximumf %get3A_659, %rev3A_664 : vector<16xf32>
        %select_n3A_666 = arith.select %eq3A_653, %max3A_665, %get3A_659 : vector<16xi1>, vector<16xf32>
        %gather3A_667 = tpu.vector_load_idx %arg7[%add3A_647] : memref<8192xf32, #tpu.memory_space<vmem>>[vector<16xi32>], vector<16xf32>,
        %max3A_668 = arith.maximumf %gather3A_667, %select_n3A_666 : vector<16xf32>
        tpu.vector_store_idx %arg7[%add3A_647], %max3A_668 : memref<8192xf32, #tpu.memory_space<vmem>>[vector<16xi32>], vector<16xf32>,
        %get3A_669 = arith.constant 1 : i32
        %get3A_670 = arith.constant 1 : i32
        %get3A_671 = arith.index_cast %get3A_669 : i32 to index
        %get3A_672 = arith.index_cast %get3A_670 : i32 to index
        %get3A_673 = arith.index_cast %add3A_642 : i32 to index
        %get3A_674 = tpu.vector_load %arg6[%get3A_671, %get3A_672, %get3A_673] {strides = array<i32>} : memref<2x3x4096xf32, #tpu.memory_space<vmem>>, vector<16xf32>,
        %rev3A_675 = arith.constant 15 : i32
        %rev3A_676 = vector.broadcast %rev3A_675 : i32 to vector<16xi32>
        %rev3A_677 = tpu.iota {dimensions = array<i32: 0>} : vector<16xi32>
        %rev3A_678 = arith.subi %rev3A_676, %rev3A_677 : vector<16xi32>
        %rev3A_679 = tpu.dynamic_gather %get3A_674[%rev3A_678] in [0] : vector<16xf32>, vector<16xi32> -> vector<16xf32>
        %max3A_680 = arith.maximumf %get3A_674, %rev3A_679 : vector<16xf32>
        %select_n3A_681 = arith.select %eq3A_653, %max3A_680, %get3A_674 : vector<16xi1>, vector<16xf32>
        %gather3A_682 = tpu.vector_load_idx %arg10[%add3A_647] : memref<8192xf32, #tpu.memory_space<vmem>>[vector<16xi32>], vector<16xf32>,
        %max3A_683 = arith.maximumf %gather3A_682, %select_n3A_681 : vector<16xf32>
        tpu.vector_store_idx %arg10[%add3A_647], %max3A_683 : memref<8192xf32, #tpu.memory_space<vmem>>[vector<16xi32>], vector<16xf32>,
        %get3A_684 = arith.constant 1 : i32
        %get3A_685 = arith.constant 2 : i32
        %get3A_686 = arith.index_cast %get3A_684 : i32 to index
        %get3A_687 = arith.index_cast %get3A_685 : i32 to index
        %get3A_688 = arith.index_cast %add3A_642 : i32 to index
        %get3A_689 = tpu.vector_load %arg6[%get3A_686, %get3A_687, %get3A_688] {strides = array<i32>} : memref<2x3x4096xf32, #tpu.memory_space<vmem>>, vector<16xf32>,
        %rev3A_690 = arith.constant 15 : i32
        %rev3A_691 = vector.broadcast %rev3A_690 : i32 to vector<16xi32>
        %rev3A_692 = tpu.iota {dimensions = array<i32: 0>} : vector<16xi32>
        %rev3A_693 = arith.subi %rev3A_691, %rev3A_692 : vector<16xi32>
        %rev3A_694 = tpu.dynamic_gather %get3A_689[%rev3A_693] in [0] : vector<16xf32>, vector<16xi32> -> vector<16xf32>
        %max3A_695 = arith.maximumf %get3A_689, %rev3A_694 : vector<16xf32>
        %select_n3A_696 = arith.select %eq3A_653, %max3A_695, %get3A_689 : vector<16xi1>, vector<16xf32>
        %gather3A_697 = tpu.vector_load_idx %arg13[%add3A_647] : memref<8192xf32, #tpu.memory_space<vmem>>[vector<16xi32>], vector<16xf32>,
        %max3A_698 = arith.maximumf %gather3A_697, %select_n3A_696 : vector<16xf32>
        tpu.vector_store_idx %arg13[%add3A_647], %max3A_698 : memref<8192xf32, #tpu.memory_space<vmem>>[vector<16xi32>], vector<16xf32>,
        %add3A_699 = arith.constant 112 : i32
        %add3A_700 = arith.addi %mul3A_297, %add3A_699 : i32
        %get3A_701 = arith.constant 1 : i32
        %get3A_702 = arith.index_cast %get3A_701 : i32 to index
        %get3A_703 = arith.index_cast %add3A_700 : i32 to index
        %get3A_704 = tpu.vector_load %arg5[%get3A_702, %get3A_703] {strides = array<i32>} : memref<2x4096xi32, #tpu.memory_space<vmem>>, vector<16xi32>,
        %add3A_705 = arith.addi %mul3A_5, %get3A_704 : vector<16xi32>
        %rev3A_706 = arith.constant 15 : i32
        %rev3A_707 = vector.broadcast %rev3A_706 : i32 to vector<16xi32>
        %rev3A_708 = tpu.iota {dimensions = array<i32: 0>} : vector<16xi32>
        %rev3A_709 = arith.subi %rev3A_707, %rev3A_708 : vector<16xi32>
        %rev3A_710 = tpu.dynamic_gather %add3A_705[%rev3A_709] in [0] : vector<16xi32>, vector<16xi32> -> vector<16xi32>
        %eq3A_711 = arith.cmpi eq, %add3A_705, %rev3A_710 : vector<16xi32>
        %get3A_712 = arith.constant 1 : i32
        %get3A_713 = arith.constant 0 : i32
        %get3A_714 = arith.index_cast %get3A_712 : i32 to index
        %get3A_715 = arith.index_cast %get3A_713 : i32 to index
        %get3A_716 = arith.index_cast %add3A_700 : i32 to index
        %get3A_717 = tpu.vector_load %arg6[%get3A_714, %get3A_715, %get3A_716] {strides = array<i32>} : memref<2x3x4096xf32, #tpu.memory_space<vmem>>, vector<16xf32>,
        %rev3A_718 = arith.constant 15 : i32
        %rev3A_719 = vector.broadcast %rev3A_718 : i32 to vector<16xi32>
        %rev3A_720 = tpu.iota {dimensions = array<i32: 0>} : vector<16xi32>
        %rev3A_721 = arith.subi %rev3A_719, %rev3A_720 : vector<16xi32>
        %rev3A_722 = tpu.dynamic_gather %get3A_717[%rev3A_721] in [0] : vector<16xf32>, vector<16xi32> -> vector<16xf32>
        %max3A_723 = arith.maximumf %get3A_717, %rev3A_722 : vector<16xf32>
        %select_n3A_724 = arith.select %eq3A_711, %max3A_723, %get3A_717 : vector<16xi1>, vector<16xf32>
        %gather3A_725 = tpu.vector_load_idx %arg8[%add3A_705] : memref<8192xf32, #tpu.memory_space<vmem>>[vector<16xi32>], vector<16xf32>,
        %max3A_726 = arith.maximumf %gather3A_725, %select_n3A_724 : vector<16xf32>
        tpu.vector_store_idx %arg8[%add3A_705], %max3A_726 : memref<8192xf32, #tpu.memory_space<vmem>>[vector<16xi32>], vector<16xf32>,
        %get3A_727 = arith.constant 1 : i32
        %get3A_728 = arith.constant 1 : i32
        %get3A_729 = arith.index_cast %get3A_727 : i32 to index
        %get3A_730 = arith.index_cast %get3A_728 : i32 to index
        %get3A_731 = arith.index_cast %add3A_700 : i32 to index
        %get3A_732 = tpu.vector_load %arg6[%get3A_729, %get3A_730, %get3A_731] {strides = array<i32>} : memref<2x3x4096xf32, #tpu.memory_space<vmem>>, vector<16xf32>,
        %rev3A_733 = arith.constant 15 : i32
        %rev3A_734 = vector.broadcast %rev3A_733 : i32 to vector<16xi32>
        %rev3A_735 = tpu.iota {dimensions = array<i32: 0>} : vector<16xi32>
        %rev3A_736 = arith.subi %rev3A_734, %rev3A_735 : vector<16xi32>
        %rev3A_737 = tpu.dynamic_gather %get3A_732[%rev3A_736] in [0] : vector<16xf32>, vector<16xi32> -> vector<16xf32>
        %max3A_738 = arith.maximumf %get3A_732, %rev3A_737 : vector<16xf32>
        %select_n3A_739 = arith.select %eq3A_711, %max3A_738, %get3A_732 : vector<16xi1>, vector<16xf32>
        %gather3A_740 = tpu.vector_load_idx %arg11[%add3A_705] : memref<8192xf32, #tpu.memory_space<vmem>>[vector<16xi32>], vector<16xf32>,
        %max3A_741 = arith.maximumf %gather3A_740, %select_n3A_739 : vector<16xf32>
        tpu.vector_store_idx %arg11[%add3A_705], %max3A_741 : memref<8192xf32, #tpu.memory_space<vmem>>[vector<16xi32>], vector<16xf32>,
        %get3A_742 = arith.constant 1 : i32
        %get3A_743 = arith.constant 2 : i32
        %get3A_744 = arith.index_cast %get3A_742 : i32 to index
        %get3A_745 = arith.index_cast %get3A_743 : i32 to index
        %get3A_746 = arith.index_cast %add3A_700 : i32 to index
        %get3A_747 = tpu.vector_load %arg6[%get3A_744, %get3A_745, %get3A_746] {strides = array<i32>} : memref<2x3x4096xf32, #tpu.memory_space<vmem>>, vector<16xf32>,
        %rev3A_748 = arith.constant 15 : i32
        %rev3A_749 = vector.broadcast %rev3A_748 : i32 to vector<16xi32>
        %rev3A_750 = tpu.iota {dimensions = array<i32: 0>} : vector<16xi32>
        %rev3A_751 = arith.subi %rev3A_749, %rev3A_750 : vector<16xi32>
        %rev3A_752 = tpu.dynamic_gather %get3A_747[%rev3A_751] in [0] : vector<16xf32>, vector<16xi32> -> vector<16xf32>
        %max3A_753 = arith.maximumf %get3A_747, %rev3A_752 : vector<16xf32>
        %select_n3A_754 = arith.select %eq3A_711, %max3A_753, %get3A_747 : vector<16xi1>, vector<16xf32>
        %gather3A_755 = tpu.vector_load_idx %arg14[%add3A_705] : memref<8192xf32, #tpu.memory_space<vmem>>[vector<16xi32>], vector<16xf32>,
        %max3A_756 = arith.maximumf %gather3A_755, %select_n3A_754 : vector<16xf32>
        tpu.vector_store_idx %arg14[%add3A_705], %max3A_756 : memref<8192xf32, #tpu.memory_space<vmem>>[vector<16xi32>], vector<16xf32>,
        %scan3A_757 = arith.constant 0 : i32
        scf.yield %scan3A_757 : i32
      }
      %scan3A_292 = arith.constant 32 : i32
      %scan3A_293 = arith.constant 0 : i32
      scf.yield %scan3A_293 : i32
    }
    %scan3A_65 = arith.constant 32 : i32
    %scan3A_66 = arith.constant 0 : i32
    %scan3A_67 = arith.constant 0 : i32
    %scan3A_68 = arith.constant 64 : i32
    %scan3A_69 = arith.addi %scan3A_67, %scan3A_68 : i32
    %scan3A_70 = arith.constant 1 : i32
    %scan3A_71 = scf.for %scan3A_188 = %scan3A_67 to %scan3A_69 step %scan3A_70 iter_args(%scan3A_189 = %scan3A_66) -> (i32)  : i32 {
      %mul3A_190 = arith.constant 16 : i32
      %mul3A_191 = arith.muli %scan3A_188, %mul3A_190 : i32
      %add3A_192 = arith.constant 0 : i32
      %add3A_193 = arith.addi %add3A_192, %mul3A_191 : i32
      %get3A = arith.index_cast %add3A_193 : i32 to index
      %get3A_194 = tpu.vector_load %arg7[%get3A] {strides = array<i32>} : memref<8192xf32, #tpu.memory_space<vmem>>, vector<16xf32>,
      %max3A = arith.maximumf %broadcast_in_dim3A_6, %get3A_194 : vector<16xf32>
      %mul3A_195 = arith.constant 16 : i32
      %mul3A_196 = arith.muli %scan3A_188, %mul3A_195 : i32
      %add3A_197 = arith.constant 1024 : i32
      %add3A_198 = arith.addi %add3A_197, %mul3A_196 : i32
      %get3A_199 = arith.index_cast %add3A_198 : i32 to index
      %get3A_200 = tpu.vector_load %arg7[%get3A_199] {strides = array<i32>} : memref<8192xf32, #tpu.memory_space<vmem>>, vector<16xf32>,
      %max3A_201 = arith.maximumf %max3A, %get3A_200 : vector<16xf32>
      %mul3A_202 = arith.constant 16 : i32
      %mul3A_203 = arith.muli %scan3A_188, %mul3A_202 : i32
      %add3A_204 = arith.constant 2048 : i32
      %add3A_205 = arith.addi %add3A_204, %mul3A_203 : i32
      %get3A_206 = arith.index_cast %add3A_205 : i32 to index
      %get3A_207 = tpu.vector_load %arg7[%get3A_206] {strides = array<i32>} : memref<8192xf32, #tpu.memory_space<vmem>>, vector<16xf32>,
      %max3A_208 = arith.maximumf %max3A_201, %get3A_207 : vector<16xf32>
      %mul3A_209 = arith.constant 16 : i32
      %mul3A_210 = arith.muli %scan3A_188, %mul3A_209 : i32
      %add3A_211 = arith.constant 3072 : i32
      %add3A_212 = arith.addi %add3A_211, %mul3A_210 : i32
      %get3A_213 = arith.index_cast %add3A_212 : i32 to index
      %get3A_214 = tpu.vector_load %arg7[%get3A_213] {strides = array<i32>} : memref<8192xf32, #tpu.memory_space<vmem>>, vector<16xf32>,
      %max3A_215 = arith.maximumf %max3A_208, %get3A_214 : vector<16xf32>
      %mul3A_216 = arith.constant 16 : i32
      %mul3A_217 = arith.muli %scan3A_188, %mul3A_216 : i32
      %add3A_218 = arith.constant 4096 : i32
      %add3A_219 = arith.addi %add3A_218, %mul3A_217 : i32
      %get3A_220 = arith.index_cast %add3A_219 : i32 to index
      %get3A_221 = tpu.vector_load %arg7[%get3A_220] {strides = array<i32>} : memref<8192xf32, #tpu.memory_space<vmem>>, vector<16xf32>,
      %max3A_222 = arith.maximumf %max3A_215, %get3A_221 : vector<16xf32>
      %mul3A_223 = arith.constant 16 : i32
      %mul3A_224 = arith.muli %scan3A_188, %mul3A_223 : i32
      %add3A_225 = arith.constant 5120 : i32
      %add3A_226 = arith.addi %add3A_225, %mul3A_224 : i32
      %get3A_227 = arith.index_cast %add3A_226 : i32 to index
      %get3A_228 = tpu.vector_load %arg7[%get3A_227] {strides = array<i32>} : memref<8192xf32, #tpu.memory_space<vmem>>, vector<16xf32>,
      %max3A_229 = arith.maximumf %max3A_222, %get3A_228 : vector<16xf32>
      %mul3A_230 = arith.constant 16 : i32
      %mul3A_231 = arith.muli %scan3A_188, %mul3A_230 : i32
      %add3A_232 = arith.constant 6144 : i32
      %add3A_233 = arith.addi %add3A_232, %mul3A_231 : i32
      %get3A_234 = arith.index_cast %add3A_233 : i32 to index
      %get3A_235 = tpu.vector_load %arg7[%get3A_234] {strides = array<i32>} : memref<8192xf32, #tpu.memory_space<vmem>>, vector<16xf32>,
      %max3A_236 = arith.maximumf %max3A_229, %get3A_235 : vector<16xf32>
      %mul3A_237 = arith.constant 16 : i32
      %mul3A_238 = arith.muli %scan3A_188, %mul3A_237 : i32
      %add3A_239 = arith.constant 7168 : i32
      %add3A_240 = arith.addi %add3A_239, %mul3A_238 : i32
      %get3A_241 = arith.index_cast %add3A_240 : i32 to index
      %get3A_242 = tpu.vector_load %arg7[%get3A_241] {strides = array<i32>} : memref<8192xf32, #tpu.memory_space<vmem>>, vector<16xf32>,
      %max3A_243 = arith.maximumf %max3A_236, %get3A_242 : vector<16xf32>
      %mul3A_244 = arith.constant 16 : i32
      %mul3A_245 = arith.muli %scan3A_188, %mul3A_244 : i32
      %add3A_246 = arith.constant 0 : i32
      %add3A_247 = arith.addi %add3A_246, %mul3A_245 : i32
      %get3A_248 = arith.index_cast %add3A_247 : i32 to index
      %get3A_249 = tpu.vector_load %arg8[%get3A_248] {strides = array<i32>} : memref<8192xf32, #tpu.memory_space<vmem>>, vector<16xf32>,
      %max3A_250 = arith.maximumf %max3A_243, %get3A_249 : vector<16xf32>
      %mul3A_251 = arith.constant 16 : i32
      %mul3A_252 = arith.muli %scan3A_188, %mul3A_251 : i32
      %add3A_253 = arith.constant 1024 : i32
      %add3A_254 = arith.addi %add3A_253, %mul3A_252 : i32
      %get3A_255 = arith.index_cast %add3A_254 : i32 to index
      %get3A_256 = tpu.vector_load %arg8[%get3A_255] {strides = array<i32>} : memref<8192xf32, #tpu.memory_space<vmem>>, vector<16xf32>,
      %max3A_257 = arith.maximumf %max3A_250, %get3A_256 : vector<16xf32>
      %mul3A_258 = arith.constant 16 : i32
      %mul3A_259 = arith.muli %scan3A_188, %mul3A_258 : i32
      %add3A_260 = arith.constant 2048 : i32
      %add3A_261 = arith.addi %add3A_260, %mul3A_259 : i32
      %get3A_262 = arith.index_cast %add3A_261 : i32 to index
      %get3A_263 = tpu.vector_load %arg8[%get3A_262] {strides = array<i32>} : memref<8192xf32, #tpu.memory_space<vmem>>, vector<16xf32>,
      %max3A_264 = arith.maximumf %max3A_257, %get3A_263 : vector<16xf32>
      %mul3A_265 = arith.constant 16 : i32
      %mul3A_266 = arith.muli %scan3A_188, %mul3A_265 : i32
      %add3A_267 = arith.constant 3072 : i32
      %add3A_268 = arith.addi %add3A_267, %mul3A_266 : i32
      %get3A_269 = arith.index_cast %add3A_268 : i32 to index
      %get3A_270 = tpu.vector_load %arg8[%get3A_269] {strides = array<i32>} : memref<8192xf32, #tpu.memory_space<vmem>>, vector<16xf32>,
      %max3A_271 = arith.maximumf %max3A_264, %get3A_270 : vector<16xf32>
      %mul3A_272 = arith.constant 16 : i32
      %mul3A_273 = arith.muli %scan3A_188, %mul3A_272 : i32
      %add3A_274 = arith.constant 4096 : i32
      %add3A_275 = arith.addi %add3A_274, %mul3A_273 : i32
      %get3A_276 = arith.index_cast %add3A_275 : i32 to index
      %get3A_277 = tpu.vector_load %arg8[%get3A_276] {strides = array<i32>} : memref<8192xf32, #tpu.memory_space<vmem>>, vector<16xf32>,
      %max3A_278 = arith.maximumf %max3A_271, %get3A_277 : vector<16xf32>
      %mul3A_279 = arith.constant 16 : i32
      %mul3A_280 = arith.muli %scan3A_188, %mul3A_279 : i32
      %add3A_281 = arith.constant 5120 : i32
      %add3A_282 = arith.addi %add3A_281, %mul3A_280 : i32
      %get3A_283 = arith.index_cast %add3A_282 : i32 to index
      %get3A_284 = tpu.vector_load %arg8[%get3A_283] {strides = array<i32>} : memref<8192xf32, #tpu.memory_space<vmem>>, vector<16xf32>,
      %max3A_285 = arith.maximumf %max3A_278, %get3A_284 : vector<16xf32>
      %mul3A_286 = arith.constant 16 : i32
      %mul3A_287 = arith.muli %scan3A_188, %mul3A_286 : i32
      %add3A_288 = arith.constant 6144 : i32
      %add3A_289 = arith.addi %add3A_288, %mul3A_287 : i32
      %get3A_290 = arith.index_cast %add3A_289 : i32 to index
      %get3A_291 = tpu.vector_load %arg8[%get3A_290] {strides = array<i32>} : memref<8192xf32, #tpu.memory_space<vmem>>, vector<16xf32>,
      %max3A_292 = arith.maximumf %max3A_285, %get3A_291 : vector<16xf32>
      %mul3A_293 = arith.constant 16 : i32
      %mul3A_294 = arith.muli %scan3A_188, %mul3A_293 : i32
      %add3A_295 = arith.constant 7168 : i32
      %add3A_296 = arith.addi %add3A_295, %mul3A_294 : i32
      %get3A_297 = arith.index_cast %add3A_296 : i32 to index
      %get3A_298 = tpu.vector_load %arg8[%get3A_297] {strides = array<i32>} : memref<8192xf32, #tpu.memory_space<vmem>>, vector<16xf32>,
      %max3A_299 = arith.maximumf %max3A_292, %get3A_298 : vector<16xf32>
      %mul3A_300 = arith.constant 16 : i32
      %mul3A_301 = arith.muli %scan3A_188, %mul3A_300 : i32
      %add3A_302 = arith.constant 0 : i32
      %add3A_303 = arith.addi %add3A_302, %mul3A_301 : i32
      %get3A_304 = arith.index_cast %add3A_303 : i32 to index
      %get3A_305 = tpu.vector_load %arg9[%get3A_304] {strides = array<i32>} : memref<8192xf32, #tpu.memory_space<vmem>>, vector<16xf32>,
      %max3A_306 = arith.maximumf %max3A_299, %get3A_305 : vector<16xf32>
      %mul3A_307 = arith.constant 16 : i32
      %mul3A_308 = arith.muli %scan3A_188, %mul3A_307 : i32
      %add3A_309 = arith.constant 1024 : i32
      %add3A_310 = arith.addi %add3A_309, %mul3A_308 : i32
      %get3A_311 = arith.index_cast %add3A_310 : i32 to index
      %get3A_312 = tpu.vector_load %arg9[%get3A_311] {strides = array<i32>} : memref<8192xf32, #tpu.memory_space<vmem>>, vector<16xf32>,
      %max3A_313 = arith.maximumf %max3A_306, %get3A_312 : vector<16xf32>
      %mul3A_314 = arith.constant 16 : i32
      %mul3A_315 = arith.muli %scan3A_188, %mul3A_314 : i32
      %add3A_316 = arith.constant 2048 : i32
      %add3A_317 = arith.addi %add3A_316, %mul3A_315 : i32
      %get3A_318 = arith.index_cast %add3A_317 : i32 to index
      %get3A_319 = tpu.vector_load %arg9[%get3A_318] {strides = array<i32>} : memref<8192xf32, #tpu.memory_space<vmem>>, vector<16xf32>,
      %max3A_320 = arith.maximumf %max3A_313, %get3A_319 : vector<16xf32>
      %mul3A_321 = arith.constant 16 : i32
      %mul3A_322 = arith.muli %scan3A_188, %mul3A_321 : i32
      %add3A_323 = arith.constant 3072 : i32
      %add3A_324 = arith.addi %add3A_323, %mul3A_322 : i32
      %get3A_325 = arith.index_cast %add3A_324 : i32 to index
      %get3A_326 = tpu.vector_load %arg9[%get3A_325] {strides = array<i32>} : memref<8192xf32, #tpu.memory_space<vmem>>, vector<16xf32>,
      %max3A_327 = arith.maximumf %max3A_320, %get3A_326 : vector<16xf32>
      %mul3A_328 = arith.constant 16 : i32
      %mul3A_329 = arith.muli %scan3A_188, %mul3A_328 : i32
      %add3A_330 = arith.constant 4096 : i32
      %add3A_331 = arith.addi %add3A_330, %mul3A_329 : i32
      %get3A_332 = arith.index_cast %add3A_331 : i32 to index
      %get3A_333 = tpu.vector_load %arg9[%get3A_332] {strides = array<i32>} : memref<8192xf32, #tpu.memory_space<vmem>>, vector<16xf32>,
      %max3A_334 = arith.maximumf %max3A_327, %get3A_333 : vector<16xf32>
      %mul3A_335 = arith.constant 16 : i32
      %mul3A_336 = arith.muli %scan3A_188, %mul3A_335 : i32
      %add3A_337 = arith.constant 5120 : i32
      %add3A_338 = arith.addi %add3A_337, %mul3A_336 : i32
      %get3A_339 = arith.index_cast %add3A_338 : i32 to index
      %get3A_340 = tpu.vector_load %arg9[%get3A_339] {strides = array<i32>} : memref<8192xf32, #tpu.memory_space<vmem>>, vector<16xf32>,
      %max3A_341 = arith.maximumf %max3A_334, %get3A_340 : vector<16xf32>
      %mul3A_342 = arith.constant 16 : i32
      %mul3A_343 = arith.muli %scan3A_188, %mul3A_342 : i32
      %add3A_344 = arith.constant 6144 : i32
      %add3A_345 = arith.addi %add3A_344, %mul3A_343 : i32
      %get3A_346 = arith.index_cast %add3A_345 : i32 to index
      %get3A_347 = tpu.vector_load %arg9[%get3A_346] {strides = array<i32>} : memref<8192xf32, #tpu.memory_space<vmem>>, vector<16xf32>,
      %max3A_348 = arith.maximumf %max3A_341, %get3A_347 : vector<16xf32>
      %mul3A_349 = arith.constant 16 : i32
      %mul3A_350 = arith.muli %scan3A_188, %mul3A_349 : i32
      %add3A_351 = arith.constant 7168 : i32
      %add3A_352 = arith.addi %add3A_351, %mul3A_350 : i32
      %get3A_353 = arith.index_cast %add3A_352 : i32 to index
      %get3A_354 = tpu.vector_load %arg9[%get3A_353] {strides = array<i32>} : memref<8192xf32, #tpu.memory_space<vmem>>, vector<16xf32>,
      %max3A_355 = arith.maximumf %max3A_348, %get3A_354 : vector<16xf32>
      %mul3A_356 = arith.constant 16 : i32
      %mul3A_357 = arith.muli %scan3A_188, %mul3A_356 : i32
      %swap3A = arith.index_cast %mul3A_357 : i32 to index
      %swap3A_358 = tpu.vector_load %arg16[%swap3A] {strides = array<i32>} : memref<1024xf32, #tpu.memory_space<vmem>>, vector<16xf32>,
      tpu.vector_store %arg16[%swap3A], %max3A_355 {strides = array<i32>} : memref<1024xf32, #tpu.memory_space<vmem>>, vector<16xf32>,
      %scan3A_359 = arith.constant 0 : i32
      scf.yield %scan3A_359 : i32
    }
    %scan3A_72 = arith.constant 64 : i32
    %add3A_73 = arith.constant 0 : i32
    %add3A_74 = arith.addi %add3A_10, %add3A_73 : i32
    "tpu.region"() ({
      %run_scoped3A = tpu.sem_alloc : memref<!tpu.dma_semaphore, #tpu.memory_space<semaphore_mem>>
      %dma_start3A_188 = arith.constant 0 : i32
      %dma_start3A_189 = tpu.memref_slice %arg4[%add3A_74, %dma_start3A_188] : memref<192x1024xf32, #tpu.memory_space<hbm>> -> memref<1x1024xf32, #tpu.memory_space<hbm>>
      %dma_start3A_190 = tpu.memref_squeeze %dma_start3A_189 : memref<1x1024xf32, #tpu.memory_space<hbm>> -> memref<1024xf32, #tpu.memory_space<hbm>>
      %dma_start3A_191 = arith.constant 0 : i32
      %dma_start3A_192 = tpu.memref_slice %arg4[%add3A_74, %dma_start3A_191] : memref<192x1024xf32, #tpu.memory_space<hbm>> -> memref<1x1024xf32, #tpu.memory_space<hbm>>
      %dma_start3A_193 = tpu.memref_squeeze %dma_start3A_192 : memref<1x1024xf32, #tpu.memory_space<hbm>> -> memref<1024xf32, #tpu.memory_space<hbm>>
      tpu.enqueue_dma source(%arg16 : memref<1024xf32, #tpu.memory_space<vmem>>) target(%dma_start3A_193 : memref<1024xf32, #tpu.memory_space<hbm>>) target_semaphore(%run_scoped3A : memref<!tpu.dma_semaphore, #tpu.memory_space<semaphore_mem>>)
      %dma_wait3A = arith.constant 0 : i32
      %dma_wait3A_194 = tpu.memref_slice %arg4[%add3A_74, %dma_wait3A] : memref<192x1024xf32, #tpu.memory_space<hbm>> -> memref<1x1024xf32, #tpu.memory_space<hbm>>
      %dma_wait3A_195 = tpu.memref_squeeze %dma_wait3A_194 : memref<1x1024xf32, #tpu.memory_space<hbm>> -> memref<1024xf32, #tpu.memory_space<hbm>>
      %dma_wait3A_196 = arith.constant 0 : i32
      %dma_wait3A_197 = tpu.memref_slice %arg4[%add3A_74, %dma_wait3A_196] : memref<192x1024xf32, #tpu.memory_space<hbm>> -> memref<1x1024xf32, #tpu.memory_space<hbm>>
      %dma_wait3A_198 = tpu.memref_squeeze %dma_wait3A_197 : memref<1x1024xf32, #tpu.memory_space<hbm>> -> memref<1024xf32, #tpu.memory_space<hbm>>
      tpu.wait_dma2 semaphore(%run_scoped3A : memref<!tpu.dma_semaphore, #tpu.memory_space<semaphore_mem>>) src(%arg16 : memref<1024xf32, #tpu.memory_space<vmem>>) dst(%dma_wait3A_198 : memref<1024xf32, #tpu.memory_space<hbm>>)
      tpu.yield
    }) : () -> ()
    %scan3A_75 = arith.constant 0 : i32
    %scan3A_76 = arith.constant 0 : i32
    %scan3A_77 = arith.constant 64 : i32
    %scan3A_78 = arith.addi %scan3A_76, %scan3A_77 : i32
    %scan3A_79 = arith.constant 1 : i32
    %scan3A_80 = scf.for %scan3A_188 = %scan3A_76 to %scan3A_78 step %scan3A_79 iter_args(%scan3A_189 = %scan3A_75) -> (i32)  : i32 {
      %mul3A_190 = arith.constant 16 : i32
      %mul3A_191 = arith.muli %scan3A_188, %mul3A_190 : i32
      %add3A_192 = arith.constant 0 : i32
      %add3A_193 = arith.addi %add3A_192, %mul3A_191 : i32
      %get3A = arith.index_cast %add3A_193 : i32 to index
      %get3A_194 = tpu.vector_load %arg10[%get3A] {strides = array<i32>} : memref<8192xf32, #tpu.memory_space<vmem>>, vector<16xf32>,
      %max3A = arith.maximumf %broadcast_in_dim3A_6, %get3A_194 : vector<16xf32>
      %mul3A_195 = arith.constant 16 : i32
      %mul3A_196 = arith.muli %scan3A_188, %mul3A_195 : i32
      %add3A_197 = arith.constant 1024 : i32
      %add3A_198 = arith.addi %add3A_197, %mul3A_196 : i32
      %get3A_199 = arith.index_cast %add3A_198 : i32 to index
      %get3A_200 = tpu.vector_load %arg10[%get3A_199] {strides = array<i32>} : memref<8192xf32, #tpu.memory_space<vmem>>, vector<16xf32>,
      %max3A_201 = arith.maximumf %max3A, %get3A_200 : vector<16xf32>
      %mul3A_202 = arith.constant 16 : i32
      %mul3A_203 = arith.muli %scan3A_188, %mul3A_202 : i32
      %add3A_204 = arith.constant 2048 : i32
      %add3A_205 = arith.addi %add3A_204, %mul3A_203 : i32
      %get3A_206 = arith.index_cast %add3A_205 : i32 to index
      %get3A_207 = tpu.vector_load %arg10[%get3A_206] {strides = array<i32>} : memref<8192xf32, #tpu.memory_space<vmem>>, vector<16xf32>,
      %max3A_208 = arith.maximumf %max3A_201, %get3A_207 : vector<16xf32>
      %mul3A_209 = arith.constant 16 : i32
      %mul3A_210 = arith.muli %scan3A_188, %mul3A_209 : i32
      %add3A_211 = arith.constant 3072 : i32
      %add3A_212 = arith.addi %add3A_211, %mul3A_210 : i32
      %get3A_213 = arith.index_cast %add3A_212 : i32 to index
      %get3A_214 = tpu.vector_load %arg10[%get3A_213] {strides = array<i32>} : memref<8192xf32, #tpu.memory_space<vmem>>, vector<16xf32>,
      %max3A_215 = arith.maximumf %max3A_208, %get3A_214 : vector<16xf32>
      %mul3A_216 = arith.constant 16 : i32
      %mul3A_217 = arith.muli %scan3A_188, %mul3A_216 : i32
      %add3A_218 = arith.constant 4096 : i32
      %add3A_219 = arith.addi %add3A_218, %mul3A_217 : i32
      %get3A_220 = arith.index_cast %add3A_219 : i32 to index
      %get3A_221 = tpu.vector_load %arg10[%get3A_220] {strides = array<i32>} : memref<8192xf32, #tpu.memory_space<vmem>>, vector<16xf32>,
      %max3A_222 = arith.maximumf %max3A_215, %get3A_221 : vector<16xf32>
      %mul3A_223 = arith.constant 16 : i32
      %mul3A_224 = arith.muli %scan3A_188, %mul3A_223 : i32
      %add3A_225 = arith.constant 5120 : i32
      %add3A_226 = arith.addi %add3A_225, %mul3A_224 : i32
      %get3A_227 = arith.index_cast %add3A_226 : i32 to index
      %get3A_228 = tpu.vector_load %arg10[%get3A_227] {strides = array<i32>} : memref<8192xf32, #tpu.memory_space<vmem>>, vector<16xf32>,
      %max3A_229 = arith.maximumf %max3A_222, %get3A_228 : vector<16xf32>
      %mul3A_230 = arith.constant 16 : i32
      %mul3A_231 = arith.muli %scan3A_188, %mul3A_230 : i32
      %add3A_232 = arith.constant 6144 : i32
      %add3A_233 = arith.addi %add3A_232, %mul3A_231 : i32
      %get3A_234 = arith.index_cast %add3A_233 : i32 to index
      %get3A_235 = tpu.vector_load %arg10[%get3A_234] {strides = array<i32>} : memref<8192xf32, #tpu.memory_space<vmem>>, vector<16xf32>,
      %max3A_236 = arith.maximumf %max3A_229, %get3A_235 : vector<16xf32>
      %mul3A_237 = arith.constant 16 : i32
      %mul3A_238 = arith.muli %scan3A_188, %mul3A_237 : i32
      %add3A_239 = arith.constant 7168 : i32
      %add3A_240 = arith.addi %add3A_239, %mul3A_238 : i32
      %get3A_241 = arith.index_cast %add3A_240 : i32 to index
      %get3A_242 = tpu.vector_load %arg10[%get3A_241] {strides = array<i32>} : memref<8192xf32, #tpu.memory_space<vmem>>, vector<16xf32>,
      %max3A_243 = arith.maximumf %max3A_236, %get3A_242 : vector<16xf32>
      %mul3A_244 = arith.constant 16 : i32
      %mul3A_245 = arith.muli %scan3A_188, %mul3A_244 : i32
      %add3A_246 = arith.constant 0 : i32
      %add3A_247 = arith.addi %add3A_246, %mul3A_245 : i32
      %get3A_248 = arith.index_cast %add3A_247 : i32 to index
      %get3A_249 = tpu.vector_load %arg11[%get3A_248] {strides = array<i32>} : memref<8192xf32, #tpu.memory_space<vmem>>, vector<16xf32>,
      %max3A_250 = arith.maximumf %max3A_243, %get3A_249 : vector<16xf32>
      %mul3A_251 = arith.constant 16 : i32
      %mul3A_252 = arith.muli %scan3A_188, %mul3A_251 : i32
      %add3A_253 = arith.constant 1024 : i32
      %add3A_254 = arith.addi %add3A_253, %mul3A_252 : i32
      %get3A_255 = arith.index_cast %add3A_254 : i32 to index
      %get3A_256 = tpu.vector_load %arg11[%get3A_255] {strides = array<i32>} : memref<8192xf32, #tpu.memory_space<vmem>>, vector<16xf32>,
      %max3A_257 = arith.maximumf %max3A_250, %get3A_256 : vector<16xf32>
      %mul3A_258 = arith.constant 16 : i32
      %mul3A_259 = arith.muli %scan3A_188, %mul3A_258 : i32
      %add3A_260 = arith.constant 2048 : i32
      %add3A_261 = arith.addi %add3A_260, %mul3A_259 : i32
      %get3A_262 = arith.index_cast %add3A_261 : i32 to index
      %get3A_263 = tpu.vector_load %arg11[%get3A_262] {strides = array<i32>} : memref<8192xf32, #tpu.memory_space<vmem>>, vector<16xf32>,
      %max3A_264 = arith.maximumf %max3A_257, %get3A_263 : vector<16xf32>
      %mul3A_265 = arith.constant 16 : i32
      %mul3A_266 = arith.muli %scan3A_188, %mul3A_265 : i32
      %add3A_267 = arith.constant 3072 : i32
      %add3A_268 = arith.addi %add3A_267, %mul3A_266 : i32
      %get3A_269 = arith.index_cast %add3A_268 : i32 to index
      %get3A_270 = tpu.vector_load %arg11[%get3A_269] {strides = array<i32>} : memref<8192xf32, #tpu.memory_space<vmem>>, vector<16xf32>,
      %max3A_271 = arith.maximumf %max3A_264, %get3A_270 : vector<16xf32>
      %mul3A_272 = arith.constant 16 : i32
      %mul3A_273 = arith.muli %scan3A_188, %mul3A_272 : i32
      %add3A_274 = arith.constant 4096 : i32
      %add3A_275 = arith.addi %add3A_274, %mul3A_273 : i32
      %get3A_276 = arith.index_cast %add3A_275 : i32 to index
      %get3A_277 = tpu.vector_load %arg11[%get3A_276] {strides = array<i32>} : memref<8192xf32, #tpu.memory_space<vmem>>, vector<16xf32>,
      %max3A_278 = arith.maximumf %max3A_271, %get3A_277 : vector<16xf32>
      %mul3A_279 = arith.constant 16 : i32
      %mul3A_280 = arith.muli %scan3A_188, %mul3A_279 : i32
      %add3A_281 = arith.constant 5120 : i32
      %add3A_282 = arith.addi %add3A_281, %mul3A_280 : i32
      %get3A_283 = arith.index_cast %add3A_282 : i32 to index
      %get3A_284 = tpu.vector_load %arg11[%get3A_283] {strides = array<i32>} : memref<8192xf32, #tpu.memory_space<vmem>>, vector<16xf32>,
      %max3A_285 = arith.maximumf %max3A_278, %get3A_284 : vector<16xf32>
      %mul3A_286 = arith.constant 16 : i32
      %mul3A_287 = arith.muli %scan3A_188, %mul3A_286 : i32
      %add3A_288 = arith.constant 6144 : i32
      %add3A_289 = arith.addi %add3A_288, %mul3A_287 : i32
      %get3A_290 = arith.index_cast %add3A_289 : i32 to index
      %get3A_291 = tpu.vector_load %arg11[%get3A_290] {strides = array<i32>} : memref<8192xf32, #tpu.memory_space<vmem>>, vector<16xf32>,
      %max3A_292 = arith.maximumf %max3A_285, %get3A_291 : vector<16xf32>
      %mul3A_293 = arith.constant 16 : i32
      %mul3A_294 = arith.muli %scan3A_188, %mul3A_293 : i32
      %add3A_295 = arith.constant 7168 : i32
      %add3A_296 = arith.addi %add3A_295, %mul3A_294 : i32
      %get3A_297 = arith.index_cast %add3A_296 : i32 to index
      %get3A_298 = tpu.vector_load %arg11[%get3A_297] {strides = array<i32>} : memref<8192xf32, #tpu.memory_space<vmem>>, vector<16xf32>,
      %max3A_299 = arith.maximumf %max3A_292, %get3A_298 : vector<16xf32>
      %mul3A_300 = arith.constant 16 : i32
      %mul3A_301 = arith.muli %scan3A_188, %mul3A_300 : i32
      %add3A_302 = arith.constant 0 : i32
      %add3A_303 = arith.addi %add3A_302, %mul3A_301 : i32
      %get3A_304 = arith.index_cast %add3A_303 : i32 to index
      %get3A_305 = tpu.vector_load %arg12[%get3A_304] {strides = array<i32>} : memref<8192xf32, #tpu.memory_space<vmem>>, vector<16xf32>,
      %max3A_306 = arith.maximumf %max3A_299, %get3A_305 : vector<16xf32>
      %mul3A_307 = arith.constant 16 : i32
      %mul3A_308 = arith.muli %scan3A_188, %mul3A_307 : i32
      %add3A_309 = arith.constant 1024 : i32
      %add3A_310 = arith.addi %add3A_309, %mul3A_308 : i32
      %get3A_311 = arith.index_cast %add3A_310 : i32 to index
      %get3A_312 = tpu.vector_load %arg12[%get3A_311] {strides = array<i32>} : memref<8192xf32, #tpu.memory_space<vmem>>, vector<16xf32>,
      %max3A_313 = arith.maximumf %max3A_306, %get3A_312 : vector<16xf32>
      %mul3A_314 = arith.constant 16 : i32
      %mul3A_315 = arith.muli %scan3A_188, %mul3A_314 : i32
      %add3A_316 = arith.constant 2048 : i32
      %add3A_317 = arith.addi %add3A_316, %mul3A_315 : i32
      %get3A_318 = arith.index_cast %add3A_317 : i32 to index
      %get3A_319 = tpu.vector_load %arg12[%get3A_318] {strides = array<i32>} : memref<8192xf32, #tpu.memory_space<vmem>>, vector<16xf32>,
      %max3A_320 = arith.maximumf %max3A_313, %get3A_319 : vector<16xf32>
      %mul3A_321 = arith.constant 16 : i32
      %mul3A_322 = arith.muli %scan3A_188, %mul3A_321 : i32
      %add3A_323 = arith.constant 3072 : i32
      %add3A_324 = arith.addi %add3A_323, %mul3A_322 : i32
      %get3A_325 = arith.index_cast %add3A_324 : i32 to index
      %get3A_326 = tpu.vector_load %arg12[%get3A_325] {strides = array<i32>} : memref<8192xf32, #tpu.memory_space<vmem>>, vector<16xf32>,
      %max3A_327 = arith.maximumf %max3A_320, %get3A_326 : vector<16xf32>
      %mul3A_328 = arith.constant 16 : i32
      %mul3A_329 = arith.muli %scan3A_188, %mul3A_328 : i32
      %add3A_330 = arith.constant 4096 : i32
      %add3A_331 = arith.addi %add3A_330, %mul3A_329 : i32
      %get3A_332 = arith.index_cast %add3A_331 : i32 to index
      %get3A_333 = tpu.vector_load %arg12[%get3A_332] {strides = array<i32>} : memref<8192xf32, #tpu.memory_space<vmem>>, vector<16xf32>,
      %max3A_334 = arith.maximumf %max3A_327, %get3A_333 : vector<16xf32>
      %mul3A_335 = arith.constant 16 : i32
      %mul3A_336 = arith.muli %scan3A_188, %mul3A_335 : i32
      %add3A_337 = arith.constant 5120 : i32
      %add3A_338 = arith.addi %add3A_337, %mul3A_336 : i32
      %get3A_339 = arith.index_cast %add3A_338 : i32 to index
      %get3A_340 = tpu.vector_load %arg12[%get3A_339] {strides = array<i32>} : memref<8192xf32, #tpu.memory_space<vmem>>, vector<16xf32>,
      %max3A_341 = arith.maximumf %max3A_334, %get3A_340 : vector<16xf32>
      %mul3A_342 = arith.constant 16 : i32
      %mul3A_343 = arith.muli %scan3A_188, %mul3A_342 : i32
      %add3A_344 = arith.constant 6144 : i32
      %add3A_345 = arith.addi %add3A_344, %mul3A_343 : i32
      %get3A_346 = arith.index_cast %add3A_345 : i32 to index
      %get3A_347 = tpu.vector_load %arg12[%get3A_346] {strides = array<i32>} : memref<8192xf32, #tpu.memory_space<vmem>>, vector<16xf32>,
      %max3A_348 = arith.maximumf %max3A_341, %get3A_347 : vector<16xf32>
      %mul3A_349 = arith.constant 16 : i32
      %mul3A_350 = arith.muli %scan3A_188, %mul3A_349 : i32
      %add3A_351 = arith.constant 7168 : i32
      %add3A_352 = arith.addi %add3A_351, %mul3A_350 : i32
      %get3A_353 = arith.index_cast %add3A_352 : i32 to index
      %get3A_354 = tpu.vector_load %arg12[%get3A_353] {strides = array<i32>} : memref<8192xf32, #tpu.memory_space<vmem>>, vector<16xf32>,
      %max3A_355 = arith.maximumf %max3A_348, %get3A_354 : vector<16xf32>
      %mul3A_356 = arith.constant 16 : i32
      %mul3A_357 = arith.muli %scan3A_188, %mul3A_356 : i32
      %swap3A = arith.index_cast %mul3A_357 : i32 to index
      %swap3A_358 = tpu.vector_load %arg16[%swap3A] {strides = array<i32>} : memref<1024xf32, #tpu.memory_space<vmem>>, vector<16xf32>,
      tpu.vector_store %arg16[%swap3A], %max3A_355 {strides = array<i32>} : memref<1024xf32, #tpu.memory_space<vmem>>, vector<16xf32>,
      %scan3A_359 = arith.constant 0 : i32
      scf.yield %scan3A_359 : i32
    }
    %scan3A_81 = arith.constant 64 : i32
    %add3A_82 = arith.constant 1 : i32
    %add3A_83 = arith.addi %add3A_10, %add3A_82 : i32
    "tpu.region"() ({
      %run_scoped3A = tpu.sem_alloc : memref<!tpu.dma_semaphore, #tpu.memory_space<semaphore_mem>>
      %dma_start3A_188 = arith.constant 0 : i32
      %dma_start3A_189 = tpu.memref_slice %arg4[%add3A_83, %dma_start3A_188] : memref<192x1024xf32, #tpu.memory_space<hbm>> -> memref<1x1024xf32, #tpu.memory_space<hbm>>
      %dma_start3A_190 = tpu.memref_squeeze %dma_start3A_189 : memref<1x1024xf32, #tpu.memory_space<hbm>> -> memref<1024xf32, #tpu.memory_space<hbm>>
      %dma_start3A_191 = arith.constant 0 : i32
      %dma_start3A_192 = tpu.memref_slice %arg4[%add3A_83, %dma_start3A_191] : memref<192x1024xf32, #tpu.memory_space<hbm>> -> memref<1x1024xf32, #tpu.memory_space<hbm>>
      %dma_start3A_193 = tpu.memref_squeeze %dma_start3A_192 : memref<1x1024xf32, #tpu.memory_space<hbm>> -> memref<1024xf32, #tpu.memory_space<hbm>>
      tpu.enqueue_dma source(%arg16 : memref<1024xf32, #tpu.memory_space<vmem>>) target(%dma_start3A_193 : memref<1024xf32, #tpu.memory_space<hbm>>) target_semaphore(%run_scoped3A : memref<!tpu.dma_semaphore, #tpu.memory_space<semaphore_mem>>)
      %dma_wait3A = arith.constant 0 : i32
      %dma_wait3A_194 = tpu.memref_slice %arg4[%add3A_83, %dma_wait3A] : memref<192x1024xf32, #tpu.memory_space<hbm>> -> memref<1x1024xf32, #tpu.memory_space<hbm>>
      %dma_wait3A_195 = tpu.memref_squeeze %dma_wait3A_194 : memref<1x1024xf32, #tpu.memory_space<hbm>> -> memref<1024xf32, #tpu.memory_space<hbm>>
      %dma_wait3A_196 = arith.constant 0 : i32
      %dma_wait3A_197 = tpu.memref_slice %arg4[%add3A_83, %dma_wait3A_196] : memref<192x1024xf32, #tpu.memory_space<hbm>> -> memref<1x1024xf32, #tpu.memory_space<hbm>>
      %dma_wait3A_198 = tpu.memref_squeeze %dma_wait3A_197 : memref<1x1024xf32, #tpu.memory_space<hbm>> -> memref<1024xf32, #tpu.memory_space<hbm>>
      tpu.wait_dma2 semaphore(%run_scoped3A : memref<!tpu.dma_semaphore, #tpu.memory_space<semaphore_mem>>) src(%arg16 : memref<1024xf32, #tpu.memory_space<vmem>>) dst(%dma_wait3A_198 : memref<1024xf32, #tpu.memory_space<hbm>>)
      tpu.yield
    }) : () -> ()
    %scan3A_84 = arith.constant 0 : i32
    %scan3A_85 = arith.constant 0 : i32
    %scan3A_86 = arith.constant 64 : i32
    %scan3A_87 = arith.addi %scan3A_85, %scan3A_86 : i32
    %scan3A_88 = arith.constant 1 : i32
    %scan3A_89 = scf.for %scan3A_188 = %scan3A_85 to %scan3A_87 step %scan3A_88 iter_args(%scan3A_189 = %scan3A_84) -> (i32)  : i32 {
      %mul3A_190 = arith.constant 16 : i32
      %mul3A_191 = arith.muli %scan3A_188, %mul3A_190 : i32
      %add3A_192 = arith.constant 0 : i32
      %add3A_193 = arith.addi %add3A_192, %mul3A_191 : i32
      %get3A = arith.index_cast %add3A_193 : i32 to index
      %get3A_194 = tpu.vector_load %arg13[%get3A] {strides = array<i32>} : memref<8192xf32, #tpu.memory_space<vmem>>, vector<16xf32>,
      %max3A = arith.maximumf %broadcast_in_dim3A_6, %get3A_194 : vector<16xf32>
      %mul3A_195 = arith.constant 16 : i32
      %mul3A_196 = arith.muli %scan3A_188, %mul3A_195 : i32
      %add3A_197 = arith.constant 1024 : i32
      %add3A_198 = arith.addi %add3A_197, %mul3A_196 : i32
      %get3A_199 = arith.index_cast %add3A_198 : i32 to index
      %get3A_200 = tpu.vector_load %arg13[%get3A_199] {strides = array<i32>} : memref<8192xf32, #tpu.memory_space<vmem>>, vector<16xf32>,
      %max3A_201 = arith.maximumf %max3A, %get3A_200 : vector<16xf32>
      %mul3A_202 = arith.constant 16 : i32
      %mul3A_203 = arith.muli %scan3A_188, %mul3A_202 : i32
      %add3A_204 = arith.constant 2048 : i32
      %add3A_205 = arith.addi %add3A_204, %mul3A_203 : i32
      %get3A_206 = arith.index_cast %add3A_205 : i32 to index
      %get3A_207 = tpu.vector_load %arg13[%get3A_206] {strides = array<i32>} : memref<8192xf32, #tpu.memory_space<vmem>>, vector<16xf32>,
      %max3A_208 = arith.maximumf %max3A_201, %get3A_207 : vector<16xf32>
      %mul3A_209 = arith.constant 16 : i32
      %mul3A_210 = arith.muli %scan3A_188, %mul3A_209 : i32
      %add3A_211 = arith.constant 3072 : i32
      %add3A_212 = arith.addi %add3A_211, %mul3A_210 : i32
      %get3A_213 = arith.index_cast %add3A_212 : i32 to index
      %get3A_214 = tpu.vector_load %arg13[%get3A_213] {strides = array<i32>} : memref<8192xf32, #tpu.memory_space<vmem>>, vector<16xf32>,
      %max3A_215 = arith.maximumf %max3A_208, %get3A_214 : vector<16xf32>
      %mul3A_216 = arith.constant 16 : i32
      %mul3A_217 = arith.muli %scan3A_188, %mul3A_216 : i32
      %add3A_218 = arith.constant 4096 : i32
      %add3A_219 = arith.addi %add3A_218, %mul3A_217 : i32
      %get3A_220 = arith.index_cast %add3A_219 : i32 to index
      %get3A_221 = tpu.vector_load %arg13[%get3A_220] {strides = array<i32>} : memref<8192xf32, #tpu.memory_space<vmem>>, vector<16xf32>,
      %max3A_222 = arith.maximumf %max3A_215, %get3A_221 : vector<16xf32>
      %mul3A_223 = arith.constant 16 : i32
      %mul3A_224 = arith.muli %scan3A_188, %mul3A_223 : i32
      %add3A_225 = arith.constant 5120 : i32
      %add3A_226 = arith.addi %add3A_225, %mul3A_224 : i32
      %get3A_227 = arith.index_cast %add3A_226 : i32 to index
      %get3A_228 = tpu.vector_load %arg13[%get3A_227] {strides = array<i32>} : memref<8192xf32, #tpu.memory_space<vmem>>, vector<16xf32>,
      %max3A_229 = arith.maximumf %max3A_222, %get3A_228 : vector<16xf32>
      %mul3A_230 = arith.constant 16 : i32
      %mul3A_231 = arith.muli %scan3A_188, %mul3A_230 : i32
      %add3A_232 = arith.constant 6144 : i32
      %add3A_233 = arith.addi %add3A_232, %mul3A_231 : i32
      %get3A_234 = arith.index_cast %add3A_233 : i32 to index
      %get3A_235 = tpu.vector_load %arg13[%get3A_234] {strides = array<i32>} : memref<8192xf32, #tpu.memory_space<vmem>>, vector<16xf32>,
      %max3A_236 = arith.maximumf %max3A_229, %get3A_235 : vector<16xf32>
      %mul3A_237 = arith.constant 16 : i32
      %mul3A_238 = arith.muli %scan3A_188, %mul3A_237 : i32
      %add3A_239 = arith.constant 7168 : i32
      %add3A_240 = arith.addi %add3A_239, %mul3A_238 : i32
      %get3A_241 = arith.index_cast %add3A_240 : i32 to index
      %get3A_242 = tpu.vector_load %arg13[%get3A_241] {strides = array<i32>} : memref<8192xf32, #tpu.memory_space<vmem>>, vector<16xf32>,
      %max3A_243 = arith.maximumf %max3A_236, %get3A_242 : vector<16xf32>
      %mul3A_244 = arith.constant 16 : i32
      %mul3A_245 = arith.muli %scan3A_188, %mul3A_244 : i32
      %add3A_246 = arith.constant 0 : i32
      %add3A_247 = arith.addi %add3A_246, %mul3A_245 : i32
      %get3A_248 = arith.index_cast %add3A_247 : i32 to index
      %get3A_249 = tpu.vector_load %arg14[%get3A_248] {strides = array<i32>} : memref<8192xf32, #tpu.memory_space<vmem>>, vector<16xf32>,
      %max3A_250 = arith.maximumf %max3A_243, %get3A_249 : vector<16xf32>
      %mul3A_251 = arith.constant 16 : i32
      %mul3A_252 = arith.muli %scan3A_188, %mul3A_251 : i32
      %add3A_253 = arith.constant 1024 : i32
      %add3A_254 = arith.addi %add3A_253, %mul3A_252 : i32
      %get3A_255 = arith.index_cast %add3A_254 : i32 to index
      %get3A_256 = tpu.vector_load %arg14[%get3A_255] {strides = array<i32>} : memref<8192xf32, #tpu.memory_space<vmem>>, vector<16xf32>,
      %max3A_257 = arith.maximumf %max3A_250, %get3A_256 : vector<16xf32>
      %mul3A_258 = arith.constant 16 : i32
      %mul3A_259 = arith.muli %scan3A_188, %mul3A_258 : i32
      %add3A_260 = arith.constant 2048 : i32
      %add3A_261 = arith.addi %add3A_260, %mul3A_259 : i32
      %get3A_262 = arith.index_cast %add3A_261 : i32 to index
      %get3A_263 = tpu.vector_load %arg14[%get3A_262] {strides = array<i32>} : memref<8192xf32, #tpu.memory_space<vmem>>, vector<16xf32>,
      %max3A_264 = arith.maximumf %max3A_257, %get3A_263 : vector<16xf32>
      %mul3A_265 = arith.constant 16 : i32
      %mul3A_266 = arith.muli %scan3A_188, %mul3A_265 : i32
      %add3A_267 = arith.constant 3072 : i32
      %add3A_268 = arith.addi %add3A_267, %mul3A_266 : i32
      %get3A_269 = arith.index_cast %add3A_268 : i32 to index
      %get3A_270 = tpu.vector_load %arg14[%get3A_269] {strides = array<i32>} : memref<8192xf32, #tpu.memory_space<vmem>>, vector<16xf32>,
      %max3A_271 = arith.maximumf %max3A_264, %get3A_270 : vector<16xf32>
      %mul3A_272 = arith.constant 16 : i32
      %mul3A_273 = arith.muli %scan3A_188, %mul3A_272 : i32
      %add3A_274 = arith.constant 4096 : i32
      %add3A_275 = arith.addi %add3A_274, %mul3A_273 : i32
      %get3A_276 = arith.index_cast %add3A_275 : i32 to index
      %get3A_277 = tpu.vector_load %arg14[%get3A_276] {strides = array<i32>} : memref<8192xf32, #tpu.memory_space<vmem>>, vector<16xf32>,
      %max3A_278 = arith.maximumf %max3A_271, %get3A_277 : vector<16xf32>
      %mul3A_279 = arith.constant 16 : i32
      %mul3A_280 = arith.muli %scan3A_188, %mul3A_279 : i32
      %add3A_281 = arith.constant 5120 : i32
      %add3A_282 = arith.addi %add3A_281, %mul3A_280 : i32
      %get3A_283 = arith.index_cast %add3A_282 : i32 to index
      %get3A_284 = tpu.vector_load %arg14[%get3A_283] {strides = array<i32>} : memref<8192xf32, #tpu.memory_space<vmem>>, vector<16xf32>,
      %max3A_285 = arith.maximumf %max3A_278, %get3A_284 : vector<16xf32>
      %mul3A_286 = arith.constant 16 : i32
      %mul3A_287 = arith.muli %scan3A_188, %mul3A_286 : i32
      %add3A_288 = arith.constant 6144 : i32
      %add3A_289 = arith.addi %add3A_288, %mul3A_287 : i32
      %get3A_290 = arith.index_cast %add3A_289 : i32 to index
      %get3A_291 = tpu.vector_load %arg14[%get3A_290] {strides = array<i32>} : memref<8192xf32, #tpu.memory_space<vmem>>, vector<16xf32>,
      %max3A_292 = arith.maximumf %max3A_285, %get3A_291 : vector<16xf32>
      %mul3A_293 = arith.constant 16 : i32
      %mul3A_294 = arith.muli %scan3A_188, %mul3A_293 : i32
      %add3A_295 = arith.constant 7168 : i32
      %add3A_296 = arith.addi %add3A_295, %mul3A_294 : i32
      %get3A_297 = arith.index_cast %add3A_296 : i32 to index
      %get3A_298 = tpu.vector_load %arg14[%get3A_297] {strides = array<i32>} : memref<8192xf32, #tpu.memory_space<vmem>>, vector<16xf32>,
      %max3A_299 = arith.maximumf %max3A_292, %get3A_298 : vector<16xf32>
      %mul3A_300 = arith.constant 16 : i32
      %mul3A_301 = arith.muli %scan3A_188, %mul3A_300 : i32
      %add3A_302 = arith.constant 0 : i32
      %add3A_303 = arith.addi %add3A_302, %mul3A_301 : i32
      %get3A_304 = arith.index_cast %add3A_303 : i32 to index
      %get3A_305 = tpu.vector_load %arg15[%get3A_304] {strides = array<i32>} : memref<8192xf32, #tpu.memory_space<vmem>>, vector<16xf32>,
      %max3A_306 = arith.maximumf %max3A_299, %get3A_305 : vector<16xf32>
      %mul3A_307 = arith.constant 16 : i32
      %mul3A_308 = arith.muli %scan3A_188, %mul3A_307 : i32
      %add3A_309 = arith.constant 1024 : i32
      %add3A_310 = arith.addi %add3A_309, %mul3A_308 : i32
      %get3A_311 = arith.index_cast %add3A_310 : i32 to index
      %get3A_312 = tpu.vector_load %arg15[%get3A_311] {strides = array<i32>} : memref<8192xf32, #tpu.memory_space<vmem>>, vector<16xf32>,
      %max3A_313 = arith.maximumf %max3A_306, %get3A_312 : vector<16xf32>
      %mul3A_314 = arith.constant 16 : i32
      %mul3A_315 = arith.muli %scan3A_188, %mul3A_314 : i32
      %add3A_316 = arith.constant 2048 : i32
      %add3A_317 = arith.addi %add3A_316, %mul3A_315 : i32
      %get3A_318 = arith.index_cast %add3A_317 : i32 to index
      %get3A_319 = tpu.vector_load %arg15[%get3A_318] {strides = array<i32>} : memref<8192xf32, #tpu.memory_space<vmem>>, vector<16xf32>,
      %max3A_320 = arith.maximumf %max3A_313, %get3A_319 : vector<16xf32>
      %mul3A_321 = arith.constant 16 : i32
      %mul3A_322 = arith.muli %scan3A_188, %mul3A_321 : i32
      %add3A_323 = arith.constant 3072 : i32
      %add3A_324 = arith.addi %add3A_323, %mul3A_322 : i32
      %get3A_325 = arith.index_cast %add3A_324 : i32 to index
      %get3A_326 = tpu.vector_load %arg15[%get3A_325] {strides = array<i32>} : memref<8192xf32, #tpu.memory_space<vmem>>, vector<16xf32>,
      %max3A_327 = arith.maximumf %max3A_320, %get3A_326 : vector<16xf32>
      %mul3A_328 = arith.constant 16 : i32
      %mul3A_329 = arith.muli %scan3A_188, %mul3A_328 : i32
      %add3A_330 = arith.constant 4096 : i32
      %add3A_331 = arith.addi %add3A_330, %mul3A_329 : i32
      %get3A_332 = arith.index_cast %add3A_331 : i32 to index
      %get3A_333 = tpu.vector_load %arg15[%get3A_332] {strides = array<i32>} : memref<8192xf32, #tpu.memory_space<vmem>>, vector<16xf32>,
      %max3A_334 = arith.maximumf %max3A_327, %get3A_333 : vector<16xf32>
      %mul3A_335 = arith.constant 16 : i32
      %mul3A_336 = arith.muli %scan3A_188, %mul3A_335 : i32
      %add3A_337 = arith.constant 5120 : i32
      %add3A_338 = arith.addi %add3A_337, %mul3A_336 : i32
      %get3A_339 = arith.index_cast %add3A_338 : i32 to index
      %get3A_340 = tpu.vector_load %arg15[%get3A_339] {strides = array<i32>} : memref<8192xf32, #tpu.memory_space<vmem>>, vector<16xf32>,
      %max3A_341 = arith.maximumf %max3A_334, %get3A_340 : vector<16xf32>
      %mul3A_342 = arith.constant 16 : i32
      %mul3A_343 = arith.muli %scan3A_188, %mul3A_342 : i32
      %add3A_344 = arith.constant 6144 : i32
      %add3A_345 = arith.addi %add3A_344, %mul3A_343 : i32
      %get3A_346 = arith.index_cast %add3A_345 : i32 to index
      %get3A_347 = tpu.vector_load %arg15[%get3A_346] {strides = array<i32>} : memref<8192xf32, #tpu.memory_space<vmem>>, vector<16xf32>,
      %max3A_348 = arith.maximumf %max3A_341, %get3A_347 : vector<16xf32>
      %mul3A_349 = arith.constant 16 : i32
      %mul3A_350 = arith.muli %scan3A_188, %mul3A_349 : i32
      %add3A_351 = arith.constant 7168 : i32
      %add3A_352 = arith.addi %add3A_351, %mul3A_350 : i32
      %get3A_353 = arith.index_cast %add3A_352 : i32 to index
      %get3A_354 = tpu.vector_load %arg15[%get3A_353] {strides = array<i32>} : memref<8192xf32, #tpu.memory_space<vmem>>, vector<16xf32>,
      %max3A_355 = arith.maximumf %max3A_348, %get3A_354 : vector<16xf32>
      %mul3A_356 = arith.constant 16 : i32
      %mul3A_357 = arith.muli %scan3A_188, %mul3A_356 : i32
      %swap3A = arith.index_cast %mul3A_357 : i32 to index
      %swap3A_358 = tpu.vector_load %arg16[%swap3A] {strides = array<i32>} : memref<1024xf32, #tpu.memory_space<vmem>>, vector<16xf32>,
      tpu.vector_store %arg16[%swap3A], %max3A_355 {strides = array<i32>} : memref<1024xf32, #tpu.memory_space<vmem>>, vector<16xf32>,
      %scan3A_359 = arith.constant 0 : i32
      scf.yield %scan3A_359 : i32
    }
    %scan3A_90 = arith.constant 64 : i32
    %add3A_91 = arith.constant 2 : i32
    %add3A_92 = arith.addi %add3A_10, %add3A_91 : i32
    "tpu.region"() ({
      %run_scoped3A = tpu.sem_alloc : memref<!tpu.dma_semaphore, #tpu.memory_space<semaphore_mem>>
      %dma_start3A_188 = arith.constant 0 : i32
      %dma_start3A_189 = tpu.memref_slice %arg4[%add3A_92, %dma_start3A_188] : memref<192x1024xf32, #tpu.memory_space<hbm>> -> memref<1x1024xf32, #tpu.memory_space<hbm>>
      %dma_start3A_190 = tpu.memref_squeeze %dma_start3A_189 : memref<1x1024xf32, #tpu.memory_space<hbm>> -> memref<1024xf32, #tpu.memory_space<hbm>>
      %dma_start3A_191 = arith.constant 0 : i32
      %dma_start3A_192 = tpu.memref_slice %arg4[%add3A_92, %dma_start3A_191] : memref<192x1024xf32, #tpu.memory_space<hbm>> -> memref<1x1024xf32, #tpu.memory_space<hbm>>
      %dma_start3A_193 = tpu.memref_squeeze %dma_start3A_192 : memref<1x1024xf32, #tpu.memory_space<hbm>> -> memref<1024xf32, #tpu.memory_space<hbm>>
      tpu.enqueue_dma source(%arg16 : memref<1024xf32, #tpu.memory_space<vmem>>) target(%dma_start3A_193 : memref<1024xf32, #tpu.memory_space<hbm>>) target_semaphore(%run_scoped3A : memref<!tpu.dma_semaphore, #tpu.memory_space<semaphore_mem>>)
      %dma_wait3A = arith.constant 0 : i32
      %dma_wait3A_194 = tpu.memref_slice %arg4[%add3A_92, %dma_wait3A] : memref<192x1024xf32, #tpu.memory_space<hbm>> -> memref<1x1024xf32, #tpu.memory_space<hbm>>
      %dma_wait3A_195 = tpu.memref_squeeze %dma_wait3A_194 : memref<1x1024xf32, #tpu.memory_space<hbm>> -> memref<1024xf32, #tpu.memory_space<hbm>>
      %dma_wait3A_196 = arith.constant 0 : i32
      %dma_wait3A_197 = tpu.memref_slice %arg4[%add3A_92, %dma_wait3A_196] : memref<192x1024xf32, #tpu.memory_space<hbm>> -> memref<1x1024xf32, #tpu.memory_space<hbm>>
      %dma_wait3A_198 = tpu.memref_squeeze %dma_wait3A_197 : memref<1x1024xf32, #tpu.memory_space<hbm>> -> memref<1024xf32, #tpu.memory_space<hbm>>
      tpu.wait_dma2 semaphore(%run_scoped3A : memref<!tpu.dma_semaphore, #tpu.memory_space<semaphore_mem>>) src(%arg16 : memref<1024xf32, #tpu.memory_space<vmem>>) dst(%dma_wait3A_198 : memref<1024xf32, #tpu.memory_space<hbm>>)
      tpu.yield
    }) : () -> ()
    %mul3A_93 = arith.constant 6 : i32
    %mul3A_94 = arith.muli %add3A, %mul3A_93 : i32
    %add3A_95 = arith.constant 3 : i32
    %add3A_96 = arith.addi %mul3A_94, %add3A_95 : i32
    %jit3A_97 = arith.constant 96 : i32
    %div3A_98 = arith.divsi %add3A_96, %jit3A_97 : i32
    %sign3A_99 = arith.constant 0 : i32
    %sign3A_100 = arith.cmpi sgt, %add3A_96, %sign3A_99 : i32
    %sign3A_101 = arith.extui %sign3A_100 : i1 to i32
    %sign3A_102 = arith.constant 0 : i32
    %sign3A_103 = arith.cmpi slt, %add3A_96, %sign3A_102 : i32
    %sign3A_104 = arith.extui %sign3A_103 : i1 to i32
    %sign3A_105 = arith.subi %sign3A_101, %sign3A_104 : i32
    %sign3A_106 = arith.constant 0 : i32
    %sign3A_107 = arith.cmpi sgt, %jit3A_97, %sign3A_106 : i32
    %sign3A_108 = arith.extui %sign3A_107 : i1 to i32
    %sign3A_109 = arith.constant 0 : i32
    %sign3A_110 = arith.cmpi slt, %jit3A_97, %sign3A_109 : i32
    %sign3A_111 = arith.extui %sign3A_110 : i1 to i32
    %sign3A_112 = arith.subi %sign3A_108, %sign3A_111 : i32
    %ne3A_113 = arith.cmpi ne, %sign3A_105, %sign3A_112 : i32
    %rem3A_114 = arith.remsi %add3A_96, %jit3A_97 : i32
    %ne3A_115 = arith.constant 0 : i32
    %ne3A_116 = arith.cmpi ne, %rem3A_114, %ne3A_115 : i32
    %and3A_117 = arith.andi %ne3A_113, %ne3A_116 : i1
    %sub3A_118 = arith.constant 1 : i32
    %sub3A_119 = arith.subi %div3A_98, %sub3A_118 : i32
    %select_n3A_120 = arith.select %and3A_117, %sub3A_119, %div3A_98 : i32
    %scan3A_121 = arith.constant 0 : i32
    %scan3A_122 = arith.constant 0 : i32
    %scan3A_123 = arith.constant 128 : i32
    %scan3A_124 = arith.addi %scan3A_122, %scan3A_123 : i32
    %scan3A_125 = arith.constant 1 : i32
    %scan3A_126 = scf.for %scan3A_188 = %scan3A_122 to %scan3A_124 step %scan3A_125 iter_args(%scan3A_189 = %scan3A_121) -> (i32)  : i32 {
      %mul3A_190 = arith.constant 64 : i32
      %mul3A_191 = arith.muli %scan3A_188, %mul3A_190 : i32
      %add3A_192 = arith.constant 0 : i32
      %add3A_193 = arith.addi %mul3A_191, %add3A_192 : i32
      %swap3A = arith.index_cast %add3A_193 : i32 to index
      %swap3A_194 = tpu.vector_load %arg7[%swap3A] {strides = array<i32>} : memref<8192xf32, #tpu.memory_space<vmem>>, vector<16xf32>,
      tpu.vector_store %arg7[%swap3A], %broadcast_in_dim3A_6 {strides = array<i32>} : memref<8192xf32, #tpu.memory_space<vmem>>, vector<16xf32>,
      %add3A_195 = arith.constant 16 : i32
      %add3A_196 = arith.addi %mul3A_191, %add3A_195 : i32
      %swap3A_197 = arith.index_cast %add3A_196 : i32 to index
      %swap3A_198 = tpu.vector_load %arg7[%swap3A_197] {strides = array<i32>} : memref<8192xf32, #tpu.memory_space<vmem>>, vector<16xf32>,
      tpu.vector_store %arg7[%swap3A_197], %broadcast_in_dim3A_6 {strides = array<i32>} : memref<8192xf32, #tpu.memory_space<vmem>>, vector<16xf32>,
      %add3A_199 = arith.constant 32 : i32
      %add3A_200 = arith.addi %mul3A_191, %add3A_199 : i32
      %swap3A_201 = arith.index_cast %add3A_200 : i32 to index
      %swap3A_202 = tpu.vector_load %arg7[%swap3A_201] {strides = array<i32>} : memref<8192xf32, #tpu.memory_space<vmem>>, vector<16xf32>,
      tpu.vector_store %arg7[%swap3A_201], %broadcast_in_dim3A_6 {strides = array<i32>} : memref<8192xf32, #tpu.memory_space<vmem>>, vector<16xf32>,
      %add3A_203 = arith.constant 48 : i32
      %add3A_204 = arith.addi %mul3A_191, %add3A_203 : i32
      %swap3A_205 = arith.index_cast %add3A_204 : i32 to index
      %swap3A_206 = tpu.vector_load %arg7[%swap3A_205] {strides = array<i32>} : memref<8192xf32, #tpu.memory_space<vmem>>, vector<16xf32>,
      tpu.vector_store %arg7[%swap3A_205], %broadcast_in_dim3A_6 {strides = array<i32>} : memref<8192xf32, #tpu.memory_space<vmem>>, vector<16xf32>,
      %add3A_207 = arith.constant 0 : i32
      %add3A_208 = arith.addi %mul3A_191, %add3A_207 : i32
      %swap3A_209 = arith.index_cast %add3A_208 : i32 to index
      %swap3A_210 = tpu.vector_load %arg8[%swap3A_209] {strides = array<i32>} : memref<8192xf32, #tpu.memory_space<vmem>>, vector<16xf32>,
      tpu.vector_store %arg8[%swap3A_209], %broadcast_in_dim3A_6 {strides = array<i32>} : memref<8192xf32, #tpu.memory_space<vmem>>, vector<16xf32>,
      %add3A_211 = arith.constant 16 : i32
      %add3A_212 = arith.addi %mul3A_191, %add3A_211 : i32
      %swap3A_213 = arith.index_cast %add3A_212 : i32 to index
      %swap3A_214 = tpu.vector_load %arg8[%swap3A_213] {strides = array<i32>} : memref<8192xf32, #tpu.memory_space<vmem>>, vector<16xf32>,
      tpu.vector_store %arg8[%swap3A_213], %broadcast_in_dim3A_6 {strides = array<i32>} : memref<8192xf32, #tpu.memory_space<vmem>>, vector<16xf32>,
      %add3A_215 = arith.constant 32 : i32
      %add3A_216 = arith.addi %mul3A_191, %add3A_215 : i32
      %swap3A_217 = arith.index_cast %add3A_216 : i32 to index
      %swap3A_218 = tpu.vector_load %arg8[%swap3A_217] {strides = array<i32>} : memref<8192xf32, #tpu.memory_space<vmem>>, vector<16xf32>,
      tpu.vector_store %arg8[%swap3A_217], %broadcast_in_dim3A_6 {strides = array<i32>} : memref<8192xf32, #tpu.memory_space<vmem>>, vector<16xf32>,
      %add3A_219 = arith.constant 48 : i32
      %add3A_220 = arith.addi %mul3A_191, %add3A_219 : i32
      %swap3A_221 = arith.index_cast %add3A_220 : i32 to index
      %swap3A_222 = tpu.vector_load %arg8[%swap3A_221] {strides = array<i32>} : memref<8192xf32, #tpu.memory_space<vmem>>, vector<16xf32>,
      tpu.vector_store %arg8[%swap3A_221], %broadcast_in_dim3A_6 {strides = array<i32>} : memref<8192xf32, #tpu.memory_space<vmem>>, vector<16xf32>,
      %add3A_223 = arith.constant 0 : i32
      %add3A_224 = arith.addi %mul3A_191, %add3A_223 : i32
      %swap3A_225 = arith.index_cast %add3A_224 : i32 to index
      %swap3A_226 = tpu.vector_load %arg9[%swap3A_225] {strides = array<i32>} : memref<8192xf32, #tpu.memory_space<vmem>>, vector<16xf32>,
      tpu.vector_store %arg9[%swap3A_225], %broadcast_in_dim3A_6 {strides = array<i32>} : memref<8192xf32, #tpu.memory_space<vmem>>, vector<16xf32>,
      %add3A_227 = arith.constant 16 : i32
      %add3A_228 = arith.addi %mul3A_191, %add3A_227 : i32
      %swap3A_229 = arith.index_cast %add3A_228 : i32 to index
      %swap3A_230 = tpu.vector_load %arg9[%swap3A_229] {strides = array<i32>} : memref<8192xf32, #tpu.memory_space<vmem>>, vector<16xf32>,
      tpu.vector_store %arg9[%swap3A_229], %broadcast_in_dim3A_6 {strides = array<i32>} : memref<8192xf32, #tpu.memory_space<vmem>>, vector<16xf32>,
      %add3A_231 = arith.constant 32 : i32
      %add3A_232 = arith.addi %mul3A_191, %add3A_231 : i32
      %swap3A_233 = arith.index_cast %add3A_232 : i32 to index
      %swap3A_234 = tpu.vector_load %arg9[%swap3A_233] {strides = array<i32>} : memref<8192xf32, #tpu.memory_space<vmem>>, vector<16xf32>,
      tpu.vector_store %arg9[%swap3A_233], %broadcast_in_dim3A_6 {strides = array<i32>} : memref<8192xf32, #tpu.memory_space<vmem>>, vector<16xf32>,
      %add3A_235 = arith.constant 48 : i32
      %add3A_236 = arith.addi %mul3A_191, %add3A_235 : i32
      %swap3A_237 = arith.index_cast %add3A_236 : i32 to index
      %swap3A_238 = tpu.vector_load %arg9[%swap3A_237] {strides = array<i32>} : memref<8192xf32, #tpu.memory_space<vmem>>, vector<16xf32>,
      tpu.vector_store %arg9[%swap3A_237], %broadcast_in_dim3A_6 {strides = array<i32>} : memref<8192xf32, #tpu.memory_space<vmem>>, vector<16xf32>,
      %add3A_239 = arith.constant 0 : i32
      %add3A_240 = arith.addi %mul3A_191, %add3A_239 : i32
      %swap3A_241 = arith.index_cast %add3A_240 : i32 to index
      %swap3A_242 = tpu.vector_load %arg10[%swap3A_241] {strides = array<i32>} : memref<8192xf32, #tpu.memory_space<vmem>>, vector<16xf32>,
      tpu.vector_store %arg10[%swap3A_241], %broadcast_in_dim3A_6 {strides = array<i32>} : memref<8192xf32, #tpu.memory_space<vmem>>, vector<16xf32>,
      %add3A_243 = arith.constant 16 : i32
      %add3A_244 = arith.addi %mul3A_191, %add3A_243 : i32
      %swap3A_245 = arith.index_cast %add3A_244 : i32 to index
      %swap3A_246 = tpu.vector_load %arg10[%swap3A_245] {strides = array<i32>} : memref<8192xf32, #tpu.memory_space<vmem>>, vector<16xf32>,
      tpu.vector_store %arg10[%swap3A_245], %broadcast_in_dim3A_6 {strides = array<i32>} : memref<8192xf32, #tpu.memory_space<vmem>>, vector<16xf32>,
      %add3A_247 = arith.constant 32 : i32
      %add3A_248 = arith.addi %mul3A_191, %add3A_247 : i32
      %swap3A_249 = arith.index_cast %add3A_248 : i32 to index
      %swap3A_250 = tpu.vector_load %arg10[%swap3A_249] {strides = array<i32>} : memref<8192xf32, #tpu.memory_space<vmem>>, vector<16xf32>,
      tpu.vector_store %arg10[%swap3A_249], %broadcast_in_dim3A_6 {strides = array<i32>} : memref<8192xf32, #tpu.memory_space<vmem>>, vector<16xf32>,
      %add3A_251 = arith.constant 48 : i32
      %add3A_252 = arith.addi %mul3A_191, %add3A_251 : i32
      %swap3A_253 = arith.index_cast %add3A_252 : i32 to index
      %swap3A_254 = tpu.vector_load %arg10[%swap3A_253] {strides = array<i32>} : memref<8192xf32, #tpu.memory_space<vmem>>, vector<16xf32>,
      tpu.vector_store %arg10[%swap3A_253], %broadcast_in_dim3A_6 {strides = array<i32>} : memref<8192xf32, #tpu.memory_space<vmem>>, vector<16xf32>,
      %add3A_255 = arith.constant 0 : i32
      %add3A_256 = arith.addi %mul3A_191, %add3A_255 : i32
      %swap3A_257 = arith.index_cast %add3A_256 : i32 to index
      %swap3A_258 = tpu.vector_load %arg11[%swap3A_257] {strides = array<i32>} : memref<8192xf32, #tpu.memory_space<vmem>>, vector<16xf32>,
      tpu.vector_store %arg11[%swap3A_257], %broadcast_in_dim3A_6 {strides = array<i32>} : memref<8192xf32, #tpu.memory_space<vmem>>, vector<16xf32>,
      %add3A_259 = arith.constant 16 : i32
      %add3A_260 = arith.addi %mul3A_191, %add3A_259 : i32
      %swap3A_261 = arith.index_cast %add3A_260 : i32 to index
      %swap3A_262 = tpu.vector_load %arg11[%swap3A_261] {strides = array<i32>} : memref<8192xf32, #tpu.memory_space<vmem>>, vector<16xf32>,
      tpu.vector_store %arg11[%swap3A_261], %broadcast_in_dim3A_6 {strides = array<i32>} : memref<8192xf32, #tpu.memory_space<vmem>>, vector<16xf32>,
      %add3A_263 = arith.constant 32 : i32
      %add3A_264 = arith.addi %mul3A_191, %add3A_263 : i32
      %swap3A_265 = arith.index_cast %add3A_264 : i32 to index
      %swap3A_266 = tpu.vector_load %arg11[%swap3A_265] {strides = array<i32>} : memref<8192xf32, #tpu.memory_space<vmem>>, vector<16xf32>,
      tpu.vector_store %arg11[%swap3A_265], %broadcast_in_dim3A_6 {strides = array<i32>} : memref<8192xf32, #tpu.memory_space<vmem>>, vector<16xf32>,
      %add3A_267 = arith.constant 48 : i32
      %add3A_268 = arith.addi %mul3A_191, %add3A_267 : i32
      %swap3A_269 = arith.index_cast %add3A_268 : i32 to index
      %swap3A_270 = tpu.vector_load %arg11[%swap3A_269] {strides = array<i32>} : memref<8192xf32, #tpu.memory_space<vmem>>, vector<16xf32>,
      tpu.vector_store %arg11[%swap3A_269], %broadcast_in_dim3A_6 {strides = array<i32>} : memref<8192xf32, #tpu.memory_space<vmem>>, vector<16xf32>,
      %add3A_271 = arith.constant 0 : i32
      %add3A_272 = arith.addi %mul3A_191, %add3A_271 : i32
      %swap3A_273 = arith.index_cast %add3A_272 : i32 to index
      %swap3A_274 = tpu.vector_load %arg12[%swap3A_273] {strides = array<i32>} : memref<8192xf32, #tpu.memory_space<vmem>>, vector<16xf32>,
      tpu.vector_store %arg12[%swap3A_273], %broadcast_in_dim3A_6 {strides = array<i32>} : memref<8192xf32, #tpu.memory_space<vmem>>, vector<16xf32>,
      %add3A_275 = arith.constant 16 : i32
      %add3A_276 = arith.addi %mul3A_191, %add3A_275 : i32
      %swap3A_277 = arith.index_cast %add3A_276 : i32 to index
      %swap3A_278 = tpu.vector_load %arg12[%swap3A_277] {strides = array<i32>} : memref<8192xf32, #tpu.memory_space<vmem>>, vector<16xf32>,
      tpu.vector_store %arg12[%swap3A_277], %broadcast_in_dim3A_6 {strides = array<i32>} : memref<8192xf32, #tpu.memory_space<vmem>>, vector<16xf32>,
      %add3A_279 = arith.constant 32 : i32
      %add3A_280 = arith.addi %mul3A_191, %add3A_279 : i32
      %swap3A_281 = arith.index_cast %add3A_280 : i32 to index
      %swap3A_282 = tpu.vector_load %arg12[%swap3A_281] {strides = array<i32>} : memref<8192xf32, #tpu.memory_space<vmem>>, vector<16xf32>,
      tpu.vector_store %arg12[%swap3A_281], %broadcast_in_dim3A_6 {strides = array<i32>} : memref<8192xf32, #tpu.memory_space<vmem>>, vector<16xf32>,
      %add3A_283 = arith.constant 48 : i32
      %add3A_284 = arith.addi %mul3A_191, %add3A_283 : i32
      %swap3A_285 = arith.index_cast %add3A_284 : i32 to index
      %swap3A_286 = tpu.vector_load %arg12[%swap3A_285] {strides = array<i32>} : memref<8192xf32, #tpu.memory_space<vmem>>, vector<16xf32>,
      tpu.vector_store %arg12[%swap3A_285], %broadcast_in_dim3A_6 {strides = array<i32>} : memref<8192xf32, #tpu.memory_space<vmem>>, vector<16xf32>,
      %add3A_287 = arith.constant 0 : i32
      %add3A_288 = arith.addi %mul3A_191, %add3A_287 : i32
      %swap3A_289 = arith.index_cast %add3A_288 : i32 to index
      %swap3A_290 = tpu.vector_load %arg13[%swap3A_289] {strides = array<i32>} : memref<8192xf32, #tpu.memory_space<vmem>>, vector<16xf32>,
      tpu.vector_store %arg13[%swap3A_289], %broadcast_in_dim3A_6 {strides = array<i32>} : memref<8192xf32, #tpu.memory_space<vmem>>, vector<16xf32>,
      %add3A_291 = arith.constant 16 : i32
      %add3A_292 = arith.addi %mul3A_191, %add3A_291 : i32
      %swap3A_293 = arith.index_cast %add3A_292 : i32 to index
      %swap3A_294 = tpu.vector_load %arg13[%swap3A_293] {strides = array<i32>} : memref<8192xf32, #tpu.memory_space<vmem>>, vector<16xf32>,
      tpu.vector_store %arg13[%swap3A_293], %broadcast_in_dim3A_6 {strides = array<i32>} : memref<8192xf32, #tpu.memory_space<vmem>>, vector<16xf32>,
      %add3A_295 = arith.constant 32 : i32
      %add3A_296 = arith.addi %mul3A_191, %add3A_295 : i32
      %swap3A_297 = arith.index_cast %add3A_296 : i32 to index
      %swap3A_298 = tpu.vector_load %arg13[%swap3A_297] {strides = array<i32>} : memref<8192xf32, #tpu.memory_space<vmem>>, vector<16xf32>,
      tpu.vector_store %arg13[%swap3A_297], %broadcast_in_dim3A_6 {strides = array<i32>} : memref<8192xf32, #tpu.memory_space<vmem>>, vector<16xf32>,
      %add3A_299 = arith.constant 48 : i32
      %add3A_300 = arith.addi %mul3A_191, %add3A_299 : i32
      %swap3A_301 = arith.index_cast %add3A_300 : i32 to index
      %swap3A_302 = tpu.vector_load %arg13[%swap3A_301] {strides = array<i32>} : memref<8192xf32, #tpu.memory_space<vmem>>, vector<16xf32>,
      tpu.vector_store %arg13[%swap3A_301], %broadcast_in_dim3A_6 {strides = array<i32>} : memref<8192xf32, #tpu.memory_space<vmem>>, vector<16xf32>,
      %add3A_303 = arith.constant 0 : i32
      %add3A_304 = arith.addi %mul3A_191, %add3A_303 : i32
      %swap3A_305 = arith.index_cast %add3A_304 : i32 to index
      %swap3A_306 = tpu.vector_load %arg14[%swap3A_305] {strides = array<i32>} : memref<8192xf32, #tpu.memory_space<vmem>>, vector<16xf32>,
      tpu.vector_store %arg14[%swap3A_305], %broadcast_in_dim3A_6 {strides = array<i32>} : memref<8192xf32, #tpu.memory_space<vmem>>, vector<16xf32>,
      %add3A_307 = arith.constant 16 : i32
      %add3A_308 = arith.addi %mul3A_191, %add3A_307 : i32
      %swap3A_309 = arith.index_cast %add3A_308 : i32 to index
      %swap3A_310 = tpu.vector_load %arg14[%swap3A_309] {strides = array<i32>} : memref<8192xf32, #tpu.memory_space<vmem>>, vector<16xf32>,
      tpu.vector_store %arg14[%swap3A_309], %broadcast_in_dim3A_6 {strides = array<i32>} : memref<8192xf32, #tpu.memory_space<vmem>>, vector<16xf32>,
      %add3A_311 = arith.constant 32 : i32
      %add3A_312 = arith.addi %mul3A_191, %add3A_311 : i32
      %swap3A_313 = arith.index_cast %add3A_312 : i32 to index
      %swap3A_314 = tpu.vector_load %arg14[%swap3A_313] {strides = array<i32>} : memref<8192xf32, #tpu.memory_space<vmem>>, vector<16xf32>,
      tpu.vector_store %arg14[%swap3A_313], %broadcast_in_dim3A_6 {strides = array<i32>} : memref<8192xf32, #tpu.memory_space<vmem>>, vector<16xf32>,
      %add3A_315 = arith.constant 48 : i32
      %add3A_316 = arith.addi %mul3A_191, %add3A_315 : i32
      %swap3A_317 = arith.index_cast %add3A_316 : i32 to index
      %swap3A_318 = tpu.vector_load %arg14[%swap3A_317] {strides = array<i32>} : memref<8192xf32, #tpu.memory_space<vmem>>, vector<16xf32>,
      tpu.vector_store %arg14[%swap3A_317], %broadcast_in_dim3A_6 {strides = array<i32>} : memref<8192xf32, #tpu.memory_space<vmem>>, vector<16xf32>,
      %add3A_319 = arith.constant 0 : i32
      %add3A_320 = arith.addi %mul3A_191, %add3A_319 : i32
      %swap3A_321 = arith.index_cast %add3A_320 : i32 to index
      %swap3A_322 = tpu.vector_load %arg15[%swap3A_321] {strides = array<i32>} : memref<8192xf32, #tpu.memory_space<vmem>>, vector<16xf32>,
      tpu.vector_store %arg15[%swap3A_321], %broadcast_in_dim3A_6 {strides = array<i32>} : memref<8192xf32, #tpu.memory_space<vmem>>, vector<16xf32>,
      %add3A_323 = arith.constant 16 : i32
      %add3A_324 = arith.addi %mul3A_191, %add3A_323 : i32
      %swap3A_325 = arith.index_cast %add3A_324 : i32 to index
      %swap3A_326 = tpu.vector_load %arg15[%swap3A_325] {strides = array<i32>} : memref<8192xf32, #tpu.memory_space<vmem>>, vector<16xf32>,
      tpu.vector_store %arg15[%swap3A_325], %broadcast_in_dim3A_6 {strides = array<i32>} : memref<8192xf32, #tpu.memory_space<vmem>>, vector<16xf32>,
      %add3A_327 = arith.constant 32 : i32
      %add3A_328 = arith.addi %mul3A_191, %add3A_327 : i32
      %swap3A_329 = arith.index_cast %add3A_328 : i32 to index
      %swap3A_330 = tpu.vector_load %arg15[%swap3A_329] {strides = array<i32>} : memref<8192xf32, #tpu.memory_space<vmem>>, vector<16xf32>,
      tpu.vector_store %arg15[%swap3A_329], %broadcast_in_dim3A_6 {strides = array<i32>} : memref<8192xf32, #tpu.memory_space<vmem>>, vector<16xf32>,
      %add3A_331 = arith.constant 48 : i32
      %add3A_332 = arith.addi %mul3A_191, %add3A_331 : i32
      %swap3A_333 = arith.index_cast %add3A_332 : i32 to index
      %swap3A_334 = tpu.vector_load %arg15[%swap3A_333] {strides = array<i32>} : memref<8192xf32, #tpu.memory_space<vmem>>, vector<16xf32>,
      tpu.vector_store %arg15[%swap3A_333], %broadcast_in_dim3A_6 {strides = array<i32>} : memref<8192xf32, #tpu.memory_space<vmem>>, vector<16xf32>,
      %scan3A_335 = arith.constant 0 : i32
      scf.yield %scan3A_335 : i32
    }
    %scan3A_127 = arith.constant 128 : i32
    %dma_start3A_128 = arith.constant 0 : i32
    %dma_start3A_129 = arith.constant 0 : i32
    %dma_start3A_130 = tpu.memref_slice %arg5[%dma_start3A_128, %dma_start3A_129] : memref<2x4096xi32, #tpu.memory_space<vmem>> -> memref<1x4096xi32, #tpu.memory_space<vmem>>
    %dma_start3A_131 = tpu.memref_squeeze %dma_start3A_130 : memref<1x4096xi32, #tpu.memory_space<vmem>> -> memref<4096xi32, #tpu.memory_space<vmem>>
    %dma_start3A_132 = arith.constant 0 : i32
    %dma_start3A_133 = tpu.memref_slice %arg3[%select_n3A_120, %dma_start3A_132] : memref<2x262144xi32, #tpu.memory_space<hbm>> -> memref<1x4096xi32, #tpu.memory_space<hbm>>
    %dma_start3A_134 = tpu.memref_squeeze %dma_start3A_133 : memref<1x4096xi32, #tpu.memory_space<hbm>> -> memref<4096xi32, #tpu.memory_space<hbm>>
    %dma_start3A_135 = arith.constant 0 : i32
    %dma_start3A_136 = tpu.memref_slice %arg5[%dma_start3A_128, %dma_start3A_135] : memref<2x4096xi32, #tpu.memory_space<vmem>> -> memref<1x4096xi32, #tpu.memory_space<vmem>>
    %dma_start3A_137 = tpu.memref_squeeze %dma_start3A_136 : memref<1x4096xi32, #tpu.memory_space<vmem>> -> memref<4096xi32, #tpu.memory_space<vmem>>
    %dma_start3A_138 = arith.constant 0 : i32
    %dma_start3A_139 = tpu.memref_slice %arg3[%select_n3A_120, %dma_start3A_138] : memref<2x262144xi32, #tpu.memory_space<hbm>> -> memref<1x4096xi32, #tpu.memory_space<hbm>>
    %dma_start3A_140 = tpu.memref_squeeze %dma_start3A_139 : memref<1x4096xi32, #tpu.memory_space<hbm>> -> memref<4096xi32, #tpu.memory_space<hbm>>
    tpu.enqueue_dma source(%dma_start3A_140 : memref<4096xi32, #tpu.memory_space<hbm>>) target(%dma_start3A_137 : memref<4096xi32, #tpu.memory_space<vmem>>) target_semaphore(%arg17 : memref<!tpu.dma_semaphore, #tpu.memory_space<semaphore_mem>>)
    %dma_start3A_141 = arith.constant 0 : i32
    %dma_start3A_142 = arith.constant 0 : i32
    %dma_start3A_143 = arith.constant 0 : i32
    %dma_start3A_144 = tpu.memref_slice %arg6[%dma_start3A_141, %dma_start3A_142, %dma_start3A_143] : memref<2x3x4096xf32, #tpu.memory_space<vmem>> -> memref<1x3x4096xf32, #tpu.memory_space<vmem>>
    %dma_start3A_145 = tpu.memref_squeeze %dma_start3A_144 : memref<1x3x4096xf32, #tpu.memory_space<vmem>> -> memref<3x4096xf32, #tpu.memory_space<vmem>>
    %dma_start3A_146 = arith.constant 0 : i32
    %dma_start3A_147 = tpu.memref_slice %arg2[%add3A_96, %dma_start3A_146] : memref<192x262144xf32, #tpu.memory_space<hbm>> -> memref<3x4096xf32, #tpu.memory_space<hbm>>
    %dma_start3A_148 = arith.constant 0 : i32
    %dma_start3A_149 = arith.constant 0 : i32
    %dma_start3A_150 = tpu.memref_slice %arg6[%dma_start3A_141, %dma_start3A_148, %dma_start3A_149] : memref<2x3x4096xf32, #tpu.memory_space<vmem>> -> memref<1x3x4096xf32, #tpu.memory_space<vmem>>
    %dma_start3A_151 = tpu.memref_squeeze %dma_start3A_150 : memref<1x3x4096xf32, #tpu.memory_space<vmem>> -> memref<3x4096xf32, #tpu.memory_space<vmem>>
    %dma_start3A_152 = arith.constant 0 : i32
    %dma_start3A_153 = tpu.memref_slice %arg2[%add3A_96, %dma_start3A_152] : memref<192x262144xf32, #tpu.memory_space<hbm>> -> memref<3x4096xf32, #tpu.memory_space<hbm>>
    tpu.enqueue_dma source(%dma_start3A_153 : memref<3x4096xf32, #tpu.memory_space<hbm>>) target(%dma_start3A_151 : memref<3x4096xf32, #tpu.memory_space<vmem>>) target_semaphore(%arg17 : memref<!tpu.dma_semaphore, #tpu.memory_space<semaphore_mem>>)
    %scan3A_154 = arith.constant 0 : i32
    %scan3A_155 = arith.constant 0 : i32
    %scan3A_156 = arith.constant 32 : i32
    %scan3A_157 = arith.addi %scan3A_155, %scan3A_156 : i32
    %scan3A_158 = arith.constant 1 : i32
    %scan3A_159 = scf.for %scan3A_188 = %scan3A_155 to %scan3A_157 step %scan3A_158 iter_args(%scan3A_189 = %scan3A_154) -> (i32)  : i32 {
      %mul3A_190 = arith.constant 2 : i32
      %mul3A_191 = arith.muli %scan3A_188, %mul3A_190 : i32
      %add3A_192 = arith.constant 1 : i32
      %add3A_193 = arith.addi %mul3A_191, %add3A_192 : i32
      %mul3A_194 = arith.constant 4096 : i32
      %mul3A_195 = arith.muli %add3A_193, %mul3A_194 : i32
      %dma_start3A_196 = arith.constant 1 : i32
      %dma_start3A_197 = arith.constant 0 : i32
      %dma_start3A_198 = tpu.memref_slice %arg5[%dma_start3A_196, %dma_start3A_197] : memref<2x4096xi32, #tpu.memory_space<vmem>> -> memref<1x4096xi32, #tpu.memory_space<vmem>>
      %dma_start3A_199 = tpu.memref_squeeze %dma_start3A_198 : memref<1x4096xi32, #tpu.memory_space<vmem>> -> memref<4096xi32, #tpu.memory_space<vmem>>
      %dma_start3A_200 = tpu.memref_slice %arg3[%select_n3A_120, %mul3A_195] : memref<2x262144xi32, #tpu.memory_space<hbm>> -> memref<1x4096xi32, #tpu.memory_space<hbm>>
      %dma_start3A_201 = tpu.memref_squeeze %dma_start3A_200 : memref<1x4096xi32, #tpu.memory_space<hbm>> -> memref<4096xi32, #tpu.memory_space<hbm>>
      %dma_start3A_202 = arith.constant 0 : i32
      %dma_start3A_203 = tpu.memref_slice %arg5[%dma_start3A_196, %dma_start3A_202] : memref<2x4096xi32, #tpu.memory_space<vmem>> -> memref<1x4096xi32, #tpu.memory_space<vmem>>
      %dma_start3A_204 = tpu.memref_squeeze %dma_start3A_203 : memref<1x4096xi32, #tpu.memory_space<vmem>> -> memref<4096xi32, #tpu.memory_space<vmem>>
      %dma_start3A_205 = tpu.memref_slice %arg3[%select_n3A_120, %mul3A_195] : memref<2x262144xi32, #tpu.memory_space<hbm>> -> memref<1x4096xi32, #tpu.memory_space<hbm>>
      %dma_start3A_206 = tpu.memref_squeeze %dma_start3A_205 : memref<1x4096xi32, #tpu.memory_space<hbm>> -> memref<4096xi32, #tpu.memory_space<hbm>>
      tpu.enqueue_dma source(%dma_start3A_206 : memref<4096xi32, #tpu.memory_space<hbm>>) target(%dma_start3A_204 : memref<4096xi32, #tpu.memory_space<vmem>>) target_semaphore(%arg18 : memref<!tpu.dma_semaphore, #tpu.memory_space<semaphore_mem>>)
      %dma_start3A_207 = arith.constant 1 : i32
      %dma_start3A_208 = arith.constant 0 : i32
      %dma_start3A_209 = arith.constant 0 : i32
      %dma_start3A_210 = tpu.memref_slice %arg6[%dma_start3A_207, %dma_start3A_208, %dma_start3A_209] : memref<2x3x4096xf32, #tpu.memory_space<vmem>> -> memref<1x3x4096xf32, #tpu.memory_space<vmem>>
      %dma_start3A_211 = tpu.memref_squeeze %dma_start3A_210 : memref<1x3x4096xf32, #tpu.memory_space<vmem>> -> memref<3x4096xf32, #tpu.memory_space<vmem>>
      %dma_start3A_212 = tpu.memref_slice %arg2[%add3A_96, %mul3A_195] : memref<192x262144xf32, #tpu.memory_space<hbm>> -> memref<3x4096xf32, #tpu.memory_space<hbm>>
      %dma_start3A_213 = arith.constant 0 : i32
      %dma_start3A_214 = arith.constant 0 : i32
      %dma_start3A_215 = tpu.memref_slice %arg6[%dma_start3A_207, %dma_start3A_213, %dma_start3A_214] : memref<2x3x4096xf32, #tpu.memory_space<vmem>> -> memref<1x3x4096xf32, #tpu.memory_space<vmem>>
      %dma_start3A_216 = tpu.memref_squeeze %dma_start3A_215 : memref<1x3x4096xf32, #tpu.memory_space<vmem>> -> memref<3x4096xf32, #tpu.memory_space<vmem>>
      %dma_start3A_217 = tpu.memref_slice %arg2[%add3A_96, %mul3A_195] : memref<192x262144xf32, #tpu.memory_space<hbm>> -> memref<3x4096xf32, #tpu.memory_space<hbm>>
      tpu.enqueue_dma source(%dma_start3A_217 : memref<3x4096xf32, #tpu.memory_space<hbm>>) target(%dma_start3A_216 : memref<3x4096xf32, #tpu.memory_space<vmem>>) target_semaphore(%arg18 : memref<!tpu.dma_semaphore, #tpu.memory_space<semaphore_mem>>)
      %dma_wait3A = arith.constant 0 : i32
      %dma_wait3A_218 = arith.constant 0 : i32
      %dma_wait3A_219 = arith.constant 0 : i32
      %dma_wait3A_220 = tpu.memref_slice %arg5[%dma_wait3A_218, %dma_wait3A_219] : memref<2x4096xi32, #tpu.memory_space<vmem>> -> memref<1x4096xi32, #tpu.memory_space<vmem>>
      %dma_wait3A_221 = tpu.memref_squeeze %dma_wait3A_220 : memref<1x4096xi32, #tpu.memory_space<vmem>> -> memref<4096xi32, #tpu.memory_space<vmem>>
      %dma_wait3A_222 = arith.constant 0 : i32
      %dma_wait3A_223 = tpu.memref_slice %arg3[%dma_wait3A, %dma_wait3A_222] : memref<2x262144xi32, #tpu.memory_space<hbm>> -> memref<1x4096xi32, #tpu.memory_space<hbm>>
      %dma_wait3A_224 = tpu.memref_squeeze %dma_wait3A_223 : memref<1x4096xi32, #tpu.memory_space<hbm>> -> memref<4096xi32, #tpu.memory_space<hbm>>
      %dma_wait3A_225 = arith.constant 0 : i32
      %dma_wait3A_226 = tpu.memref_slice %arg5[%dma_wait3A_218, %dma_wait3A_225] : memref<2x4096xi32, #tpu.memory_space<vmem>> -> memref<1x4096xi32, #tpu.memory_space<vmem>>
      %dma_wait3A_227 = tpu.memref_squeeze %dma_wait3A_226 : memref<1x4096xi32, #tpu.memory_space<vmem>> -> memref<4096xi32, #tpu.memory_space<vmem>>
      %dma_wait3A_228 = arith.constant 0 : i32
      %dma_wait3A_229 = tpu.memref_slice %arg3[%dma_wait3A, %dma_wait3A_228] : memref<2x262144xi32, #tpu.memory_space<hbm>> -> memref<1x4096xi32, #tpu.memory_space<hbm>>
      %dma_wait3A_230 = tpu.memref_squeeze %dma_wait3A_229 : memref<1x4096xi32, #tpu.memory_space<hbm>> -> memref<4096xi32, #tpu.memory_space<hbm>>
      tpu.wait_dma2 semaphore(%arg17 : memref<!tpu.dma_semaphore, #tpu.memory_space<semaphore_mem>>) src(%dma_wait3A_230 : memref<4096xi32, #tpu.memory_space<hbm>>) dst(%dma_wait3A_227 : memref<4096xi32, #tpu.memory_space<vmem>>)
      %dma_wait3A_231 = arith.constant 0 : i32
      %dma_wait3A_232 = arith.constant 0 : i32
      %dma_wait3A_233 = arith.constant 0 : i32
      %dma_wait3A_234 = tpu.memref_slice %arg6[%dma_wait3A_231, %dma_wait3A_232, %dma_wait3A_233] : memref<2x3x4096xf32, #tpu.memory_space<vmem>> -> memref<1x3x4096xf32, #tpu.memory_space<vmem>>
      %dma_wait3A_235 = tpu.memref_squeeze %dma_wait3A_234 : memref<1x3x4096xf32, #tpu.memory_space<vmem>> -> memref<3x4096xf32, #tpu.memory_space<vmem>>
      %dma_wait3A_236 = arith.constant 0 : i32
      %dma_wait3A_237 = arith.constant 0 : i32
      %dma_wait3A_238 = tpu.memref_slice %arg2[%dma_wait3A_236, %dma_wait3A_237] : memref<192x262144xf32, #tpu.memory_space<hbm>> -> memref<3x4096xf32, #tpu.memory_space<hbm>>
      %dma_wait3A_239 = arith.constant 0 : i32
      %dma_wait3A_240 = arith.constant 0 : i32
      %dma_wait3A_241 = tpu.memref_slice %arg6[%dma_wait3A_231, %dma_wait3A_239, %dma_wait3A_240] : memref<2x3x4096xf32, #tpu.memory_space<vmem>> -> memref<1x3x4096xf32, #tpu.memory_space<vmem>>
      %dma_wait3A_242 = tpu.memref_squeeze %dma_wait3A_241 : memref<1x3x4096xf32, #tpu.memory_space<vmem>> -> memref<3x4096xf32, #tpu.memory_space<vmem>>
      %dma_wait3A_243 = arith.constant 0 : i32
      %dma_wait3A_244 = arith.constant 0 : i32
      %dma_wait3A_245 = tpu.memref_slice %arg2[%dma_wait3A_243, %dma_wait3A_244] : memref<192x262144xf32, #tpu.memory_space<hbm>> -> memref<3x4096xf32, #tpu.memory_space<hbm>>
      tpu.wait_dma2 semaphore(%arg17 : memref<!tpu.dma_semaphore, #tpu.memory_space<semaphore_mem>>) src(%dma_wait3A_245 : memref<3x4096xf32, #tpu.memory_space<hbm>>) dst(%dma_wait3A_242 : memref<3x4096xf32, #tpu.memory_space<vmem>>)
      %scan3A_246 = arith.constant 0 : i32
      %scan3A_247 = arith.constant 0 : i32
      %scan3A_248 = arith.constant 32 : i32
      %scan3A_249 = arith.addi %scan3A_247, %scan3A_248 : i32
      %scan3A_250 = arith.constant 1 : i32
      %scan3A_251 = scf.for %scan3A_294 = %scan3A_247 to %scan3A_249 step %scan3A_250 iter_args(%scan3A_295 = %scan3A_246) -> (i32)  : i32 {
        %mul3A_296 = arith.constant 128 : i32
        %mul3A_297 = arith.muli %scan3A_294, %mul3A_296 : i32
        %add3A_298 = arith.constant 0 : i32
        %add3A_299 = arith.addi %mul3A_297, %add3A_298 : i32
        %get3A = arith.constant 0 : i32
        %get3A_300 = arith.index_cast %get3A : i32 to index
        %get3A_301 = arith.index_cast %add3A_299 : i32 to index
        %get3A_302 = tpu.vector_load %arg5[%get3A_300, %get3A_301] {strides = array<i32>} : memref<2x4096xi32, #tpu.memory_space<vmem>>, vector<16xi32>,
        %add3A_303 = arith.addi %mul3A_5, %get3A_302 : vector<16xi32>
        %rev3A = arith.constant 15 : i32
        %rev3A_304 = vector.broadcast %rev3A : i32 to vector<16xi32>
        %rev3A_305 = tpu.iota {dimensions = array<i32: 0>} : vector<16xi32>
        %rev3A_306 = arith.subi %rev3A_304, %rev3A_305 : vector<16xi32>
        %rev3A_307 = tpu.dynamic_gather %add3A_303[%rev3A_306] in [0] : vector<16xi32>, vector<16xi32> -> vector<16xi32>
        %eq3A = arith.cmpi eq, %add3A_303, %rev3A_307 : vector<16xi32>
        %get3A_308 = arith.constant 0 : i32
        %get3A_309 = arith.constant 0 : i32
        %get3A_310 = arith.index_cast %get3A_308 : i32 to index
        %get3A_311 = arith.index_cast %get3A_309 : i32 to index
        %get3A_312 = arith.index_cast %add3A_299 : i32 to index
        %get3A_313 = tpu.vector_load %arg6[%get3A_310, %get3A_311, %get3A_312] {strides = array<i32>} : memref<2x3x4096xf32, #tpu.memory_space<vmem>>, vector<16xf32>,
        %rev3A_314 = arith.constant 15 : i32
        %rev3A_315 = vector.broadcast %rev3A_314 : i32 to vector<16xi32>
        %rev3A_316 = tpu.iota {dimensions = array<i32: 0>} : vector<16xi32>
        %rev3A_317 = arith.subi %rev3A_315, %rev3A_316 : vector<16xi32>
        %rev3A_318 = tpu.dynamic_gather %get3A_313[%rev3A_317] in [0] : vector<16xf32>, vector<16xi32> -> vector<16xf32>
        %max3A = arith.maximumf %get3A_313, %rev3A_318 : vector<16xf32>
        %select_n3A_319 = arith.select %eq3A, %max3A, %get3A_313 : vector<16xi1>, vector<16xf32>
        %gather3A = tpu.vector_load_idx %arg7[%add3A_303] : memref<8192xf32, #tpu.memory_space<vmem>>[vector<16xi32>], vector<16xf32>,
        %max3A_320 = arith.maximumf %gather3A, %select_n3A_319 : vector<16xf32>
        tpu.vector_store_idx %arg7[%add3A_303], %max3A_320 : memref<8192xf32, #tpu.memory_space<vmem>>[vector<16xi32>], vector<16xf32>,
        %get3A_321 = arith.constant 0 : i32
        %get3A_322 = arith.constant 1 : i32
        %get3A_323 = arith.index_cast %get3A_321 : i32 to index
        %get3A_324 = arith.index_cast %get3A_322 : i32 to index
        %get3A_325 = arith.index_cast %add3A_299 : i32 to index
        %get3A_326 = tpu.vector_load %arg6[%get3A_323, %get3A_324, %get3A_325] {strides = array<i32>} : memref<2x3x4096xf32, #tpu.memory_space<vmem>>, vector<16xf32>,
        %rev3A_327 = arith.constant 15 : i32
        %rev3A_328 = vector.broadcast %rev3A_327 : i32 to vector<16xi32>
        %rev3A_329 = tpu.iota {dimensions = array<i32: 0>} : vector<16xi32>
        %rev3A_330 = arith.subi %rev3A_328, %rev3A_329 : vector<16xi32>
        %rev3A_331 = tpu.dynamic_gather %get3A_326[%rev3A_330] in [0] : vector<16xf32>, vector<16xi32> -> vector<16xf32>
        %max3A_332 = arith.maximumf %get3A_326, %rev3A_331 : vector<16xf32>
        %select_n3A_333 = arith.select %eq3A, %max3A_332, %get3A_326 : vector<16xi1>, vector<16xf32>
        %gather3A_334 = tpu.vector_load_idx %arg10[%add3A_303] : memref<8192xf32, #tpu.memory_space<vmem>>[vector<16xi32>], vector<16xf32>,
        %max3A_335 = arith.maximumf %gather3A_334, %select_n3A_333 : vector<16xf32>
        tpu.vector_store_idx %arg10[%add3A_303], %max3A_335 : memref<8192xf32, #tpu.memory_space<vmem>>[vector<16xi32>], vector<16xf32>,
        %get3A_336 = arith.constant 0 : i32
        %get3A_337 = arith.constant 2 : i32
        %get3A_338 = arith.index_cast %get3A_336 : i32 to index
        %get3A_339 = arith.index_cast %get3A_337 : i32 to index
        %get3A_340 = arith.index_cast %add3A_299 : i32 to index
        %get3A_341 = tpu.vector_load %arg6[%get3A_338, %get3A_339, %get3A_340] {strides = array<i32>} : memref<2x3x4096xf32, #tpu.memory_space<vmem>>, vector<16xf32>,
        %rev3A_342 = arith.constant 15 : i32
        %rev3A_343 = vector.broadcast %rev3A_342 : i32 to vector<16xi32>
        %rev3A_344 = tpu.iota {dimensions = array<i32: 0>} : vector<16xi32>
        %rev3A_345 = arith.subi %rev3A_343, %rev3A_344 : vector<16xi32>
        %rev3A_346 = tpu.dynamic_gather %get3A_341[%rev3A_345] in [0] : vector<16xf32>, vector<16xi32> -> vector<16xf32>
        %max3A_347 = arith.maximumf %get3A_341, %rev3A_346 : vector<16xf32>
        %select_n3A_348 = arith.select %eq3A, %max3A_347, %get3A_341 : vector<16xi1>, vector<16xf32>
        %gather3A_349 = tpu.vector_load_idx %arg13[%add3A_303] : memref<8192xf32, #tpu.memory_space<vmem>>[vector<16xi32>], vector<16xf32>,
        %max3A_350 = arith.maximumf %gather3A_349, %select_n3A_348 : vector<16xf32>
        tpu.vector_store_idx %arg13[%add3A_303], %max3A_350 : memref<8192xf32, #tpu.memory_space<vmem>>[vector<16xi32>], vector<16xf32>,
        %add3A_351 = arith.constant 16 : i32
        %add3A_352 = arith.addi %mul3A_297, %add3A_351 : i32
        %get3A_353 = arith.constant 0 : i32
        %get3A_354 = arith.index_cast %get3A_353 : i32 to index
        %get3A_355 = arith.index_cast %add3A_352 : i32 to index
        %get3A_356 = tpu.vector_load %arg5[%get3A_354, %get3A_355] {strides = array<i32>} : memref<2x4096xi32, #tpu.memory_space<vmem>>, vector<16xi32>,
        %add3A_357 = arith.addi %mul3A_5, %get3A_356 : vector<16xi32>
        %rev3A_358 = arith.constant 15 : i32
        %rev3A_359 = vector.broadcast %rev3A_358 : i32 to vector<16xi32>
        %rev3A_360 = tpu.iota {dimensions = array<i32: 0>} : vector<16xi32>
        %rev3A_361 = arith.subi %rev3A_359, %rev3A_360 : vector<16xi32>
        %rev3A_362 = tpu.dynamic_gather %add3A_357[%rev3A_361] in [0] : vector<16xi32>, vector<16xi32> -> vector<16xi32>
        %eq3A_363 = arith.cmpi eq, %add3A_357, %rev3A_362 : vector<16xi32>
        %get3A_364 = arith.constant 0 : i32
        %get3A_365 = arith.constant 0 : i32
        %get3A_366 = arith.index_cast %get3A_364 : i32 to index
        %get3A_367 = arith.index_cast %get3A_365 : i32 to index
        %get3A_368 = arith.index_cast %add3A_352 : i32 to index
        %get3A_369 = tpu.vector_load %arg6[%get3A_366, %get3A_367, %get3A_368] {strides = array<i32>} : memref<2x3x4096xf32, #tpu.memory_space<vmem>>, vector<16xf32>,
        %rev3A_370 = arith.constant 15 : i32
        %rev3A_371 = vector.broadcast %rev3A_370 : i32 to vector<16xi32>
        %rev3A_372 = tpu.iota {dimensions = array<i32: 0>} : vector<16xi32>
        %rev3A_373 = arith.subi %rev3A_371, %rev3A_372 : vector<16xi32>
        %rev3A_374 = tpu.dynamic_gather %get3A_369[%rev3A_373] in [0] : vector<16xf32>, vector<16xi32> -> vector<16xf32>
        %max3A_375 = arith.maximumf %get3A_369, %rev3A_374 : vector<16xf32>
        %select_n3A_376 = arith.select %eq3A_363, %max3A_375, %get3A_369 : vector<16xi1>, vector<16xf32>
        %gather3A_377 = tpu.vector_load_idx %arg8[%add3A_357] : memref<8192xf32, #tpu.memory_space<vmem>>[vector<16xi32>], vector<16xf32>,
        %max3A_378 = arith.maximumf %gather3A_377, %select_n3A_376 : vector<16xf32>
        tpu.vector_store_idx %arg8[%add3A_357], %max3A_378 : memref<8192xf32, #tpu.memory_space<vmem>>[vector<16xi32>], vector<16xf32>,
        %get3A_379 = arith.constant 0 : i32
        %get3A_380 = arith.constant 1 : i32
        %get3A_381 = arith.index_cast %get3A_379 : i32 to index
        %get3A_382 = arith.index_cast %get3A_380 : i32 to index
        %get3A_383 = arith.index_cast %add3A_352 : i32 to index
        %get3A_384 = tpu.vector_load %arg6[%get3A_381, %get3A_382, %get3A_383] {strides = array<i32>} : memref<2x3x4096xf32, #tpu.memory_space<vmem>>, vector<16xf32>,
        %rev3A_385 = arith.constant 15 : i32
        %rev3A_386 = vector.broadcast %rev3A_385 : i32 to vector<16xi32>
        %rev3A_387 = tpu.iota {dimensions = array<i32: 0>} : vector<16xi32>
        %rev3A_388 = arith.subi %rev3A_386, %rev3A_387 : vector<16xi32>
        %rev3A_389 = tpu.dynamic_gather %get3A_384[%rev3A_388] in [0] : vector<16xf32>, vector<16xi32> -> vector<16xf32>
        %max3A_390 = arith.maximumf %get3A_384, %rev3A_389 : vector<16xf32>
        %select_n3A_391 = arith.select %eq3A_363, %max3A_390, %get3A_384 : vector<16xi1>, vector<16xf32>
        %gather3A_392 = tpu.vector_load_idx %arg11[%add3A_357] : memref<8192xf32, #tpu.memory_space<vmem>>[vector<16xi32>], vector<16xf32>,
        %max3A_393 = arith.maximumf %gather3A_392, %select_n3A_391 : vector<16xf32>
        tpu.vector_store_idx %arg11[%add3A_357], %max3A_393 : memref<8192xf32, #tpu.memory_space<vmem>>[vector<16xi32>], vector<16xf32>,
        %get3A_394 = arith.constant 0 : i32
        %get3A_395 = arith.constant 2 : i32
        %get3A_396 = arith.index_cast %get3A_394 : i32 to index
        %get3A_397 = arith.index_cast %get3A_395 : i32 to index
        %get3A_398 = arith.index_cast %add3A_352 : i32 to index
        %get3A_399 = tpu.vector_load %arg6[%get3A_396, %get3A_397, %get3A_398] {strides = array<i32>} : memref<2x3x4096xf32, #tpu.memory_space<vmem>>, vector<16xf32>,
        %rev3A_400 = arith.constant 15 : i32
        %rev3A_401 = vector.broadcast %rev3A_400 : i32 to vector<16xi32>
        %rev3A_402 = tpu.iota {dimensions = array<i32: 0>} : vector<16xi32>
        %rev3A_403 = arith.subi %rev3A_401, %rev3A_402 : vector<16xi32>
        %rev3A_404 = tpu.dynamic_gather %get3A_399[%rev3A_403] in [0] : vector<16xf32>, vector<16xi32> -> vector<16xf32>
        %max3A_405 = arith.maximumf %get3A_399, %rev3A_404 : vector<16xf32>
        %select_n3A_406 = arith.select %eq3A_363, %max3A_405, %get3A_399 : vector<16xi1>, vector<16xf32>
        %gather3A_407 = tpu.vector_load_idx %arg14[%add3A_357] : memref<8192xf32, #tpu.memory_space<vmem>>[vector<16xi32>], vector<16xf32>,
        %max3A_408 = arith.maximumf %gather3A_407, %select_n3A_406 : vector<16xf32>
        tpu.vector_store_idx %arg14[%add3A_357], %max3A_408 : memref<8192xf32, #tpu.memory_space<vmem>>[vector<16xi32>], vector<16xf32>,
        %add3A_409 = arith.constant 32 : i32
        %add3A_410 = arith.addi %mul3A_297, %add3A_409 : i32
        %get3A_411 = arith.constant 0 : i32
        %get3A_412 = arith.index_cast %get3A_411 : i32 to index
        %get3A_413 = arith.index_cast %add3A_410 : i32 to index
        %get3A_414 = tpu.vector_load %arg5[%get3A_412, %get3A_413] {strides = array<i32>} : memref<2x4096xi32, #tpu.memory_space<vmem>>, vector<16xi32>,
        %add3A_415 = arith.addi %mul3A_5, %get3A_414 : vector<16xi32>
        %rev3A_416 = arith.constant 15 : i32
        %rev3A_417 = vector.broadcast %rev3A_416 : i32 to vector<16xi32>
        %rev3A_418 = tpu.iota {dimensions = array<i32: 0>} : vector<16xi32>
        %rev3A_419 = arith.subi %rev3A_417, %rev3A_418 : vector<16xi32>
        %rev3A_420 = tpu.dynamic_gather %add3A_415[%rev3A_419] in [0] : vector<16xi32>, vector<16xi32> -> vector<16xi32>
        %eq3A_421 = arith.cmpi eq, %add3A_415, %rev3A_420 : vector<16xi32>
        %get3A_422 = arith.constant 0 : i32
        %get3A_423 = arith.constant 0 : i32
        %get3A_424 = arith.index_cast %get3A_422 : i32 to index
        %get3A_425 = arith.index_cast %get3A_423 : i32 to index
        %get3A_426 = arith.index_cast %add3A_410 : i32 to index
        %get3A_427 = tpu.vector_load %arg6[%get3A_424, %get3A_425, %get3A_426] {strides = array<i32>} : memref<2x3x4096xf32, #tpu.memory_space<vmem>>, vector<16xf32>,
        %rev3A_428 = arith.constant 15 : i32
        %rev3A_429 = vector.broadcast %rev3A_428 : i32 to vector<16xi32>
        %rev3A_430 = tpu.iota {dimensions = array<i32: 0>} : vector<16xi32>
        %rev3A_431 = arith.subi %rev3A_429, %rev3A_430 : vector<16xi32>
        %rev3A_432 = tpu.dynamic_gather %get3A_427[%rev3A_431] in [0] : vector<16xf32>, vector<16xi32> -> vector<16xf32>
        %max3A_433 = arith.maximumf %get3A_427, %rev3A_432 : vector<16xf32>
        %select_n3A_434 = arith.select %eq3A_421, %max3A_433, %get3A_427 : vector<16xi1>, vector<16xf32>
        %gather3A_435 = tpu.vector_load_idx %arg9[%add3A_415] : memref<8192xf32, #tpu.memory_space<vmem>>[vector<16xi32>], vector<16xf32>,
        %max3A_436 = arith.maximumf %gather3A_435, %select_n3A_434 : vector<16xf32>
        tpu.vector_store_idx %arg9[%add3A_415], %max3A_436 : memref<8192xf32, #tpu.memory_space<vmem>>[vector<16xi32>], vector<16xf32>,
        %get3A_437 = arith.constant 0 : i32
        %get3A_438 = arith.constant 1 : i32
        %get3A_439 = arith.index_cast %get3A_437 : i32 to index
        %get3A_440 = arith.index_cast %get3A_438 : i32 to index
        %get3A_441 = arith.index_cast %add3A_410 : i32 to index
        %get3A_442 = tpu.vector_load %arg6[%get3A_439, %get3A_440, %get3A_441] {strides = array<i32>} : memref<2x3x4096xf32, #tpu.memory_space<vmem>>, vector<16xf32>,
        %rev3A_443 = arith.constant 15 : i32
        %rev3A_444 = vector.broadcast %rev3A_443 : i32 to vector<16xi32>
        %rev3A_445 = tpu.iota {dimensions = array<i32: 0>} : vector<16xi32>
        %rev3A_446 = arith.subi %rev3A_444, %rev3A_445 : vector<16xi32>
        %rev3A_447 = tpu.dynamic_gather %get3A_442[%rev3A_446] in [0] : vector<16xf32>, vector<16xi32> -> vector<16xf32>
        %max3A_448 = arith.maximumf %get3A_442, %rev3A_447 : vector<16xf32>
        %select_n3A_449 = arith.select %eq3A_421, %max3A_448, %get3A_442 : vector<16xi1>, vector<16xf32>
        %gather3A_450 = tpu.vector_load_idx %arg12[%add3A_415] : memref<8192xf32, #tpu.memory_space<vmem>>[vector<16xi32>], vector<16xf32>,
        %max3A_451 = arith.maximumf %gather3A_450, %select_n3A_449 : vector<16xf32>
        tpu.vector_store_idx %arg12[%add3A_415], %max3A_451 : memref<8192xf32, #tpu.memory_space<vmem>>[vector<16xi32>], vector<16xf32>,
        %get3A_452 = arith.constant 0 : i32
        %get3A_453 = arith.constant 2 : i32
        %get3A_454 = arith.index_cast %get3A_452 : i32 to index
        %get3A_455 = arith.index_cast %get3A_453 : i32 to index
        %get3A_456 = arith.index_cast %add3A_410 : i32 to index
        %get3A_457 = tpu.vector_load %arg6[%get3A_454, %get3A_455, %get3A_456] {strides = array<i32>} : memref<2x3x4096xf32, #tpu.memory_space<vmem>>, vector<16xf32>,
        %rev3A_458 = arith.constant 15 : i32
        %rev3A_459 = vector.broadcast %rev3A_458 : i32 to vector<16xi32>
        %rev3A_460 = tpu.iota {dimensions = array<i32: 0>} : vector<16xi32>
        %rev3A_461 = arith.subi %rev3A_459, %rev3A_460 : vector<16xi32>
        %rev3A_462 = tpu.dynamic_gather %get3A_457[%rev3A_461] in [0] : vector<16xf32>, vector<16xi32> -> vector<16xf32>
        %max3A_463 = arith.maximumf %get3A_457, %rev3A_462 : vector<16xf32>
        %select_n3A_464 = arith.select %eq3A_421, %max3A_463, %get3A_457 : vector<16xi1>, vector<16xf32>
        %gather3A_465 = tpu.vector_load_idx %arg15[%add3A_415] : memref<8192xf32, #tpu.memory_space<vmem>>[vector<16xi32>], vector<16xf32>,
        %max3A_466 = arith.maximumf %gather3A_465, %select_n3A_464 : vector<16xf32>
        tpu.vector_store_idx %arg15[%add3A_415], %max3A_466 : memref<8192xf32, #tpu.memory_space<vmem>>[vector<16xi32>], vector<16xf32>,
        %add3A_467 = arith.constant 48 : i32
        %add3A_468 = arith.addi %mul3A_297, %add3A_467 : i32
        %get3A_469 = arith.constant 0 : i32
        %get3A_470 = arith.index_cast %get3A_469 : i32 to index
        %get3A_471 = arith.index_cast %add3A_468 : i32 to index
        %get3A_472 = tpu.vector_load %arg5[%get3A_470, %get3A_471] {strides = array<i32>} : memref<2x4096xi32, #tpu.memory_space<vmem>>, vector<16xi32>,
        %add3A_473 = arith.addi %mul3A_5, %get3A_472 : vector<16xi32>
        %rev3A_474 = arith.constant 15 : i32
        %rev3A_475 = vector.broadcast %rev3A_474 : i32 to vector<16xi32>
        %rev3A_476 = tpu.iota {dimensions = array<i32: 0>} : vector<16xi32>
        %rev3A_477 = arith.subi %rev3A_475, %rev3A_476 : vector<16xi32>
        %rev3A_478 = tpu.dynamic_gather %add3A_473[%rev3A_477] in [0] : vector<16xi32>, vector<16xi32> -> vector<16xi32>
        %eq3A_479 = arith.cmpi eq, %add3A_473, %rev3A_478 : vector<16xi32>
        %get3A_480 = arith.constant 0 : i32
        %get3A_481 = arith.constant 0 : i32
        %get3A_482 = arith.index_cast %get3A_480 : i32 to index
        %get3A_483 = arith.index_cast %get3A_481 : i32 to index
        %get3A_484 = arith.index_cast %add3A_468 : i32 to index
        %get3A_485 = tpu.vector_load %arg6[%get3A_482, %get3A_483, %get3A_484] {strides = array<i32>} : memref<2x3x4096xf32, #tpu.memory_space<vmem>>, vector<16xf32>,
        %rev3A_486 = arith.constant 15 : i32
        %rev3A_487 = vector.broadcast %rev3A_486 : i32 to vector<16xi32>
        %rev3A_488 = tpu.iota {dimensions = array<i32: 0>} : vector<16xi32>
        %rev3A_489 = arith.subi %rev3A_487, %rev3A_488 : vector<16xi32>
        %rev3A_490 = tpu.dynamic_gather %get3A_485[%rev3A_489] in [0] : vector<16xf32>, vector<16xi32> -> vector<16xf32>
        %max3A_491 = arith.maximumf %get3A_485, %rev3A_490 : vector<16xf32>
        %select_n3A_492 = arith.select %eq3A_479, %max3A_491, %get3A_485 : vector<16xi1>, vector<16xf32>
        %gather3A_493 = tpu.vector_load_idx %arg7[%add3A_473] : memref<8192xf32, #tpu.memory_space<vmem>>[vector<16xi32>], vector<16xf32>,
        %max3A_494 = arith.maximumf %gather3A_493, %select_n3A_492 : vector<16xf32>
        tpu.vector_store_idx %arg7[%add3A_473], %max3A_494 : memref<8192xf32, #tpu.memory_space<vmem>>[vector<16xi32>], vector<16xf32>,
        %get3A_495 = arith.constant 0 : i32
        %get3A_496 = arith.constant 1 : i32
        %get3A_497 = arith.index_cast %get3A_495 : i32 to index
        %get3A_498 = arith.index_cast %get3A_496 : i32 to index
        %get3A_499 = arith.index_cast %add3A_468 : i32 to index
        %get3A_500 = tpu.vector_load %arg6[%get3A_497, %get3A_498, %get3A_499] {strides = array<i32>} : memref<2x3x4096xf32, #tpu.memory_space<vmem>>, vector<16xf32>,
        %rev3A_501 = arith.constant 15 : i32
        %rev3A_502 = vector.broadcast %rev3A_501 : i32 to vector<16xi32>
        %rev3A_503 = tpu.iota {dimensions = array<i32: 0>} : vector<16xi32>
        %rev3A_504 = arith.subi %rev3A_502, %rev3A_503 : vector<16xi32>
        %rev3A_505 = tpu.dynamic_gather %get3A_500[%rev3A_504] in [0] : vector<16xf32>, vector<16xi32> -> vector<16xf32>
        %max3A_506 = arith.maximumf %get3A_500, %rev3A_505 : vector<16xf32>
        %select_n3A_507 = arith.select %eq3A_479, %max3A_506, %get3A_500 : vector<16xi1>, vector<16xf32>
        %gather3A_508 = tpu.vector_load_idx %arg10[%add3A_473] : memref<8192xf32, #tpu.memory_space<vmem>>[vector<16xi32>], vector<16xf32>,
        %max3A_509 = arith.maximumf %gather3A_508, %select_n3A_507 : vector<16xf32>
        tpu.vector_store_idx %arg10[%add3A_473], %max3A_509 : memref<8192xf32, #tpu.memory_space<vmem>>[vector<16xi32>], vector<16xf32>,
        %get3A_510 = arith.constant 0 : i32
        %get3A_511 = arith.constant 2 : i32
        %get3A_512 = arith.index_cast %get3A_510 : i32 to index
        %get3A_513 = arith.index_cast %get3A_511 : i32 to index
        %get3A_514 = arith.index_cast %add3A_468 : i32 to index
        %get3A_515 = tpu.vector_load %arg6[%get3A_512, %get3A_513, %get3A_514] {strides = array<i32>} : memref<2x3x4096xf32, #tpu.memory_space<vmem>>, vector<16xf32>,
        %rev3A_516 = arith.constant 15 : i32
        %rev3A_517 = vector.broadcast %rev3A_516 : i32 to vector<16xi32>
        %rev3A_518 = tpu.iota {dimensions = array<i32: 0>} : vector<16xi32>
        %rev3A_519 = arith.subi %rev3A_517, %rev3A_518 : vector<16xi32>
        %rev3A_520 = tpu.dynamic_gather %get3A_515[%rev3A_519] in [0] : vector<16xf32>, vector<16xi32> -> vector<16xf32>
        %max3A_521 = arith.maximumf %get3A_515, %rev3A_520 : vector<16xf32>
        %select_n3A_522 = arith.select %eq3A_479, %max3A_521, %get3A_515 : vector<16xi1>, vector<16xf32>
        %gather3A_523 = tpu.vector_load_idx %arg13[%add3A_473] : memref<8192xf32, #tpu.memory_space<vmem>>[vector<16xi32>], vector<16xf32>,
        %max3A_524 = arith.maximumf %gather3A_523, %select_n3A_522 : vector<16xf32>
        tpu.vector_store_idx %arg13[%add3A_473], %max3A_524 : memref<8192xf32, #tpu.memory_space<vmem>>[vector<16xi32>], vector<16xf32>,
        %add3A_525 = arith.constant 64 : i32
        %add3A_526 = arith.addi %mul3A_297, %add3A_525 : i32
        %get3A_527 = arith.constant 0 : i32
        %get3A_528 = arith.index_cast %get3A_527 : i32 to index
        %get3A_529 = arith.index_cast %add3A_526 : i32 to index
        %get3A_530 = tpu.vector_load %arg5[%get3A_528, %get3A_529] {strides = array<i32>} : memref<2x4096xi32, #tpu.memory_space<vmem>>, vector<16xi32>,
        %add3A_531 = arith.addi %mul3A_5, %get3A_530 : vector<16xi32>
        %rev3A_532 = arith.constant 15 : i32
        %rev3A_533 = vector.broadcast %rev3A_532 : i32 to vector<16xi32>
        %rev3A_534 = tpu.iota {dimensions = array<i32: 0>} : vector<16xi32>
        %rev3A_535 = arith.subi %rev3A_533, %rev3A_534 : vector<16xi32>
        %rev3A_536 = tpu.dynamic_gather %add3A_531[%rev3A_535] in [0] : vector<16xi32>, vector<16xi32> -> vector<16xi32>
        %eq3A_537 = arith.cmpi eq, %add3A_531, %rev3A_536 : vector<16xi32>
        %get3A_538 = arith.constant 0 : i32
        %get3A_539 = arith.constant 0 : i32
        %get3A_540 = arith.index_cast %get3A_538 : i32 to index
        %get3A_541 = arith.index_cast %get3A_539 : i32 to index
        %get3A_542 = arith.index_cast %add3A_526 : i32 to index
        %get3A_543 = tpu.vector_load %arg6[%get3A_540, %get3A_541, %get3A_542] {strides = array<i32>} : memref<2x3x4096xf32, #tpu.memory_space<vmem>>, vector<16xf32>,
        %rev3A_544 = arith.constant 15 : i32
        %rev3A_545 = vector.broadcast %rev3A_544 : i32 to vector<16xi32>
        %rev3A_546 = tpu.iota {dimensions = array<i32: 0>} : vector<16xi32>
        %rev3A_547 = arith.subi %rev3A_545, %rev3A_546 : vector<16xi32>
        %rev3A_548 = tpu.dynamic_gather %get3A_543[%rev3A_547] in [0] : vector<16xf32>, vector<16xi32> -> vector<16xf32>
        %max3A_549 = arith.maximumf %get3A_543, %rev3A_548 : vector<16xf32>
        %select_n3A_550 = arith.select %eq3A_537, %max3A_549, %get3A_543 : vector<16xi1>, vector<16xf32>
        %gather3A_551 = tpu.vector_load_idx %arg8[%add3A_531] : memref<8192xf32, #tpu.memory_space<vmem>>[vector<16xi32>], vector<16xf32>,
        %max3A_552 = arith.maximumf %gather3A_551, %select_n3A_550 : vector<16xf32>
        tpu.vector_store_idx %arg8[%add3A_531], %max3A_552 : memref<8192xf32, #tpu.memory_space<vmem>>[vector<16xi32>], vector<16xf32>,
        %get3A_553 = arith.constant 0 : i32
        %get3A_554 = arith.constant 1 : i32
        %get3A_555 = arith.index_cast %get3A_553 : i32 to index
        %get3A_556 = arith.index_cast %get3A_554 : i32 to index
        %get3A_557 = arith.index_cast %add3A_526 : i32 to index
        %get3A_558 = tpu.vector_load %arg6[%get3A_555, %get3A_556, %get3A_557] {strides = array<i32>} : memref<2x3x4096xf32, #tpu.memory_space<vmem>>, vector<16xf32>,
        %rev3A_559 = arith.constant 15 : i32
        %rev3A_560 = vector.broadcast %rev3A_559 : i32 to vector<16xi32>
        %rev3A_561 = tpu.iota {dimensions = array<i32: 0>} : vector<16xi32>
        %rev3A_562 = arith.subi %rev3A_560, %rev3A_561 : vector<16xi32>
        %rev3A_563 = tpu.dynamic_gather %get3A_558[%rev3A_562] in [0] : vector<16xf32>, vector<16xi32> -> vector<16xf32>
        %max3A_564 = arith.maximumf %get3A_558, %rev3A_563 : vector<16xf32>
        %select_n3A_565 = arith.select %eq3A_537, %max3A_564, %get3A_558 : vector<16xi1>, vector<16xf32>
        %gather3A_566 = tpu.vector_load_idx %arg11[%add3A_531] : memref<8192xf32, #tpu.memory_space<vmem>>[vector<16xi32>], vector<16xf32>,
        %max3A_567 = arith.maximumf %gather3A_566, %select_n3A_565 : vector<16xf32>
        tpu.vector_store_idx %arg11[%add3A_531], %max3A_567 : memref<8192xf32, #tpu.memory_space<vmem>>[vector<16xi32>], vector<16xf32>,
        %get3A_568 = arith.constant 0 : i32
        %get3A_569 = arith.constant 2 : i32
        %get3A_570 = arith.index_cast %get3A_568 : i32 to index
        %get3A_571 = arith.index_cast %get3A_569 : i32 to index
        %get3A_572 = arith.index_cast %add3A_526 : i32 to index
        %get3A_573 = tpu.vector_load %arg6[%get3A_570, %get3A_571, %get3A_572] {strides = array<i32>} : memref<2x3x4096xf32, #tpu.memory_space<vmem>>, vector<16xf32>,
        %rev3A_574 = arith.constant 15 : i32
        %rev3A_575 = vector.broadcast %rev3A_574 : i32 to vector<16xi32>
        %rev3A_576 = tpu.iota {dimensions = array<i32: 0>} : vector<16xi32>
        %rev3A_577 = arith.subi %rev3A_575, %rev3A_576 : vector<16xi32>
        %rev3A_578 = tpu.dynamic_gather %get3A_573[%rev3A_577] in [0] : vector<16xf32>, vector<16xi32> -> vector<16xf32>
        %max3A_579 = arith.maximumf %get3A_573, %rev3A_578 : vector<16xf32>
        %select_n3A_580 = arith.select %eq3A_537, %max3A_579, %get3A_573 : vector<16xi1>, vector<16xf32>
        %gather3A_581 = tpu.vector_load_idx %arg14[%add3A_531] : memref<8192xf32, #tpu.memory_space<vmem>>[vector<16xi32>], vector<16xf32>,
        %max3A_582 = arith.maximumf %gather3A_581, %select_n3A_580 : vector<16xf32>
        tpu.vector_store_idx %arg14[%add3A_531], %max3A_582 : memref<8192xf32, #tpu.memory_space<vmem>>[vector<16xi32>], vector<16xf32>,
        %add3A_583 = arith.constant 80 : i32
        %add3A_584 = arith.addi %mul3A_297, %add3A_583 : i32
        %get3A_585 = arith.constant 0 : i32
        %get3A_586 = arith.index_cast %get3A_585 : i32 to index
        %get3A_587 = arith.index_cast %add3A_584 : i32 to index
        %get3A_588 = tpu.vector_load %arg5[%get3A_586, %get3A_587] {strides = array<i32>} : memref<2x4096xi32, #tpu.memory_space<vmem>>, vector<16xi32>,
        %add3A_589 = arith.addi %mul3A_5, %get3A_588 : vector<16xi32>
        %rev3A_590 = arith.constant 15 : i32
        %rev3A_591 = vector.broadcast %rev3A_590 : i32 to vector<16xi32>
        %rev3A_592 = tpu.iota {dimensions = array<i32: 0>} : vector<16xi32>
        %rev3A_593 = arith.subi %rev3A_591, %rev3A_592 : vector<16xi32>
        %rev3A_594 = tpu.dynamic_gather %add3A_589[%rev3A_593] in [0] : vector<16xi32>, vector<16xi32> -> vector<16xi32>
        %eq3A_595 = arith.cmpi eq, %add3A_589, %rev3A_594 : vector<16xi32>
        %get3A_596 = arith.constant 0 : i32
        %get3A_597 = arith.constant 0 : i32
        %get3A_598 = arith.index_cast %get3A_596 : i32 to index
        %get3A_599 = arith.index_cast %get3A_597 : i32 to index
        %get3A_600 = arith.index_cast %add3A_584 : i32 to index
        %get3A_601 = tpu.vector_load %arg6[%get3A_598, %get3A_599, %get3A_600] {strides = array<i32>} : memref<2x3x4096xf32, #tpu.memory_space<vmem>>, vector<16xf32>,
        %rev3A_602 = arith.constant 15 : i32
        %rev3A_603 = vector.broadcast %rev3A_602 : i32 to vector<16xi32>
        %rev3A_604 = tpu.iota {dimensions = array<i32: 0>} : vector<16xi32>
        %rev3A_605 = arith.subi %rev3A_603, %rev3A_604 : vector<16xi32>
        %rev3A_606 = tpu.dynamic_gather %get3A_601[%rev3A_605] in [0] : vector<16xf32>, vector<16xi32> -> vector<16xf32>
        %max3A_607 = arith.maximumf %get3A_601, %rev3A_606 : vector<16xf32>
        %select_n3A_608 = arith.select %eq3A_595, %max3A_607, %get3A_601 : vector<16xi1>, vector<16xf32>
        %gather3A_609 = tpu.vector_load_idx %arg9[%add3A_589] : memref<8192xf32, #tpu.memory_space<vmem>>[vector<16xi32>], vector<16xf32>,
        %max3A_610 = arith.maximumf %gather3A_609, %select_n3A_608 : vector<16xf32>
        tpu.vector_store_idx %arg9[%add3A_589], %max3A_610 : memref<8192xf32, #tpu.memory_space<vmem>>[vector<16xi32>], vector<16xf32>,
        %get3A_611 = arith.constant 0 : i32
        %get3A_612 = arith.constant 1 : i32
        %get3A_613 = arith.index_cast %get3A_611 : i32 to index
        %get3A_614 = arith.index_cast %get3A_612 : i32 to index
        %get3A_615 = arith.index_cast %add3A_584 : i32 to index
        %get3A_616 = tpu.vector_load %arg6[%get3A_613, %get3A_614, %get3A_615] {strides = array<i32>} : memref<2x3x4096xf32, #tpu.memory_space<vmem>>, vector<16xf32>,
        %rev3A_617 = arith.constant 15 : i32
        %rev3A_618 = vector.broadcast %rev3A_617 : i32 to vector<16xi32>
        %rev3A_619 = tpu.iota {dimensions = array<i32: 0>} : vector<16xi32>
        %rev3A_620 = arith.subi %rev3A_618, %rev3A_619 : vector<16xi32>
        %rev3A_621 = tpu.dynamic_gather %get3A_616[%rev3A_620] in [0] : vector<16xf32>, vector<16xi32> -> vector<16xf32>
        %max3A_622 = arith.maximumf %get3A_616, %rev3A_621 : vector<16xf32>
        %select_n3A_623 = arith.select %eq3A_595, %max3A_622, %get3A_616 : vector<16xi1>, vector<16xf32>
        %gather3A_624 = tpu.vector_load_idx %arg12[%add3A_589] : memref<8192xf32, #tpu.memory_space<vmem>>[vector<16xi32>], vector<16xf32>,
        %max3A_625 = arith.maximumf %gather3A_624, %select_n3A_623 : vector<16xf32>
        tpu.vector_store_idx %arg12[%add3A_589], %max3A_625 : memref<8192xf32, #tpu.memory_space<vmem>>[vector<16xi32>], vector<16xf32>,
        %get3A_626 = arith.constant 0 : i32
        %get3A_627 = arith.constant 2 : i32
        %get3A_628 = arith.index_cast %get3A_626 : i32 to index
        %get3A_629 = arith.index_cast %get3A_627 : i32 to index
        %get3A_630 = arith.index_cast %add3A_584 : i32 to index
        %get3A_631 = tpu.vector_load %arg6[%get3A_628, %get3A_629, %get3A_630] {strides = array<i32>} : memref<2x3x4096xf32, #tpu.memory_space<vmem>>, vector<16xf32>,
        %rev3A_632 = arith.constant 15 : i32
        %rev3A_633 = vector.broadcast %rev3A_632 : i32 to vector<16xi32>
        %rev3A_634 = tpu.iota {dimensions = array<i32: 0>} : vector<16xi32>
        %rev3A_635 = arith.subi %rev3A_633, %rev3A_634 : vector<16xi32>
        %rev3A_636 = tpu.dynamic_gather %get3A_631[%rev3A_635] in [0] : vector<16xf32>, vector<16xi32> -> vector<16xf32>
        %max3A_637 = arith.maximumf %get3A_631, %rev3A_636 : vector<16xf32>
        %select_n3A_638 = arith.select %eq3A_595, %max3A_637, %get3A_631 : vector<16xi1>, vector<16xf32>
        %gather3A_639 = tpu.vector_load_idx %arg15[%add3A_589] : memref<8192xf32, #tpu.memory_space<vmem>>[vector<16xi32>], vector<16xf32>,
        %max3A_640 = arith.maximumf %gather3A_639, %select_n3A_638 : vector<16xf32>
        tpu.vector_store_idx %arg15[%add3A_589], %max3A_640 : memref<8192xf32, #tpu.memory_space<vmem>>[vector<16xi32>], vector<16xf32>,
        %add3A_641 = arith.constant 96 : i32
        %add3A_642 = arith.addi %mul3A_297, %add3A_641 : i32
        %get3A_643 = arith.constant 0 : i32
        %get3A_644 = arith.index_cast %get3A_643 : i32 to index
        %get3A_645 = arith.index_cast %add3A_642 : i32 to index
        %get3A_646 = tpu.vector_load %arg5[%get3A_644, %get3A_645] {strides = array<i32>} : memref<2x4096xi32, #tpu.memory_space<vmem>>, vector<16xi32>,
        %add3A_647 = arith.addi %mul3A_5, %get3A_646 : vector<16xi32>
        %rev3A_648 = arith.constant 15 : i32
        %rev3A_649 = vector.broadcast %rev3A_648 : i32 to vector<16xi32>
        %rev3A_650 = tpu.iota {dimensions = array<i32: 0>} : vector<16xi32>
        %rev3A_651 = arith.subi %rev3A_649, %rev3A_650 : vector<16xi32>
        %rev3A_652 = tpu.dynamic_gather %add3A_647[%rev3A_651] in [0] : vector<16xi32>, vector<16xi32> -> vector<16xi32>
        %eq3A_653 = arith.cmpi eq, %add3A_647, %rev3A_652 : vector<16xi32>
        %get3A_654 = arith.constant 0 : i32
        %get3A_655 = arith.constant 0 : i32
        %get3A_656 = arith.index_cast %get3A_654 : i32 to index
        %get3A_657 = arith.index_cast %get3A_655 : i32 to index
        %get3A_658 = arith.index_cast %add3A_642 : i32 to index
        %get3A_659 = tpu.vector_load %arg6[%get3A_656, %get3A_657, %get3A_658] {strides = array<i32>} : memref<2x3x4096xf32, #tpu.memory_space<vmem>>, vector<16xf32>,
        %rev3A_660 = arith.constant 15 : i32
        %rev3A_661 = vector.broadcast %rev3A_660 : i32 to vector<16xi32>
        %rev3A_662 = tpu.iota {dimensions = array<i32: 0>} : vector<16xi32>
        %rev3A_663 = arith.subi %rev3A_661, %rev3A_662 : vector<16xi32>
        %rev3A_664 = tpu.dynamic_gather %get3A_659[%rev3A_663] in [0] : vector<16xf32>, vector<16xi32> -> vector<16xf32>
        %max3A_665 = arith.maximumf %get3A_659, %rev3A_664 : vector<16xf32>
        %select_n3A_666 = arith.select %eq3A_653, %max3A_665, %get3A_659 : vector<16xi1>, vector<16xf32>
        %gather3A_667 = tpu.vector_load_idx %arg7[%add3A_647] : memref<8192xf32, #tpu.memory_space<vmem>>[vector<16xi32>], vector<16xf32>,
        %max3A_668 = arith.maximumf %gather3A_667, %select_n3A_666 : vector<16xf32>
        tpu.vector_store_idx %arg7[%add3A_647], %max3A_668 : memref<8192xf32, #tpu.memory_space<vmem>>[vector<16xi32>], vector<16xf32>,
        %get3A_669 = arith.constant 0 : i32
        %get3A_670 = arith.constant 1 : i32
        %get3A_671 = arith.index_cast %get3A_669 : i32 to index
        %get3A_672 = arith.index_cast %get3A_670 : i32 to index
        %get3A_673 = arith.index_cast %add3A_642 : i32 to index
        %get3A_674 = tpu.vector_load %arg6[%get3A_671, %get3A_672, %get3A_673] {strides = array<i32>} : memref<2x3x4096xf32, #tpu.memory_space<vmem>>, vector<16xf32>,
        %rev3A_675 = arith.constant 15 : i32
        %rev3A_676 = vector.broadcast %rev3A_675 : i32 to vector<16xi32>
        %rev3A_677 = tpu.iota {dimensions = array<i32: 0>} : vector<16xi32>
        %rev3A_678 = arith.subi %rev3A_676, %rev3A_677 : vector<16xi32>
        %rev3A_679 = tpu.dynamic_gather %get3A_674[%rev3A_678] in [0] : vector<16xf32>, vector<16xi32> -> vector<16xf32>
        %max3A_680 = arith.maximumf %get3A_674, %rev3A_679 : vector<16xf32>
        %select_n3A_681 = arith.select %eq3A_653, %max3A_680, %get3A_674 : vector<16xi1>, vector<16xf32>
        %gather3A_682 = tpu.vector_load_idx %arg10[%add3A_647] : memref<8192xf32, #tpu.memory_space<vmem>>[vector<16xi32>], vector<16xf32>,
        %max3A_683 = arith.maximumf %gather3A_682, %select_n3A_681 : vector<16xf32>
        tpu.vector_store_idx %arg10[%add3A_647], %max3A_683 : memref<8192xf32, #tpu.memory_space<vmem>>[vector<16xi32>], vector<16xf32>,
        %get3A_684 = arith.constant 0 : i32
        %get3A_685 = arith.constant 2 : i32
        %get3A_686 = arith.index_cast %get3A_684 : i32 to index
        %get3A_687 = arith.index_cast %get3A_685 : i32 to index
        %get3A_688 = arith.index_cast %add3A_642 : i32 to index
        %get3A_689 = tpu.vector_load %arg6[%get3A_686, %get3A_687, %get3A_688] {strides = array<i32>} : memref<2x3x4096xf32, #tpu.memory_space<vmem>>, vector<16xf32>,
        %rev3A_690 = arith.constant 15 : i32
        %rev3A_691 = vector.broadcast %rev3A_690 : i32 to vector<16xi32>
        %rev3A_692 = tpu.iota {dimensions = array<i32: 0>} : vector<16xi32>
        %rev3A_693 = arith.subi %rev3A_691, %rev3A_692 : vector<16xi32>
        %rev3A_694 = tpu.dynamic_gather %get3A_689[%rev3A_693] in [0] : vector<16xf32>, vector<16xi32> -> vector<16xf32>
        %max3A_695 = arith.maximumf %get3A_689, %rev3A_694 : vector<16xf32>
        %select_n3A_696 = arith.select %eq3A_653, %max3A_695, %get3A_689 : vector<16xi1>, vector<16xf32>
        %gather3A_697 = tpu.vector_load_idx %arg13[%add3A_647] : memref<8192xf32, #tpu.memory_space<vmem>>[vector<16xi32>], vector<16xf32>,
        %max3A_698 = arith.maximumf %gather3A_697, %select_n3A_696 : vector<16xf32>
        tpu.vector_store_idx %arg13[%add3A_647], %max3A_698 : memref<8192xf32, #tpu.memory_space<vmem>>[vector<16xi32>], vector<16xf32>,
        %add3A_699 = arith.constant 112 : i32
        %add3A_700 = arith.addi %mul3A_297, %add3A_699 : i32
        %get3A_701 = arith.constant 0 : i32
        %get3A_702 = arith.index_cast %get3A_701 : i32 to index
        %get3A_703 = arith.index_cast %add3A_700 : i32 to index
        %get3A_704 = tpu.vector_load %arg5[%get3A_702, %get3A_703] {strides = array<i32>} : memref<2x4096xi32, #tpu.memory_space<vmem>>, vector<16xi32>,
        %add3A_705 = arith.addi %mul3A_5, %get3A_704 : vector<16xi32>
        %rev3A_706 = arith.constant 15 : i32
        %rev3A_707 = vector.broadcast %rev3A_706 : i32 to vector<16xi32>
        %rev3A_708 = tpu.iota {dimensions = array<i32: 0>} : vector<16xi32>
        %rev3A_709 = arith.subi %rev3A_707, %rev3A_708 : vector<16xi32>
        %rev3A_710 = tpu.dynamic_gather %add3A_705[%rev3A_709] in [0] : vector<16xi32>, vector<16xi32> -> vector<16xi32>
        %eq3A_711 = arith.cmpi eq, %add3A_705, %rev3A_710 : vector<16xi32>
        %get3A_712 = arith.constant 0 : i32
        %get3A_713 = arith.constant 0 : i32
        %get3A_714 = arith.index_cast %get3A_712 : i32 to index
        %get3A_715 = arith.index_cast %get3A_713 : i32 to index
        %get3A_716 = arith.index_cast %add3A_700 : i32 to index
        %get3A_717 = tpu.vector_load %arg6[%get3A_714, %get3A_715, %get3A_716] {strides = array<i32>} : memref<2x3x4096xf32, #tpu.memory_space<vmem>>, vector<16xf32>,
        %rev3A_718 = arith.constant 15 : i32
        %rev3A_719 = vector.broadcast %rev3A_718 : i32 to vector<16xi32>
        %rev3A_720 = tpu.iota {dimensions = array<i32: 0>} : vector<16xi32>
        %rev3A_721 = arith.subi %rev3A_719, %rev3A_720 : vector<16xi32>
        %rev3A_722 = tpu.dynamic_gather %get3A_717[%rev3A_721] in [0] : vector<16xf32>, vector<16xi32> -> vector<16xf32>
        %max3A_723 = arith.maximumf %get3A_717, %rev3A_722 : vector<16xf32>
        %select_n3A_724 = arith.select %eq3A_711, %max3A_723, %get3A_717 : vector<16xi1>, vector<16xf32>
        %gather3A_725 = tpu.vector_load_idx %arg8[%add3A_705] : memref<8192xf32, #tpu.memory_space<vmem>>[vector<16xi32>], vector<16xf32>,
        %max3A_726 = arith.maximumf %gather3A_725, %select_n3A_724 : vector<16xf32>
        tpu.vector_store_idx %arg8[%add3A_705], %max3A_726 : memref<8192xf32, #tpu.memory_space<vmem>>[vector<16xi32>], vector<16xf32>,
        %get3A_727 = arith.constant 0 : i32
        %get3A_728 = arith.constant 1 : i32
        %get3A_729 = arith.index_cast %get3A_727 : i32 to index
        %get3A_730 = arith.index_cast %get3A_728 : i32 to index
        %get3A_731 = arith.index_cast %add3A_700 : i32 to index
        %get3A_732 = tpu.vector_load %arg6[%get3A_729, %get3A_730, %get3A_731] {strides = array<i32>} : memref<2x3x4096xf32, #tpu.memory_space<vmem>>, vector<16xf32>,
        %rev3A_733 = arith.constant 15 : i32
        %rev3A_734 = vector.broadcast %rev3A_733 : i32 to vector<16xi32>
        %rev3A_735 = tpu.iota {dimensions = array<i32: 0>} : vector<16xi32>
        %rev3A_736 = arith.subi %rev3A_734, %rev3A_735 : vector<16xi32>
        %rev3A_737 = tpu.dynamic_gather %get3A_732[%rev3A_736] in [0] : vector<16xf32>, vector<16xi32> -> vector<16xf32>
        %max3A_738 = arith.maximumf %get3A_732, %rev3A_737 : vector<16xf32>
        %select_n3A_739 = arith.select %eq3A_711, %max3A_738, %get3A_732 : vector<16xi1>, vector<16xf32>
        %gather3A_740 = tpu.vector_load_idx %arg11[%add3A_705] : memref<8192xf32, #tpu.memory_space<vmem>>[vector<16xi32>], vector<16xf32>,
        %max3A_741 = arith.maximumf %gather3A_740, %select_n3A_739 : vector<16xf32>
        tpu.vector_store_idx %arg11[%add3A_705], %max3A_741 : memref<8192xf32, #tpu.memory_space<vmem>>[vector<16xi32>], vector<16xf32>,
        %get3A_742 = arith.constant 0 : i32
        %get3A_743 = arith.constant 2 : i32
        %get3A_744 = arith.index_cast %get3A_742 : i32 to index
        %get3A_745 = arith.index_cast %get3A_743 : i32 to index
        %get3A_746 = arith.index_cast %add3A_700 : i32 to index
        %get3A_747 = tpu.vector_load %arg6[%get3A_744, %get3A_745, %get3A_746] {strides = array<i32>} : memref<2x3x4096xf32, #tpu.memory_space<vmem>>, vector<16xf32>,
        %rev3A_748 = arith.constant 15 : i32
        %rev3A_749 = vector.broadcast %rev3A_748 : i32 to vector<16xi32>
        %rev3A_750 = tpu.iota {dimensions = array<i32: 0>} : vector<16xi32>
        %rev3A_751 = arith.subi %rev3A_749, %rev3A_750 : vector<16xi32>
        %rev3A_752 = tpu.dynamic_gather %get3A_747[%rev3A_751] in [0] : vector<16xf32>, vector<16xi32> -> vector<16xf32>
        %max3A_753 = arith.maximumf %get3A_747, %rev3A_752 : vector<16xf32>
        %select_n3A_754 = arith.select %eq3A_711, %max3A_753, %get3A_747 : vector<16xi1>, vector<16xf32>
        %gather3A_755 = tpu.vector_load_idx %arg14[%add3A_705] : memref<8192xf32, #tpu.memory_space<vmem>>[vector<16xi32>], vector<16xf32>,
        %max3A_756 = arith.maximumf %gather3A_755, %select_n3A_754 : vector<16xf32>
        tpu.vector_store_idx %arg14[%add3A_705], %max3A_756 : memref<8192xf32, #tpu.memory_space<vmem>>[vector<16xi32>], vector<16xf32>,
        %scan3A_757 = arith.constant 0 : i32
        scf.yield %scan3A_757 : i32
      }
      %scan3A_252 = arith.constant 32 : i32
      %add3A_253 = arith.constant 1 : i32
      %add3A_254 = arith.addi %scan3A_188, %add3A_253 : i32
      %lt3A = arith.constant 32 : i32
      %lt3A_255 = arith.cmpi slt, %add3A_254, %lt3A : i32
      %convert_element_type3A = arith.extui %lt3A_255 : i1 to i32
      %cond3A = arith.constant 0 : i32
      %cond3A_256 = arith.cmpi ne, %convert_element_type3A, %cond3A : i32
      scf.if %cond3A_256 {
        %add3A_294 = arith.constant 2 : i32
        %add3A_295 = arith.addi %mul3A_191, %add3A_294 : i32
        %mul3A_296 = arith.constant 4096 : i32
        %mul3A_297 = arith.muli %add3A_295, %mul3A_296 : i32
        %dma_start3A_298 = arith.constant 0 : i32
        %dma_start3A_299 = arith.constant 0 : i32
        %dma_start3A_300 = tpu.memref_slice %arg5[%dma_start3A_298, %dma_start3A_299] : memref<2x4096xi32, #tpu.memory_space<vmem>> -> memref<1x4096xi32, #tpu.memory_space<vmem>>
        %dma_start3A_301 = tpu.memref_squeeze %dma_start3A_300 : memref<1x4096xi32, #tpu.memory_space<vmem>> -> memref<4096xi32, #tpu.memory_space<vmem>>
        %dma_start3A_302 = tpu.memref_slice %arg3[%select_n3A_120, %mul3A_297] : memref<2x262144xi32, #tpu.memory_space<hbm>> -> memref<1x4096xi32, #tpu.memory_space<hbm>>
        %dma_start3A_303 = tpu.memref_squeeze %dma_start3A_302 : memref<1x4096xi32, #tpu.memory_space<hbm>> -> memref<4096xi32, #tpu.memory_space<hbm>>
        %dma_start3A_304 = arith.constant 0 : i32
        %dma_start3A_305 = tpu.memref_slice %arg5[%dma_start3A_298, %dma_start3A_304] : memref<2x4096xi32, #tpu.memory_space<vmem>> -> memref<1x4096xi32, #tpu.memory_space<vmem>>
        %dma_start3A_306 = tpu.memref_squeeze %dma_start3A_305 : memref<1x4096xi32, #tpu.memory_space<vmem>> -> memref<4096xi32, #tpu.memory_space<vmem>>
        %dma_start3A_307 = tpu.memref_slice %arg3[%select_n3A_120, %mul3A_297] : memref<2x262144xi32, #tpu.memory_space<hbm>> -> memref<1x4096xi32, #tpu.memory_space<hbm>>
        %dma_start3A_308 = tpu.memref_squeeze %dma_start3A_307 : memref<1x4096xi32, #tpu.memory_space<hbm>> -> memref<4096xi32, #tpu.memory_space<hbm>>
        tpu.enqueue_dma source(%dma_start3A_308 : memref<4096xi32, #tpu.memory_space<hbm>>) target(%dma_start3A_306 : memref<4096xi32, #tpu.memory_space<vmem>>) target_semaphore(%arg17 : memref<!tpu.dma_semaphore, #tpu.memory_space<semaphore_mem>>)
        %dma_start3A_309 = arith.constant 0 : i32
        %dma_start3A_310 = arith.constant 0 : i32
        %dma_start3A_311 = arith.constant 0 : i32
        %dma_start3A_312 = tpu.memref_slice %arg6[%dma_start3A_309, %dma_start3A_310, %dma_start3A_311] : memref<2x3x4096xf32, #tpu.memory_space<vmem>> -> memref<1x3x4096xf32, #tpu.memory_space<vmem>>
        %dma_start3A_313 = tpu.memref_squeeze %dma_start3A_312 : memref<1x3x4096xf32, #tpu.memory_space<vmem>> -> memref<3x4096xf32, #tpu.memory_space<vmem>>
        %dma_start3A_314 = tpu.memref_slice %arg2[%add3A_96, %mul3A_297] : memref<192x262144xf32, #tpu.memory_space<hbm>> -> memref<3x4096xf32, #tpu.memory_space<hbm>>
        %dma_start3A_315 = arith.constant 0 : i32
        %dma_start3A_316 = arith.constant 0 : i32
        %dma_start3A_317 = tpu.memref_slice %arg6[%dma_start3A_309, %dma_start3A_315, %dma_start3A_316] : memref<2x3x4096xf32, #tpu.memory_space<vmem>> -> memref<1x3x4096xf32, #tpu.memory_space<vmem>>
        %dma_start3A_318 = tpu.memref_squeeze %dma_start3A_317 : memref<1x3x4096xf32, #tpu.memory_space<vmem>> -> memref<3x4096xf32, #tpu.memory_space<vmem>>
        %dma_start3A_319 = tpu.memref_slice %arg2[%add3A_96, %mul3A_297] : memref<192x262144xf32, #tpu.memory_space<hbm>> -> memref<3x4096xf32, #tpu.memory_space<hbm>>
        tpu.enqueue_dma source(%dma_start3A_319 : memref<3x4096xf32, #tpu.memory_space<hbm>>) target(%dma_start3A_318 : memref<3x4096xf32, #tpu.memory_space<vmem>>) target_semaphore(%arg17 : memref<!tpu.dma_semaphore, #tpu.memory_space<semaphore_mem>>)
      } else {
      }
      %dma_wait3A_257 = arith.constant 0 : i32
      %dma_wait3A_258 = arith.constant 1 : i32
      %dma_wait3A_259 = arith.constant 0 : i32
      %dma_wait3A_260 = tpu.memref_slice %arg5[%dma_wait3A_258, %dma_wait3A_259] : memref<2x4096xi32, #tpu.memory_space<vmem>> -> memref<1x4096xi32, #tpu.memory_space<vmem>>
      %dma_wait3A_261 = tpu.memref_squeeze %dma_wait3A_260 : memref<1x4096xi32, #tpu.memory_space<vmem>> -> memref<4096xi32, #tpu.memory_space<vmem>>
      %dma_wait3A_262 = arith.constant 0 : i32
      %dma_wait3A_263 = tpu.memref_slice %arg3[%dma_wait3A_257, %dma_wait3A_262] : memref<2x262144xi32, #tpu.memory_space<hbm>> -> memref<1x4096xi32, #tpu.memory_space<hbm>>
      %dma_wait3A_264 = tpu.memref_squeeze %dma_wait3A_263 : memref<1x4096xi32, #tpu.memory_space<hbm>> -> memref<4096xi32, #tpu.memory_space<hbm>>
      %dma_wait3A_265 = arith.constant 0 : i32
      %dma_wait3A_266 = tpu.memref_slice %arg5[%dma_wait3A_258, %dma_wait3A_265] : memref<2x4096xi32, #tpu.memory_space<vmem>> -> memref<1x4096xi32, #tpu.memory_space<vmem>>
      %dma_wait3A_267 = tpu.memref_squeeze %dma_wait3A_266 : memref<1x4096xi32, #tpu.memory_space<vmem>> -> memref<4096xi32, #tpu.memory_space<vmem>>
      %dma_wait3A_268 = arith.constant 0 : i32
      %dma_wait3A_269 = tpu.memref_slice %arg3[%dma_wait3A_257, %dma_wait3A_268] : memref<2x262144xi32, #tpu.memory_space<hbm>> -> memref<1x4096xi32, #tpu.memory_space<hbm>>
      %dma_wait3A_270 = tpu.memref_squeeze %dma_wait3A_269 : memref<1x4096xi32, #tpu.memory_space<hbm>> -> memref<4096xi32, #tpu.memory_space<hbm>>
      tpu.wait_dma2 semaphore(%arg18 : memref<!tpu.dma_semaphore, #tpu.memory_space<semaphore_mem>>) src(%dma_wait3A_270 : memref<4096xi32, #tpu.memory_space<hbm>>) dst(%dma_wait3A_267 : memref<4096xi32, #tpu.memory_space<vmem>>)
      %dma_wait3A_271 = arith.constant 1 : i32
      %dma_wait3A_272 = arith.constant 0 : i32
      %dma_wait3A_273 = arith.constant 0 : i32
      %dma_wait3A_274 = tpu.memref_slice %arg6[%dma_wait3A_271, %dma_wait3A_272, %dma_wait3A_273] : memref<2x3x4096xf32, #tpu.memory_space<vmem>> -> memref<1x3x4096xf32, #tpu.memory_space<vmem>>
      %dma_wait3A_275 = tpu.memref_squeeze %dma_wait3A_274 : memref<1x3x4096xf32, #tpu.memory_space<vmem>> -> memref<3x4096xf32, #tpu.memory_space<vmem>>
      %dma_wait3A_276 = arith.constant 0 : i32
      %dma_wait3A_277 = arith.constant 0 : i32
      %dma_wait3A_278 = tpu.memref_slice %arg2[%dma_wait3A_276, %dma_wait3A_277] : memref<192x262144xf32, #tpu.memory_space<hbm>> -> memref<3x4096xf32, #tpu.memory_space<hbm>>
      %dma_wait3A_279 = arith.constant 0 : i32
      %dma_wait3A_280 = arith.constant 0 : i32
      %dma_wait3A_281 = tpu.memref_slice %arg6[%dma_wait3A_271, %dma_wait3A_279, %dma_wait3A_280] : memref<2x3x4096xf32, #tpu.memory_space<vmem>> -> memref<1x3x4096xf32, #tpu.memory_space<vmem>>
      %dma_wait3A_282 = tpu.memref_squeeze %dma_wait3A_281 : memref<1x3x4096xf32, #tpu.memory_space<vmem>> -> memref<3x4096xf32, #tpu.memory_space<vmem>>
      %dma_wait3A_283 = arith.constant 0 : i32
      %dma_wait3A_284 = arith.constant 0 : i32
      %dma_wait3A_285 = tpu.memref_slice %arg2[%dma_wait3A_283, %dma_wait3A_284] : memref<192x262144xf32, #tpu.memory_space<hbm>> -> memref<3x4096xf32, #tpu.memory_space<hbm>>
      tpu.wait_dma2 semaphore(%arg18 : memref<!tpu.dma_semaphore, #tpu.memory_space<semaphore_mem>>) src(%dma_wait3A_285 : memref<3x4096xf32, #tpu.memory_space<hbm>>) dst(%dma_wait3A_282 : memref<3x4096xf32, #tpu.memory_space<vmem>>)
      %scan3A_286 = arith.constant 0 : i32
      %scan3A_287 = arith.constant 0 : i32
      %scan3A_288 = arith.constant 32 : i32
      %scan3A_289 = arith.addi %scan3A_287, %scan3A_288 : i32
      %scan3A_290 = arith.constant 1 : i32
      %scan3A_291 = scf.for %scan3A_294 = %scan3A_287 to %scan3A_289 step %scan3A_290 iter_args(%scan3A_295 = %scan3A_286) -> (i32)  : i32 {
        %mul3A_296 = arith.constant 128 : i32
        %mul3A_297 = arith.muli %scan3A_294, %mul3A_296 : i32
        %add3A_298 = arith.constant 0 : i32
        %add3A_299 = arith.addi %mul3A_297, %add3A_298 : i32
        %get3A = arith.constant 1 : i32
        %get3A_300 = arith.index_cast %get3A : i32 to index
        %get3A_301 = arith.index_cast %add3A_299 : i32 to index
        %get3A_302 = tpu.vector_load %arg5[%get3A_300, %get3A_301] {strides = array<i32>} : memref<2x4096xi32, #tpu.memory_space<vmem>>, vector<16xi32>,
        %add3A_303 = arith.addi %mul3A_5, %get3A_302 : vector<16xi32>
        %rev3A = arith.constant 15 : i32
        %rev3A_304 = vector.broadcast %rev3A : i32 to vector<16xi32>
        %rev3A_305 = tpu.iota {dimensions = array<i32: 0>} : vector<16xi32>
        %rev3A_306 = arith.subi %rev3A_304, %rev3A_305 : vector<16xi32>
        %rev3A_307 = tpu.dynamic_gather %add3A_303[%rev3A_306] in [0] : vector<16xi32>, vector<16xi32> -> vector<16xi32>
        %eq3A = arith.cmpi eq, %add3A_303, %rev3A_307 : vector<16xi32>
        %get3A_308 = arith.constant 1 : i32
        %get3A_309 = arith.constant 0 : i32
        %get3A_310 = arith.index_cast %get3A_308 : i32 to index
        %get3A_311 = arith.index_cast %get3A_309 : i32 to index
        %get3A_312 = arith.index_cast %add3A_299 : i32 to index
        %get3A_313 = tpu.vector_load %arg6[%get3A_310, %get3A_311, %get3A_312] {strides = array<i32>} : memref<2x3x4096xf32, #tpu.memory_space<vmem>>, vector<16xf32>,
        %rev3A_314 = arith.constant 15 : i32
        %rev3A_315 = vector.broadcast %rev3A_314 : i32 to vector<16xi32>
        %rev3A_316 = tpu.iota {dimensions = array<i32: 0>} : vector<16xi32>
        %rev3A_317 = arith.subi %rev3A_315, %rev3A_316 : vector<16xi32>
        %rev3A_318 = tpu.dynamic_gather %get3A_313[%rev3A_317] in [0] : vector<16xf32>, vector<16xi32> -> vector<16xf32>
        %max3A = arith.maximumf %get3A_313, %rev3A_318 : vector<16xf32>
        %select_n3A_319 = arith.select %eq3A, %max3A, %get3A_313 : vector<16xi1>, vector<16xf32>
        %gather3A = tpu.vector_load_idx %arg7[%add3A_303] : memref<8192xf32, #tpu.memory_space<vmem>>[vector<16xi32>], vector<16xf32>,
        %max3A_320 = arith.maximumf %gather3A, %select_n3A_319 : vector<16xf32>
        tpu.vector_store_idx %arg7[%add3A_303], %max3A_320 : memref<8192xf32, #tpu.memory_space<vmem>>[vector<16xi32>], vector<16xf32>,
        %get3A_321 = arith.constant 1 : i32
        %get3A_322 = arith.constant 1 : i32
        %get3A_323 = arith.index_cast %get3A_321 : i32 to index
        %get3A_324 = arith.index_cast %get3A_322 : i32 to index
        %get3A_325 = arith.index_cast %add3A_299 : i32 to index
        %get3A_326 = tpu.vector_load %arg6[%get3A_323, %get3A_324, %get3A_325] {strides = array<i32>} : memref<2x3x4096xf32, #tpu.memory_space<vmem>>, vector<16xf32>,
        %rev3A_327 = arith.constant 15 : i32
        %rev3A_328 = vector.broadcast %rev3A_327 : i32 to vector<16xi32>
        %rev3A_329 = tpu.iota {dimensions = array<i32: 0>} : vector<16xi32>
        %rev3A_330 = arith.subi %rev3A_328, %rev3A_329 : vector<16xi32>
        %rev3A_331 = tpu.dynamic_gather %get3A_326[%rev3A_330] in [0] : vector<16xf32>, vector<16xi32> -> vector<16xf32>
        %max3A_332 = arith.maximumf %get3A_326, %rev3A_331 : vector<16xf32>
        %select_n3A_333 = arith.select %eq3A, %max3A_332, %get3A_326 : vector<16xi1>, vector<16xf32>
        %gather3A_334 = tpu.vector_load_idx %arg10[%add3A_303] : memref<8192xf32, #tpu.memory_space<vmem>>[vector<16xi32>], vector<16xf32>,
        %max3A_335 = arith.maximumf %gather3A_334, %select_n3A_333 : vector<16xf32>
        tpu.vector_store_idx %arg10[%add3A_303], %max3A_335 : memref<8192xf32, #tpu.memory_space<vmem>>[vector<16xi32>], vector<16xf32>,
        %get3A_336 = arith.constant 1 : i32
        %get3A_337 = arith.constant 2 : i32
        %get3A_338 = arith.index_cast %get3A_336 : i32 to index
        %get3A_339 = arith.index_cast %get3A_337 : i32 to index
        %get3A_340 = arith.index_cast %add3A_299 : i32 to index
        %get3A_341 = tpu.vector_load %arg6[%get3A_338, %get3A_339, %get3A_340] {strides = array<i32>} : memref<2x3x4096xf32, #tpu.memory_space<vmem>>, vector<16xf32>,
        %rev3A_342 = arith.constant 15 : i32
        %rev3A_343 = vector.broadcast %rev3A_342 : i32 to vector<16xi32>
        %rev3A_344 = tpu.iota {dimensions = array<i32: 0>} : vector<16xi32>
        %rev3A_345 = arith.subi %rev3A_343, %rev3A_344 : vector<16xi32>
        %rev3A_346 = tpu.dynamic_gather %get3A_341[%rev3A_345] in [0] : vector<16xf32>, vector<16xi32> -> vector<16xf32>
        %max3A_347 = arith.maximumf %get3A_341, %rev3A_346 : vector<16xf32>
        %select_n3A_348 = arith.select %eq3A, %max3A_347, %get3A_341 : vector<16xi1>, vector<16xf32>
        %gather3A_349 = tpu.vector_load_idx %arg13[%add3A_303] : memref<8192xf32, #tpu.memory_space<vmem>>[vector<16xi32>], vector<16xf32>,
        %max3A_350 = arith.maximumf %gather3A_349, %select_n3A_348 : vector<16xf32>
        tpu.vector_store_idx %arg13[%add3A_303], %max3A_350 : memref<8192xf32, #tpu.memory_space<vmem>>[vector<16xi32>], vector<16xf32>,
        %add3A_351 = arith.constant 16 : i32
        %add3A_352 = arith.addi %mul3A_297, %add3A_351 : i32
        %get3A_353 = arith.constant 1 : i32
        %get3A_354 = arith.index_cast %get3A_353 : i32 to index
        %get3A_355 = arith.index_cast %add3A_352 : i32 to index
        %get3A_356 = tpu.vector_load %arg5[%get3A_354, %get3A_355] {strides = array<i32>} : memref<2x4096xi32, #tpu.memory_space<vmem>>, vector<16xi32>,
        %add3A_357 = arith.addi %mul3A_5, %get3A_356 : vector<16xi32>
        %rev3A_358 = arith.constant 15 : i32
        %rev3A_359 = vector.broadcast %rev3A_358 : i32 to vector<16xi32>
        %rev3A_360 = tpu.iota {dimensions = array<i32: 0>} : vector<16xi32>
        %rev3A_361 = arith.subi %rev3A_359, %rev3A_360 : vector<16xi32>
        %rev3A_362 = tpu.dynamic_gather %add3A_357[%rev3A_361] in [0] : vector<16xi32>, vector<16xi32> -> vector<16xi32>
        %eq3A_363 = arith.cmpi eq, %add3A_357, %rev3A_362 : vector<16xi32>
        %get3A_364 = arith.constant 1 : i32
        %get3A_365 = arith.constant 0 : i32
        %get3A_366 = arith.index_cast %get3A_364 : i32 to index
        %get3A_367 = arith.index_cast %get3A_365 : i32 to index
        %get3A_368 = arith.index_cast %add3A_352 : i32 to index
        %get3A_369 = tpu.vector_load %arg6[%get3A_366, %get3A_367, %get3A_368] {strides = array<i32>} : memref<2x3x4096xf32, #tpu.memory_space<vmem>>, vector<16xf32>,
        %rev3A_370 = arith.constant 15 : i32
        %rev3A_371 = vector.broadcast %rev3A_370 : i32 to vector<16xi32>
        %rev3A_372 = tpu.iota {dimensions = array<i32: 0>} : vector<16xi32>
        %rev3A_373 = arith.subi %rev3A_371, %rev3A_372 : vector<16xi32>
        %rev3A_374 = tpu.dynamic_gather %get3A_369[%rev3A_373] in [0] : vector<16xf32>, vector<16xi32> -> vector<16xf32>
        %max3A_375 = arith.maximumf %get3A_369, %rev3A_374 : vector<16xf32>
        %select_n3A_376 = arith.select %eq3A_363, %max3A_375, %get3A_369 : vector<16xi1>, vector<16xf32>
        %gather3A_377 = tpu.vector_load_idx %arg8[%add3A_357] : memref<8192xf32, #tpu.memory_space<vmem>>[vector<16xi32>], vector<16xf32>,
        %max3A_378 = arith.maximumf %gather3A_377, %select_n3A_376 : vector<16xf32>
        tpu.vector_store_idx %arg8[%add3A_357], %max3A_378 : memref<8192xf32, #tpu.memory_space<vmem>>[vector<16xi32>], vector<16xf32>,
        %get3A_379 = arith.constant 1 : i32
        %get3A_380 = arith.constant 1 : i32
        %get3A_381 = arith.index_cast %get3A_379 : i32 to index
        %get3A_382 = arith.index_cast %get3A_380 : i32 to index
        %get3A_383 = arith.index_cast %add3A_352 : i32 to index
        %get3A_384 = tpu.vector_load %arg6[%get3A_381, %get3A_382, %get3A_383] {strides = array<i32>} : memref<2x3x4096xf32, #tpu.memory_space<vmem>>, vector<16xf32>,
        %rev3A_385 = arith.constant 15 : i32
        %rev3A_386 = vector.broadcast %rev3A_385 : i32 to vector<16xi32>
        %rev3A_387 = tpu.iota {dimensions = array<i32: 0>} : vector<16xi32>
        %rev3A_388 = arith.subi %rev3A_386, %rev3A_387 : vector<16xi32>
        %rev3A_389 = tpu.dynamic_gather %get3A_384[%rev3A_388] in [0] : vector<16xf32>, vector<16xi32> -> vector<16xf32>
        %max3A_390 = arith.maximumf %get3A_384, %rev3A_389 : vector<16xf32>
        %select_n3A_391 = arith.select %eq3A_363, %max3A_390, %get3A_384 : vector<16xi1>, vector<16xf32>
        %gather3A_392 = tpu.vector_load_idx %arg11[%add3A_357] : memref<8192xf32, #tpu.memory_space<vmem>>[vector<16xi32>], vector<16xf32>,
        %max3A_393 = arith.maximumf %gather3A_392, %select_n3A_391 : vector<16xf32>
        tpu.vector_store_idx %arg11[%add3A_357], %max3A_393 : memref<8192xf32, #tpu.memory_space<vmem>>[vector<16xi32>], vector<16xf32>,
        %get3A_394 = arith.constant 1 : i32
        %get3A_395 = arith.constant 2 : i32
        %get3A_396 = arith.index_cast %get3A_394 : i32 to index
        %get3A_397 = arith.index_cast %get3A_395 : i32 to index
        %get3A_398 = arith.index_cast %add3A_352 : i32 to index
        %get3A_399 = tpu.vector_load %arg6[%get3A_396, %get3A_397, %get3A_398] {strides = array<i32>} : memref<2x3x4096xf32, #tpu.memory_space<vmem>>, vector<16xf32>,
        %rev3A_400 = arith.constant 15 : i32
        %rev3A_401 = vector.broadcast %rev3A_400 : i32 to vector<16xi32>
        %rev3A_402 = tpu.iota {dimensions = array<i32: 0>} : vector<16xi32>
        %rev3A_403 = arith.subi %rev3A_401, %rev3A_402 : vector<16xi32>
        %rev3A_404 = tpu.dynamic_gather %get3A_399[%rev3A_403] in [0] : vector<16xf32>, vector<16xi32> -> vector<16xf32>
        %max3A_405 = arith.maximumf %get3A_399, %rev3A_404 : vector<16xf32>
        %select_n3A_406 = arith.select %eq3A_363, %max3A_405, %get3A_399 : vector<16xi1>, vector<16xf32>
        %gather3A_407 = tpu.vector_load_idx %arg14[%add3A_357] : memref<8192xf32, #tpu.memory_space<vmem>>[vector<16xi32>], vector<16xf32>,
        %max3A_408 = arith.maximumf %gather3A_407, %select_n3A_406 : vector<16xf32>
        tpu.vector_store_idx %arg14[%add3A_357], %max3A_408 : memref<8192xf32, #tpu.memory_space<vmem>>[vector<16xi32>], vector<16xf32>,
        %add3A_409 = arith.constant 32 : i32
        %add3A_410 = arith.addi %mul3A_297, %add3A_409 : i32
        %get3A_411 = arith.constant 1 : i32
        %get3A_412 = arith.index_cast %get3A_411 : i32 to index
        %get3A_413 = arith.index_cast %add3A_410 : i32 to index
        %get3A_414 = tpu.vector_load %arg5[%get3A_412, %get3A_413] {strides = array<i32>} : memref<2x4096xi32, #tpu.memory_space<vmem>>, vector<16xi32>,
        %add3A_415 = arith.addi %mul3A_5, %get3A_414 : vector<16xi32>
        %rev3A_416 = arith.constant 15 : i32
        %rev3A_417 = vector.broadcast %rev3A_416 : i32 to vector<16xi32>
        %rev3A_418 = tpu.iota {dimensions = array<i32: 0>} : vector<16xi32>
        %rev3A_419 = arith.subi %rev3A_417, %rev3A_418 : vector<16xi32>
        %rev3A_420 = tpu.dynamic_gather %add3A_415[%rev3A_419] in [0] : vector<16xi32>, vector<16xi32> -> vector<16xi32>
        %eq3A_421 = arith.cmpi eq, %add3A_415, %rev3A_420 : vector<16xi32>
        %get3A_422 = arith.constant 1 : i32
        %get3A_423 = arith.constant 0 : i32
        %get3A_424 = arith.index_cast %get3A_422 : i32 to index
        %get3A_425 = arith.index_cast %get3A_423 : i32 to index
        %get3A_426 = arith.index_cast %add3A_410 : i32 to index
        %get3A_427 = tpu.vector_load %arg6[%get3A_424, %get3A_425, %get3A_426] {strides = array<i32>} : memref<2x3x4096xf32, #tpu.memory_space<vmem>>, vector<16xf32>,
        %rev3A_428 = arith.constant 15 : i32
        %rev3A_429 = vector.broadcast %rev3A_428 : i32 to vector<16xi32>
        %rev3A_430 = tpu.iota {dimensions = array<i32: 0>} : vector<16xi32>
        %rev3A_431 = arith.subi %rev3A_429, %rev3A_430 : vector<16xi32>
        %rev3A_432 = tpu.dynamic_gather %get3A_427[%rev3A_431] in [0] : vector<16xf32>, vector<16xi32> -> vector<16xf32>
        %max3A_433 = arith.maximumf %get3A_427, %rev3A_432 : vector<16xf32>
        %select_n3A_434 = arith.select %eq3A_421, %max3A_433, %get3A_427 : vector<16xi1>, vector<16xf32>
        %gather3A_435 = tpu.vector_load_idx %arg9[%add3A_415] : memref<8192xf32, #tpu.memory_space<vmem>>[vector<16xi32>], vector<16xf32>,
        %max3A_436 = arith.maximumf %gather3A_435, %select_n3A_434 : vector<16xf32>
        tpu.vector_store_idx %arg9[%add3A_415], %max3A_436 : memref<8192xf32, #tpu.memory_space<vmem>>[vector<16xi32>], vector<16xf32>,
        %get3A_437 = arith.constant 1 : i32
        %get3A_438 = arith.constant 1 : i32
        %get3A_439 = arith.index_cast %get3A_437 : i32 to index
        %get3A_440 = arith.index_cast %get3A_438 : i32 to index
        %get3A_441 = arith.index_cast %add3A_410 : i32 to index
        %get3A_442 = tpu.vector_load %arg6[%get3A_439, %get3A_440, %get3A_441] {strides = array<i32>} : memref<2x3x4096xf32, #tpu.memory_space<vmem>>, vector<16xf32>,
        %rev3A_443 = arith.constant 15 : i32
        %rev3A_444 = vector.broadcast %rev3A_443 : i32 to vector<16xi32>
        %rev3A_445 = tpu.iota {dimensions = array<i32: 0>} : vector<16xi32>
        %rev3A_446 = arith.subi %rev3A_444, %rev3A_445 : vector<16xi32>
        %rev3A_447 = tpu.dynamic_gather %get3A_442[%rev3A_446] in [0] : vector<16xf32>, vector<16xi32> -> vector<16xf32>
        %max3A_448 = arith.maximumf %get3A_442, %rev3A_447 : vector<16xf32>
        %select_n3A_449 = arith.select %eq3A_421, %max3A_448, %get3A_442 : vector<16xi1>, vector<16xf32>
        %gather3A_450 = tpu.vector_load_idx %arg12[%add3A_415] : memref<8192xf32, #tpu.memory_space<vmem>>[vector<16xi32>], vector<16xf32>,
        %max3A_451 = arith.maximumf %gather3A_450, %select_n3A_449 : vector<16xf32>
        tpu.vector_store_idx %arg12[%add3A_415], %max3A_451 : memref<8192xf32, #tpu.memory_space<vmem>>[vector<16xi32>], vector<16xf32>,
        %get3A_452 = arith.constant 1 : i32
        %get3A_453 = arith.constant 2 : i32
        %get3A_454 = arith.index_cast %get3A_452 : i32 to index
        %get3A_455 = arith.index_cast %get3A_453 : i32 to index
        %get3A_456 = arith.index_cast %add3A_410 : i32 to index
        %get3A_457 = tpu.vector_load %arg6[%get3A_454, %get3A_455, %get3A_456] {strides = array<i32>} : memref<2x3x4096xf32, #tpu.memory_space<vmem>>, vector<16xf32>,
        %rev3A_458 = arith.constant 15 : i32
        %rev3A_459 = vector.broadcast %rev3A_458 : i32 to vector<16xi32>
        %rev3A_460 = tpu.iota {dimensions = array<i32: 0>} : vector<16xi32>
        %rev3A_461 = arith.subi %rev3A_459, %rev3A_460 : vector<16xi32>
        %rev3A_462 = tpu.dynamic_gather %get3A_457[%rev3A_461] in [0] : vector<16xf32>, vector<16xi32> -> vector<16xf32>
        %max3A_463 = arith.maximumf %get3A_457, %rev3A_462 : vector<16xf32>
        %select_n3A_464 = arith.select %eq3A_421, %max3A_463, %get3A_457 : vector<16xi1>, vector<16xf32>
        %gather3A_465 = tpu.vector_load_idx %arg15[%add3A_415] : memref<8192xf32, #tpu.memory_space<vmem>>[vector<16xi32>], vector<16xf32>,
        %max3A_466 = arith.maximumf %gather3A_465, %select_n3A_464 : vector<16xf32>
        tpu.vector_store_idx %arg15[%add3A_415], %max3A_466 : memref<8192xf32, #tpu.memory_space<vmem>>[vector<16xi32>], vector<16xf32>,
        %add3A_467 = arith.constant 48 : i32
        %add3A_468 = arith.addi %mul3A_297, %add3A_467 : i32
        %get3A_469 = arith.constant 1 : i32
        %get3A_470 = arith.index_cast %get3A_469 : i32 to index
        %get3A_471 = arith.index_cast %add3A_468 : i32 to index
        %get3A_472 = tpu.vector_load %arg5[%get3A_470, %get3A_471] {strides = array<i32>} : memref<2x4096xi32, #tpu.memory_space<vmem>>, vector<16xi32>,
        %add3A_473 = arith.addi %mul3A_5, %get3A_472 : vector<16xi32>
        %rev3A_474 = arith.constant 15 : i32
        %rev3A_475 = vector.broadcast %rev3A_474 : i32 to vector<16xi32>
        %rev3A_476 = tpu.iota {dimensions = array<i32: 0>} : vector<16xi32>
        %rev3A_477 = arith.subi %rev3A_475, %rev3A_476 : vector<16xi32>
        %rev3A_478 = tpu.dynamic_gather %add3A_473[%rev3A_477] in [0] : vector<16xi32>, vector<16xi32> -> vector<16xi32>
        %eq3A_479 = arith.cmpi eq, %add3A_473, %rev3A_478 : vector<16xi32>
        %get3A_480 = arith.constant 1 : i32
        %get3A_481 = arith.constant 0 : i32
        %get3A_482 = arith.index_cast %get3A_480 : i32 to index
        %get3A_483 = arith.index_cast %get3A_481 : i32 to index
        %get3A_484 = arith.index_cast %add3A_468 : i32 to index
        %get3A_485 = tpu.vector_load %arg6[%get3A_482, %get3A_483, %get3A_484] {strides = array<i32>} : memref<2x3x4096xf32, #tpu.memory_space<vmem>>, vector<16xf32>,
        %rev3A_486 = arith.constant 15 : i32
        %rev3A_487 = vector.broadcast %rev3A_486 : i32 to vector<16xi32>
        %rev3A_488 = tpu.iota {dimensions = array<i32: 0>} : vector<16xi32>
        %rev3A_489 = arith.subi %rev3A_487, %rev3A_488 : vector<16xi32>
        %rev3A_490 = tpu.dynamic_gather %get3A_485[%rev3A_489] in [0] : vector<16xf32>, vector<16xi32> -> vector<16xf32>
        %max3A_491 = arith.maximumf %get3A_485, %rev3A_490 : vector<16xf32>
        %select_n3A_492 = arith.select %eq3A_479, %max3A_491, %get3A_485 : vector<16xi1>, vector<16xf32>
        %gather3A_493 = tpu.vector_load_idx %arg7[%add3A_473] : memref<8192xf32, #tpu.memory_space<vmem>>[vector<16xi32>], vector<16xf32>,
        %max3A_494 = arith.maximumf %gather3A_493, %select_n3A_492 : vector<16xf32>
        tpu.vector_store_idx %arg7[%add3A_473], %max3A_494 : memref<8192xf32, #tpu.memory_space<vmem>>[vector<16xi32>], vector<16xf32>,
        %get3A_495 = arith.constant 1 : i32
        %get3A_496 = arith.constant 1 : i32
        %get3A_497 = arith.index_cast %get3A_495 : i32 to index
        %get3A_498 = arith.index_cast %get3A_496 : i32 to index
        %get3A_499 = arith.index_cast %add3A_468 : i32 to index
        %get3A_500 = tpu.vector_load %arg6[%get3A_497, %get3A_498, %get3A_499] {strides = array<i32>} : memref<2x3x4096xf32, #tpu.memory_space<vmem>>, vector<16xf32>,
        %rev3A_501 = arith.constant 15 : i32
        %rev3A_502 = vector.broadcast %rev3A_501 : i32 to vector<16xi32>
        %rev3A_503 = tpu.iota {dimensions = array<i32: 0>} : vector<16xi32>
        %rev3A_504 = arith.subi %rev3A_502, %rev3A_503 : vector<16xi32>
        %rev3A_505 = tpu.dynamic_gather %get3A_500[%rev3A_504] in [0] : vector<16xf32>, vector<16xi32> -> vector<16xf32>
        %max3A_506 = arith.maximumf %get3A_500, %rev3A_505 : vector<16xf32>
        %select_n3A_507 = arith.select %eq3A_479, %max3A_506, %get3A_500 : vector<16xi1>, vector<16xf32>
        %gather3A_508 = tpu.vector_load_idx %arg10[%add3A_473] : memref<8192xf32, #tpu.memory_space<vmem>>[vector<16xi32>], vector<16xf32>,
        %max3A_509 = arith.maximumf %gather3A_508, %select_n3A_507 : vector<16xf32>
        tpu.vector_store_idx %arg10[%add3A_473], %max3A_509 : memref<8192xf32, #tpu.memory_space<vmem>>[vector<16xi32>], vector<16xf32>,
        %get3A_510 = arith.constant 1 : i32
        %get3A_511 = arith.constant 2 : i32
        %get3A_512 = arith.index_cast %get3A_510 : i32 to index
        %get3A_513 = arith.index_cast %get3A_511 : i32 to index
        %get3A_514 = arith.index_cast %add3A_468 : i32 to index
        %get3A_515 = tpu.vector_load %arg6[%get3A_512, %get3A_513, %get3A_514] {strides = array<i32>} : memref<2x3x4096xf32, #tpu.memory_space<vmem>>, vector<16xf32>,
        %rev3A_516 = arith.constant 15 : i32
        %rev3A_517 = vector.broadcast %rev3A_516 : i32 to vector<16xi32>
        %rev3A_518 = tpu.iota {dimensions = array<i32: 0>} : vector<16xi32>
        %rev3A_519 = arith.subi %rev3A_517, %rev3A_518 : vector<16xi32>
        %rev3A_520 = tpu.dynamic_gather %get3A_515[%rev3A_519] in [0] : vector<16xf32>, vector<16xi32> -> vector<16xf32>
        %max3A_521 = arith.maximumf %get3A_515, %rev3A_520 : vector<16xf32>
        %select_n3A_522 = arith.select %eq3A_479, %max3A_521, %get3A_515 : vector<16xi1>, vector<16xf32>
        %gather3A_523 = tpu.vector_load_idx %arg13[%add3A_473] : memref<8192xf32, #tpu.memory_space<vmem>>[vector<16xi32>], vector<16xf32>,
        %max3A_524 = arith.maximumf %gather3A_523, %select_n3A_522 : vector<16xf32>
        tpu.vector_store_idx %arg13[%add3A_473], %max3A_524 : memref<8192xf32, #tpu.memory_space<vmem>>[vector<16xi32>], vector<16xf32>,
        %add3A_525 = arith.constant 64 : i32
        %add3A_526 = arith.addi %mul3A_297, %add3A_525 : i32
        %get3A_527 = arith.constant 1 : i32
        %get3A_528 = arith.index_cast %get3A_527 : i32 to index
        %get3A_529 = arith.index_cast %add3A_526 : i32 to index
        %get3A_530 = tpu.vector_load %arg5[%get3A_528, %get3A_529] {strides = array<i32>} : memref<2x4096xi32, #tpu.memory_space<vmem>>, vector<16xi32>,
        %add3A_531 = arith.addi %mul3A_5, %get3A_530 : vector<16xi32>
        %rev3A_532 = arith.constant 15 : i32
        %rev3A_533 = vector.broadcast %rev3A_532 : i32 to vector<16xi32>
        %rev3A_534 = tpu.iota {dimensions = array<i32: 0>} : vector<16xi32>
        %rev3A_535 = arith.subi %rev3A_533, %rev3A_534 : vector<16xi32>
        %rev3A_536 = tpu.dynamic_gather %add3A_531[%rev3A_535] in [0] : vector<16xi32>, vector<16xi32> -> vector<16xi32>
        %eq3A_537 = arith.cmpi eq, %add3A_531, %rev3A_536 : vector<16xi32>
        %get3A_538 = arith.constant 1 : i32
        %get3A_539 = arith.constant 0 : i32
        %get3A_540 = arith.index_cast %get3A_538 : i32 to index
        %get3A_541 = arith.index_cast %get3A_539 : i32 to index
        %get3A_542 = arith.index_cast %add3A_526 : i32 to index
        %get3A_543 = tpu.vector_load %arg6[%get3A_540, %get3A_541, %get3A_542] {strides = array<i32>} : memref<2x3x4096xf32, #tpu.memory_space<vmem>>, vector<16xf32>,
        %rev3A_544 = arith.constant 15 : i32
        %rev3A_545 = vector.broadcast %rev3A_544 : i32 to vector<16xi32>
        %rev3A_546 = tpu.iota {dimensions = array<i32: 0>} : vector<16xi32>
        %rev3A_547 = arith.subi %rev3A_545, %rev3A_546 : vector<16xi32>
        %rev3A_548 = tpu.dynamic_gather %get3A_543[%rev3A_547] in [0] : vector<16xf32>, vector<16xi32> -> vector<16xf32>
        %max3A_549 = arith.maximumf %get3A_543, %rev3A_548 : vector<16xf32>
        %select_n3A_550 = arith.select %eq3A_537, %max3A_549, %get3A_543 : vector<16xi1>, vector<16xf32>
        %gather3A_551 = tpu.vector_load_idx %arg8[%add3A_531] : memref<8192xf32, #tpu.memory_space<vmem>>[vector<16xi32>], vector<16xf32>,
        %max3A_552 = arith.maximumf %gather3A_551, %select_n3A_550 : vector<16xf32>
        tpu.vector_store_idx %arg8[%add3A_531], %max3A_552 : memref<8192xf32, #tpu.memory_space<vmem>>[vector<16xi32>], vector<16xf32>,
        %get3A_553 = arith.constant 1 : i32
        %get3A_554 = arith.constant 1 : i32
        %get3A_555 = arith.index_cast %get3A_553 : i32 to index
        %get3A_556 = arith.index_cast %get3A_554 : i32 to index
        %get3A_557 = arith.index_cast %add3A_526 : i32 to index
        %get3A_558 = tpu.vector_load %arg6[%get3A_555, %get3A_556, %get3A_557] {strides = array<i32>} : memref<2x3x4096xf32, #tpu.memory_space<vmem>>, vector<16xf32>,
        %rev3A_559 = arith.constant 15 : i32
        %rev3A_560 = vector.broadcast %rev3A_559 : i32 to vector<16xi32>
        %rev3A_561 = tpu.iota {dimensions = array<i32: 0>} : vector<16xi32>
        %rev3A_562 = arith.subi %rev3A_560, %rev3A_561 : vector<16xi32>
        %rev3A_563 = tpu.dynamic_gather %get3A_558[%rev3A_562] in [0] : vector<16xf32>, vector<16xi32> -> vector<16xf32>
        %max3A_564 = arith.maximumf %get3A_558, %rev3A_563 : vector<16xf32>
        %select_n3A_565 = arith.select %eq3A_537, %max3A_564, %get3A_558 : vector<16xi1>, vector<16xf32>
        %gather3A_566 = tpu.vector_load_idx %arg11[%add3A_531] : memref<8192xf32, #tpu.memory_space<vmem>>[vector<16xi32>], vector<16xf32>,
        %max3A_567 = arith.maximumf %gather3A_566, %select_n3A_565 : vector<16xf32>
        tpu.vector_store_idx %arg11[%add3A_531], %max3A_567 : memref<8192xf32, #tpu.memory_space<vmem>>[vector<16xi32>], vector<16xf32>,
        %get3A_568 = arith.constant 1 : i32
        %get3A_569 = arith.constant 2 : i32
        %get3A_570 = arith.index_cast %get3A_568 : i32 to index
        %get3A_571 = arith.index_cast %get3A_569 : i32 to index
        %get3A_572 = arith.index_cast %add3A_526 : i32 to index
        %get3A_573 = tpu.vector_load %arg6[%get3A_570, %get3A_571, %get3A_572] {strides = array<i32>} : memref<2x3x4096xf32, #tpu.memory_space<vmem>>, vector<16xf32>,
        %rev3A_574 = arith.constant 15 : i32
        %rev3A_575 = vector.broadcast %rev3A_574 : i32 to vector<16xi32>
        %rev3A_576 = tpu.iota {dimensions = array<i32: 0>} : vector<16xi32>
        %rev3A_577 = arith.subi %rev3A_575, %rev3A_576 : vector<16xi32>
        %rev3A_578 = tpu.dynamic_gather %get3A_573[%rev3A_577] in [0] : vector<16xf32>, vector<16xi32> -> vector<16xf32>
        %max3A_579 = arith.maximumf %get3A_573, %rev3A_578 : vector<16xf32>
        %select_n3A_580 = arith.select %eq3A_537, %max3A_579, %get3A_573 : vector<16xi1>, vector<16xf32>
        %gather3A_581 = tpu.vector_load_idx %arg14[%add3A_531] : memref<8192xf32, #tpu.memory_space<vmem>>[vector<16xi32>], vector<16xf32>,
        %max3A_582 = arith.maximumf %gather3A_581, %select_n3A_580 : vector<16xf32>
        tpu.vector_store_idx %arg14[%add3A_531], %max3A_582 : memref<8192xf32, #tpu.memory_space<vmem>>[vector<16xi32>], vector<16xf32>,
        %add3A_583 = arith.constant 80 : i32
        %add3A_584 = arith.addi %mul3A_297, %add3A_583 : i32
        %get3A_585 = arith.constant 1 : i32
        %get3A_586 = arith.index_cast %get3A_585 : i32 to index
        %get3A_587 = arith.index_cast %add3A_584 : i32 to index
        %get3A_588 = tpu.vector_load %arg5[%get3A_586, %get3A_587] {strides = array<i32>} : memref<2x4096xi32, #tpu.memory_space<vmem>>, vector<16xi32>,
        %add3A_589 = arith.addi %mul3A_5, %get3A_588 : vector<16xi32>
        %rev3A_590 = arith.constant 15 : i32
        %rev3A_591 = vector.broadcast %rev3A_590 : i32 to vector<16xi32>
        %rev3A_592 = tpu.iota {dimensions = array<i32: 0>} : vector<16xi32>
        %rev3A_593 = arith.subi %rev3A_591, %rev3A_592 : vector<16xi32>
        %rev3A_594 = tpu.dynamic_gather %add3A_589[%rev3A_593] in [0] : vector<16xi32>, vector<16xi32> -> vector<16xi32>
        %eq3A_595 = arith.cmpi eq, %add3A_589, %rev3A_594 : vector<16xi32>
        %get3A_596 = arith.constant 1 : i32
        %get3A_597 = arith.constant 0 : i32
        %get3A_598 = arith.index_cast %get3A_596 : i32 to index
        %get3A_599 = arith.index_cast %get3A_597 : i32 to index
        %get3A_600 = arith.index_cast %add3A_584 : i32 to index
        %get3A_601 = tpu.vector_load %arg6[%get3A_598, %get3A_599, %get3A_600] {strides = array<i32>} : memref<2x3x4096xf32, #tpu.memory_space<vmem>>, vector<16xf32>,
        %rev3A_602 = arith.constant 15 : i32
        %rev3A_603 = vector.broadcast %rev3A_602 : i32 to vector<16xi32>
        %rev3A_604 = tpu.iota {dimensions = array<i32: 0>} : vector<16xi32>
        %rev3A_605 = arith.subi %rev3A_603, %rev3A_604 : vector<16xi32>
        %rev3A_606 = tpu.dynamic_gather %get3A_601[%rev3A_605] in [0] : vector<16xf32>, vector<16xi32> -> vector<16xf32>
        %max3A_607 = arith.maximumf %get3A_601, %rev3A_606 : vector<16xf32>
        %select_n3A_608 = arith.select %eq3A_595, %max3A_607, %get3A_601 : vector<16xi1>, vector<16xf32>
        %gather3A_609 = tpu.vector_load_idx %arg9[%add3A_589] : memref<8192xf32, #tpu.memory_space<vmem>>[vector<16xi32>], vector<16xf32>,
        %max3A_610 = arith.maximumf %gather3A_609, %select_n3A_608 : vector<16xf32>
        tpu.vector_store_idx %arg9[%add3A_589], %max3A_610 : memref<8192xf32, #tpu.memory_space<vmem>>[vector<16xi32>], vector<16xf32>,
        %get3A_611 = arith.constant 1 : i32
        %get3A_612 = arith.constant 1 : i32
        %get3A_613 = arith.index_cast %get3A_611 : i32 to index
        %get3A_614 = arith.index_cast %get3A_612 : i32 to index
        %get3A_615 = arith.index_cast %add3A_584 : i32 to index
        %get3A_616 = tpu.vector_load %arg6[%get3A_613, %get3A_614, %get3A_615] {strides = array<i32>} : memref<2x3x4096xf32, #tpu.memory_space<vmem>>, vector<16xf32>,
        %rev3A_617 = arith.constant 15 : i32
        %rev3A_618 = vector.broadcast %rev3A_617 : i32 to vector<16xi32>
        %rev3A_619 = tpu.iota {dimensions = array<i32: 0>} : vector<16xi32>
        %rev3A_620 = arith.subi %rev3A_618, %rev3A_619 : vector<16xi32>
        %rev3A_621 = tpu.dynamic_gather %get3A_616[%rev3A_620] in [0] : vector<16xf32>, vector<16xi32> -> vector<16xf32>
        %max3A_622 = arith.maximumf %get3A_616, %rev3A_621 : vector<16xf32>
        %select_n3A_623 = arith.select %eq3A_595, %max3A_622, %get3A_616 : vector<16xi1>, vector<16xf32>
        %gather3A_624 = tpu.vector_load_idx %arg12[%add3A_589] : memref<8192xf32, #tpu.memory_space<vmem>>[vector<16xi32>], vector<16xf32>,
        %max3A_625 = arith.maximumf %gather3A_624, %select_n3A_623 : vector<16xf32>
        tpu.vector_store_idx %arg12[%add3A_589], %max3A_625 : memref<8192xf32, #tpu.memory_space<vmem>>[vector<16xi32>], vector<16xf32>,
        %get3A_626 = arith.constant 1 : i32
        %get3A_627 = arith.constant 2 : i32
        %get3A_628 = arith.index_cast %get3A_626 : i32 to index
        %get3A_629 = arith.index_cast %get3A_627 : i32 to index
        %get3A_630 = arith.index_cast %add3A_584 : i32 to index
        %get3A_631 = tpu.vector_load %arg6[%get3A_628, %get3A_629, %get3A_630] {strides = array<i32>} : memref<2x3x4096xf32, #tpu.memory_space<vmem>>, vector<16xf32>,
        %rev3A_632 = arith.constant 15 : i32
        %rev3A_633 = vector.broadcast %rev3A_632 : i32 to vector<16xi32>
        %rev3A_634 = tpu.iota {dimensions = array<i32: 0>} : vector<16xi32>
        %rev3A_635 = arith.subi %rev3A_633, %rev3A_634 : vector<16xi32>
        %rev3A_636 = tpu.dynamic_gather %get3A_631[%rev3A_635] in [0] : vector<16xf32>, vector<16xi32> -> vector<16xf32>
        %max3A_637 = arith.maximumf %get3A_631, %rev3A_636 : vector<16xf32>
        %select_n3A_638 = arith.select %eq3A_595, %max3A_637, %get3A_631 : vector<16xi1>, vector<16xf32>
        %gather3A_639 = tpu.vector_load_idx %arg15[%add3A_589] : memref<8192xf32, #tpu.memory_space<vmem>>[vector<16xi32>], vector<16xf32>,
        %max3A_640 = arith.maximumf %gather3A_639, %select_n3A_638 : vector<16xf32>
        tpu.vector_store_idx %arg15[%add3A_589], %max3A_640 : memref<8192xf32, #tpu.memory_space<vmem>>[vector<16xi32>], vector<16xf32>,
        %add3A_641 = arith.constant 96 : i32
        %add3A_642 = arith.addi %mul3A_297, %add3A_641 : i32
        %get3A_643 = arith.constant 1 : i32
        %get3A_644 = arith.index_cast %get3A_643 : i32 to index
        %get3A_645 = arith.index_cast %add3A_642 : i32 to index
        %get3A_646 = tpu.vector_load %arg5[%get3A_644, %get3A_645] {strides = array<i32>} : memref<2x4096xi32, #tpu.memory_space<vmem>>, vector<16xi32>,
        %add3A_647 = arith.addi %mul3A_5, %get3A_646 : vector<16xi32>
        %rev3A_648 = arith.constant 15 : i32
        %rev3A_649 = vector.broadcast %rev3A_648 : i32 to vector<16xi32>
        %rev3A_650 = tpu.iota {dimensions = array<i32: 0>} : vector<16xi32>
        %rev3A_651 = arith.subi %rev3A_649, %rev3A_650 : vector<16xi32>
        %rev3A_652 = tpu.dynamic_gather %add3A_647[%rev3A_651] in [0] : vector<16xi32>, vector<16xi32> -> vector<16xi32>
        %eq3A_653 = arith.cmpi eq, %add3A_647, %rev3A_652 : vector<16xi32>
        %get3A_654 = arith.constant 1 : i32
        %get3A_655 = arith.constant 0 : i32
        %get3A_656 = arith.index_cast %get3A_654 : i32 to index
        %get3A_657 = arith.index_cast %get3A_655 : i32 to index
        %get3A_658 = arith.index_cast %add3A_642 : i32 to index
        %get3A_659 = tpu.vector_load %arg6[%get3A_656, %get3A_657, %get3A_658] {strides = array<i32>} : memref<2x3x4096xf32, #tpu.memory_space<vmem>>, vector<16xf32>,
        %rev3A_660 = arith.constant 15 : i32
        %rev3A_661 = vector.broadcast %rev3A_660 : i32 to vector<16xi32>
        %rev3A_662 = tpu.iota {dimensions = array<i32: 0>} : vector<16xi32>
        %rev3A_663 = arith.subi %rev3A_661, %rev3A_662 : vector<16xi32>
        %rev3A_664 = tpu.dynamic_gather %get3A_659[%rev3A_663] in [0] : vector<16xf32>, vector<16xi32> -> vector<16xf32>
        %max3A_665 = arith.maximumf %get3A_659, %rev3A_664 : vector<16xf32>
        %select_n3A_666 = arith.select %eq3A_653, %max3A_665, %get3A_659 : vector<16xi1>, vector<16xf32>
        %gather3A_667 = tpu.vector_load_idx %arg7[%add3A_647] : memref<8192xf32, #tpu.memory_space<vmem>>[vector<16xi32>], vector<16xf32>,
        %max3A_668 = arith.maximumf %gather3A_667, %select_n3A_666 : vector<16xf32>
        tpu.vector_store_idx %arg7[%add3A_647], %max3A_668 : memref<8192xf32, #tpu.memory_space<vmem>>[vector<16xi32>], vector<16xf32>,
        %get3A_669 = arith.constant 1 : i32
        %get3A_670 = arith.constant 1 : i32
        %get3A_671 = arith.index_cast %get3A_669 : i32 to index
        %get3A_672 = arith.index_cast %get3A_670 : i32 to index
        %get3A_673 = arith.index_cast %add3A_642 : i32 to index
        %get3A_674 = tpu.vector_load %arg6[%get3A_671, %get3A_672, %get3A_673] {strides = array<i32>} : memref<2x3x4096xf32, #tpu.memory_space<vmem>>, vector<16xf32>,
        %rev3A_675 = arith.constant 15 : i32
        %rev3A_676 = vector.broadcast %rev3A_675 : i32 to vector<16xi32>
        %rev3A_677 = tpu.iota {dimensions = array<i32: 0>} : vector<16xi32>
        %rev3A_678 = arith.subi %rev3A_676, %rev3A_677 : vector<16xi32>
        %rev3A_679 = tpu.dynamic_gather %get3A_674[%rev3A_678] in [0] : vector<16xf32>, vector<16xi32> -> vector<16xf32>
        %max3A_680 = arith.maximumf %get3A_674, %rev3A_679 : vector<16xf32>
        %select_n3A_681 = arith.select %eq3A_653, %max3A_680, %get3A_674 : vector<16xi1>, vector<16xf32>
        %gather3A_682 = tpu.vector_load_idx %arg10[%add3A_647] : memref<8192xf32, #tpu.memory_space<vmem>>[vector<16xi32>], vector<16xf32>,
        %max3A_683 = arith.maximumf %gather3A_682, %select_n3A_681 : vector<16xf32>
        tpu.vector_store_idx %arg10[%add3A_647], %max3A_683 : memref<8192xf32, #tpu.memory_space<vmem>>[vector<16xi32>], vector<16xf32>,
        %get3A_684 = arith.constant 1 : i32
        %get3A_685 = arith.constant 2 : i32
        %get3A_686 = arith.index_cast %get3A_684 : i32 to index
        %get3A_687 = arith.index_cast %get3A_685 : i32 to index
        %get3A_688 = arith.index_cast %add3A_642 : i32 to index
        %get3A_689 = tpu.vector_load %arg6[%get3A_686, %get3A_687, %get3A_688] {strides = array<i32>} : memref<2x3x4096xf32, #tpu.memory_space<vmem>>, vector<16xf32>,
        %rev3A_690 = arith.constant 15 : i32
        %rev3A_691 = vector.broadcast %rev3A_690 : i32 to vector<16xi32>
        %rev3A_692 = tpu.iota {dimensions = array<i32: 0>} : vector<16xi32>
        %rev3A_693 = arith.subi %rev3A_691, %rev3A_692 : vector<16xi32>
        %rev3A_694 = tpu.dynamic_gather %get3A_689[%rev3A_693] in [0] : vector<16xf32>, vector<16xi32> -> vector<16xf32>
        %max3A_695 = arith.maximumf %get3A_689, %rev3A_694 : vector<16xf32>
        %select_n3A_696 = arith.select %eq3A_653, %max3A_695, %get3A_689 : vector<16xi1>, vector<16xf32>
        %gather3A_697 = tpu.vector_load_idx %arg13[%add3A_647] : memref<8192xf32, #tpu.memory_space<vmem>>[vector<16xi32>], vector<16xf32>,
        %max3A_698 = arith.maximumf %gather3A_697, %select_n3A_696 : vector<16xf32>
        tpu.vector_store_idx %arg13[%add3A_647], %max3A_698 : memref<8192xf32, #tpu.memory_space<vmem>>[vector<16xi32>], vector<16xf32>,
        %add3A_699 = arith.constant 112 : i32
        %add3A_700 = arith.addi %mul3A_297, %add3A_699 : i32
        %get3A_701 = arith.constant 1 : i32
        %get3A_702 = arith.index_cast %get3A_701 : i32 to index
        %get3A_703 = arith.index_cast %add3A_700 : i32 to index
        %get3A_704 = tpu.vector_load %arg5[%get3A_702, %get3A_703] {strides = array<i32>} : memref<2x4096xi32, #tpu.memory_space<vmem>>, vector<16xi32>,
        %add3A_705 = arith.addi %mul3A_5, %get3A_704 : vector<16xi32>
        %rev3A_706 = arith.constant 15 : i32
        %rev3A_707 = vector.broadcast %rev3A_706 : i32 to vector<16xi32>
        %rev3A_708 = tpu.iota {dimensions = array<i32: 0>} : vector<16xi32>
        %rev3A_709 = arith.subi %rev3A_707, %rev3A_708 : vector<16xi32>
        %rev3A_710 = tpu.dynamic_gather %add3A_705[%rev3A_709] in [0] : vector<16xi32>, vector<16xi32> -> vector<16xi32>
        %eq3A_711 = arith.cmpi eq, %add3A_705, %rev3A_710 : vector<16xi32>
        %get3A_712 = arith.constant 1 : i32
        %get3A_713 = arith.constant 0 : i32
        %get3A_714 = arith.index_cast %get3A_712 : i32 to index
        %get3A_715 = arith.index_cast %get3A_713 : i32 to index
        %get3A_716 = arith.index_cast %add3A_700 : i32 to index
        %get3A_717 = tpu.vector_load %arg6[%get3A_714, %get3A_715, %get3A_716] {strides = array<i32>} : memref<2x3x4096xf32, #tpu.memory_space<vmem>>, vector<16xf32>,
        %rev3A_718 = arith.constant 15 : i32
        %rev3A_719 = vector.broadcast %rev3A_718 : i32 to vector<16xi32>
        %rev3A_720 = tpu.iota {dimensions = array<i32: 0>} : vector<16xi32>
        %rev3A_721 = arith.subi %rev3A_719, %rev3A_720 : vector<16xi32>
        %rev3A_722 = tpu.dynamic_gather %get3A_717[%rev3A_721] in [0] : vector<16xf32>, vector<16xi32> -> vector<16xf32>
        %max3A_723 = arith.maximumf %get3A_717, %rev3A_722 : vector<16xf32>
        %select_n3A_724 = arith.select %eq3A_711, %max3A_723, %get3A_717 : vector<16xi1>, vector<16xf32>
        %gather3A_725 = tpu.vector_load_idx %arg8[%add3A_705] : memref<8192xf32, #tpu.memory_space<vmem>>[vector<16xi32>], vector<16xf32>,
        %max3A_726 = arith.maximumf %gather3A_725, %select_n3A_724 : vector<16xf32>
        tpu.vector_store_idx %arg8[%add3A_705], %max3A_726 : memref<8192xf32, #tpu.memory_space<vmem>>[vector<16xi32>], vector<16xf32>,
        %get3A_727 = arith.constant 1 : i32
        %get3A_728 = arith.constant 1 : i32
        %get3A_729 = arith.index_cast %get3A_727 : i32 to index
        %get3A_730 = arith.index_cast %get3A_728 : i32 to index
        %get3A_731 = arith.index_cast %add3A_700 : i32 to index
        %get3A_732 = tpu.vector_load %arg6[%get3A_729, %get3A_730, %get3A_731] {strides = array<i32>} : memref<2x3x4096xf32, #tpu.memory_space<vmem>>, vector<16xf32>,
        %rev3A_733 = arith.constant 15 : i32
        %rev3A_734 = vector.broadcast %rev3A_733 : i32 to vector<16xi32>
        %rev3A_735 = tpu.iota {dimensions = array<i32: 0>} : vector<16xi32>
        %rev3A_736 = arith.subi %rev3A_734, %rev3A_735 : vector<16xi32>
        %rev3A_737 = tpu.dynamic_gather %get3A_732[%rev3A_736] in [0] : vector<16xf32>, vector<16xi32> -> vector<16xf32>
        %max3A_738 = arith.maximumf %get3A_732, %rev3A_737 : vector<16xf32>
        %select_n3A_739 = arith.select %eq3A_711, %max3A_738, %get3A_732 : vector<16xi1>, vector<16xf32>
        %gather3A_740 = tpu.vector_load_idx %arg11[%add3A_705] : memref<8192xf32, #tpu.memory_space<vmem>>[vector<16xi32>], vector<16xf32>,
        %max3A_741 = arith.maximumf %gather3A_740, %select_n3A_739 : vector<16xf32>
        tpu.vector_store_idx %arg11[%add3A_705], %max3A_741 : memref<8192xf32, #tpu.memory_space<vmem>>[vector<16xi32>], vector<16xf32>,
        %get3A_742 = arith.constant 1 : i32
        %get3A_743 = arith.constant 2 : i32
        %get3A_744 = arith.index_cast %get3A_742 : i32 to index
        %get3A_745 = arith.index_cast %get3A_743 : i32 to index
        %get3A_746 = arith.index_cast %add3A_700 : i32 to index
        %get3A_747 = tpu.vector_load %arg6[%get3A_744, %get3A_745, %get3A_746] {strides = array<i32>} : memref<2x3x4096xf32, #tpu.memory_space<vmem>>, vector<16xf32>,
        %rev3A_748 = arith.constant 15 : i32
        %rev3A_749 = vector.broadcast %rev3A_748 : i32 to vector<16xi32>
        %rev3A_750 = tpu.iota {dimensions = array<i32: 0>} : vector<16xi32>
        %rev3A_751 = arith.subi %rev3A_749, %rev3A_750 : vector<16xi32>
        %rev3A_752 = tpu.dynamic_gather %get3A_747[%rev3A_751] in [0] : vector<16xf32>, vector<16xi32> -> vector<16xf32>
        %max3A_753 = arith.maximumf %get3A_747, %rev3A_752 : vector<16xf32>
        %select_n3A_754 = arith.select %eq3A_711, %max3A_753, %get3A_747 : vector<16xi1>, vector<16xf32>
        %gather3A_755 = tpu.vector_load_idx %arg14[%add3A_705] : memref<8192xf32, #tpu.memory_space<vmem>>[vector<16xi32>], vector<16xf32>,
        %max3A_756 = arith.maximumf %gather3A_755, %select_n3A_754 : vector<16xf32>
        tpu.vector_store_idx %arg14[%add3A_705], %max3A_756 : memref<8192xf32, #tpu.memory_space<vmem>>[vector<16xi32>], vector<16xf32>,
        %scan3A_757 = arith.constant 0 : i32
        scf.yield %scan3A_757 : i32
      }
      %scan3A_292 = arith.constant 32 : i32
      %scan3A_293 = arith.constant 0 : i32
      scf.yield %scan3A_293 : i32
    }
    %scan3A_160 = arith.constant 32 : i32
    %scan3A_161 = arith.constant 0 : i32
    %scan3A_162 = arith.constant 0 : i32
    %scan3A_163 = arith.constant 64 : i32
    %scan3A_164 = arith.addi %scan3A_162, %scan3A_163 : i32
    %scan3A_165 = arith.constant 1 : i32
    %scan3A_166 = scf.for %scan3A_188 = %scan3A_162 to %scan3A_164 step %scan3A_165 iter_args(%scan3A_189 = %scan3A_161) -> (i32)  : i32 {
      %mul3A_190 = arith.constant 16 : i32
      %mul3A_191 = arith.muli %scan3A_188, %mul3A_190 : i32
      %add3A_192 = arith.constant 0 : i32
      %add3A_193 = arith.addi %add3A_192, %mul3A_191 : i32
      %get3A = arith.index_cast %add3A_193 : i32 to index
      %get3A_194 = tpu.vector_load %arg7[%get3A] {strides = array<i32>} : memref<8192xf32, #tpu.memory_space<vmem>>, vector<16xf32>,
      %max3A = arith.maximumf %broadcast_in_dim3A_6, %get3A_194 : vector<16xf32>
      %mul3A_195 = arith.constant 16 : i32
      %mul3A_196 = arith.muli %scan3A_188, %mul3A_195 : i32
      %add3A_197 = arith.constant 1024 : i32
      %add3A_198 = arith.addi %add3A_197, %mul3A_196 : i32
      %get3A_199 = arith.index_cast %add3A_198 : i32 to index
      %get3A_200 = tpu.vector_load %arg7[%get3A_199] {strides = array<i32>} : memref<8192xf32, #tpu.memory_space<vmem>>, vector<16xf32>,
      %max3A_201 = arith.maximumf %max3A, %get3A_200 : vector<16xf32>
      %mul3A_202 = arith.constant 16 : i32
      %mul3A_203 = arith.muli %scan3A_188, %mul3A_202 : i32
      %add3A_204 = arith.constant 2048 : i32
      %add3A_205 = arith.addi %add3A_204, %mul3A_203 : i32
      %get3A_206 = arith.index_cast %add3A_205 : i32 to index
      %get3A_207 = tpu.vector_load %arg7[%get3A_206] {strides = array<i32>} : memref<8192xf32, #tpu.memory_space<vmem>>, vector<16xf32>,
      %max3A_208 = arith.maximumf %max3A_201, %get3A_207 : vector<16xf32>
      %mul3A_209 = arith.constant 16 : i32
      %mul3A_210 = arith.muli %scan3A_188, %mul3A_209 : i32
      %add3A_211 = arith.constant 3072 : i32
      %add3A_212 = arith.addi %add3A_211, %mul3A_210 : i32
      %get3A_213 = arith.index_cast %add3A_212 : i32 to index
      %get3A_214 = tpu.vector_load %arg7[%get3A_213] {strides = array<i32>} : memref<8192xf32, #tpu.memory_space<vmem>>, vector<16xf32>,
      %max3A_215 = arith.maximumf %max3A_208, %get3A_214 : vector<16xf32>
      %mul3A_216 = arith.constant 16 : i32
      %mul3A_217 = arith.muli %scan3A_188, %mul3A_216 : i32
      %add3A_218 = arith.constant 4096 : i32
      %add3A_219 = arith.addi %add3A_218, %mul3A_217 : i32
      %get3A_220 = arith.index_cast %add3A_219 : i32 to index
      %get3A_221 = tpu.vector_load %arg7[%get3A_220] {strides = array<i32>} : memref<8192xf32, #tpu.memory_space<vmem>>, vector<16xf32>,
      %max3A_222 = arith.maximumf %max3A_215, %get3A_221 : vector<16xf32>
      %mul3A_223 = arith.constant 16 : i32
      %mul3A_224 = arith.muli %scan3A_188, %mul3A_223 : i32
      %add3A_225 = arith.constant 5120 : i32
      %add3A_226 = arith.addi %add3A_225, %mul3A_224 : i32
      %get3A_227 = arith.index_cast %add3A_226 : i32 to index
      %get3A_228 = tpu.vector_load %arg7[%get3A_227] {strides = array<i32>} : memref<8192xf32, #tpu.memory_space<vmem>>, vector<16xf32>,
      %max3A_229 = arith.maximumf %max3A_222, %get3A_228 : vector<16xf32>
      %mul3A_230 = arith.constant 16 : i32
      %mul3A_231 = arith.muli %scan3A_188, %mul3A_230 : i32
      %add3A_232 = arith.constant 6144 : i32
      %add3A_233 = arith.addi %add3A_232, %mul3A_231 : i32
      %get3A_234 = arith.index_cast %add3A_233 : i32 to index
      %get3A_235 = tpu.vector_load %arg7[%get3A_234] {strides = array<i32>} : memref<8192xf32, #tpu.memory_space<vmem>>, vector<16xf32>,
      %max3A_236 = arith.maximumf %max3A_229, %get3A_235 : vector<16xf32>
      %mul3A_237 = arith.constant 16 : i32
      %mul3A_238 = arith.muli %scan3A_188, %mul3A_237 : i32
      %add3A_239 = arith.constant 7168 : i32
      %add3A_240 = arith.addi %add3A_239, %mul3A_238 : i32
      %get3A_241 = arith.index_cast %add3A_240 : i32 to index
      %get3A_242 = tpu.vector_load %arg7[%get3A_241] {strides = array<i32>} : memref<8192xf32, #tpu.memory_space<vmem>>, vector<16xf32>,
      %max3A_243 = arith.maximumf %max3A_236, %get3A_242 : vector<16xf32>
      %mul3A_244 = arith.constant 16 : i32
      %mul3A_245 = arith.muli %scan3A_188, %mul3A_244 : i32
      %add3A_246 = arith.constant 0 : i32
      %add3A_247 = arith.addi %add3A_246, %mul3A_245 : i32
      %get3A_248 = arith.index_cast %add3A_247 : i32 to index
      %get3A_249 = tpu.vector_load %arg8[%get3A_248] {strides = array<i32>} : memref<8192xf32, #tpu.memory_space<vmem>>, vector<16xf32>,
      %max3A_250 = arith.maximumf %max3A_243, %get3A_249 : vector<16xf32>
      %mul3A_251 = arith.constant 16 : i32
      %mul3A_252 = arith.muli %scan3A_188, %mul3A_251 : i32
      %add3A_253 = arith.constant 1024 : i32
      %add3A_254 = arith.addi %add3A_253, %mul3A_252 : i32
      %get3A_255 = arith.index_cast %add3A_254 : i32 to index
      %get3A_256 = tpu.vector_load %arg8[%get3A_255] {strides = array<i32>} : memref<8192xf32, #tpu.memory_space<vmem>>, vector<16xf32>,
      %max3A_257 = arith.maximumf %max3A_250, %get3A_256 : vector<16xf32>
      %mul3A_258 = arith.constant 16 : i32
      %mul3A_259 = arith.muli %scan3A_188, %mul3A_258 : i32
      %add3A_260 = arith.constant 2048 : i32
      %add3A_261 = arith.addi %add3A_260, %mul3A_259 : i32
      %get3A_262 = arith.index_cast %add3A_261 : i32 to index
      %get3A_263 = tpu.vector_load %arg8[%get3A_262] {strides = array<i32>} : memref<8192xf32, #tpu.memory_space<vmem>>, vector<16xf32>,
      %max3A_264 = arith.maximumf %max3A_257, %get3A_263 : vector<16xf32>
      %mul3A_265 = arith.constant 16 : i32
      %mul3A_266 = arith.muli %scan3A_188, %mul3A_265 : i32
      %add3A_267 = arith.constant 3072 : i32
      %add3A_268 = arith.addi %add3A_267, %mul3A_266 : i32
      %get3A_269 = arith.index_cast %add3A_268 : i32 to index
      %get3A_270 = tpu.vector_load %arg8[%get3A_269] {strides = array<i32>} : memref<8192xf32, #tpu.memory_space<vmem>>, vector<16xf32>,
      %max3A_271 = arith.maximumf %max3A_264, %get3A_270 : vector<16xf32>
      %mul3A_272 = arith.constant 16 : i32
      %mul3A_273 = arith.muli %scan3A_188, %mul3A_272 : i32
      %add3A_274 = arith.constant 4096 : i32
      %add3A_275 = arith.addi %add3A_274, %mul3A_273 : i32
      %get3A_276 = arith.index_cast %add3A_275 : i32 to index
      %get3A_277 = tpu.vector_load %arg8[%get3A_276] {strides = array<i32>} : memref<8192xf32, #tpu.memory_space<vmem>>, vector<16xf32>,
      %max3A_278 = arith.maximumf %max3A_271, %get3A_277 : vector<16xf32>
      %mul3A_279 = arith.constant 16 : i32
      %mul3A_280 = arith.muli %scan3A_188, %mul3A_279 : i32
      %add3A_281 = arith.constant 5120 : i32
      %add3A_282 = arith.addi %add3A_281, %mul3A_280 : i32
      %get3A_283 = arith.index_cast %add3A_282 : i32 to index
      %get3A_284 = tpu.vector_load %arg8[%get3A_283] {strides = array<i32>} : memref<8192xf32, #tpu.memory_space<vmem>>, vector<16xf32>,
      %max3A_285 = arith.maximumf %max3A_278, %get3A_284 : vector<16xf32>
      %mul3A_286 = arith.constant 16 : i32
      %mul3A_287 = arith.muli %scan3A_188, %mul3A_286 : i32
      %add3A_288 = arith.constant 6144 : i32
      %add3A_289 = arith.addi %add3A_288, %mul3A_287 : i32
      %get3A_290 = arith.index_cast %add3A_289 : i32 to index
      %get3A_291 = tpu.vector_load %arg8[%get3A_290] {strides = array<i32>} : memref<8192xf32, #tpu.memory_space<vmem>>, vector<16xf32>,
      %max3A_292 = arith.maximumf %max3A_285, %get3A_291 : vector<16xf32>
      %mul3A_293 = arith.constant 16 : i32
      %mul3A_294 = arith.muli %scan3A_188, %mul3A_293 : i32
      %add3A_295 = arith.constant 7168 : i32
      %add3A_296 = arith.addi %add3A_295, %mul3A_294 : i32
      %get3A_297 = arith.index_cast %add3A_296 : i32 to index
      %get3A_298 = tpu.vector_load %arg8[%get3A_297] {strides = array<i32>} : memref<8192xf32, #tpu.memory_space<vmem>>, vector<16xf32>,
      %max3A_299 = arith.maximumf %max3A_292, %get3A_298 : vector<16xf32>
      %mul3A_300 = arith.constant 16 : i32
      %mul3A_301 = arith.muli %scan3A_188, %mul3A_300 : i32
      %add3A_302 = arith.constant 0 : i32
      %add3A_303 = arith.addi %add3A_302, %mul3A_301 : i32
      %get3A_304 = arith.index_cast %add3A_303 : i32 to index
      %get3A_305 = tpu.vector_load %arg9[%get3A_304] {strides = array<i32>} : memref<8192xf32, #tpu.memory_space<vmem>>, vector<16xf32>,
      %max3A_306 = arith.maximumf %max3A_299, %get3A_305 : vector<16xf32>
      %mul3A_307 = arith.constant 16 : i32
      %mul3A_308 = arith.muli %scan3A_188, %mul3A_307 : i32
      %add3A_309 = arith.constant 1024 : i32
      %add3A_310 = arith.addi %add3A_309, %mul3A_308 : i32
      %get3A_311 = arith.index_cast %add3A_310 : i32 to index
      %get3A_312 = tpu.vector_load %arg9[%get3A_311] {strides = array<i32>} : memref<8192xf32, #tpu.memory_space<vmem>>, vector<16xf32>,
      %max3A_313 = arith.maximumf %max3A_306, %get3A_312 : vector<16xf32>
      %mul3A_314 = arith.constant 16 : i32
      %mul3A_315 = arith.muli %scan3A_188, %mul3A_314 : i32
      %add3A_316 = arith.constant 2048 : i32
      %add3A_317 = arith.addi %add3A_316, %mul3A_315 : i32
      %get3A_318 = arith.index_cast %add3A_317 : i32 to index
      %get3A_319 = tpu.vector_load %arg9[%get3A_318] {strides = array<i32>} : memref<8192xf32, #tpu.memory_space<vmem>>, vector<16xf32>,
      %max3A_320 = arith.maximumf %max3A_313, %get3A_319 : vector<16xf32>
      %mul3A_321 = arith.constant 16 : i32
      %mul3A_322 = arith.muli %scan3A_188, %mul3A_321 : i32
      %add3A_323 = arith.constant 3072 : i32
      %add3A_324 = arith.addi %add3A_323, %mul3A_322 : i32
      %get3A_325 = arith.index_cast %add3A_324 : i32 to index
      %get3A_326 = tpu.vector_load %arg9[%get3A_325] {strides = array<i32>} : memref<8192xf32, #tpu.memory_space<vmem>>, vector<16xf32>,
      %max3A_327 = arith.maximumf %max3A_320, %get3A_326 : vector<16xf32>
      %mul3A_328 = arith.constant 16 : i32
      %mul3A_329 = arith.muli %scan3A_188, %mul3A_328 : i32
      %add3A_330 = arith.constant 4096 : i32
      %add3A_331 = arith.addi %add3A_330, %mul3A_329 : i32
      %get3A_332 = arith.index_cast %add3A_331 : i32 to index
      %get3A_333 = tpu.vector_load %arg9[%get3A_332] {strides = array<i32>} : memref<8192xf32, #tpu.memory_space<vmem>>, vector<16xf32>,
      %max3A_334 = arith.maximumf %max3A_327, %get3A_333 : vector<16xf32>
      %mul3A_335 = arith.constant 16 : i32
      %mul3A_336 = arith.muli %scan3A_188, %mul3A_335 : i32
      %add3A_337 = arith.constant 5120 : i32
      %add3A_338 = arith.addi %add3A_337, %mul3A_336 : i32
      %get3A_339 = arith.index_cast %add3A_338 : i32 to index
      %get3A_340 = tpu.vector_load %arg9[%get3A_339] {strides = array<i32>} : memref<8192xf32, #tpu.memory_space<vmem>>, vector<16xf32>,
      %max3A_341 = arith.maximumf %max3A_334, %get3A_340 : vector<16xf32>
      %mul3A_342 = arith.constant 16 : i32
      %mul3A_343 = arith.muli %scan3A_188, %mul3A_342 : i32
      %add3A_344 = arith.constant 6144 : i32
      %add3A_345 = arith.addi %add3A_344, %mul3A_343 : i32
      %get3A_346 = arith.index_cast %add3A_345 : i32 to index
      %get3A_347 = tpu.vector_load %arg9[%get3A_346] {strides = array<i32>} : memref<8192xf32, #tpu.memory_space<vmem>>, vector<16xf32>,
      %max3A_348 = arith.maximumf %max3A_341, %get3A_347 : vector<16xf32>
      %mul3A_349 = arith.constant 16 : i32
      %mul3A_350 = arith.muli %scan3A_188, %mul3A_349 : i32
      %add3A_351 = arith.constant 7168 : i32
      %add3A_352 = arith.addi %add3A_351, %mul3A_350 : i32
      %get3A_353 = arith.index_cast %add3A_352 : i32 to index
      %get3A_354 = tpu.vector_load %arg9[%get3A_353] {strides = array<i32>} : memref<8192xf32, #tpu.memory_space<vmem>>, vector<16xf32>,
      %max3A_355 = arith.maximumf %max3A_348, %get3A_354 : vector<16xf32>
      %mul3A_356 = arith.constant 16 : i32
      %mul3A_357 = arith.muli %scan3A_188, %mul3A_356 : i32
      %swap3A = arith.index_cast %mul3A_357 : i32 to index
      %swap3A_358 = tpu.vector_load %arg16[%swap3A] {strides = array<i32>} : memref<1024xf32, #tpu.memory_space<vmem>>, vector<16xf32>,
      tpu.vector_store %arg16[%swap3A], %max3A_355 {strides = array<i32>} : memref<1024xf32, #tpu.memory_space<vmem>>, vector<16xf32>,
      %scan3A_359 = arith.constant 0 : i32
      scf.yield %scan3A_359 : i32
    }
    %scan3A_167 = arith.constant 64 : i32
    %add3A_168 = arith.constant 0 : i32
    %add3A_169 = arith.addi %add3A_96, %add3A_168 : i32
    "tpu.region"() ({
      %run_scoped3A = tpu.sem_alloc : memref<!tpu.dma_semaphore, #tpu.memory_space<semaphore_mem>>
      %dma_start3A_188 = arith.constant 0 : i32
      %dma_start3A_189 = tpu.memref_slice %arg4[%add3A_169, %dma_start3A_188] : memref<192x1024xf32, #tpu.memory_space<hbm>> -> memref<1x1024xf32, #tpu.memory_space<hbm>>
      %dma_start3A_190 = tpu.memref_squeeze %dma_start3A_189 : memref<1x1024xf32, #tpu.memory_space<hbm>> -> memref<1024xf32, #tpu.memory_space<hbm>>
      %dma_start3A_191 = arith.constant 0 : i32
      %dma_start3A_192 = tpu.memref_slice %arg4[%add3A_169, %dma_start3A_191] : memref<192x1024xf32, #tpu.memory_space<hbm>> -> memref<1x1024xf32, #tpu.memory_space<hbm>>
      %dma_start3A_193 = tpu.memref_squeeze %dma_start3A_192 : memref<1x1024xf32, #tpu.memory_space<hbm>> -> memref<1024xf32, #tpu.memory_space<hbm>>
      tpu.enqueue_dma source(%arg16 : memref<1024xf32, #tpu.memory_space<vmem>>) target(%dma_start3A_193 : memref<1024xf32, #tpu.memory_space<hbm>>) target_semaphore(%run_scoped3A : memref<!tpu.dma_semaphore, #tpu.memory_space<semaphore_mem>>)
      %dma_wait3A = arith.constant 0 : i32
      %dma_wait3A_194 = tpu.memref_slice %arg4[%add3A_169, %dma_wait3A] : memref<192x1024xf32, #tpu.memory_space<hbm>> -> memref<1x1024xf32, #tpu.memory_space<hbm>>
      %dma_wait3A_195 = tpu.memref_squeeze %dma_wait3A_194 : memref<1x1024xf32, #tpu.memory_space<hbm>> -> memref<1024xf32, #tpu.memory_space<hbm>>
      %dma_wait3A_196 = arith.constant 0 : i32
      %dma_wait3A_197 = tpu.memref_slice %arg4[%add3A_169, %dma_wait3A_196] : memref<192x1024xf32, #tpu.memory_space<hbm>> -> memref<1x1024xf32, #tpu.memory_space<hbm>>
      %dma_wait3A_198 = tpu.memref_squeeze %dma_wait3A_197 : memref<1x1024xf32, #tpu.memory_space<hbm>> -> memref<1024xf32, #tpu.memory_space<hbm>>
      tpu.wait_dma2 semaphore(%run_scoped3A : memref<!tpu.dma_semaphore, #tpu.memory_space<semaphore_mem>>) src(%arg16 : memref<1024xf32, #tpu.memory_space<vmem>>) dst(%dma_wait3A_198 : memref<1024xf32, #tpu.memory_space<hbm>>)
      tpu.yield
    }) : () -> ()
    %scan3A_170 = arith.constant 0 : i32
    %scan3A_171 = arith.constant 0 : i32
    %scan3A_172 = arith.constant 64 : i32
    %scan3A_173 = arith.addi %scan3A_171, %scan3A_172 : i32
    %scan3A_174 = arith.constant 1 : i32
    %scan3A_175 = scf.for %scan3A_188 = %scan3A_171 to %scan3A_173 step %scan3A_174 iter_args(%scan3A_189 = %scan3A_170) -> (i32)  : i32 {
      %mul3A_190 = arith.constant 16 : i32
      %mul3A_191 = arith.muli %scan3A_188, %mul3A_190 : i32
      %add3A_192 = arith.constant 0 : i32
      %add3A_193 = arith.addi %add3A_192, %mul3A_191 : i32
      %get3A = arith.index_cast %add3A_193 : i32 to index
      %get3A_194 = tpu.vector_load %arg10[%get3A] {strides = array<i32>} : memref<8192xf32, #tpu.memory_space<vmem>>, vector<16xf32>,
      %max3A = arith.maximumf %broadcast_in_dim3A_6, %get3A_194 : vector<16xf32>
      %mul3A_195 = arith.constant 16 : i32
      %mul3A_196 = arith.muli %scan3A_188, %mul3A_195 : i32
      %add3A_197 = arith.constant 1024 : i32
      %add3A_198 = arith.addi %add3A_197, %mul3A_196 : i32
      %get3A_199 = arith.index_cast %add3A_198 : i32 to index
      %get3A_200 = tpu.vector_load %arg10[%get3A_199] {strides = array<i32>} : memref<8192xf32, #tpu.memory_space<vmem>>, vector<16xf32>,
      %max3A_201 = arith.maximumf %max3A, %get3A_200 : vector<16xf32>
      %mul3A_202 = arith.constant 16 : i32
      %mul3A_203 = arith.muli %scan3A_188, %mul3A_202 : i32
      %add3A_204 = arith.constant 2048 : i32
      %add3A_205 = arith.addi %add3A_204, %mul3A_203 : i32
      %get3A_206 = arith.index_cast %add3A_205 : i32 to index
      %get3A_207 = tpu.vector_load %arg10[%get3A_206] {strides = array<i32>} : memref<8192xf32, #tpu.memory_space<vmem>>, vector<16xf32>,
      %max3A_208 = arith.maximumf %max3A_201, %get3A_207 : vector<16xf32>
      %mul3A_209 = arith.constant 16 : i32
      %mul3A_210 = arith.muli %scan3A_188, %mul3A_209 : i32
      %add3A_211 = arith.constant 3072 : i32
      %add3A_212 = arith.addi %add3A_211, %mul3A_210 : i32
      %get3A_213 = arith.index_cast %add3A_212 : i32 to index
      %get3A_214 = tpu.vector_load %arg10[%get3A_213] {strides = array<i32>} : memref<8192xf32, #tpu.memory_space<vmem>>, vector<16xf32>,
      %max3A_215 = arith.maximumf %max3A_208, %get3A_214 : vector<16xf32>
      %mul3A_216 = arith.constant 16 : i32
      %mul3A_217 = arith.muli %scan3A_188, %mul3A_216 : i32
      %add3A_218 = arith.constant 4096 : i32
      %add3A_219 = arith.addi %add3A_218, %mul3A_217 : i32
      %get3A_220 = arith.index_cast %add3A_219 : i32 to index
      %get3A_221 = tpu.vector_load %arg10[%get3A_220] {strides = array<i32>} : memref<8192xf32, #tpu.memory_space<vmem>>, vector<16xf32>,
      %max3A_222 = arith.maximumf %max3A_215, %get3A_221 : vector<16xf32>
      %mul3A_223 = arith.constant 16 : i32
      %mul3A_224 = arith.muli %scan3A_188, %mul3A_223 : i32
      %add3A_225 = arith.constant 5120 : i32
      %add3A_226 = arith.addi %add3A_225, %mul3A_224 : i32
      %get3A_227 = arith.index_cast %add3A_226 : i32 to index
      %get3A_228 = tpu.vector_load %arg10[%get3A_227] {strides = array<i32>} : memref<8192xf32, #tpu.memory_space<vmem>>, vector<16xf32>,
      %max3A_229 = arith.maximumf %max3A_222, %get3A_228 : vector<16xf32>
      %mul3A_230 = arith.constant 16 : i32
      %mul3A_231 = arith.muli %scan3A_188, %mul3A_230 : i32
      %add3A_232 = arith.constant 6144 : i32
      %add3A_233 = arith.addi %add3A_232, %mul3A_231 : i32
      %get3A_234 = arith.index_cast %add3A_233 : i32 to index
      %get3A_235 = tpu.vector_load %arg10[%get3A_234] {strides = array<i32>} : memref<8192xf32, #tpu.memory_space<vmem>>, vector<16xf32>,
      %max3A_236 = arith.maximumf %max3A_229, %get3A_235 : vector<16xf32>
      %mul3A_237 = arith.constant 16 : i32
      %mul3A_238 = arith.muli %scan3A_188, %mul3A_237 : i32
      %add3A_239 = arith.constant 7168 : i32
      %add3A_240 = arith.addi %add3A_239, %mul3A_238 : i32
      %get3A_241 = arith.index_cast %add3A_240 : i32 to index
      %get3A_242 = tpu.vector_load %arg10[%get3A_241] {strides = array<i32>} : memref<8192xf32, #tpu.memory_space<vmem>>, vector<16xf32>,
      %max3A_243 = arith.maximumf %max3A_236, %get3A_242 : vector<16xf32>
      %mul3A_244 = arith.constant 16 : i32
      %mul3A_245 = arith.muli %scan3A_188, %mul3A_244 : i32
      %add3A_246 = arith.constant 0 : i32
      %add3A_247 = arith.addi %add3A_246, %mul3A_245 : i32
      %get3A_248 = arith.index_cast %add3A_247 : i32 to index
      %get3A_249 = tpu.vector_load %arg11[%get3A_248] {strides = array<i32>} : memref<8192xf32, #tpu.memory_space<vmem>>, vector<16xf32>,
      %max3A_250 = arith.maximumf %max3A_243, %get3A_249 : vector<16xf32>
      %mul3A_251 = arith.constant 16 : i32
      %mul3A_252 = arith.muli %scan3A_188, %mul3A_251 : i32
      %add3A_253 = arith.constant 1024 : i32
      %add3A_254 = arith.addi %add3A_253, %mul3A_252 : i32
      %get3A_255 = arith.index_cast %add3A_254 : i32 to index
      %get3A_256 = tpu.vector_load %arg11[%get3A_255] {strides = array<i32>} : memref<8192xf32, #tpu.memory_space<vmem>>, vector<16xf32>,
      %max3A_257 = arith.maximumf %max3A_250, %get3A_256 : vector<16xf32>
      %mul3A_258 = arith.constant 16 : i32
      %mul3A_259 = arith.muli %scan3A_188, %mul3A_258 : i32
      %add3A_260 = arith.constant 2048 : i32
      %add3A_261 = arith.addi %add3A_260, %mul3A_259 : i32
      %get3A_262 = arith.index_cast %add3A_261 : i32 to index
      %get3A_263 = tpu.vector_load %arg11[%get3A_262] {strides = array<i32>} : memref<8192xf32, #tpu.memory_space<vmem>>, vector<16xf32>,
      %max3A_264 = arith.maximumf %max3A_257, %get3A_263 : vector<16xf32>
      %mul3A_265 = arith.constant 16 : i32
      %mul3A_266 = arith.muli %scan3A_188, %mul3A_265 : i32
      %add3A_267 = arith.constant 3072 : i32
      %add3A_268 = arith.addi %add3A_267, %mul3A_266 : i32
      %get3A_269 = arith.index_cast %add3A_268 : i32 to index
      %get3A_270 = tpu.vector_load %arg11[%get3A_269] {strides = array<i32>} : memref<8192xf32, #tpu.memory_space<vmem>>, vector<16xf32>,
      %max3A_271 = arith.maximumf %max3A_264, %get3A_270 : vector<16xf32>
      %mul3A_272 = arith.constant 16 : i32
      %mul3A_273 = arith.muli %scan3A_188, %mul3A_272 : i32
      %add3A_274 = arith.constant 4096 : i32
      %add3A_275 = arith.addi %add3A_274, %mul3A_273 : i32
      %get3A_276 = arith.index_cast %add3A_275 : i32 to index
      %get3A_277 = tpu.vector_load %arg11[%get3A_276] {strides = array<i32>} : memref<8192xf32, #tpu.memory_space<vmem>>, vector<16xf32>,
      %max3A_278 = arith.maximumf %max3A_271, %get3A_277 : vector<16xf32>
      %mul3A_279 = arith.constant 16 : i32
      %mul3A_280 = arith.muli %scan3A_188, %mul3A_279 : i32
      %add3A_281 = arith.constant 5120 : i32
      %add3A_282 = arith.addi %add3A_281, %mul3A_280 : i32
      %get3A_283 = arith.index_cast %add3A_282 : i32 to index
      %get3A_284 = tpu.vector_load %arg11[%get3A_283] {strides = array<i32>} : memref<8192xf32, #tpu.memory_space<vmem>>, vector<16xf32>,
      %max3A_285 = arith.maximumf %max3A_278, %get3A_284 : vector<16xf32>
      %mul3A_286 = arith.constant 16 : i32
      %mul3A_287 = arith.muli %scan3A_188, %mul3A_286 : i32
      %add3A_288 = arith.constant 6144 : i32
      %add3A_289 = arith.addi %add3A_288, %mul3A_287 : i32
      %get3A_290 = arith.index_cast %add3A_289 : i32 to index
      %get3A_291 = tpu.vector_load %arg11[%get3A_290] {strides = array<i32>} : memref<8192xf32, #tpu.memory_space<vmem>>, vector<16xf32>,
      %max3A_292 = arith.maximumf %max3A_285, %get3A_291 : vector<16xf32>
      %mul3A_293 = arith.constant 16 : i32
      %mul3A_294 = arith.muli %scan3A_188, %mul3A_293 : i32
      %add3A_295 = arith.constant 7168 : i32
      %add3A_296 = arith.addi %add3A_295, %mul3A_294 : i32
      %get3A_297 = arith.index_cast %add3A_296 : i32 to index
      %get3A_298 = tpu.vector_load %arg11[%get3A_297] {strides = array<i32>} : memref<8192xf32, #tpu.memory_space<vmem>>, vector<16xf32>,
      %max3A_299 = arith.maximumf %max3A_292, %get3A_298 : vector<16xf32>
      %mul3A_300 = arith.constant 16 : i32
      %mul3A_301 = arith.muli %scan3A_188, %mul3A_300 : i32
      %add3A_302 = arith.constant 0 : i32
      %add3A_303 = arith.addi %add3A_302, %mul3A_301 : i32
      %get3A_304 = arith.index_cast %add3A_303 : i32 to index
      %get3A_305 = tpu.vector_load %arg12[%get3A_304] {strides = array<i32>} : memref<8192xf32, #tpu.memory_space<vmem>>, vector<16xf32>,
      %max3A_306 = arith.maximumf %max3A_299, %get3A_305 : vector<16xf32>
      %mul3A_307 = arith.constant 16 : i32
      %mul3A_308 = arith.muli %scan3A_188, %mul3A_307 : i32
      %add3A_309 = arith.constant 1024 : i32
      %add3A_310 = arith.addi %add3A_309, %mul3A_308 : i32
      %get3A_311 = arith.index_cast %add3A_310 : i32 to index
      %get3A_312 = tpu.vector_load %arg12[%get3A_311] {strides = array<i32>} : memref<8192xf32, #tpu.memory_space<vmem>>, vector<16xf32>,
      %max3A_313 = arith.maximumf %max3A_306, %get3A_312 : vector<16xf32>
      %mul3A_314 = arith.constant 16 : i32
      %mul3A_315 = arith.muli %scan3A_188, %mul3A_314 : i32
      %add3A_316 = arith.constant 2048 : i32
      %add3A_317 = arith.addi %add3A_316, %mul3A_315 : i32
      %get3A_318 = arith.index_cast %add3A_317 : i32 to index
      %get3A_319 = tpu.vector_load %arg12[%get3A_318] {strides = array<i32>} : memref<8192xf32, #tpu.memory_space<vmem>>, vector<16xf32>,
      %max3A_320 = arith.maximumf %max3A_313, %get3A_319 : vector<16xf32>
      %mul3A_321 = arith.constant 16 : i32
      %mul3A_322 = arith.muli %scan3A_188, %mul3A_321 : i32
      %add3A_323 = arith.constant 3072 : i32
      %add3A_324 = arith.addi %add3A_323, %mul3A_322 : i32
      %get3A_325 = arith.index_cast %add3A_324 : i32 to index
      %get3A_326 = tpu.vector_load %arg12[%get3A_325] {strides = array<i32>} : memref<8192xf32, #tpu.memory_space<vmem>>, vector<16xf32>,
      %max3A_327 = arith.maximumf %max3A_320, %get3A_326 : vector<16xf32>
      %mul3A_328 = arith.constant 16 : i32
      %mul3A_329 = arith.muli %scan3A_188, %mul3A_328 : i32
      %add3A_330 = arith.constant 4096 : i32
      %add3A_331 = arith.addi %add3A_330, %mul3A_329 : i32
      %get3A_332 = arith.index_cast %add3A_331 : i32 to index
      %get3A_333 = tpu.vector_load %arg12[%get3A_332] {strides = array<i32>} : memref<8192xf32, #tpu.memory_space<vmem>>, vector<16xf32>,
      %max3A_334 = arith.maximumf %max3A_327, %get3A_333 : vector<16xf32>
      %mul3A_335 = arith.constant 16 : i32
      %mul3A_336 = arith.muli %scan3A_188, %mul3A_335 : i32
      %add3A_337 = arith.constant 5120 : i32
      %add3A_338 = arith.addi %add3A_337, %mul3A_336 : i32
      %get3A_339 = arith.index_cast %add3A_338 : i32 to index
      %get3A_340 = tpu.vector_load %arg12[%get3A_339] {strides = array<i32>} : memref<8192xf32, #tpu.memory_space<vmem>>, vector<16xf32>,
      %max3A_341 = arith.maximumf %max3A_334, %get3A_340 : vector<16xf32>
      %mul3A_342 = arith.constant 16 : i32
      %mul3A_343 = arith.muli %scan3A_188, %mul3A_342 : i32
      %add3A_344 = arith.constant 6144 : i32
      %add3A_345 = arith.addi %add3A_344, %mul3A_343 : i32
      %get3A_346 = arith.index_cast %add3A_345 : i32 to index
      %get3A_347 = tpu.vector_load %arg12[%get3A_346] {strides = array<i32>} : memref<8192xf32, #tpu.memory_space<vmem>>, vector<16xf32>,
      %max3A_348 = arith.maximumf %max3A_341, %get3A_347 : vector<16xf32>
      %mul3A_349 = arith.constant 16 : i32
      %mul3A_350 = arith.muli %scan3A_188, %mul3A_349 : i32
      %add3A_351 = arith.constant 7168 : i32
      %add3A_352 = arith.addi %add3A_351, %mul3A_350 : i32
      %get3A_353 = arith.index_cast %add3A_352 : i32 to index
      %get3A_354 = tpu.vector_load %arg12[%get3A_353] {strides = array<i32>} : memref<8192xf32, #tpu.memory_space<vmem>>, vector<16xf32>,
      %max3A_355 = arith.maximumf %max3A_348, %get3A_354 : vector<16xf32>
      %mul3A_356 = arith.constant 16 : i32
      %mul3A_357 = arith.muli %scan3A_188, %mul3A_356 : i32
      %swap3A = arith.index_cast %mul3A_357 : i32 to index
      %swap3A_358 = tpu.vector_load %arg16[%swap3A] {strides = array<i32>} : memref<1024xf32, #tpu.memory_space<vmem>>, vector<16xf32>,
      tpu.vector_store %arg16[%swap3A], %max3A_355 {strides = array<i32>} : memref<1024xf32, #tpu.memory_space<vmem>>, vector<16xf32>,
      %scan3A_359 = arith.constant 0 : i32
      scf.yield %scan3A_359 : i32
    }
    %scan3A_176 = arith.constant 64 : i32
    %add3A_177 = arith.constant 1 : i32
    %add3A_178 = arith.addi %add3A_96, %add3A_177 : i32
    "tpu.region"() ({
      %run_scoped3A = tpu.sem_alloc : memref<!tpu.dma_semaphore, #tpu.memory_space<semaphore_mem>>
      %dma_start3A_188 = arith.constant 0 : i32
      %dma_start3A_189 = tpu.memref_slice %arg4[%add3A_178, %dma_start3A_188] : memref<192x1024xf32, #tpu.memory_space<hbm>> -> memref<1x1024xf32, #tpu.memory_space<hbm>>
      %dma_start3A_190 = tpu.memref_squeeze %dma_start3A_189 : memref<1x1024xf32, #tpu.memory_space<hbm>> -> memref<1024xf32, #tpu.memory_space<hbm>>
      %dma_start3A_191 = arith.constant 0 : i32
      %dma_start3A_192 = tpu.memref_slice %arg4[%add3A_178, %dma_start3A_191] : memref<192x1024xf32, #tpu.memory_space<hbm>> -> memref<1x1024xf32, #tpu.memory_space<hbm>>
      %dma_start3A_193 = tpu.memref_squeeze %dma_start3A_192 : memref<1x1024xf32, #tpu.memory_space<hbm>> -> memref<1024xf32, #tpu.memory_space<hbm>>
      tpu.enqueue_dma source(%arg16 : memref<1024xf32, #tpu.memory_space<vmem>>) target(%dma_start3A_193 : memref<1024xf32, #tpu.memory_space<hbm>>) target_semaphore(%run_scoped3A : memref<!tpu.dma_semaphore, #tpu.memory_space<semaphore_mem>>)
      %dma_wait3A = arith.constant 0 : i32
      %dma_wait3A_194 = tpu.memref_slice %arg4[%add3A_178, %dma_wait3A] : memref<192x1024xf32, #tpu.memory_space<hbm>> -> memref<1x1024xf32, #tpu.memory_space<hbm>>
      %dma_wait3A_195 = tpu.memref_squeeze %dma_wait3A_194 : memref<1x1024xf32, #tpu.memory_space<hbm>> -> memref<1024xf32, #tpu.memory_space<hbm>>
      %dma_wait3A_196 = arith.constant 0 : i32
      %dma_wait3A_197 = tpu.memref_slice %arg4[%add3A_178, %dma_wait3A_196] : memref<192x1024xf32, #tpu.memory_space<hbm>> -> memref<1x1024xf32, #tpu.memory_space<hbm>>
      %dma_wait3A_198 = tpu.memref_squeeze %dma_wait3A_197 : memref<1x1024xf32, #tpu.memory_space<hbm>> -> memref<1024xf32, #tpu.memory_space<hbm>>
      tpu.wait_dma2 semaphore(%run_scoped3A : memref<!tpu.dma_semaphore, #tpu.memory_space<semaphore_mem>>) src(%arg16 : memref<1024xf32, #tpu.memory_space<vmem>>) dst(%dma_wait3A_198 : memref<1024xf32, #tpu.memory_space<hbm>>)
      tpu.yield
    }) : () -> ()
    %scan3A_179 = arith.constant 0 : i32
    %scan3A_180 = arith.constant 0 : i32
    %scan3A_181 = arith.constant 64 : i32
    %scan3A_182 = arith.addi %scan3A_180, %scan3A_181 : i32
    %scan3A_183 = arith.constant 1 : i32
    %scan3A_184 = scf.for %scan3A_188 = %scan3A_180 to %scan3A_182 step %scan3A_183 iter_args(%scan3A_189 = %scan3A_179) -> (i32)  : i32 {
      %mul3A_190 = arith.constant 16 : i32
      %mul3A_191 = arith.muli %scan3A_188, %mul3A_190 : i32
      %add3A_192 = arith.constant 0 : i32
      %add3A_193 = arith.addi %add3A_192, %mul3A_191 : i32
      %get3A = arith.index_cast %add3A_193 : i32 to index
      %get3A_194 = tpu.vector_load %arg13[%get3A] {strides = array<i32>} : memref<8192xf32, #tpu.memory_space<vmem>>, vector<16xf32>,
      %max3A = arith.maximumf %broadcast_in_dim3A_6, %get3A_194 : vector<16xf32>
      %mul3A_195 = arith.constant 16 : i32
      %mul3A_196 = arith.muli %scan3A_188, %mul3A_195 : i32
      %add3A_197 = arith.constant 1024 : i32
      %add3A_198 = arith.addi %add3A_197, %mul3A_196 : i32
      %get3A_199 = arith.index_cast %add3A_198 : i32 to index
      %get3A_200 = tpu.vector_load %arg13[%get3A_199] {strides = array<i32>} : memref<8192xf32, #tpu.memory_space<vmem>>, vector<16xf32>,
      %max3A_201 = arith.maximumf %max3A, %get3A_200 : vector<16xf32>
      %mul3A_202 = arith.constant 16 : i32
      %mul3A_203 = arith.muli %scan3A_188, %mul3A_202 : i32
      %add3A_204 = arith.constant 2048 : i32
      %add3A_205 = arith.addi %add3A_204, %mul3A_203 : i32
      %get3A_206 = arith.index_cast %add3A_205 : i32 to index
      %get3A_207 = tpu.vector_load %arg13[%get3A_206] {strides = array<i32>} : memref<8192xf32, #tpu.memory_space<vmem>>, vector<16xf32>,
      %max3A_208 = arith.maximumf %max3A_201, %get3A_207 : vector<16xf32>
      %mul3A_209 = arith.constant 16 : i32
      %mul3A_210 = arith.muli %scan3A_188, %mul3A_209 : i32
      %add3A_211 = arith.constant 3072 : i32
      %add3A_212 = arith.addi %add3A_211, %mul3A_210 : i32
      %get3A_213 = arith.index_cast %add3A_212 : i32 to index
      %get3A_214 = tpu.vector_load %arg13[%get3A_213] {strides = array<i32>} : memref<8192xf32, #tpu.memory_space<vmem>>, vector<16xf32>,
      %max3A_215 = arith.maximumf %max3A_208, %get3A_214 : vector<16xf32>
      %mul3A_216 = arith.constant 16 : i32
      %mul3A_217 = arith.muli %scan3A_188, %mul3A_216 : i32
      %add3A_218 = arith.constant 4096 : i32
      %add3A_219 = arith.addi %add3A_218, %mul3A_217 : i32
      %get3A_220 = arith.index_cast %add3A_219 : i32 to index
      %get3A_221 = tpu.vector_load %arg13[%get3A_220] {strides = array<i32>} : memref<8192xf32, #tpu.memory_space<vmem>>, vector<16xf32>,
      %max3A_222 = arith.maximumf %max3A_215, %get3A_221 : vector<16xf32>
      %mul3A_223 = arith.constant 16 : i32
      %mul3A_224 = arith.muli %scan3A_188, %mul3A_223 : i32
      %add3A_225 = arith.constant 5120 : i32
      %add3A_226 = arith.addi %add3A_225, %mul3A_224 : i32
      %get3A_227 = arith.index_cast %add3A_226 : i32 to index
      %get3A_228 = tpu.vector_load %arg13[%get3A_227] {strides = array<i32>} : memref<8192xf32, #tpu.memory_space<vmem>>, vector<16xf32>,
      %max3A_229 = arith.maximumf %max3A_222, %get3A_228 : vector<16xf32>
      %mul3A_230 = arith.constant 16 : i32
      %mul3A_231 = arith.muli %scan3A_188, %mul3A_230 : i32
      %add3A_232 = arith.constant 6144 : i32
      %add3A_233 = arith.addi %add3A_232, %mul3A_231 : i32
      %get3A_234 = arith.index_cast %add3A_233 : i32 to index
      %get3A_235 = tpu.vector_load %arg13[%get3A_234] {strides = array<i32>} : memref<8192xf32, #tpu.memory_space<vmem>>, vector<16xf32>,
      %max3A_236 = arith.maximumf %max3A_229, %get3A_235 : vector<16xf32>
      %mul3A_237 = arith.constant 16 : i32
      %mul3A_238 = arith.muli %scan3A_188, %mul3A_237 : i32
      %add3A_239 = arith.constant 7168 : i32
      %add3A_240 = arith.addi %add3A_239, %mul3A_238 : i32
      %get3A_241 = arith.index_cast %add3A_240 : i32 to index
      %get3A_242 = tpu.vector_load %arg13[%get3A_241] {strides = array<i32>} : memref<8192xf32, #tpu.memory_space<vmem>>, vector<16xf32>,
      %max3A_243 = arith.maximumf %max3A_236, %get3A_242 : vector<16xf32>
      %mul3A_244 = arith.constant 16 : i32
      %mul3A_245 = arith.muli %scan3A_188, %mul3A_244 : i32
      %add3A_246 = arith.constant 0 : i32
      %add3A_247 = arith.addi %add3A_246, %mul3A_245 : i32
      %get3A_248 = arith.index_cast %add3A_247 : i32 to index
      %get3A_249 = tpu.vector_load %arg14[%get3A_248] {strides = array<i32>} : memref<8192xf32, #tpu.memory_space<vmem>>, vector<16xf32>,
      %max3A_250 = arith.maximumf %max3A_243, %get3A_249 : vector<16xf32>
      %mul3A_251 = arith.constant 16 : i32
      %mul3A_252 = arith.muli %scan3A_188, %mul3A_251 : i32
      %add3A_253 = arith.constant 1024 : i32
      %add3A_254 = arith.addi %add3A_253, %mul3A_252 : i32
      %get3A_255 = arith.index_cast %add3A_254 : i32 to index
      %get3A_256 = tpu.vector_load %arg14[%get3A_255] {strides = array<i32>} : memref<8192xf32, #tpu.memory_space<vmem>>, vector<16xf32>,
      %max3A_257 = arith.maximumf %max3A_250, %get3A_256 : vector<16xf32>
      %mul3A_258 = arith.constant 16 : i32
      %mul3A_259 = arith.muli %scan3A_188, %mul3A_258 : i32
      %add3A_260 = arith.constant 2048 : i32
      %add3A_261 = arith.addi %add3A_260, %mul3A_259 : i32
      %get3A_262 = arith.index_cast %add3A_261 : i32 to index
      %get3A_263 = tpu.vector_load %arg14[%get3A_262] {strides = array<i32>} : memref<8192xf32, #tpu.memory_space<vmem>>, vector<16xf32>,
      %max3A_264 = arith.maximumf %max3A_257, %get3A_263 : vector<16xf32>
      %mul3A_265 = arith.constant 16 : i32
      %mul3A_266 = arith.muli %scan3A_188, %mul3A_265 : i32
      %add3A_267 = arith.constant 3072 : i32
      %add3A_268 = arith.addi %add3A_267, %mul3A_266 : i32
      %get3A_269 = arith.index_cast %add3A_268 : i32 to index
      %get3A_270 = tpu.vector_load %arg14[%get3A_269] {strides = array<i32>} : memref<8192xf32, #tpu.memory_space<vmem>>, vector<16xf32>,
      %max3A_271 = arith.maximumf %max3A_264, %get3A_270 : vector<16xf32>
      %mul3A_272 = arith.constant 16 : i32
      %mul3A_273 = arith.muli %scan3A_188, %mul3A_272 : i32
      %add3A_274 = arith.constant 4096 : i32
      %add3A_275 = arith.addi %add3A_274, %mul3A_273 : i32
      %get3A_276 = arith.index_cast %add3A_275 : i32 to index
      %get3A_277 = tpu.vector_load %arg14[%get3A_276] {strides = array<i32>} : memref<8192xf32, #tpu.memory_space<vmem>>, vector<16xf32>,
      %max3A_278 = arith.maximumf %max3A_271, %get3A_277 : vector<16xf32>
      %mul3A_279 = arith.constant 16 : i32
      %mul3A_280 = arith.muli %scan3A_188, %mul3A_279 : i32
      %add3A_281 = arith.constant 5120 : i32
      %add3A_282 = arith.addi %add3A_281, %mul3A_280 : i32
      %get3A_283 = arith.index_cast %add3A_282 : i32 to index
      %get3A_284 = tpu.vector_load %arg14[%get3A_283] {strides = array<i32>} : memref<8192xf32, #tpu.memory_space<vmem>>, vector<16xf32>,
      %max3A_285 = arith.maximumf %max3A_278, %get3A_284 : vector<16xf32>
      %mul3A_286 = arith.constant 16 : i32
      %mul3A_287 = arith.muli %scan3A_188, %mul3A_286 : i32
      %add3A_288 = arith.constant 6144 : i32
      %add3A_289 = arith.addi %add3A_288, %mul3A_287 : i32
      %get3A_290 = arith.index_cast %add3A_289 : i32 to index
      %get3A_291 = tpu.vector_load %arg14[%get3A_290] {strides = array<i32>} : memref<8192xf32, #tpu.memory_space<vmem>>, vector<16xf32>,
      %max3A_292 = arith.maximumf %max3A_285, %get3A_291 : vector<16xf32>
      %mul3A_293 = arith.constant 16 : i32
      %mul3A_294 = arith.muli %scan3A_188, %mul3A_293 : i32
      %add3A_295 = arith.constant 7168 : i32
      %add3A_296 = arith.addi %add3A_295, %mul3A_294 : i32
      %get3A_297 = arith.index_cast %add3A_296 : i32 to index
      %get3A_298 = tpu.vector_load %arg14[%get3A_297] {strides = array<i32>} : memref<8192xf32, #tpu.memory_space<vmem>>, vector<16xf32>,
      %max3A_299 = arith.maximumf %max3A_292, %get3A_298 : vector<16xf32>
      %mul3A_300 = arith.constant 16 : i32
      %mul3A_301 = arith.muli %scan3A_188, %mul3A_300 : i32
      %add3A_302 = arith.constant 0 : i32
      %add3A_303 = arith.addi %add3A_302, %mul3A_301 : i32
      %get3A_304 = arith.index_cast %add3A_303 : i32 to index
      %get3A_305 = tpu.vector_load %arg15[%get3A_304] {strides = array<i32>} : memref<8192xf32, #tpu.memory_space<vmem>>, vector<16xf32>,
      %max3A_306 = arith.maximumf %max3A_299, %get3A_305 : vector<16xf32>
      %mul3A_307 = arith.constant 16 : i32
      %mul3A_308 = arith.muli %scan3A_188, %mul3A_307 : i32
      %add3A_309 = arith.constant 1024 : i32
      %add3A_310 = arith.addi %add3A_309, %mul3A_308 : i32
      %get3A_311 = arith.index_cast %add3A_310 : i32 to index
      %get3A_312 = tpu.vector_load %arg15[%get3A_311] {strides = array<i32>} : memref<8192xf32, #tpu.memory_space<vmem>>, vector<16xf32>,
      %max3A_313 = arith.maximumf %max3A_306, %get3A_312 : vector<16xf32>
      %mul3A_314 = arith.constant 16 : i32
      %mul3A_315 = arith.muli %scan3A_188, %mul3A_314 : i32
      %add3A_316 = arith.constant 2048 : i32
      %add3A_317 = arith.addi %add3A_316, %mul3A_315 : i32
      %get3A_318 = arith.index_cast %add3A_317 : i32 to index
      %get3A_319 = tpu.vector_load %arg15[%get3A_318] {strides = array<i32>} : memref<8192xf32, #tpu.memory_space<vmem>>, vector<16xf32>,
      %max3A_320 = arith.maximumf %max3A_313, %get3A_319 : vector<16xf32>
      %mul3A_321 = arith.constant 16 : i32
      %mul3A_322 = arith.muli %scan3A_188, %mul3A_321 : i32
      %add3A_323 = arith.constant 3072 : i32
      %add3A_324 = arith.addi %add3A_323, %mul3A_322 : i32
      %get3A_325 = arith.index_cast %add3A_324 : i32 to index
      %get3A_326 = tpu.vector_load %arg15[%get3A_325] {strides = array<i32>} : memref<8192xf32, #tpu.memory_space<vmem>>, vector<16xf32>,
      %max3A_327 = arith.maximumf %max3A_320, %get3A_326 : vector<16xf32>
      %mul3A_328 = arith.constant 16 : i32
      %mul3A_329 = arith.muli %scan3A_188, %mul3A_328 : i32
      %add3A_330 = arith.constant 4096 : i32
      %add3A_331 = arith.addi %add3A_330, %mul3A_329 : i32
      %get3A_332 = arith.index_cast %add3A_331 : i32 to index
      %get3A_333 = tpu.vector_load %arg15[%get3A_332] {strides = array<i32>} : memref<8192xf32, #tpu.memory_space<vmem>>, vector<16xf32>,
      %max3A_334 = arith.maximumf %max3A_327, %get3A_333 : vector<16xf32>
      %mul3A_335 = arith.constant 16 : i32
      %mul3A_336 = arith.muli %scan3A_188, %mul3A_335 : i32
      %add3A_337 = arith.constant 5120 : i32
      %add3A_338 = arith.addi %add3A_337, %mul3A_336 : i32
      %get3A_339 = arith.index_cast %add3A_338 : i32 to index
      %get3A_340 = tpu.vector_load %arg15[%get3A_339] {strides = array<i32>} : memref<8192xf32, #tpu.memory_space<vmem>>, vector<16xf32>,
      %max3A_341 = arith.maximumf %max3A_334, %get3A_340 : vector<16xf32>
      %mul3A_342 = arith.constant 16 : i32
      %mul3A_343 = arith.muli %scan3A_188, %mul3A_342 : i32
      %add3A_344 = arith.constant 6144 : i32
      %add3A_345 = arith.addi %add3A_344, %mul3A_343 : i32
      %get3A_346 = arith.index_cast %add3A_345 : i32 to index
      %get3A_347 = tpu.vector_load %arg15[%get3A_346] {strides = array<i32>} : memref<8192xf32, #tpu.memory_space<vmem>>, vector<16xf32>,
      %max3A_348 = arith.maximumf %max3A_341, %get3A_347 : vector<16xf32>
      %mul3A_349 = arith.constant 16 : i32
      %mul3A_350 = arith.muli %scan3A_188, %mul3A_349 : i32
      %add3A_351 = arith.constant 7168 : i32
      %add3A_352 = arith.addi %add3A_351, %mul3A_350 : i32
      %get3A_353 = arith.index_cast %add3A_352 : i32 to index
      %get3A_354 = tpu.vector_load %arg15[%get3A_353] {strides = array<i32>} : memref<8192xf32, #tpu.memory_space<vmem>>, vector<16xf32>,
      %max3A_355 = arith.maximumf %max3A_348, %get3A_354 : vector<16xf32>
      %mul3A_356 = arith.constant 16 : i32
      %mul3A_357 = arith.muli %scan3A_188, %mul3A_356 : i32
      %swap3A = arith.index_cast %mul3A_357 : i32 to index
      %swap3A_358 = tpu.vector_load %arg16[%swap3A] {strides = array<i32>} : memref<1024xf32, #tpu.memory_space<vmem>>, vector<16xf32>,
      tpu.vector_store %arg16[%swap3A], %max3A_355 {strides = array<i32>} : memref<1024xf32, #tpu.memory_space<vmem>>, vector<16xf32>,
      %scan3A_359 = arith.constant 0 : i32
      scf.yield %scan3A_359 : i32
    }
    %scan3A_185 = arith.constant 64 : i32
    %add3A_186 = arith.constant 2 : i32
    %add3A_187 = arith.addi %add3A_96, %add3A_186 : i32
    "tpu.region"() ({
      %run_scoped3A = tpu.sem_alloc : memref<!tpu.dma_semaphore, #tpu.memory_space<semaphore_mem>>
      %dma_start3A_188 = arith.constant 0 : i32
      %dma_start3A_189 = tpu.memref_slice %arg4[%add3A_187, %dma_start3A_188] : memref<192x1024xf32, #tpu.memory_space<hbm>> -> memref<1x1024xf32, #tpu.memory_space<hbm>>
      %dma_start3A_190 = tpu.memref_squeeze %dma_start3A_189 : memref<1x1024xf32, #tpu.memory_space<hbm>> -> memref<1024xf32, #tpu.memory_space<hbm>>
      %dma_start3A_191 = arith.constant 0 : i32
      %dma_start3A_192 = tpu.memref_slice %arg4[%add3A_187, %dma_start3A_191] : memref<192x1024xf32, #tpu.memory_space<hbm>> -> memref<1x1024xf32, #tpu.memory_space<hbm>>
      %dma_start3A_193 = tpu.memref_squeeze %dma_start3A_192 : memref<1x1024xf32, #tpu.memory_space<hbm>> -> memref<1024xf32, #tpu.memory_space<hbm>>
      tpu.enqueue_dma source(%arg16 : memref<1024xf32, #tpu.memory_space<vmem>>) target(%dma_start3A_193 : memref<1024xf32, #tpu.memory_space<hbm>>) target_semaphore(%run_scoped3A : memref<!tpu.dma_semaphore, #tpu.memory_space<semaphore_mem>>)
      %dma_wait3A = arith.constant 0 : i32
      %dma_wait3A_194 = tpu.memref_slice %arg4[%add3A_187, %dma_wait3A] : memref<192x1024xf32, #tpu.memory_space<hbm>> -> memref<1x1024xf32, #tpu.memory_space<hbm>>
      %dma_wait3A_195 = tpu.memref_squeeze %dma_wait3A_194 : memref<1x1024xf32, #tpu.memory_space<hbm>> -> memref<1024xf32, #tpu.memory_space<hbm>>
      %dma_wait3A_196 = arith.constant 0 : i32
      %dma_wait3A_197 = tpu.memref_slice %arg4[%add3A_187, %dma_wait3A_196] : memref<192x1024xf32, #tpu.memory_space<hbm>> -> memref<1x1024xf32, #tpu.memory_space<hbm>>
      %dma_wait3A_198 = tpu.memref_squeeze %dma_wait3A_197 : memref<1x1024xf32, #tpu.memory_space<hbm>> -> memref<1024xf32, #tpu.memory_space<hbm>>
      tpu.wait_dma2 semaphore(%run_scoped3A : memref<!tpu.dma_semaphore, #tpu.memory_space<semaphore_mem>>) src(%arg16 : memref<1024xf32, #tpu.memory_space<vmem>>) dst(%dma_wait3A_198 : memref<1024xf32, #tpu.memory_space<hbm>>)
      tpu.yield
    }) : () -> ()
    return
  }
}

</mosaic_0001>

<sc_bundles>
// kernel: kernel.3.cloned.1.call-start
scs
__scs_entry_jumppad:
0x0: {  	(pc) =	sbr.rel $0x88, $3  }
0x1: {  	(tag) =	ssettag $0x0;
	lr =	simm.s32 $0x1  }
0x2: {  	[smem:$0x3F9F] =	sst lr;
	_ =	strace $0xD0000000  }
0x3: {  	_ = 	snop  }
0x4: {  	_ = 	snop  }
0x5: {  	_ = 	snop  }
0x6: {  	_ = 	snop  }
0x7: {  	_ = 	snop  }
__scs_overlays_trampoline_lowered:
0x8: {  	[smem:$0x3FAE] =	sst s0  }
0x9: {  	[smem:$0x3FAF] =	sst s1  }
0xa: {  	[smem:$0x3FB0] =	sst s2  }
0xb: {  	[smem:$0x3FB1] =	sst s3  }
0xc: {  	[smem:$0x3FB2] =	sst s4  }
0xd: {  	[smem:$0x3FB3] =	sst s5  }
0xe: {  	[smem:$0x3FB4] =	sst s6  }
0xf: {  	[smem:$0x3FB5] =	sst s7  }
0x10: {  	[smem:$0x3FB6] =	sst s8  }
0x11: {  	[smem:$0x3FB7] =	sst s9;
	s0 =	simm.s32 @!p0 $0x0  }
0x12: {  	s1 =	sld [smem:$0x3F9D];
	s0 =	simm.s32 @p0 $0x1  }
0x13: {  	[smem:$0x3FB8] =	sst s0;
	s0 =	simm.s32 @!p1 $0x0  }
0x14: {  	s2 =	sld [smem:$0x3F9C];
	s0 =	simm.s32 @p1 $0x1  }
0x15: {  	[smem:$0x3FB9] =	sst s0;
	s0 =	simm.s32 @!p2 $0x0  }
0x16: {  	s3 =	sld [smem:$0x3FDB];
	s0 =	simm.s32 @p2 $0x1  }
0x17: {  	s4 =	simm.s32 $0x1BF5;
	[smem:$0x3FBB] =	sst s0  }
0x18: {  	s0 =	sld [smem:$0x3F9E];
	_ =	swait.ge [sflag:s4], $0x0  }
0x19: {  	s7 =	sld [smem:$0x3F9F]  }
0x1a: {  	s8 =	sadd.s32 $0xFFFFE003, lr  }
0x1b: {  	s9 =	sadd.s32 $0xFFFFFEF7, lr;
	s5 =	simm.s32 $0xFFFFFFFF;
	p2 =	slt.u32 s8, $0xFFFFF086  }
0x1c: {  	p1 =	slt.u32 s9, $0xF7A;
	s5 =	simm.s32 @!p2 $0x0  }
0x1d: {  	s5 =	simm.s32 @p1 $0x1;
	p0 =	seq.s32 s7, s2  }
0x1e: {  	s7 =	smul.u32 @!p0 $0xF7A, s2;
	p2 =	seq.s32 @!p0 s5, $0x0  }
0x1f: {  	s9 =	smul.u32 $0xF7A, s1;
	s8 =	simm.s32 @!p0 $0x1BF5;
	p2 =	por !p2, p0  }
0x20: {  	[sflag:s8] =	ssyncset.s32 @!p0 $0xFFFFF086;
	s6 =	sadd.s32 @!p0 s3, s7;
	s7 =	simm.s32 @!p0 $0x108  }
0x21: {  	s3 =	sadd.s32 s3, s9;
	s6 =	sadd.s32 @!p0 $0x88, s6;
	s7 =	simm.s32 @p2 $0x1082  }
0x22: {  	[simem:s7], [sflag:s8] =	dma.local @!p0 [hbm:s6], $0xF7A  }
0x23: {  	s9 =	sor.u32 $0xD0000000, s2;
	s6 =	simm.s32 $0x108;
	_ =	swait.ge @!p0 [sflag:s8], $0x0  }
0x24: {  	s3 =	sadd.s32 $0x88, s3;
	s6 =	simm.s32 @!p1 $0x1082;
	[sflag:s4] =	ssyncset.s32 $0xFFFFF086  }
0x25: {  	[simem:s6], [sflag:s4] =	dma.local [hbm:s3], $0xF7A  }
0x26: {  	[smem:$0x3F9F] =	sst s1;
	(tag) =	ssettag s2;
	_ =	strace s9  }
0x27: {  	s1 =	sld [smem:$0x3FAF]  }
0x28: {  	s2 =	sld [smem:$0x3FB0]  }
0x29: {  	s4 =	sld [smem:$0x3FB2]  }
0x2a: {  	p0 =	seq.s32 s5, $0x0;
	s5 =	sld [smem:$0x3FB3]  }
0x2b: {  	s6 =	sld [smem:$0x3FB4]  }
0x2c: {  	s7 =	sld [smem:$0x3FB5]  }
0x2d: {  	s3 =	simm.s32 $0x108;
	s8 =	sld [smem:$0x3FB6]  }
0x2e: {  	s3 =	simm.s32 @!p0 $0x1082;
	s9 =	sld [smem:$0x3FB7]  }
0x2f: {  	lr =	sadd.s32 s0, s3;
	s0 =	sld [smem:$0x3FAE]  }
0x30: {  	s3 =	sld [smem:$0x3FB1]  }
0x31: {  	[smem:$0x3FBA] =	sst s10  }
0x32: {  	s10 =	sld [smem:$0x3FB8];
	_ =	sdelay $0x3  }
0x33: {  	p0 =	seq.s32 s10, $0x1;
	s10 =	sld [smem:$0x3FBA];
	_ =	sdelay $0x3  }
0x34: {  	[smem:$0x3FBA] =	sst s10  }
0x35: {  	s10 =	sld [smem:$0x3FB9];
	_ =	sdelay $0x3  }
0x36: {  	p1 =	seq.s32 s10, $0x1;
	s10 =	sld [smem:$0x3FBA];
	_ =	sdelay $0x3  }
0x37: {  	[smem:$0x3FBA] =	sst s10  }
0x38: {  	s10 =	sld [smem:$0x3FBB]  }
0x39: {  	_ = 	snop;
	(pc) =	sbr.ind lr, $3  }
0x3a: {  	_ = 	snop  }
0x3b: {  	_ = 	snop  }
0x3c: {  	p2 =	seq.s32 s10, $0x1;
	s10 =	sld [smem:$0x3FBA]  }
0x3d: {  	_ =	shalt  }
0x3e: {  	_ =	shalt  }
0x3f: {  	_ =	shalt  }
0x40: {  	_ =	shalt  }
0x41: {  	_ =	shalt  }
0x42: {  	_ =	shalt  }
0x43: {  	_ =	shalt  }
0x44: {  	_ =	shalt  }
0x45: {  	_ =	shalt  }
0x46: {  	_ =	shalt  }
0x47: {  	_ =	shalt  }
0x48: {  	_ =	shalt  }
0x49: {  	_ =	shalt  }
0x4a: {  	_ =	shalt  }
0x4b: {  	_ =	shalt  }
0x4c: {  	_ =	shalt  }
0x4d: {  	_ =	shalt  }
0x4e: {  	_ =	shalt  }
0x4f: {  	_ =	shalt  }
0x50: {  	_ =	shalt  }
0x51: {  	_ =	shalt  }
0x52: {  	_ =	shalt  }
0x53: {  	_ =	shalt  }
0x54: {  	_ =	shalt  }
0x55: {  	_ =	shalt  }
0x56: {  	_ =	shalt  }
0x57: {  	_ =	shalt  }
0x58: {  	_ =	shalt  }
0x59: {  	_ =	shalt  }
0x5a: {  	_ =	shalt  }
0x5b: {  	_ =	shalt  }
0x5c: {  	_ =	shalt  }
0x5d: {  	_ =	shalt  }
0x5e: {  	_ =	shalt  }
0x5f: {  	_ =	shalt  }
0x60: {  	_ =	shalt  }
0x61: {  	_ =	shalt  }
0x62: {  	_ =	shalt  }
0x63: {  	_ =	shalt  }
0x64: {  	_ =	shalt  }
0x65: {  	_ =	shalt  }
0x66: {  	_ =	shalt  }
0x67: {  	_ =	shalt  }
0x68: {  	_ =	shalt  }
0x69: {  	_ =	shalt  }
0x6a: {  	_ =	shalt  }
0x6b: {  	_ =	shalt  }
0x6c: {  	_ =	shalt  }
0x6d: {  	_ =	shalt  }
0x6e: {  	_ =	shalt  }
0x6f: {  	_ =	shalt  }
0x70: {  	_ =	shalt  }
0x71: {  	_ =	shalt  }
0x72: {  	_ =	shalt  }
0x73: {  	_ =	shalt  }
0x74: {  	_ =	shalt  }
0x75: {  	_ =	shalt  }
0x76: {  	_ =	shalt  }
0x77: {  	_ =	shalt  }
0x78: {  	_ =	shalt  }
0x79: {  	_ =	shalt  }
0x7a: {  	_ =	shalt  }
0x7b: {  	_ =	shalt  }
0x7c: {  	_ =	shalt  }
0x7d: {  	_ =	shalt  }
0x7e: {  	_ =	shalt  }
0x7f: {  	_ =	shalt  }
0x80: {  	_ =	shalt  }
0x81: {  	_ =	shalt  }
0x82: {  	_ =	shalt  }
0x83: {  	_ =	shalt  }
0x84: {  	_ =	shalt  }
0x85: {  	_ =	shalt  }
0x86: {  	_ =	shalt  }
0x87: {  	_ =	shalt  }
.Lfunc_end0:
.L_simem_size_0:
called_computation.1_lowered:
.L_overlay_start_0:
0x88: {  	s2 =	sld [smem:$0x3FD9]  }
0x89: {  	s3 =	sld [smem:$0x3FFE];
	_ =	sdelay $0x1  }
0x8a: {  	s1 =	srdreg.scid  }
0x8b: {  	s0 =	sand.u32 $0x1, s1  }
0x8c: {  	s16 =	sshll.u32 s0, $0xA;
	s2 =	sadd.s32 s3, s2  }
0x8d: {  	s2 =	sadd.s32 s2, s16  }
0x8e: {  	[smem:$0x3FC6] =	sst s2  }
0x8f: {  	_ = 	snop  }
0x90: {  	(tm) =	ssettm $0x1  }
0x91: {  	s17 =	sld [smem:$0x3FFB];
	_ =	sdelay $0x3  }
0x92: {  	_ =	strace s17  }
0x93: {  	s2 =	sld [smem:$0x3FFC];
	_ =	sdelay $0x3  }
0x94: {  	_ =	strace s2  }
0x95: {  	s2 =	sld [smem:$0x3FFD];
	_ =	sdelay $0x3  }
0x96: {  	_ =	strace s2  }
0x97: {  	_ =	strace $0x8FFFFFFF  }
0x98: {  	s18 =	sld [smem:$0x3FDB];
	_ =	sdelay $0x1  }
0x99: {  	s19 =	simm.s32 $_scs_section_size  }
0x9a: {  	s4 =	simm.s32 $_size__tile_overlayer_lowered;
	s5 =	simm.s32 $_tile_overlayer_lowered  }
0x9b: {  	s22 =	simm.s32 $0x1BFF;
	s21 =	sshll.u32 s5, $0x1;
	s2 =	sadd.s32 s19, s18  }
0x9c: {  	s6 =	simm.s32 $0x0;
	s20 =	sshll.u32 s4, $0x1;
	s4 =	sadd.s32 s21, s2  }
0x9d: {  	[timem:s6], [sflag:s22] =	dma.local [hbm:s4], s20  }
0x9e: {  	_ =	swait.ge [sflag:s22], s20  }
0x9f: {  	s3 =	ssub.s32 $0x0, s20;
	[sflag:s22] =	ssyncset.done $0x0  }
0xa0: {  	[sflag:s22] =	ssyncadd.s32 s3;
	_ =	sdelay $0x1  }
0xa1: {  	s23 =	simm.s32 $0x1B8B  }
0xa2: {  	_ =	swait.ge [sflag:s23], $0x1  }
0xa3: {  	[sflag:s23] =	ssyncset.done $0x0  }
0xa4: {  	s25 =	simm.s32 $0x1B8E;
	s24 =	sld [smem:$0x3FFE];
	[sflag:s23] =	ssyncadd.s32 $0xFFFFFFFF  }
0xa5: {  	s26 =	simm.s32 $execute0_lowered;
	[smem:$0x3FD2] =	sst s25  }
0xa6: {  	s4 =	sshll.u32 s26, $0x1;
	_ =	strace $0x80000049;
	[dreg:$0x1] =	wrdreg $0xFFFFFFFF  }
0xa7: {  	s28 =	simm.s32 $_size_execute0_lowered;
	s2 =	sadd.s32 s2, s4;
	[dreg:$0x0] =	wrdreg $0x0  }
0xa8: {  	s4 =	sshll.u32 s28, $0x1;
	[dreg:$0x2] =	wrdreg s2  }
0xa9: {  	[dreg:$0x3] =	wrdreg s4  }
0xaa: {  	[dreg:$0x4] =	wrdreg $0xC0  }
0xab: {  	_ =	task [dreg:s6], $0x5FFFF  }
0xac: {  	[dreg:$0x1] =	wrdreg $0xFFFFFFFF  }
0xad: {  	[dreg:$0x0] =	wrdreg $0x60  }
0xae: {  	[dreg:$0x2] =	wrdreg s24  }
0xaf: {  	[dreg:$0x3] =	wrdreg $0x9  }
0xb0: {  	_ =	task.clear_ibuf [dreg:s6], $0x4FFFF;
	_ =	strace $0x90000049  }
0xb1: {  	s29 =	simm.s32 $0x9;
	_ =	strace $0x8000004B  }
0xb2: {  	_ =	swait.ge [sflag:s29], $0x1  }
0xb3: {  	[sflag:s29] =	ssyncadd.s32 $0xFFFFFFFF  }
0xb4: {  	_ =	strace $0x9000004B  }
0xb5: {  	_ =	sfence  }
0xb6: {  	s30 =	sld [smem:$0x0];
	_ =	sdelay $0x2  }
0xb7: {  	s31 =	sshll.u32 s1, $0xD;
	s1 =	sshrl.u32 s1, $0x2  }
0xb8: {  	s3 =	sand.u32 $0x4000, s31;
	s1 =	sadd.s32 s1, s30  }
0xb9: {  	s0 =	sor.u32 s3, s0;
	s1 =	sshll.u32 s1, $0x11  }
0xba: {  	s0 =	sor.u32 s1, s0  }
0xbb: {  	s0 =	sadd.s32 $0x8F2B, s0  }
0xbc: {  	[sflag:s0] =	ssyncadd.remote.s32 $0x1  }
0xbd: {  	_ =	sfence.sel $0xFFFF  }
0xbe: {  	[dreg:$0x0] =	wrdreg $0xFFFFFFFF;
	(pc) =	sbr.abs _section_cstart, $3  }
0xbf: {  	[dreg:$0x1] =	wrdreg $0xFFFFFFFF  }
0xc0: {  	_ =	task.clear_ibuf [dreg:s6], $0x2FFFF;
	_ =	strace $0x9FFFFFFF  }
0xc1: {  	(tm) =	ssettm $0x7FFFFFFF  }
tec
execute0_lowered:
.L_overlay_start_1:
0x0: {  	(tag) =	ssettag $0x1  }
0x1: {  	s0 =	rddreg [dreg:$0x0];
	s1 =	simm.s32 $0x0  }
0x2: {  	s18 =	srdreg.scid;
	s11 =	stileid.u32;
	s12 =	simm.s32 $0x40000  }
0x3: {  	s13 =	simm.s32 $0x40000;
	s14 =	simm.s32 $0x8000;
	s28 =	simm.s32 $0x14000  }
0x4: {  	s29 =	simm.s32 $0xA000;
	s30 =	simm.s32 $0x10000;
	s31 =	simm.s32 $0x16000  }
0x5: {  	[smem:$0x7FF] =	sst s1;
	s3 =	sadd.s32 $0xA00, s0;
	s1 =	sand.u32 $0x1, s18  }
0x6: {  	s2 =	sshll.u32 s11, $0x1;
	s4 =	sadd.s32 $0x600A00, s0;
	s0 =	sadd.s32 $0x610A00, s0  }
0x7: {  	s6 =	sshll.u32 s11, $0xF;
	p0 =	sgt.u32 s11, $0x7;
	s2 =	sor.u32 s1, s2  }
0x8: {  	_ =	strace $0x8000004A;
	s1 =	ssub.s32 $0x2, s1;
	s5 =	smul.u32 $0x180000, s2  }
0x9: {  	s6 =	sand.u32 $0x40000, s6;
	s13 =	simm.s32 @!p0 $0x0;
	s8 =	smul.u32 $0x1800, s2  }
0xa: {  	s7 =	sshrl.u32 s1, $0x1;
	s19 =	sshrl.u32 s6, $0x3;
	s9 =	smul.u32 $0x300, s2  }
0xb: {  	v0 =	vimm.s32 $0x0;
	vm0 =	vcmask $0x704;
	s2 =	smul.u32 $0x6, s2;
	s1 =	ssub.s32 s1, s7;
	s7 =	sadd.s32 s4, s19  }
0xc: {  	vm4 =	vcmask $0xB08;
	v0 =	vsel vm0, $0x400, v0;
	[dreg:$0x2] =	wrdreg s7;
	s20 =	sshrl.u32 s8, $0x3;
	s10 =	sshrl.u32 s5, $0x3  }
0xd: {  	vm5 =	vcmask $0xF0C;
	v0 =	vsel vm4, $0x800, v0;
	s8 =	sadd.s32 s0, s9;
	s2 =	sadd.s32 $0x3, s2;
	s9 =	simm.s32 $0x8000  }
0xe: {  	vm6 =	vcmask $0x1310;
	v0 =	vsel vm5, $0xC00, v0;
	s7 =	sadd.s32 s0, s20;
	s21 =	sadd.s32 s3, s10;
	s22 =	sadd.s32 $0x80, s8  }
0xf: {  	vm7 =	vcmask $0x1714;
	v0 =	vsel vm6, $0x1000, v0;
	s9 =	simm.s32 @!p0 $0x0;
	s16 =	sshll.u32 s2, $0x12;
	s24 =	sshll.u32 s2, $0xF  }
0x10: {  	vm8 =	vcmask $0x1B18;
	v0 =	vsel vm7, $0x1400, v0;
	s2 =	sshll.u32 s2, $0x7;
	s10 =	simm.s32 $0x0;
	[dreg:$0x3] =	wrdreg s21  }
0x11: {  	vm9 =	vcmask $0x231C;
	v0 =	vsel vm8, $0x1800, v0;
	[dreg:$0x4] =	wrdreg s22;
	s23 =	sadd.s32 $0x100, s7;
	s9 =	sadd.s32 s4, s9  }
0x12: {  	vm10 =	vcmask $0x2724;
	s0 =	sadd.s32 s0, s2;
	s25 =	sadd.s32 $0x200, s7;
	v0 =	vsel vm9, $0x1C00, v0;
	[dreg:$0x5] =	wrdreg s23  }
0x13: {  	vm11 =	vcmask $0x2B28;
	s26 =	sadd.s32 $0x280, s7;
	s21 =	smax.u32 s1, $0x1;
	[dreg:$0x6] =	wrdreg s9;
	v0 =	vsel vm10, $0x1800, v0  }
0x14: {  	vm12 =	vcmask $0x2F2C;
	s22 =	simm.s32 $0x1000;
	s1 =	simm.s32 $0x12000;
	[dreg:$0x8] =	wrdreg s0;
	v0 =	vsel vm11, $0x1400, v0  }
0x15: {  	vm13 =	vcmask $0x3330;
	v1 =	vlaneseq.u32;
	s2 =	simm.s32 $0x18000;
	s7 =	simm.s32 $0x2;
	[dreg:$0x9] =	wrdreg s25;
	v0 =	vsel vm12, $0x1000, v0  }
0x16: {  	vm14 =	vcmask $0x3734;
	v2 =	vmul.u32 $0xFFFFFFFF, v1;
	s9 =	sadd.s32 s3, s24;
	[dreg:$0xa] =	wrdreg s26;
	s24 =	simm.s32 $0x5000;
	v0 =	vsel vm13, $0xC00, v0  }
0x17: {  	vm15 =	vcmask $0x3B38;
	s25 =	simm.s32 $0x1;
	s26 =	simm.s32 $0xE000;
	s0 =	simm.s32 $0xC000;
	v0 =	vsel vm14, $0x800, v0  }
0x18: {  	v1 =	vimm.f32 $-Inf;
	v2 =	vadd.s32 $0xF, v2;
	s23 =	simm.s32 $0x1A000;
	[dreg:$0x7] =	wrdreg s9;
	s9 =	simm.s32 $0x3;
	v0 =	vsel vm15, $0x400, v0  }
.LBB2_1:
0x19: {  	s11 =	simm.s32 $0x0;
	s15 =	simm.s32 $0x100  }
.LBB2_2:
0x1a: {  	p0 =	sne.s32 s15, $0x7F00;
	[tilespmem:s11+$0x18030] =	vst v1  }
0x1b: {  	[tilespmem:s11+$0x8000] =	vst v1  }
0x1c: {  	[tilespmem:s11+$0x8010] =	vst v1  }
0x1d: {  	[tilespmem:s11+$0x8020] =	vst v1  }
0x1e: {  	[tilespmem:s11+$0x8030] =	vst v1  }
0x1f: {  	[tilespmem:s11+$0xA000] =	vst v1  }
0x20: {  	[tilespmem:s11+$0xA010] =	vst v1  }
0x21: {  	[tilespmem:s11+$0xA020] =	vst v1  }
0x22: {  	[tilespmem:s11+$0xA030] =	vst v1  }
0x23: {  	[tilespmem:s11+$0xC000] =	vst v1  }
0x24: {  	[tilespmem:s11+$0xC010] =	vst v1  }
0x25: {  	[tilespmem:s11+$0xC020] =	vst v1  }
0x26: {  	[tilespmem:s11+$0xC030] =	vst v1  }
0x27: {  	[tilespmem:s11+$0xE000] =	vst v1  }
0x28: {  	[tilespmem:s11+$0xE010] =	vst v1  }
0x29: {  	[tilespmem:s11+$0xE020] =	vst v1  }
0x2a: {  	[tilespmem:s11+$0xE030] =	vst v1  }
0x2b: {  	[tilespmem:s11+$0x10000] =	vst v1  }
0x2c: {  	[tilespmem:s11+$0x10010] =	vst v1  }
0x2d: {  	[tilespmem:s11+$0x10020] =	vst v1  }
0x2e: {  	[tilespmem:s11+$0x10030] =	vst v1  }
0x2f: {  	[tilespmem:s11+$0x12000] =	vst v1  }
0x30: {  	[tilespmem:s11+$0x12010] =	vst v1  }
0x31: {  	[tilespmem:s11+$0x12020] =	vst v1  }
0x32: {  	[tilespmem:s11+$0x12030] =	vst v1  }
0x33: {  	[tilespmem:s11+$0x14000] =	vst v1  }
0x34: {  	[tilespmem:s11+$0x14010] =	vst v1  }
0x35: {  	[tilespmem:s11+$0x14020] =	vst v1  }
0x36: {  	[tilespmem:s11+$0x14030] =	vst v1  }
0x37: {  	[tilespmem:s11+$0x16000] =	vst v1  }
0x38: {  	[tilespmem:s11+$0x16010] =	vst v1  }
.Ltmp0:
0x39: {  	[tilespmem:s11+$0x16020] =	vst v1;
	(pc) =	sbr.rel @p0 .LBB2_2-.Ltmp0, $4  }
0x3a: {  	[tilespmem:s11+$0x16030] =	vst v1  }
0x3b: {  	[tilespmem:s11+$0x18000] =	vst v1  }
0x3c: {  	[tilespmem:s11+$0x18010] =	vst v1  }
0x3d: {  	[tilespmem:s11+$0x18020] =	vst v1;
	s11 =	sshra.s32 s15, $0x2;
	s15 =	sadd.s32 $0x100, s15  }
0x3e: {  	[tilespmem:s11+$0x18030] =	vst v1  }
0x3f: {  	[tilespmem:s11+$0x8000] =	vst v1  }
0x40: {  	[tilespmem:s11+$0x8010] =	vst v1  }
0x41: {  	[tilespmem:s11+$0x8020] =	vst v1  }
0x42: {  	[tilespmem:s11+$0x8030] =	vst v1  }
0x43: {  	[tilespmem:s11+$0xA000] =	vst v1  }
0x44: {  	[tilespmem:s11+$0xA010] =	vst v1  }
0x45: {  	[tilespmem:s11+$0xA020] =	vst v1  }
0x46: {  	[tilespmem:s11+$0xA030] =	vst v1  }
0x47: {  	[tilespmem:s11+$0xC000] =	vst v1  }
0x48: {  	[tilespmem:s11+$0xC010] =	vst v1  }
0x49: {  	[tilespmem:s11+$0xC020] =	vst v1  }
0x4a: {  	[tilespmem:s11+$0xC030] =	vst v1  }
0x4b: {  	[tilespmem:s11+$0xE000] =	vst v1  }
0x4c: {  	[tilespmem:s11+$0xE010] =	vst v1  }
0x4d: {  	[tilespmem:s11+$0xE020] =	vst v1  }
0x4e: {  	[tilespmem:s11+$0xE030] =	vst v1  }
0x4f: {  	[tilespmem:s11+$0x10000] =	vst v1  }
0x50: {  	[tilespmem:s11+$0x10010] =	vst v1  }
0x51: {  	[tilespmem:s11+$0x10020] =	vst v1  }
0x52: {  	[tilespmem:s11+$0x10030] =	vst v1  }
0x53: {  	[tilespmem:s11+$0x12000] =	vst v1  }
0x54: {  	[tilespmem:s11+$0x12010] =	vst v1  }
0x55: {  	[tilespmem:s11+$0x12020] =	vst v1  }
0x56: {  	[tilespmem:s11+$0x12030] =	vst v1  }
0x57: {  	[tilespmem:s11+$0x14000] =	vst v1  }
0x58: {  	[tilespmem:s11+$0x14010] =	vst v1  }
0x59: {  	[tilespmem:s11+$0x14020] =	vst v1  }
0x5a: {  	[tilespmem:s11+$0x14030] =	vst v1  }
0x5b: {  	[tilespmem:s11+$0x16000] =	vst v1  }
0x5c: {  	[tilespmem:s11+$0x16010] =	vst v1  }
0x5d: {  	[tilespmem:s11+$0x16020] =	vst v1  }
0x5e: {  	[tilespmem:s11+$0x16030] =	vst v1  }
0x5f: {  	[tilespmem:s11+$0x18000] =	vst v1  }
0x60: {  	[tilespmem:s11+$0x18010] =	vst v1  }
0x61: {  	[tilespmem:s11+$0x18020] =	vst v1;
	s11 =	simm.s32 $0x0;
	s15 =	rddreg [dreg:$0x2]  }
0x62: {  	[tilespmem:s11], [sflag:$0x1] =	stream.linear.gather [hbm4b:s15+s11], $0x1000, $0x38;
	[tilespmem:$0x1A400] =	vst v63  }
0x63: {  	s20 =	rddreg [dreg:$0x3];
	s17 =	simm.s32 $0x2000;
	s15 =	simm.s32 $0x0  }
0x64: {  	[tilespmem:s17], [sflag:$0x1] =	stream.strided.gather [hbm4b:s20+s22], $0x3000, s12, s22, $0x38;
	[tilespmem:$0x1A400] =	vst v63  }
.LBB2_5:
0x65: {  	s17 =	sshll.u32 s15, $0xD  }
0x66: {  	s18 =	sor.u32 $0x1000, s17  }
0x67: {  	s19 =	sor.u32 s6, s18  }
0x68: {  	s18 =	sor.u32 s5, s18;
	s19 =	sshrl.u32 s19, $0x3  }
0x69: {  	s18 =	sshrl.u32 s18, $0x3;
	s19 =	sadd.s32 s4, s19  }
0x6a: {  	[tilespmem:s22], [sflag:$0x2] =	stream.linear.gather [hbm4b:s19+s11], $0x1000, $0x38;
	[tilespmem:$0x1A400] =	vst v63  }
0x6b: {  	s18 =	sadd.s32 s3, s18  }
0x6c: {  	[tilespmem:s24], [sflag:$0x2] =	stream.strided.gather [hbm4b:s18+s22], $0x3000, s12, s22, $0x38;
	[tilespmem:$0x1A400] =	vst v63  }
0x6d: {  	_ =	swait.ge [sflag:s25], $0x1000  }
0x6e: {  	[sflag:s25] =	ssyncset.done $0x0  }
0x6f: {  	[sflag:s25] =	ssyncadd.s32 $0xFFFFF000  }
0x70: {  	_ =	swait.ge [sflag:s25], $0x3000  }
0x71: {  	[sflag:s25] =	ssyncset.done $0x0  }
0x72: {  	s18 =	simm.s32 $0x0;
	[sflag:s25] =	ssyncadd.s32 $0xFFFFD000  }
.LBB2_6:
0x73: {  	s19 =	sshra.s32 s18, $0x2  }
0x74: {  	v3 =	vld [tilespmem:s19+$0x0];
	_ =	sdelay $0x4  }
0x75: {  	v3 =	vadd.s32 v0, v3  }
0x76: {  	v4 =	vld [tilespmem:s19+$0x2000];
	_ =	sdelay $0x3  }
0x77: {  	v5 =	vld.idx.msk [tilespmem:v3+s14+$0x0], $0xffff  }
0x78: {  	v7 =	vperm.xlane v4, v2;
	v6 =	vperm.xlane v3, v2;
	_ =	sdelay $0x1  }
0x79: {  	v58 =	vmax.f32 v4, v7;
	vm0 =	veq.s32 v3, v6  }
0x7a: {  	v4 =	vsel vm0, v58, v4  }
0x7b: {  	v4 =	vmax.f32 v5, v4  }
0x7c: {  	[tilespmem:v3+s14+$0x0] =	vst.idx.msk $0xffff, v4  }
0x7d: {  	v4 =	vld [tilespmem:s19+$0x3000];
	_ =	sdelay $0x3  }
0x7e: {  	v59 =	vld.idx.msk [tilespmem:v3+s26+$0x0], $0xffff  }
0x7f: {  	v60 =	vperm.xlane v4, v2;
	_ =	sdelay $0x1  }
0x80: {  	v6 =	vmax.f32 v4, v60  }
0x81: {  	v4 =	vsel vm0, v6, v4  }
0x82: {  	v4 =	vmax.f32 v59, v4  }
0x83: {  	[tilespmem:v3+s26+$0x0] =	vst.idx.msk $0xffff, v4  }
0x84: {  	v4 =	vld [tilespmem:s19+$0x4000];
	_ =	sdelay $0x3  }
0x85: {  	v61 =	vld.idx.msk [tilespmem:v3+s28+$0x0], $0xffff  }
0x86: {  	v62 =	vperm.xlane v4, v2;
	_ =	sdelay $0x1  }
0x87: {  	v6 =	vmax.f32 v4, v62  }
0x88: {  	v4 =	vsel vm0, v6, v4  }
0x89: {  	v4 =	vmax.f32 v61, v4  }
0x8a: {  	[tilespmem:v3+s28+$0x0] =	vst.idx.msk $0xffff, v4  }
0x8b: {  	v3 =	vld [tilespmem:s19+$0x10];
	_ =	sdelay $0x4  }
0x8c: {  	v3 =	vadd.s32 v0, v3  }
0x8d: {  	v4 =	vld [tilespmem:s19+$0x2010];
	_ =	sdelay $0x3  }
0x8e: {  	v63 =	vld.idx.msk [tilespmem:v3+s29+$0x0], $0xffff  }
0x8f: {  	v10 =	vperm.xlane v4, v2;
	v9 =	vperm.xlane v3, v2;
	_ =	sdelay $0x1  }
0x90: {  	v11 =	vmax.f32 v4, v10;
	vm9 =	veq.s32 v3, v9  }
0x91: {  	v4 =	vsel vm9, v11, v4  }
0x92: {  	v4 =	vmax.f32 v63, v4  }
0x93: {  	[tilespmem:v3+s29+$0x0] =	vst.idx.msk $0xffff, v4  }
0x94: {  	v4 =	vld [tilespmem:s19+$0x3010];
	_ =	sdelay $0x3  }
0x95: {  	v12 =	vld.idx.msk [tilespmem:v3+s30+$0x0], $0xffff  }
0x96: {  	v13 =	vperm.xlane v4, v2;
	_ =	sdelay $0x1  }
0x97: {  	v6 =	vmax.f32 v4, v13  }
0x98: {  	v4 =	vsel vm9, v6, v4  }
0x99: {  	v4 =	vmax.f32 v12, v4  }
0x9a: {  	[tilespmem:v3+s30+$0x0] =	vst.idx.msk $0xffff, v4  }
0x9b: {  	v4 =	vld [tilespmem:s19+$0x4010];
	_ =	sdelay $0x3  }
0x9c: {  	v14 =	vld.idx.msk [tilespmem:v3+s31+$0x0], $0xffff  }
0x9d: {  	v15 =	vperm.xlane v4, v2;
	_ =	sdelay $0x1  }
0x9e: {  	v6 =	vmax.f32 v4, v15  }
0x9f: {  	v4 =	vsel vm9, v6, v4  }
0xa0: {  	v4 =	vmax.f32 v14, v4  }
0xa1: {  	[tilespmem:v3+s31+$0x0] =	vst.idx.msk $0xffff, v4  }
0xa2: {  	v3 =	vld [tilespmem:s19+$0x20];
	_ =	sdelay $0x4  }
0xa3: {  	v3 =	vadd.s32 v0, v3  }
0xa4: {  	v4 =	vld [tilespmem:s19+$0x2020];
	_ =	sdelay $0x3  }
0xa5: {  	v16 =	vld.idx.msk [tilespmem:v3+s0+$0x0], $0xffff  }
0xa6: {  	v18 =	vperm.xlane v4, v2;
	v17 =	vperm.xlane v3, v2;
	_ =	sdelay $0x1  }
0xa7: {  	v19 =	vmax.f32 v4, v18;
	vm10 =	veq.s32 v3, v17  }
0xa8: {  	v4 =	vsel vm10, v19, v4  }
0xa9: {  	v4 =	vmax.f32 v16, v4  }
0xaa: {  	[tilespmem:v3+s0+$0x0] =	vst.idx.msk $0xffff, v4  }
0xab: {  	v4 =	vld [tilespmem:s19+$0x3020];
	_ =	sdelay $0x3  }
0xac: {  	v20 =	vld.idx.msk [tilespmem:v3+s1+$0x0], $0xffff  }
0xad: {  	v21 =	vperm.xlane v4, v2;
	_ =	sdelay $0x1  }
0xae: {  	v6 =	vmax.f32 v4, v21  }
0xaf: {  	v4 =	vsel vm10, v6, v4  }
0xb0: {  	v4 =	vmax.f32 v20, v4  }
0xb1: {  	[tilespmem:v3+s1+$0x0] =	vst.idx.msk $0xffff, v4  }
0xb2: {  	v4 =	vld [tilespmem:s19+$0x4020];
	_ =	sdelay $0x3  }
0xb3: {  	v22 =	vld.idx.msk [tilespmem:v3+s2+$0x0], $0xffff  }
0xb4: {  	v23 =	vperm.xlane v4, v2;
	_ =	sdelay $0x1  }
0xb5: {  	v6 =	vmax.f32 v4, v23  }
0xb6: {  	v4 =	vsel vm10, v6, v4  }
0xb7: {  	v4 =	vmax.f32 v22, v4  }
0xb8: {  	[tilespmem:v3+s2+$0x0] =	vst.idx.msk $0xffff, v4  }
0xb9: {  	v3 =	vld [tilespmem:s19+$0x30];
	_ =	sdelay $0x4  }
0xba: {  	v3 =	vadd.s32 v0, v3  }
0xbb: {  	v4 =	vld [tilespmem:s19+$0x2030];
	_ =	sdelay $0x3  }
0xbc: {  	v24 =	vld.idx.msk [tilespmem:v3+s14+$0x0], $0xffff  }
0xbd: {  	v26 =	vperm.xlane v4, v2;
	v25 =	vperm.xlane v3, v2;
	_ =	sdelay $0x1  }
0xbe: {  	v27 =	vmax.f32 v4, v26;
	vm11 =	veq.s32 v3, v25  }
0xbf: {  	v4 =	vsel vm11, v27, v4  }
0xc0: {  	v4 =	vmax.f32 v24, v4  }
0xc1: {  	[tilespmem:v3+s14+$0x0] =	vst.idx.msk $0xffff, v4  }
0xc2: {  	v4 =	vld [tilespmem:s19+$0x3030];
	_ =	sdelay $0x3  }
0xc3: {  	v28 =	vld.idx.msk [tilespmem:v3+s26+$0x0], $0xffff  }
0xc4: {  	v29 =	vperm.xlane v4, v2;
	_ =	sdelay $0x1  }
0xc5: {  	v6 =	vmax.f32 v4, v29  }
0xc6: {  	v4 =	vsel vm11, v6, v4  }
0xc7: {  	v4 =	vmax.f32 v28, v4  }
0xc8: {  	[tilespmem:v3+s26+$0x0] =	vst.idx.msk $0xffff, v4  }
0xc9: {  	v4 =	vld [tilespmem:s19+$0x4030];
	_ =	sdelay $0x3  }
0xca: {  	v30 =	vld.idx.msk [tilespmem:v3+s28+$0x0], $0xffff  }
0xcb: {  	v31 =	vperm.xlane v4, v2;
	_ =	sdelay $0x1  }
0xcc: {  	v6 =	vmax.f32 v4, v31  }
0xcd: {  	v4 =	vsel vm11, v6, v4  }
0xce: {  	v4 =	vmax.f32 v30, v4  }
0xcf: {  	[tilespmem:v3+s28+$0x0] =	vst.idx.msk $0xffff, v4  }
0xd0: {  	v3 =	vld [tilespmem:s19+$0x40];
	_ =	sdelay $0x4  }
0xd1: {  	v3 =	vadd.s32 v0, v3  }
0xd2: {  	v4 =	vld [tilespmem:s19+$0x2040];
	_ =	sdelay $0x3  }
0xd3: {  	v32 =	vld.idx.msk [tilespmem:v3+s29+$0x0], $0xffff  }
0xd4: {  	v34 =	vperm.xlane v4, v2;
	v33 =	vperm.xlane v3, v2;
	_ =	sdelay $0x1  }
0xd5: {  	v35 =	vmax.f32 v4, v34;
	vm12 =	veq.s32 v3, v33  }
0xd6: {  	v4 =	vsel vm12, v35, v4  }
0xd7: {  	v4 =	vmax.f32 v32, v4  }
0xd8: {  	[tilespmem:v3+s29+$0x0] =	vst.idx.msk $0xffff, v4  }
0xd9: {  	v4 =	vld [tilespmem:s19+$0x3040];
	_ =	sdelay $0x3  }
0xda: {  	v36 =	vld.idx.msk [tilespmem:v3+s30+$0x0], $0xffff  }
0xdb: {  	v37 =	vperm.xlane v4, v2;
	_ =	sdelay $0x1  }
0xdc: {  	v6 =	vmax.f32 v4, v37  }
0xdd: {  	v4 =	vsel vm12, v6, v4  }
0xde: {  	v4 =	vmax.f32 v36, v4  }
0xdf: {  	[tilespmem:v3+s30+$0x0] =	vst.idx.msk $0xffff, v4  }
0xe0: {  	v4 =	vld [tilespmem:s19+$0x4040];
	_ =	sdelay $0x3  }
0xe1: {  	v38 =	vld.idx.msk [tilespmem:v3+s31+$0x0], $0xffff  }
0xe2: {  	v39 =	vperm.xlane v4, v2;
	_ =	sdelay $0x1  }
0xe3: {  	v6 =	vmax.f32 v4, v39  }
0xe4: {  	v4 =	vsel vm12, v6, v4  }
0xe5: {  	v4 =	vmax.f32 v38, v4  }
0xe6: {  	[tilespmem:v3+s31+$0x0] =	vst.idx.msk $0xffff, v4  }
0xe7: {  	v3 =	vld [tilespmem:s19+$0x50];
	_ =	sdelay $0x4  }
0xe8: {  	v3 =	vadd.s32 v0, v3  }
0xe9: {  	v4 =	vld [tilespmem:s19+$0x2050];
	_ =	sdelay $0x3  }
0xea: {  	v40 =	vld.idx.msk [tilespmem:v3+s0+$0x0], $0xffff  }
0xeb: {  	v42 =	vperm.xlane v4, v2;
	v41 =	vperm.xlane v3, v2;
	_ =	sdelay $0x1  }
0xec: {  	v43 =	vmax.f32 v4, v42;
	vm13 =	veq.s32 v3, v41  }
0xed: {  	v4 =	vsel vm13, v43, v4  }
0xee: {  	v4 =	vmax.f32 v40, v4  }
0xef: {  	[tilespmem:v3+s0+$0x0] =	vst.idx.msk $0xffff, v4  }
0xf0: {  	v4 =	vld [tilespmem:s19+$0x3050];
	_ =	sdelay $0x3  }
0xf1: {  	v44 =	vld.idx.msk [tilespmem:v3+s1+$0x0], $0xffff  }
0xf2: {  	v45 =	vperm.xlane v4, v2;
	_ =	sdelay $0x1  }
0xf3: {  	v6 =	vmax.f32 v4, v45  }
0xf4: {  	v4 =	vsel vm13, v6, v4  }
0xf5: {  	v4 =	vmax.f32 v44, v4  }
0xf6: {  	[tilespmem:v3+s1+$0x0] =	vst.idx.msk $0xffff, v4  }
0xf7: {  	v4 =	vld [tilespmem:s19+$0x4050];
	_ =	sdelay $0x3  }
0xf8: {  	v46 =	vld.idx.msk [tilespmem:v3+s2+$0x0], $0xffff  }
0xf9: {  	v47 =	vperm.xlane v4, v2;
	_ =	sdelay $0x1  }
0xfa: {  	v6 =	vmax.f32 v4, v47  }
0xfb: {  	v4 =	vsel vm13, v6, v4  }
0xfc: {  	v4 =	vmax.f32 v46, v4  }
0xfd: {  	[tilespmem:v3+s2+$0x0] =	vst.idx.msk $0xffff, v4  }
0xfe: {  	v3 =	vld [tilespmem:s19+$0x60];
	_ =	sdelay $0x4  }
0xff: {  	v3 =	vadd.s32 v0, v3  }
0x100: {  	v4 =	vld [tilespmem:s19+$0x2060];
	_ =	sdelay $0x3  }
0x101: {  	v48 =	vld.idx.msk [tilespmem:v3+s14+$0x0], $0xffff  }
0x102: {  	v50 =	vperm.xlane v4, v2;
	v49 =	vperm.xlane v3, v2;
	_ =	sdelay $0x1  }
0x103: {  	v51 =	vmax.f32 v4, v50;
	vm14 =	veq.s32 v3, v49  }
0x104: {  	v4 =	vsel vm14, v51, v4  }
0x105: {  	v4 =	vmax.f32 v48, v4  }
0x106: {  	[tilespmem:v3+s14+$0x0] =	vst.idx.msk $0xffff, v4  }
0x107: {  	v4 =	vld [tilespmem:s19+$0x3060];
	_ =	sdelay $0x3  }
0x108: {  	v52 =	vld.idx.msk [tilespmem:v3+s26+$0x0], $0xffff  }
0x109: {  	v53 =	vperm.xlane v4, v2;
	_ =	sdelay $0x1  }
0x10a: {  	v6 =	vmax.f32 v4, v53  }
0x10b: {  	v4 =	vsel vm14, v6, v4  }
0x10c: {  	v4 =	vmax.f32 v52, v4  }
0x10d: {  	[tilespmem:v3+s26+$0x0] =	vst.idx.msk $0xffff, v4  }
0x10e: {  	v4 =	vld [tilespmem:s19+$0x4060];
	_ =	sdelay $0x3  }
0x10f: {  	v54 =	vld.idx.msk [tilespmem:v3+s28+$0x0], $0xffff  }
0x110: {  	v55 =	vperm.xlane v4, v2;
	_ =	sdelay $0x1  }
0x111: {  	v6 =	vmax.f32 v4, v55  }
0x112: {  	v4 =	vsel vm14, v6, v4  }
0x113: {  	v4 =	vmax.f32 v54, v4  }
0x114: {  	[tilespmem:v3+s28+$0x0] =	vst.idx.msk $0xffff, v4  }
0x115: {  	v3 =	vld [tilespmem:s19+$0x70];
	_ =	sdelay $0x4  }
0x116: {  	v3 =	vadd.s32 v0, v3  }
0x117: {  	v4 =	vld [tilespmem:s19+$0x2070];
	_ =	sdelay $0x3  }
0x118: {  	v56 =	vld.idx.msk [tilespmem:v3+s29+$0x0], $0xffff  }
0x119: {  	v58 =	vperm.xlane v4, v2;
	v57 =	vperm.xlane v3, v2;
	_ =	sdelay $0x1  }
0x11a: {  	v59 =	vmax.f32 v4, v58;
	vm15 =	veq.s32 v3, v57  }
0x11b: {  	v4 =	vsel vm15, v59, v4  }
0x11c: {  	v4 =	vmax.f32 v56, v4  }
0x11d: {  	[tilespmem:v3+s29+$0x0] =	vst.idx.msk $0xffff, v4  }
0x11e: {  	v4 =	vld [tilespmem:s19+$0x3070];
	_ =	sdelay $0x3  }
0x11f: {  	v60 =	vld.idx.msk [tilespmem:v3+s30+$0x0], $0xffff  }
0x120: {  	v61 =	vperm.xlane v4, v2;
	_ =	sdelay $0x1  }
0x121: {  	v6 =	vmax.f32 v4, v61  }
0x122: {  	v4 =	vsel vm15, v6, v4  }
0x123: {  	v4 =	vmax.f32 v60, v4  }
0x124: {  	[tilespmem:v3+s30+$0x0] =	vst.idx.msk $0xffff, v4  }
0x125: {  	v4 =	vld [tilespmem:s19+$0x4070];
	_ =	sdelay $0x3  }
0x126: {  	v62 =	vld.idx.msk [tilespmem:v3+s31+$0x0], $0xffff  }
0x127: {  	p0 =	sne.s32 s18, $0x3E00;
	v63 =	vperm.xlane v4, v2  }
.Ltmp1:
0x128: {  	_ = 	snop;
	(pc) =	sbr.rel @p0 .LBB2_6-.Ltmp1, $4  }
0x129: {  	v6 =	vmax.f32 v4, v63  }
0x12a: {  	v4 =	vsel vm15, v6, v4  }
0x12b: {  	v4 =	vmax.f32 v62, v4  }
0x12c: {  	s18 =	sadd.s32 $0x200, s18;
	[tilespmem:v3+s31+$0x0] =	vst.idx.msk $0xffff, v4  }
0x12d: {  	p0 =	seq.s32 s15, $0x1F  }
0x12e: {  	s17 =	sadd.s32 @!p0 $0x2000, s17  }
0x12f: {  	s18 =	sadd.s32 @!p0 s6, s17  }
0x130: {  	s19 =	simm.s32 @!p0 $0x0;
	s17 =	sor.u32 @!p0 s5, s17;
	s18 =	sshrl.u32 @!p0 s18, $0x3  }
0x131: {  	s20 =	simm.s32 @!p0 $0x2000;
	s17 =	sshrl.u32 @!p0 s17, $0x3;
	s18 =	sadd.s32 @!p0 s4, s18  }
0x132: {  	[tilespmem:s19], [sflag:$0x1] =	stream.linear.gather @!p0 [hbm4b:s18+s19], $0x1000, $0x38;
	[tilespmem:$0x1A400] =	vst v63  }
0x133: {  	s17 =	sadd.s32 @!p0 s3, s17;
	s18 =	simm.s32 @!p0 $0x1000;
	s19 =	simm.s32 @!p0 $0x40000  }
0x134: {  	[tilespmem:s20], [sflag:$0x1] =	stream.strided.gather @!p0 [hbm4b:s17+s18], $0x3000, s19, s18, $0x38;
	[tilespmem:$0x1A400] =	vst v63  }
0x135: {  	_ =	swait.ge [sflag:s7], $0x1000  }
0x136: {  	[sflag:s7] =	ssyncset.done $0x0  }
0x137: {  	[sflag:s7] =	ssyncadd.s32 $0xFFFFF000  }
0x138: {  	_ =	swait.ge [sflag:s7], $0x3000  }
0x139: {  	[sflag:s7] =	ssyncset.done $0x0  }
0x13a: {  	s15 =	sadd.s32 $0x1, s15;
	s17 =	simm.s32 $0x0;
	[sflag:s7] =	ssyncadd.s32 $0xFFFFD000  }
.LBB2_8:
0x13b: {  	s18 =	sshra.s32 s17, $0x2  }
0x13c: {  	v3 =	vld [tilespmem:s18+$0x1000];
	_ =	sdelay $0x4  }
0x13d: {  	v3 =	vadd.s32 v0, v3  }
0x13e: {  	v4 =	vld [tilespmem:s18+$0x5000];
	_ =	sdelay $0x3  }
0x13f: {  	v5 =	vld.idx.msk [tilespmem:v3+s14+$0x0], $0xffff  }
0x140: {  	v7 =	vperm.xlane v4, v2;
	v6 =	vperm.xlane v3, v2;
	_ =	sdelay $0x1  }
0x141: {  	v58 =	vmax.f32 v4, v7;
	vm0 =	veq.s32 v3, v6  }
0x142: {  	v4 =	vsel vm0, v58, v4  }
0x143: {  	v4 =	vmax.f32 v5, v4  }
0x144: {  	[tilespmem:v3+s14+$0x0] =	vst.idx.msk $0xffff, v4  }
0x145: {  	v4 =	vld [tilespmem:s18+$0x6000];
	_ =	sdelay $0x3  }
0x146: {  	v59 =	vld.idx.msk [tilespmem:v3+s26+$0x0], $0xffff  }
0x147: {  	v60 =	vperm.xlane v4, v2;
	_ =	sdelay $0x1  }
0x148: {  	v6 =	vmax.f32 v4, v60  }
0x149: {  	v4 =	vsel vm0, v6, v4  }
0x14a: {  	v4 =	vmax.f32 v59, v4  }
0x14b: {  	[tilespmem:v3+s26+$0x0] =	vst.idx.msk $0xffff, v4  }
0x14c: {  	v4 =	vld [tilespmem:s18+$0x7000];
	_ =	sdelay $0x3  }
0x14d: {  	v61 =	vld.idx.msk [tilespmem:v3+s28+$0x0], $0xffff  }
0x14e: {  	v62 =	vperm.xlane v4, v2;
	_ =	sdelay $0x1  }
0x14f: {  	v6 =	vmax.f32 v4, v62  }
0x150: {  	v4 =	vsel vm0, v6, v4  }
0x151: {  	v4 =	vmax.f32 v61, v4  }
0x152: {  	[tilespmem:v3+s28+$0x0] =	vst.idx.msk $0xffff, v4  }
0x153: {  	v3 =	vld [tilespmem:s18+$0x1010];
	_ =	sdelay $0x4  }
0x154: {  	v3 =	vadd.s32 v0, v3  }
0x155: {  	v4 =	vld [tilespmem:s18+$0x5010];
	_ =	sdelay $0x3  }
0x156: {  	v63 =	vld.idx.msk [tilespmem:v3+s29+$0x0], $0xffff  }
0x157: {  	v10 =	vperm.xlane v4, v2;
	v9 =	vperm.xlane v3, v2;
	_ =	sdelay $0x1  }
0x158: {  	v11 =	vmax.f32 v4, v10;
	vm9 =	veq.s32 v3, v9  }
0x159: {  	v4 =	vsel vm9, v11, v4  }
0x15a: {  	v4 =	vmax.f32 v63, v4  }
0x15b: {  	[tilespmem:v3+s29+$0x0] =	vst.idx.msk $0xffff, v4  }
0x15c: {  	v4 =	vld [tilespmem:s18+$0x6010];
	_ =	sdelay $0x3  }
0x15d: {  	v12 =	vld.idx.msk [tilespmem:v3+s30+$0x0], $0xffff  }
0x15e: {  	v13 =	vperm.xlane v4, v2;
	_ =	sdelay $0x1  }
0x15f: {  	v6 =	vmax.f32 v4, v13  }
0x160: {  	v4 =	vsel vm9, v6, v4  }
0x161: {  	v4 =	vmax.f32 v12, v4  }
0x162: {  	[tilespmem:v3+s30+$0x0] =	vst.idx.msk $0xffff, v4  }
0x163: {  	v4 =	vld [tilespmem:s18+$0x7010];
	_ =	sdelay $0x3  }
0x164: {  	v14 =	vld.idx.msk [tilespmem:v3+s31+$0x0], $0xffff  }
0x165: {  	v15 =	vperm.xlane v4, v2;
	_ =	sdelay $0x1  }
0x166: {  	v6 =	vmax.f32 v4, v15  }
0x167: {  	v4 =	vsel vm9, v6, v4  }
0x168: {  	v4 =	vmax.f32 v14, v4  }
0x169: {  	[tilespmem:v3+s31+$0x0] =	vst.idx.msk $0xffff, v4  }
0x16a: {  	v3 =	vld [tilespmem:s18+$0x1020];
	_ =	sdelay $0x4  }
0x16b: {  	v3 =	vadd.s32 v0, v3  }
0x16c: {  	v4 =	vld [tilespmem:s18+$0x5020];
	_ =	sdelay $0x3  }
0x16d: {  	v16 =	vld.idx.msk [tilespmem:v3+s0+$0x0], $0xffff  }
0x16e: {  	v18 =	vperm.xlane v4, v2;
	v17 =	vperm.xlane v3, v2;
	_ =	sdelay $0x1  }
0x16f: {  	v19 =	vmax.f32 v4, v18;
	vm10 =	veq.s32 v3, v17  }
0x170: {  	v4 =	vsel vm10, v19, v4  }
0x171: {  	v4 =	vmax.f32 v16, v4  }
0x172: {  	[tilespmem:v3+s0+$0x0] =	vst.idx.msk $0xffff, v4  }
0x173: {  	v4 =	vld [tilespmem:s18+$0x6020];
	_ =	sdelay $0x3  }
0x174: {  	v20 =	vld.idx.msk [tilespmem:v3+s1+$0x0], $0xffff  }
0x175: {  	v21 =	vperm.xlane v4, v2;
	_ =	sdelay $0x1  }
0x176: {  	v6 =	vmax.f32 v4, v21  }
0x177: {  	v4 =	vsel vm10, v6, v4  }
0x178: {  	v4 =	vmax.f32 v20, v4  }
0x179: {  	[tilespmem:v3+s1+$0x0] =	vst.idx.msk $0xffff, v4  }
0x17a: {  	v4 =	vld [tilespmem:s18+$0x7020];
	_ =	sdelay $0x3  }
0x17b: {  	v22 =	vld.idx.msk [tilespmem:v3+s2+$0x0], $0xffff  }
0x17c: {  	v23 =	vperm.xlane v4, v2;
	_ =	sdelay $0x1  }
0x17d: {  	v6 =	vmax.f32 v4, v23  }
0x17e: {  	v4 =	vsel vm10, v6, v4  }
0x17f: {  	v4 =	vmax.f32 v22, v4  }
0x180: {  	[tilespmem:v3+s2+$0x0] =	vst.idx.msk $0xffff, v4  }
0x181: {  	v3 =	vld [tilespmem:s18+$0x1030];
	_ =	sdelay $0x4  }
0x182: {  	v3 =	vadd.s32 v0, v3  }
0x183: {  	v4 =	vld [tilespmem:s18+$0x5030];
	_ =	sdelay $0x3  }
0x184: {  	v24 =	vld.idx.msk [tilespmem:v3+s14+$0x0], $0xffff  }
0x185: {  	v26 =	vperm.xlane v4, v2;
	v25 =	vperm.xlane v3, v2;
	_ =	sdelay $0x1  }
0x186: {  	v27 =	vmax.f32 v4, v26;
	vm11 =	veq.s32 v3, v25  }
0x187: {  	v4 =	vsel vm11, v27, v4  }
0x188: {  	v4 =	vmax.f32 v24, v4  }
0x189: {  	[tilespmem:v3+s14+$0x0] =	vst.idx.msk $0xffff, v4  }
0x18a: {  	v4 =	vld [tilespmem:s18+$0x6030];
	_ =	sdelay $0x3  }
0x18b: {  	v28 =	vld.idx.msk [tilespmem:v3+s26+$0x0], $0xffff  }
0x18c: {  	v29 =	vperm.xlane v4, v2;
	_ =	sdelay $0x1  }
0x18d: {  	v6 =	vmax.f32 v4, v29  }
0x18e: {  	v4 =	vsel vm11, v6, v4  }
0x18f: {  	v4 =	vmax.f32 v28, v4  }
0x190: {  	[tilespmem:v3+s26+$0x0] =	vst.idx.msk $0xffff, v4  }
0x191: {  	v4 =	vld [tilespmem:s18+$0x7030];
	_ =	sdelay $0x3  }
0x192: {  	v30 =	vld.idx.msk [tilespmem:v3+s28+$0x0], $0xffff  }
0x193: {  	v31 =	vperm.xlane v4, v2;
	_ =	sdelay $0x1  }
0x194: {  	v6 =	vmax.f32 v4, v31  }
0x195: {  	v4 =	vsel vm11, v6, v4  }
0x196: {  	v4 =	vmax.f32 v30, v4  }
0x197: {  	[tilespmem:v3+s28+$0x0] =	vst.idx.msk $0xffff, v4  }
0x198: {  	v3 =	vld [tilespmem:s18+$0x1040];
	_ =	sdelay $0x4  }
0x199: {  	v3 =	vadd.s32 v0, v3  }
0x19a: {  	v4 =	vld [tilespmem:s18+$0x5040];
	_ =	sdelay $0x3  }
0x19b: {  	v32 =	vld.idx.msk [tilespmem:v3+s29+$0x0], $0xffff  }
0x19c: {  	v34 =	vperm.xlane v4, v2;
	v33 =	vperm.xlane v3, v2;
	_ =	sdelay $0x1  }
0x19d: {  	v35 =	vmax.f32 v4, v34;
	vm12 =	veq.s32 v3, v33  }
0x19e: {  	v4 =	vsel vm12, v35, v4  }
0x19f: {  	v4 =	vmax.f32 v32, v4  }
0x1a0: {  	[tilespmem:v3+s29+$0x0] =	vst.idx.msk $0xffff, v4  }
0x1a1: {  	v4 =	vld [tilespmem:s18+$0x6040];
	_ =	sdelay $0x3  }
0x1a2: {  	v36 =	vld.idx.msk [tilespmem:v3+s30+$0x0], $0xffff  }
0x1a3: {  	v37 =	vperm.xlane v4, v2;
	_ =	sdelay $0x1  }
0x1a4: {  	v6 =	vmax.f32 v4, v37  }
0x1a5: {  	v4 =	vsel vm12, v6, v4  }
0x1a6: {  	v4 =	vmax.f32 v36, v4  }
0x1a7: {  	[tilespmem:v3+s30+$0x0] =	vst.idx.msk $0xffff, v4  }
0x1a8: {  	v4 =	vld [tilespmem:s18+$0x7040];
	_ =	sdelay $0x3  }
0x1a9: {  	v38 =	vld.idx.msk [tilespmem:v3+s31+$0x0], $0xffff  }
0x1aa: {  	v39 =	vperm.xlane v4, v2;
	_ =	sdelay $0x1  }
0x1ab: {  	v6 =	vmax.f32 v4, v39  }
0x1ac: {  	v4 =	vsel vm12, v6, v4  }
0x1ad: {  	v4 =	vmax.f32 v38, v4  }
0x1ae: {  	[tilespmem:v3+s31+$0x0] =	vst.idx.msk $0xffff, v4  }
0x1af: {  	v3 =	vld [tilespmem:s18+$0x1050];
	_ =	sdelay $0x4  }
0x1b0: {  	v3 =	vadd.s32 v0, v3  }
0x1b1: {  	v4 =	vld [tilespmem:s18+$0x5050];
	_ =	sdelay $0x3  }
0x1b2: {  	v40 =	vld.idx.msk [tilespmem:v3+s0+$0x0], $0xffff  }
0x1b3: {  	v42 =	vperm.xlane v4, v2;
	v41 =	vperm.xlane v3, v2;
	_ =	sdelay $0x1  }
0x1b4: {  	v43 =	vmax.f32 v4, v42;
	vm13 =	veq.s32 v3, v41  }
0x1b5: {  	v4 =	vsel vm13, v43, v4  }
0x1b6: {  	v4 =	vmax.f32 v40, v4  }
0x1b7: {  	[tilespmem:v3+s0+$0x0] =	vst.idx.msk $0xffff, v4  }
0x1b8: {  	v4 =	vld [tilespmem:s18+$0x6050];
	_ =	sdelay $0x3  }
0x1b9: {  	v44 =	vld.idx.msk [tilespmem:v3+s1+$0x0], $0xffff  }
0x1ba: {  	v45 =	vperm.xlane v4, v2;
	_ =	sdelay $0x1  }
0x1bb: {  	v6 =	vmax.f32 v4, v45  }
0x1bc: {  	v4 =	vsel vm13, v6, v4  }
0x1bd: {  	v4 =	vmax.f32 v44, v4  }
0x1be: {  	[tilespmem:v3+s1+$0x0] =	vst.idx.msk $0xffff, v4  }
0x1bf: {  	v4 =	vld [tilespmem:s18+$0x7050];
	_ =	sdelay $0x3  }
0x1c0: {  	v46 =	vld.idx.msk [tilespmem:v3+s2+$0x0], $0xffff  }
0x1c1: {  	v47 =	vperm.xlane v4, v2;
	_ =	sdelay $0x1  }
0x1c2: {  	v6 =	vmax.f32 v4, v47  }
0x1c3: {  	v4 =	vsel vm13, v6, v4  }
0x1c4: {  	v4 =	vmax.f32 v46, v4  }
0x1c5: {  	[tilespmem:v3+s2+$0x0] =	vst.idx.msk $0xffff, v4  }
0x1c6: {  	v3 =	vld [tilespmem:s18+$0x1060];
	_ =	sdelay $0x4  }
0x1c7: {  	v3 =	vadd.s32 v0, v3  }
0x1c8: {  	v4 =	vld [tilespmem:s18+$0x5060];
	_ =	sdelay $0x3  }
0x1c9: {  	v48 =	vld.idx.msk [tilespmem:v3+s14+$0x0], $0xffff  }
0x1ca: {  	v50 =	vperm.xlane v4, v2;
	v49 =	vperm.xlane v3, v2;
	_ =	sdelay $0x1  }
0x1cb: {  	v51 =	vmax.f32 v4, v50;
	vm14 =	veq.s32 v3, v49  }
0x1cc: {  	v4 =	vsel vm14, v51, v4  }
0x1cd: {  	v4 =	vmax.f32 v48, v4  }
0x1ce: {  	[tilespmem:v3+s14+$0x0] =	vst.idx.msk $0xffff, v4  }
0x1cf: {  	v4 =	vld [tilespmem:s18+$0x6060];
	_ =	sdelay $0x3  }
0x1d0: {  	v52 =	vld.idx.msk [tilespmem:v3+s26+$0x0], $0xffff  }
0x1d1: {  	v53 =	vperm.xlane v4, v2;
	_ =	sdelay $0x1  }
0x1d2: {  	v6 =	vmax.f32 v4, v53  }
0x1d3: {  	v4 =	vsel vm14, v6, v4  }
0x1d4: {  	v4 =	vmax.f32 v52, v4  }
0x1d5: {  	[tilespmem:v3+s26+$0x0] =	vst.idx.msk $0xffff, v4  }
0x1d6: {  	v4 =	vld [tilespmem:s18+$0x7060];
	_ =	sdelay $0x3  }
0x1d7: {  	v54 =	vld.idx.msk [tilespmem:v3+s28+$0x0], $0xffff  }
0x1d8: {  	v55 =	vperm.xlane v4, v2;
	_ =	sdelay $0x1  }
0x1d9: {  	v6 =	vmax.f32 v4, v55  }
0x1da: {  	v4 =	vsel vm14, v6, v4  }
0x1db: {  	v4 =	vmax.f32 v54, v4  }
0x1dc: {  	[tilespmem:v3+s28+$0x0] =	vst.idx.msk $0xffff, v4  }
0x1dd: {  	v3 =	vld [tilespmem:s18+$0x1070];
	_ =	sdelay $0x4  }
0x1de: {  	v3 =	vadd.s32 v0, v3  }
0x1df: {  	v4 =	vld [tilespmem:s18+$0x5070];
	_ =	sdelay $0x3  }
0x1e0: {  	v56 =	vld.idx.msk [tilespmem:v3+s29+$0x0], $0xffff  }
0x1e1: {  	v58 =	vperm.xlane v4, v2;
	v57 =	vperm.xlane v3, v2;
	_ =	sdelay $0x1  }
0x1e2: {  	v59 =	vmax.f32 v4, v58;
	vm15 =	veq.s32 v3, v57  }
0x1e3: {  	v4 =	vsel vm15, v59, v4  }
0x1e4: {  	v4 =	vmax.f32 v56, v4  }
0x1e5: {  	[tilespmem:v3+s29+$0x0] =	vst.idx.msk $0xffff, v4  }
0x1e6: {  	v4 =	vld [tilespmem:s18+$0x6070];
	_ =	sdelay $0x3  }
0x1e7: {  	v60 =	vld.idx.msk [tilespmem:v3+s30+$0x0], $0xffff  }
0x1e8: {  	v61 =	vperm.xlane v4, v2;
	_ =	sdelay $0x1  }
0x1e9: {  	v6 =	vmax.f32 v4, v61  }
0x1ea: {  	v4 =	vsel vm15, v6, v4  }
0x1eb: {  	v4 =	vmax.f32 v60, v4  }
0x1ec: {  	[tilespmem:v3+s30+$0x0] =	vst.idx.msk $0xffff, v4  }
0x1ed: {  	v4 =	vld [tilespmem:s18+$0x7070];
	_ =	sdelay $0x3  }
0x1ee: {  	v62 =	vld.idx.msk [tilespmem:v3+s31+$0x0], $0xffff  }
0x1ef: {  	p0 =	seq.s32 s17, $0x3E00;
	v63 =	vperm.xlane v4, v2  }
.Ltmp2:
0x1f0: {  	_ = 	snop;
	(pc) =	sbr.rel @!p0 .LBB2_8-.Ltmp2, $4  }
0x1f1: {  	v6 =	vmax.f32 v4, v63  }
0x1f2: {  	v4 =	vsel vm15, v6, v4  }
0x1f3: {  	v4 =	vmax.f32 v62, v4  }
0x1f4: {  	s17 =	sadd.s32 $0x200, s17;
	[tilespmem:v3+s31+$0x0] =	vst.idx.msk $0xffff, v4  }
0x1f5: {  	p0 =	seq.s32 s15, $0x20  }
.Ltmp3:
0x1f6: {  	_ = 	snop;
	(pc) =	sbr.rel @!p0 .LBB2_5-.Ltmp3, $1  }
0x1f7: {  	_ =	sdelay $0x3  }
0x1f8: {  	s11 =	simm.s32 $0x0  }
0x1f9: {  	v3 =	vld [tilespmem:s11+$0x8000]  }
0x1fa: {  	v4 =	vld [tilespmem:s11+$0x8400]  }
0x1fb: {  	v5 =	vld [tilespmem:s11+$0x8800]  }
0x1fc: {  	v6 =	vld [tilespmem:s11+$0x8C00]  }
0x1fd: {  	v7 =	vld [tilespmem:s11+$0x9000]  }
0x1fe: {  	v8 =	vld [tilespmem:s11+$0x9400]  }
0x1ff: {  	v3 =	vmax.f32 v3, v4;
	v4 =	vld [tilespmem:s11+$0x9800]  }
0x200: {  	v3 =	vmax.f32 v3, v5;
	v5 =	vld [tilespmem:s11+$0x9C00]  }
0x201: {  	v3 =	vmax.f32 v3, v6;
	v6 =	vld [tilespmem:s11+$0xA000]  }
0x202: {  	v3 =	vmax.f32 v3, v7;
	v7 =	vld [tilespmem:s11+$0xA400]  }
0x203: {  	v3 =	vmax.f32 v3, v8;
	v8 =	vld [tilespmem:s11+$0xA800]  }
0x204: {  	v3 =	vmax.f32 v3, v4;
	v4 =	vld [tilespmem:s11+$0xAC00]  }
0x205: {  	v3 =	vmax.f32 v3, v5;
	v5 =	vld [tilespmem:s11+$0xB000]  }
0x206: {  	v3 =	vmax.f32 v3, v6;
	v6 =	vld [tilespmem:s11+$0xB400]  }
0x207: {  	v3 =	vmax.f32 v3, v7;
	v7 =	vld [tilespmem:s11+$0xB800]  }
0x208: {  	v3 =	vmax.f32 v3, v8;
	v8 =	vld [tilespmem:s11+$0xBC00]  }
0x209: {  	v9 =	vld [tilespmem:s11+$0xC000];
	v3 =	vmax.f32 v3, v4  }
0x20a: {  	v10 =	vld [tilespmem:s11+$0xC400];
	v3 =	vmax.f32 v3, v5  }
0x20b: {  	v11 =	vld [tilespmem:s11+$0xC800];
	v3 =	vmax.f32 v3, v6  }
0x20c: {  	v12 =	vld [tilespmem:s11+$0xCC00];
	v3 =	vmax.f32 v3, v7  }
0x20d: {  	v4 =	vld [tilespmem:s11+$0xD000];
	v3 =	vmax.f32 v3, v8  }
0x20e: {  	v5 =	vld [tilespmem:s11+$0xD400];
	v3 =	vmax.f32 v3, v9  }
0x20f: {  	v6 =	vld [tilespmem:s11+$0xD800];
	v3 =	vmax.f32 v3, v10  }
0x210: {  	s15 =	simm.s32 $0x10;
	v7 =	vld [tilespmem:s11+$0xDC00];
	v8 =	vmax.f32 v3, v11  }
0x211: {  	s17 =	simm.s32 $0x80;
	v3 =	vld [tilespmem:s15+$0x8000];
	v8 =	vmax.f32 v8, v12  }
.LBB2_10:
0x212: {  	p0 =	sne.s32 s17, $0xFC0;
	v9 =	vld [tilespmem:s15+$0x8400];
	v4 =	vmax.f32 v8, v4  }
0x213: {  	v8 =	vld [tilespmem:s15+$0x8800];
	v4 =	vmax.f32 v4, v5  }
0x214: {  	v5 =	vld [tilespmem:s15+$0x8C00];
	v4 =	vmax.f32 v4, v6  }
0x215: {  	v6 =	vld [tilespmem:s15+$0x9000];
	v4 =	vmax.f32 v4, v7  }
0x216: {  	v7 =	vld [tilespmem:s15+$0x9400];
	[tilespmem:s11+$0x1A000] =	vst v4;
	s11 =	smov.u32 s15  }
0x217: {  	v3 =	vmax.f32 v3, v9;
	v4 =	vld [tilespmem:s11+$0x9800]  }
0x218: {  	v3 =	vmax.f32 v3, v8;
	v8 =	vld [tilespmem:s11+$0x9C00]  }
0x219: {  	v3 =	vmax.f32 v3, v5;
	v5 =	vld [tilespmem:s11+$0xA000]  }
0x21a: {  	v3 =	vmax.f32 v3, v6;
	v6 =	vld [tilespmem:s11+$0xA400]  }
0x21b: {  	v3 =	vmax.f32 v3, v7;
	v7 =	vld [tilespmem:s11+$0xA800]  }
0x21c: {  	v3 =	vmax.f32 v3, v4;
	v4 =	vld [tilespmem:s11+$0xAC00]  }
0x21d: {  	v3 =	vmax.f32 v3, v8;
	v8 =	vld [tilespmem:s11+$0xB000]  }
0x21e: {  	v3 =	vmax.f32 v3, v5;
	v5 =	vld [tilespmem:s11+$0xB400]  }
0x21f: {  	v3 =	vmax.f32 v3, v6;
	v6 =	vld [tilespmem:s11+$0xB800]  }
0x220: {  	v3 =	vmax.f32 v3, v7;
	v7 =	vld [tilespmem:s11+$0xBC00]  }
0x221: {  	v3 =	vmax.f32 v3, v4;
	v9 =	vld [tilespmem:s11+$0xC000]  }
0x222: {  	v3 =	vmax.f32 v3, v8;
	v8 =	vld [tilespmem:s11+$0xC400]  }
0x223: {  	v3 =	vmax.f32 v3, v5;
	v10 =	vld [tilespmem:s11+$0xC800]  }
0x224: {  	v3 =	vmax.f32 v3, v6;
	v11 =	vld [tilespmem:s11+$0xCC00]  }
.Ltmp4:
0x225: {  	v3 =	vmax.f32 v3, v7;
	v4 =	vld [tilespmem:s11+$0xD000];
	(pc) =	sbr.rel @p0 .LBB2_10-.Ltmp4, $4  }
0x226: {  	v3 =	vmax.f32 v3, v9;
	v5 =	vld [tilespmem:s11+$0xD400]  }
0x227: {  	v3 =	vmax.f32 v3, v8;
	v6 =	vld [tilespmem:s11+$0xD800]  }
0x228: {  	s15 =	sshra.s32 s17, $0x2;
	v8 =	vmax.f32 v3, v10;
	v7 =	vld [tilespmem:s11+$0xDC00]  }
0x229: {  	s17 =	sadd.s32 $0x40, s17;
	v3 =	vld [tilespmem:s15+$0x8000];
	v8 =	vmax.f32 v8, v11  }
0x22a: {  	v9 =	vld [tilespmem:s15+$0x8400];
	v4 =	vmax.f32 v8, v4  }
0x22b: {  	v8 =	vld [tilespmem:s15+$0x8800];
	v4 =	vmax.f32 v4, v5  }
0x22c: {  	v5 =	vld [tilespmem:s15+$0x8C00];
	v4 =	vmax.f32 v4, v6  }
0x22d: {  	v6 =	vld [tilespmem:s15+$0x9000];
	v4 =	vmax.f32 v4, v7  }
0x22e: {  	v7 =	vld [tilespmem:s15+$0x9400];
	[tilespmem:s11+$0x1A000] =	vst v4  }
0x22f: {  	v3 =	vmax.f32 v3, v9;
	v4 =	vld [tilespmem:s15+$0x9800]  }
0x230: {  	v3 =	vmax.f32 v3, v8;
	v8 =	vld [tilespmem:s15+$0x9C00]  }
0x231: {  	v3 =	vmax.f32 v3, v5;
	v5 =	vld [tilespmem:s15+$0xA000]  }
0x232: {  	v3 =	vmax.f32 v3, v6;
	v6 =	vld [tilespmem:s15+$0xA400]  }
0x233: {  	v3 =	vmax.f32 v3, v7;
	v7 =	vld [tilespmem:s15+$0xA800]  }
0x234: {  	v3 =	vmax.f32 v3, v4;
	v4 =	vld [tilespmem:s15+$0xAC00]  }
0x235: {  	v3 =	vmax.f32 v3, v8;
	v8 =	vld [tilespmem:s15+$0xB000]  }
0x236: {  	v3 =	vmax.f32 v3, v5;
	v5 =	vld [tilespmem:s15+$0xB400]  }
0x237: {  	v3 =	vmax.f32 v3, v6;
	v6 =	vld [tilespmem:s15+$0xB800]  }
0x238: {  	v3 =	vmax.f32 v3, v7;
	v7 =	vld [tilespmem:s15+$0xBC00]  }
0x239: {  	v3 =	vmax.f32 v3, v4;
	v4 =	vld [tilespmem:s15+$0xC000]  }
0x23a: {  	v3 =	vmax.f32 v3, v8;
	v8 =	vld [tilespmem:s15+$0xC400]  }
0x23b: {  	v3 =	vmax.f32 v3, v5;
	v5 =	vld [tilespmem:s15+$0xC800]  }
0x23c: {  	v3 =	vmax.f32 v3, v6;
	v6 =	vld [tilespmem:s15+$0xCC00]  }
0x23d: {  	v3 =	vmax.f32 v3, v7;
	v7 =	vld [tilespmem:s15+$0xD000]  }
0x23e: {  	v3 =	vmax.f32 v3, v4;
	v4 =	vld [tilespmem:s15+$0xD400]  }
0x23f: {  	v3 =	vmax.f32 v3, v8;
	v8 =	vld [tilespmem:s15+$0xD800]  }
0x240: {  	v3 =	vmax.f32 v3, v5;
	v5 =	vld [tilespmem:s15+$0xDC00]  }
0x241: {  	v3 =	vmax.f32 v3, v6  }
0x242: {  	v3 =	vmax.f32 v3, v7  }
0x243: {  	v3 =	vmax.f32 v3, v4  }
0x244: {  	v3 =	vmax.f32 v3, v8  }
0x245: {  	v3 =	vmax.f32 v3, v5  }
0x246: {  	s20 =	simm.s32 $0x0;
	[tilespmem:s15+$0x1A000] =	vst v3  }
0x247: {  	[hbm4b:s8+s20] =	stream.linear.scatter [tilespmem:s23], [sflag:$0x3], $0x400, $0x38;
	[tilespmem:$0x1A400] =	vst v63  }
0x248: {  	_ =	swait.ge [sflag:s9], $0x400  }
0x249: {  	[sflag:s9] =	ssyncset.done $0x0  }
0x24a: {  	s11 =	simm.s32 $0x0;
	[sflag:s9] =	ssyncadd.s32 $0xFFFFFC00  }
0x24b: {  	v3 =	vld [tilespmem:s11+$0xE000]  }
0x24c: {  	v4 =	vld [tilespmem:s11+$0xE400]  }
0x24d: {  	v5 =	vld [tilespmem:s11+$0xE800]  }
0x24e: {  	v6 =	vld [tilespmem:s11+$0xEC00]  }
0x24f: {  	v7 =	vld [tilespmem:s11+$0xF000]  }
0x250: {  	v8 =	vld [tilespmem:s11+$0xF400]  }
0x251: {  	v3 =	vmax.f32 v3, v4;
	v4 =	vld [tilespmem:s11+$0xF800]  }
0x252: {  	v3 =	vmax.f32 v3, v5;
	v5 =	vld [tilespmem:s11+$0xFC00]  }
0x253: {  	v3 =	vmax.f32 v3, v6;
	v6 =	vld [tilespmem:s11+$0x10000]  }
0x254: {  	v3 =	vmax.f32 v3, v7;
	v7 =	vld [tilespmem:s11+$0x10400]  }
0x255: {  	v3 =	vmax.f32 v3, v8;
	v8 =	vld [tilespmem:s11+$0x10800]  }
0x256: {  	v3 =	vmax.f32 v3, v4;
	v4 =	vld [tilespmem:s11+$0x10C00]  }
0x257: {  	v3 =	vmax.f32 v3, v5;
	v5 =	vld [tilespmem:s11+$0x11000]  }
0x258: {  	v3 =	vmax.f32 v3, v6;
	v6 =	vld [tilespmem:s11+$0x11400]  }
0x259: {  	v3 =	vmax.f32 v3, v7;
	v7 =	vld [tilespmem:s11+$0x11800]  }
0x25a: {  	v3 =	vmax.f32 v3, v8;
	v8 =	vld [tilespmem:s11+$0x11C00]  }
0x25b: {  	v9 =	vld [tilespmem:s11+$0x12000];
	v3 =	vmax.f32 v3, v4  }
0x25c: {  	v10 =	vld [tilespmem:s11+$0x12400];
	v3 =	vmax.f32 v3, v5  }
0x25d: {  	v11 =	vld [tilespmem:s11+$0x12800];
	v3 =	vmax.f32 v3, v6  }
0x25e: {  	v12 =	vld [tilespmem:s11+$0x12C00];
	v3 =	vmax.f32 v3, v7  }
0x25f: {  	v4 =	vld [tilespmem:s11+$0x13000];
	v3 =	vmax.f32 v3, v8  }
0x260: {  	v5 =	vld [tilespmem:s11+$0x13400];
	v3 =	vmax.f32 v3, v9  }
0x261: {  	v6 =	vld [tilespmem:s11+$0x13800];
	v3 =	vmax.f32 v3, v10  }
0x262: {  	s15 =	simm.s32 $0x10;
	v7 =	vld [tilespmem:s11+$0x13C00];
	v8 =	vmax.f32 v3, v11  }
0x263: {  	s17 =	simm.s32 $0x80;
	v3 =	vld [tilespmem:s15+$0xE000];
	v8 =	vmax.f32 v8, v12  }
.LBB2_12:
0x264: {  	p0 =	sne.s32 s17, $0xFC0;
	v9 =	vld [tilespmem:s15+$0xE400];
	v4 =	vmax.f32 v8, v4  }
0x265: {  	v8 =	vld [tilespmem:s15+$0xE800];
	v4 =	vmax.f32 v4, v5  }
0x266: {  	v5 =	vld [tilespmem:s15+$0xEC00];
	v4 =	vmax.f32 v4, v6  }
0x267: {  	v6 =	vld [tilespmem:s15+$0xF000];
	v4 =	vmax.f32 v4, v7  }
0x268: {  	v7 =	vld [tilespmem:s15+$0xF400];
	[tilespmem:s11+$0x1A000] =	vst v4;
	s11 =	smov.u32 s15  }
0x269: {  	v3 =	vmax.f32 v3, v9;
	v4 =	vld [tilespmem:s11+$0xF800]  }
0x26a: {  	v3 =	vmax.f32 v3, v8;
	v8 =	vld [tilespmem:s11+$0xFC00]  }
0x26b: {  	v3 =	vmax.f32 v3, v5;
	v5 =	vld [tilespmem:s11+$0x10000]  }
0x26c: {  	v3 =	vmax.f32 v3, v6;
	v6 =	vld [tilespmem:s11+$0x10400]  }
0x26d: {  	v3 =	vmax.f32 v3, v7;
	v7 =	vld [tilespmem:s11+$0x10800]  }
0x26e: {  	v3 =	vmax.f32 v3, v4;
	v4 =	vld [tilespmem:s11+$0x10C00]  }
0x26f: {  	v3 =	vmax.f32 v3, v8;
	v8 =	vld [tilespmem:s11+$0x11000]  }
0x270: {  	v3 =	vmax.f32 v3, v5;
	v5 =	vld [tilespmem:s11+$0x11400]  }
0x271: {  	v3 =	vmax.f32 v3, v6;
	v6 =	vld [tilespmem:s11+$0x11800]  }
0x272: {  	v3 =	vmax.f32 v3, v7;
	v7 =	vld [tilespmem:s11+$0x11C00]  }
0x273: {  	v3 =	vmax.f32 v3, v4;
	v9 =	vld [tilespmem:s11+$0x12000]  }
0x274: {  	v3 =	vmax.f32 v3, v8;
	v8 =	vld [tilespmem:s11+$0x12400]  }
0x275: {  	v3 =	vmax.f32 v3, v5;
	v10 =	vld [tilespmem:s11+$0x12800]  }
0x276: {  	v3 =	vmax.f32 v3, v6;
	v11 =	vld [tilespmem:s11+$0x12C00]  }
.Ltmp5:
0x277: {  	v3 =	vmax.f32 v3, v7;
	v4 =	vld [tilespmem:s11+$0x13000];
	(pc) =	sbr.rel @p0 .LBB2_12-.Ltmp5, $4  }
0x278: {  	v3 =	vmax.f32 v3, v9;
	v5 =	vld [tilespmem:s11+$0x13400]  }
0x279: {  	v3 =	vmax.f32 v3, v8;
	v6 =	vld [tilespmem:s11+$0x13800]  }
0x27a: {  	s15 =	sshra.s32 s17, $0x2;
	v8 =	vmax.f32 v3, v10;
	v7 =	vld [tilespmem:s11+$0x13C00]  }
0x27b: {  	s17 =	sadd.s32 $0x40, s17;
	v3 =	vld [tilespmem:s15+$0xE000];
	v8 =	vmax.f32 v8, v11  }
0x27c: {  	v9 =	vld [tilespmem:s15+$0xE400];
	v4 =	vmax.f32 v8, v4  }
0x27d: {  	v8 =	vld [tilespmem:s15+$0xE800];
	v4 =	vmax.f32 v4, v5  }
0x27e: {  	v5 =	vld [tilespmem:s15+$0xEC00];
	v4 =	vmax.f32 v4, v6  }
0x27f: {  	v6 =	vld [tilespmem:s15+$0xF000];
	v4 =	vmax.f32 v4, v7  }
0x280: {  	v7 =	vld [tilespmem:s15+$0xF400];
	[tilespmem:s11+$0x1A000] =	vst v4  }
0x281: {  	v3 =	vmax.f32 v3, v9;
	v4 =	vld [tilespmem:s15+$0xF800]  }
0x282: {  	v3 =	vmax.f32 v3, v8;
	v8 =	vld [tilespmem:s15+$0xFC00]  }
0x283: {  	v3 =	vmax.f32 v3, v5;
	v5 =	vld [tilespmem:s15+$0x10000]  }
0x284: {  	v3 =	vmax.f32 v3, v6;
	v6 =	vld [tilespmem:s15+$0x10400]  }
0x285: {  	v3 =	vmax.f32 v3, v7;
	v7 =	vld [tilespmem:s15+$0x10800]  }
0x286: {  	v3 =	vmax.f32 v3, v4;
	v4 =	vld [tilespmem:s15+$0x10C00]  }
0x287: {  	v3 =	vmax.f32 v3, v8;
	v8 =	vld [tilespmem:s15+$0x11000]  }
0x288: {  	v3 =	vmax.f32 v3, v5;
	v5 =	vld [tilespmem:s15+$0x11400]  }
0x289: {  	v3 =	vmax.f32 v3, v6;
	v6 =	vld [tilespmem:s15+$0x11800]  }
0x28a: {  	v3 =	vmax.f32 v3, v7;
	v7 =	vld [tilespmem:s15+$0x11C00]  }
0x28b: {  	v3 =	vmax.f32 v3, v4;
	v4 =	vld [tilespmem:s15+$0x12000]  }
0x28c: {  	v3 =	vmax.f32 v3, v8;
	v8 =	vld [tilespmem:s15+$0x12400]  }
0x28d: {  	v3 =	vmax.f32 v3, v5;
	v5 =	vld [tilespmem:s15+$0x12800]  }
0x28e: {  	v3 =	vmax.f32 v3, v6;
	v6 =	vld [tilespmem:s15+$0x12C00]  }
0x28f: {  	v3 =	vmax.f32 v3, v7;
	v7 =	vld [tilespmem:s15+$0x13000]  }
0x290: {  	v3 =	vmax.f32 v3, v4;
	v4 =	vld [tilespmem:s15+$0x13400]  }
0x291: {  	v3 =	vmax.f32 v3, v8;
	v8 =	vld [tilespmem:s15+$0x13800]  }
0x292: {  	v3 =	vmax.f32 v3, v5;
	v5 =	vld [tilespmem:s15+$0x13C00]  }
0x293: {  	v3 =	vmax.f32 v3, v6  }
0x294: {  	v3 =	vmax.f32 v3, v7  }
0x295: {  	v3 =	vmax.f32 v3, v4  }
0x296: {  	v3 =	vmax.f32 v3, v8  }
0x297: {  	v3 =	vmax.f32 v3, v5  }
0x298: {  	s19 =	simm.s32 $0x0;
	s20 =	rddreg [dreg:$0x4];
	[tilespmem:s15+$0x1A000] =	vst v3  }
0x299: {  	[hbm4b:s20+s19] =	stream.linear.scatter [tilespmem:s23], [sflag:$0x3], $0x400, $0x38;
	[tilespmem:$0x1A400] =	vst v63  }
0x29a: {  	_ =	swait.ge [sflag:s9], $0x400  }
0x29b: {  	[sflag:s9] =	ssyncset.done $0x0  }
0x29c: {  	s11 =	simm.s32 $0x0;
	[sflag:s9] =	ssyncadd.s32 $0xFFFFFC00  }
0x29d: {  	v3 =	vld [tilespmem:s11+$0x14000]  }
0x29e: {  	v4 =	vld [tilespmem:s11+$0x14400]  }
0x29f: {  	v5 =	vld [tilespmem:s11+$0x14800]  }
0x2a0: {  	v6 =	vld [tilespmem:s11+$0x14C00]  }
0x2a1: {  	v7 =	vld [tilespmem:s11+$0x15000]  }
0x2a2: {  	v8 =	vld [tilespmem:s11+$0x15400]  }
0x2a3: {  	v3 =	vmax.f32 v3, v4;
	v4 =	vld [tilespmem:s11+$0x15800]  }
0x2a4: {  	v3 =	vmax.f32 v3, v5;
	v5 =	vld [tilespmem:s11+$0x15C00]  }
0x2a5: {  	v3 =	vmax.f32 v3, v6;
	v6 =	vld [tilespmem:s11+$0x16000]  }
0x2a6: {  	v3 =	vmax.f32 v3, v7;
	v7 =	vld [tilespmem:s11+$0x16400]  }
0x2a7: {  	v3 =	vmax.f32 v3, v8;
	v8 =	vld [tilespmem:s11+$0x16800]  }
0x2a8: {  	v3 =	vmax.f32 v3, v4;
	v4 =	vld [tilespmem:s11+$0x16C00]  }
0x2a9: {  	v3 =	vmax.f32 v3, v5;
	v5 =	vld [tilespmem:s11+$0x17000]  }
0x2aa: {  	v3 =	vmax.f32 v3, v6;
	v6 =	vld [tilespmem:s11+$0x17400]  }
0x2ab: {  	v3 =	vmax.f32 v3, v7;
	v7 =	vld [tilespmem:s11+$0x17800]  }
0x2ac: {  	v3 =	vmax.f32 v3, v8;
	v8 =	vld [tilespmem:s11+$0x17C00]  }
0x2ad: {  	v9 =	vld [tilespmem:s11+$0x18000];
	v3 =	vmax.f32 v3, v4  }
0x2ae: {  	v10 =	vld [tilespmem:s11+$0x18400];
	v3 =	vmax.f32 v3, v5  }
0x2af: {  	v11 =	vld [tilespmem:s11+$0x18800];
	v3 =	vmax.f32 v3, v6  }
0x2b0: {  	v12 =	vld [tilespmem:s11+$0x18C00];
	v3 =	vmax.f32 v3, v7  }
0x2b1: {  	v4 =	vld [tilespmem:s11+$0x19000];
	v3 =	vmax.f32 v3, v8  }
0x2b2: {  	v5 =	vld [tilespmem:s11+$0x19400];
	v3 =	vmax.f32 v3, v9  }
0x2b3: {  	v6 =	vld [tilespmem:s11+$0x19800];
	v3 =	vmax.f32 v3, v10  }
0x2b4: {  	s15 =	simm.s32 $0x10;
	v7 =	vld [tilespmem:s11+$0x19C00];
	v8 =	vmax.f32 v3, v11  }
0x2b5: {  	s17 =	simm.s32 $0x80;
	v3 =	vld [tilespmem:s15+$0x14000];
	v8 =	vmax.f32 v8, v12  }
.LBB2_14:
0x2b6: {  	p0 =	sne.s32 s17, $0xFC0;
	v9 =	vld [tilespmem:s15+$0x14400];
	v4 =	vmax.f32 v8, v4  }
0x2b7: {  	v8 =	vld [tilespmem:s15+$0x14800];
	v4 =	vmax.f32 v4, v5  }
0x2b8: {  	v5 =	vld [tilespmem:s15+$0x14C00];
	v4 =	vmax.f32 v4, v6  }
0x2b9: {  	v6 =	vld [tilespmem:s15+$0x15000];
	v4 =	vmax.f32 v4, v7  }
0x2ba: {  	v7 =	vld [tilespmem:s15+$0x15400];
	[tilespmem:s11+$0x1A000] =	vst v4;
	s11 =	smov.u32 s15  }
0x2bb: {  	v3 =	vmax.f32 v3, v9;
	v4 =	vld [tilespmem:s11+$0x15800]  }
0x2bc: {  	v3 =	vmax.f32 v3, v8;
	v8 =	vld [tilespmem:s11+$0x15C00]  }
0x2bd: {  	v3 =	vmax.f32 v3, v5;
	v5 =	vld [tilespmem:s11+$0x16000]  }
0x2be: {  	v3 =	vmax.f32 v3, v6;
	v6 =	vld [tilespmem:s11+$0x16400]  }
0x2bf: {  	v3 =	vmax.f32 v3, v7;
	v7 =	vld [tilespmem:s11+$0x16800]  }
0x2c0: {  	v3 =	vmax.f32 v3, v4;
	v4 =	vld [tilespmem:s11+$0x16C00]  }
0x2c1: {  	v3 =	vmax.f32 v3, v8;
	v8 =	vld [tilespmem:s11+$0x17000]  }
0x2c2: {  	v3 =	vmax.f32 v3, v5;
	v5 =	vld [tilespmem:s11+$0x17400]  }
0x2c3: {  	v3 =	vmax.f32 v3, v6;
	v6 =	vld [tilespmem:s11+$0x17800]  }
0x2c4: {  	v3 =	vmax.f32 v3, v7;
	v7 =	vld [tilespmem:s11+$0x17C00]  }
0x2c5: {  	v3 =	vmax.f32 v3, v4;
	v9 =	vld [tilespmem:s11+$0x18000]  }
0x2c6: {  	v3 =	vmax.f32 v3, v8;
	v8 =	vld [tilespmem:s11+$0x18400]  }
0x2c7: {  	v3 =	vmax.f32 v3, v5;
	v10 =	vld [tilespmem:s11+$0x18800]  }
0x2c8: {  	v3 =	vmax.f32 v3, v6;
	v11 =	vld [tilespmem:s11+$0x18C00]  }
.Ltmp6:
0x2c9: {  	v3 =	vmax.f32 v3, v7;
	v4 =	vld [tilespmem:s11+$0x19000];
	(pc) =	sbr.rel @p0 .LBB2_14-.Ltmp6, $4  }
0x2ca: {  	v3 =	vmax.f32 v3, v9;
	v5 =	vld [tilespmem:s11+$0x19400]  }
0x2cb: {  	v3 =	vmax.f32 v3, v8;
	v6 =	vld [tilespmem:s11+$0x19800]  }
0x2cc: {  	s15 =	sshra.s32 s17, $0x2;
	v8 =	vmax.f32 v3, v10;
	v7 =	vld [tilespmem:s11+$0x19C00]  }
0x2cd: {  	s17 =	sadd.s32 $0x40, s17;
	v3 =	vld [tilespmem:s15+$0x14000];
	v8 =	vmax.f32 v8, v11  }
0x2ce: {  	v9 =	vld [tilespmem:s15+$0x14400];
	v4 =	vmax.f32 v8, v4  }
0x2cf: {  	v43 =	vld [tilespmem:s15+$0x14800];
	v4 =	vmax.f32 v4, v5  }
0x2d0: {  	v44 =	vld [tilespmem:s15+$0x14C00];
	v4 =	vmax.f32 v4, v6  }
0x2d1: {  	v45 =	vld [tilespmem:s15+$0x15000];
	v4 =	vmax.f32 v4, v7  }
0x2d2: {  	v46 =	vld [tilespmem:s15+$0x15400];
	[tilespmem:s11+$0x1A000] =	vst v4  }
0x2d3: {  	v3 =	vmax.f32 v3, v9;
	v4 =	vld [tilespmem:s15+$0x15800]  }
0x2d4: {  	v47 =	vld [tilespmem:s15+$0x15C00];
	v3 =	vmax.f32 v3, v43  }
0x2d5: {  	v48 =	vld [tilespmem:s15+$0x16000];
	v3 =	vmax.f32 v3, v44  }
0x2d6: {  	v49 =	vld [tilespmem:s15+$0x16400];
	v3 =	vmax.f32 v3, v45  }
0x2d7: {  	v50 =	vld [tilespmem:s15+$0x16800];
	v3 =	vmax.f32 v3, v46  }
0x2d8: {  	v51 =	vld [tilespmem:s15+$0x16C00];
	v3 =	vmax.f32 v3, v4  }
0x2d9: {  	v52 =	vld [tilespmem:s15+$0x17000];
	v3 =	vmax.f32 v3, v47  }
0x2da: {  	v53 =	vld [tilespmem:s15+$0x17400];
	v3 =	vmax.f32 v3, v48  }
0x2db: {  	v54 =	vld [tilespmem:s15+$0x17800];
	v3 =	vmax.f32 v3, v49  }
0x2dc: {  	v55 =	vld [tilespmem:s15+$0x17C00];
	v3 =	vmax.f32 v3, v50  }
0x2dd: {  	v56 =	vld [tilespmem:s15+$0x18000];
	v3 =	vmax.f32 v3, v51  }
0x2de: {  	v57 =	vld [tilespmem:s15+$0x18400];
	v3 =	vmax.f32 v3, v52  }
0x2df: {  	v58 =	vld [tilespmem:s15+$0x18800];
	v3 =	vmax.f32 v3, v53  }
0x2e0: {  	v59 =	vld [tilespmem:s15+$0x18C00];
	v3 =	vmax.f32 v3, v54  }
0x2e1: {  	v60 =	vld [tilespmem:s15+$0x19000];
	v3 =	vmax.f32 v3, v55  }
0x2e2: {  	v61 =	vld [tilespmem:s15+$0x19400];
	v3 =	vmax.f32 v3, v56  }
0x2e3: {  	v62 =	vld [tilespmem:s15+$0x19800];
	v3 =	vmax.f32 v3, v57  }
0x2e4: {  	v63 =	vld [tilespmem:s15+$0x19C00];
	v3 =	vmax.f32 v3, v58  }
0x2e5: {  	v3 =	vmax.f32 v3, v59  }
0x2e6: {  	v3 =	vmax.f32 v3, v60  }
0x2e7: {  	v3 =	vmax.f32 v3, v61  }
0x2e8: {  	v3 =	vmax.f32 v3, v62  }
0x2e9: {  	v3 =	vmax.f32 v3, v63  }
0x2ea: {  	s19 =	simm.s32 $0x0;
	s20 =	rddreg [dreg:$0x5];
	[tilespmem:s15+$0x1A000] =	vst v3  }
0x2eb: {  	[hbm4b:s20+s19] =	stream.linear.scatter [tilespmem:s23], [sflag:$0x3], $0x400, $0x38;
	[tilespmem:$0x1A400] =	vst v63  }
0x2ec: {  	_ =	swait.ge [sflag:s9], $0x400  }
0x2ed: {  	[sflag:s9] =	ssyncset.done $0x0  }
0x2ee: {  	s11 =	simm.s32 $0x0;
	s15 =	simm.s32 $0x100;
	[sflag:s9] =	ssyncadd.s32 $0xFFFFFC00  }
.LBB2_16:
0x2ef: {  	p0 =	sne.s32 s15, $0x7F00;
	[tilespmem:s11+$0x18030] =	vst v1  }
0x2f0: {  	[tilespmem:s11+$0x8000] =	vst v1  }
0x2f1: {  	[tilespmem:s11+$0x8010] =	vst v1  }
0x2f2: {  	[tilespmem:s11+$0x8020] =	vst v1  }
0x2f3: {  	[tilespmem:s11+$0x8030] =	vst v1  }
0x2f4: {  	[tilespmem:s11+$0xA000] =	vst v1  }
0x2f5: {  	[tilespmem:s11+$0xA010] =	vst v1  }
0x2f6: {  	[tilespmem:s11+$0xA020] =	vst v1  }
0x2f7: {  	[tilespmem:s11+$0xA030] =	vst v1  }
0x2f8: {  	[tilespmem:s11+$0xC000] =	vst v1  }
0x2f9: {  	[tilespmem:s11+$0xC010] =	vst v1  }
0x2fa: {  	[tilespmem:s11+$0xC020] =	vst v1  }
0x2fb: {  	[tilespmem:s11+$0xC030] =	vst v1  }
0x2fc: {  	[tilespmem:s11+$0xE000] =	vst v1  }
0x2fd: {  	[tilespmem:s11+$0xE010] =	vst v1  }
0x2fe: {  	[tilespmem:s11+$0xE020] =	vst v1  }
0x2ff: {  	[tilespmem:s11+$0xE030] =	vst v1  }
0x300: {  	[tilespmem:s11+$0x10000] =	vst v1  }
0x301: {  	[tilespmem:s11+$0x10010] =	vst v1  }
0x302: {  	[tilespmem:s11+$0x10020] =	vst v1  }
0x303: {  	[tilespmem:s11+$0x10030] =	vst v1  }
0x304: {  	[tilespmem:s11+$0x12000] =	vst v1  }
0x305: {  	[tilespmem:s11+$0x12010] =	vst v1  }
0x306: {  	[tilespmem:s11+$0x12020] =	vst v1  }
0x307: {  	[tilespmem:s11+$0x12030] =	vst v1  }
0x308: {  	[tilespmem:s11+$0x14000] =	vst v1  }
0x309: {  	[tilespmem:s11+$0x14010] =	vst v1  }
0x30a: {  	[tilespmem:s11+$0x14020] =	vst v1  }
0x30b: {  	[tilespmem:s11+$0x14030] =	vst v1  }
0x30c: {  	[tilespmem:s11+$0x16000] =	vst v1  }
0x30d: {  	[tilespmem:s11+$0x16010] =	vst v1  }
.Ltmp7:
0x30e: {  	[tilespmem:s11+$0x16020] =	vst v1;
	(pc) =	sbr.rel @p0 .LBB2_16-.Ltmp7, $4  }
0x30f: {  	[tilespmem:s11+$0x16030] =	vst v1  }
0x310: {  	[tilespmem:s11+$0x18000] =	vst v1  }
0x311: {  	[tilespmem:s11+$0x18010] =	vst v1  }
0x312: {  	[tilespmem:s11+$0x18020] =	vst v1;
	s11 =	sshra.s32 s15, $0x2;
	s15 =	sadd.s32 $0x100, s15  }
0x313: {  	[tilespmem:s11+$0x18030] =	vst v1  }
0x314: {  	[tilespmem:s11+$0x8000] =	vst v1  }
0x315: {  	[tilespmem:s11+$0x8010] =	vst v1  }
0x316: {  	[tilespmem:s11+$0x8020] =	vst v1  }
0x317: {  	[tilespmem:s11+$0x8030] =	vst v1  }
0x318: {  	[tilespmem:s11+$0xA000] =	vst v1  }
0x319: {  	[tilespmem:s11+$0xA010] =	vst v1  }
0x31a: {  	[tilespmem:s11+$0xA020] =	vst v1  }
0x31b: {  	[tilespmem:s11+$0xA030] =	vst v1  }
0x31c: {  	[tilespmem:s11+$0xC000] =	vst v1  }
0x31d: {  	[tilespmem:s11+$0xC010] =	vst v1  }
0x31e: {  	[tilespmem:s11+$0xC020] =	vst v1  }
0x31f: {  	[tilespmem:s11+$0xC030] =	vst v1  }
0x320: {  	[tilespmem:s11+$0xE000] =	vst v1  }
0x321: {  	[tilespmem:s11+$0xE010] =	vst v1  }
0x322: {  	[tilespmem:s11+$0xE020] =	vst v1  }
0x323: {  	[tilespmem:s11+$0xE030] =	vst v1  }
0x324: {  	[tilespmem:s11+$0x10000] =	vst v1  }
0x325: {  	[tilespmem:s11+$0x10010] =	vst v1  }
0x326: {  	[tilespmem:s11+$0x10020] =	vst v1  }
0x327: {  	[tilespmem:s11+$0x10030] =	vst v1  }
0x328: {  	[tilespmem:s11+$0x12000] =	vst v1  }
0x329: {  	[tilespmem:s11+$0x12010] =	vst v1  }
0x32a: {  	[tilespmem:s11+$0x12020] =	vst v1  }
0x32b: {  	[tilespmem:s11+$0x12030] =	vst v1  }
0x32c: {  	[tilespmem:s11+$0x14000] =	vst v1  }
0x32d: {  	[tilespmem:s11+$0x14010] =	vst v1  }
0x32e: {  	[tilespmem:s11+$0x14020] =	vst v1  }
0x32f: {  	[tilespmem:s11+$0x14030] =	vst v1  }
0x330: {  	[tilespmem:s11+$0x16000] =	vst v1  }
0x331: {  	[tilespmem:s11+$0x16010] =	vst v1  }
0x332: {  	[tilespmem:s11+$0x16020] =	vst v1  }
0x333: {  	[tilespmem:s11+$0x16030] =	vst v1  }
0x334: {  	[tilespmem:s11+$0x18000] =	vst v1  }
0x335: {  	[tilespmem:s11+$0x18010] =	vst v1  }
0x336: {  	[tilespmem:s11+$0x18020] =	vst v1;
	s11 =	simm.s32 $0x0;
	s15 =	rddreg [dreg:$0x6]  }
0x337: {  	[tilespmem:s11], [sflag:$0x1] =	stream.linear.gather [hbm4b:s15+s11], $0x1000, $0x38;
	[tilespmem:$0x1A400] =	vst v63  }
0x338: {  	s20 =	rddreg [dreg:$0x7];
	s17 =	simm.s32 $0x2000;
	s15 =	simm.s32 $0x0  }
0x339: {  	[tilespmem:s17], [sflag:$0x1] =	stream.strided.gather [hbm4b:s20+s22], $0x3000, s12, s22, $0x38;
	[tilespmem:$0x1A400] =	vst v63  }
.LBB2_19:
0x33a: {  	s17 =	sshll.u32 s15, $0xD  }
0x33b: {  	s18 =	sor.u32 $0x1000, s17  }
0x33c: {  	s19 =	sor.u32 s13, s18  }
0x33d: {  	s18 =	sor.u32 s16, s18;
	s19 =	sshrl.u32 s19, $0x3  }
0x33e: {  	s18 =	sshrl.u32 s18, $0x3;
	s19 =	sadd.s32 s4, s19  }
0x33f: {  	[tilespmem:s22], [sflag:$0x2] =	stream.linear.gather [hbm4b:s19+s11], $0x1000, $0x38;
	[tilespmem:$0x1A400] =	vst v63  }
0x340: {  	s18 =	sadd.s32 s3, s18  }
0x341: {  	[tilespmem:s24], [sflag:$0x2] =	stream.strided.gather [hbm4b:s18+s22], $0x3000, s12, s22, $0x38;
	[tilespmem:$0x1A400] =	vst v63  }
0x342: {  	_ =	swait.ge [sflag:s25], $0x1000  }
0x343: {  	[sflag:s25] =	ssyncset.done $0x0  }
0x344: {  	[sflag:s25] =	ssyncadd.s32 $0xFFFFF000  }
0x345: {  	_ =	swait.ge [sflag:s25], $0x3000  }
0x346: {  	[sflag:s25] =	ssyncset.done $0x0  }
0x347: {  	s18 =	simm.s32 $0x0;
	[sflag:s25] =	ssyncadd.s32 $0xFFFFD000  }
.LBB2_20:
0x348: {  	s19 =	sshra.s32 s18, $0x2  }
0x349: {  	v3 =	vld [tilespmem:s19+$0x0];
	_ =	sdelay $0x4  }
0x34a: {  	v3 =	vadd.s32 v0, v3  }
0x34b: {  	v4 =	vld [tilespmem:s19+$0x2000];
	_ =	sdelay $0x3  }
0x34c: {  	v5 =	vld.idx.msk [tilespmem:v3+s14+$0x0], $0xffff  }
0x34d: {  	v7 =	vperm.xlane v4, v2;
	v6 =	vperm.xlane v3, v2;
	_ =	sdelay $0x1  }
0x34e: {  	v58 =	vmax.f32 v4, v7;
	vm0 =	veq.s32 v3, v6  }
0x34f: {  	v4 =	vsel vm0, v58, v4  }
0x350: {  	v4 =	vmax.f32 v5, v4  }
0x351: {  	[tilespmem:v3+s14+$0x0] =	vst.idx.msk $0xffff, v4  }
0x352: {  	v4 =	vld [tilespmem:s19+$0x3000];
	_ =	sdelay $0x3  }
0x353: {  	v59 =	vld.idx.msk [tilespmem:v3+s26+$0x0], $0xffff  }
0x354: {  	v60 =	vperm.xlane v4, v2;
	_ =	sdelay $0x1  }
0x355: {  	v6 =	vmax.f32 v4, v60  }
0x356: {  	v4 =	vsel vm0, v6, v4  }
0x357: {  	v4 =	vmax.f32 v59, v4  }
0x358: {  	[tilespmem:v3+s26+$0x0] =	vst.idx.msk $0xffff, v4  }
0x359: {  	v4 =	vld [tilespmem:s19+$0x4000];
	_ =	sdelay $0x3  }
0x35a: {  	v61 =	vld.idx.msk [tilespmem:v3+s28+$0x0], $0xffff  }
0x35b: {  	v62 =	vperm.xlane v4, v2;
	_ =	sdelay $0x1  }
0x35c: {  	v6 =	vmax.f32 v4, v62  }
0x35d: {  	v4 =	vsel vm0, v6, v4  }
0x35e: {  	v4 =	vmax.f32 v61, v4  }
0x35f: {  	[tilespmem:v3+s28+$0x0] =	vst.idx.msk $0xffff, v4  }
0x360: {  	v3 =	vld [tilespmem:s19+$0x10];
	_ =	sdelay $0x4  }
0x361: {  	v3 =	vadd.s32 v0, v3  }
0x362: {  	v4 =	vld [tilespmem:s19+$0x2010];
	_ =	sdelay $0x3  }
0x363: {  	v63 =	vld.idx.msk [tilespmem:v3+s29+$0x0], $0xffff  }
0x364: {  	v10 =	vperm.xlane v4, v2;
	v9 =	vperm.xlane v3, v2;
	_ =	sdelay $0x1  }
0x365: {  	v11 =	vmax.f32 v4, v10;
	vm9 =	veq.s32 v3, v9  }
0x366: {  	v4 =	vsel vm9, v11, v4  }
0x367: {  	v4 =	vmax.f32 v63, v4  }
0x368: {  	[tilespmem:v3+s29+$0x0] =	vst.idx.msk $0xffff, v4  }
0x369: {  	v4 =	vld [tilespmem:s19+$0x3010];
	_ =	sdelay $0x3  }
0x36a: {  	v12 =	vld.idx.msk [tilespmem:v3+s30+$0x0], $0xffff  }
0x36b: {  	v13 =	vperm.xlane v4, v2;
	_ =	sdelay $0x1  }
0x36c: {  	v6 =	vmax.f32 v4, v13  }
0x36d: {  	v4 =	vsel vm9, v6, v4  }
0x36e: {  	v4 =	vmax.f32 v12, v4  }
0x36f: {  	[tilespmem:v3+s30+$0x0] =	vst.idx.msk $0xffff, v4  }
0x370: {  	v4 =	vld [tilespmem:s19+$0x4010];
	_ =	sdelay $0x3  }
0x371: {  	v14 =	vld.idx.msk [tilespmem:v3+s31+$0x0], $0xffff  }
0x372: {  	v15 =	vperm.xlane v4, v2;
	_ =	sdelay $0x1  }
0x373: {  	v6 =	vmax.f32 v4, v15  }
0x374: {  	v4 =	vsel vm9, v6, v4  }
0x375: {  	v4 =	vmax.f32 v14, v4  }
0x376: {  	[tilespmem:v3+s31+$0x0] =	vst.idx.msk $0xffff, v4  }
0x377: {  	v3 =	vld [tilespmem:s19+$0x20];
	_ =	sdelay $0x4  }
0x378: {  	v3 =	vadd.s32 v0, v3  }
0x379: {  	v4 =	vld [tilespmem:s19+$0x2020];
	_ =	sdelay $0x3  }
0x37a: {  	v16 =	vld.idx.msk [tilespmem:v3+s0+$0x0], $0xffff  }
0x37b: {  	v18 =	vperm.xlane v4, v2;
	v17 =	vperm.xlane v3, v2;
	_ =	sdelay $0x1  }
0x37c: {  	v19 =	vmax.f32 v4, v18;
	vm10 =	veq.s32 v3, v17  }
0x37d: {  	v4 =	vsel vm10, v19, v4  }
0x37e: {  	v4 =	vmax.f32 v16, v4  }
0x37f: {  	[tilespmem:v3+s0+$0x0] =	vst.idx.msk $0xffff, v4  }
0x380: {  	v4 =	vld [tilespmem:s19+$0x3020];
	_ =	sdelay $0x3  }
0x381: {  	v20 =	vld.idx.msk [tilespmem:v3+s1+$0x0], $0xffff  }
0x382: {  	v21 =	vperm.xlane v4, v2;
	_ =	sdelay $0x1  }
0x383: {  	v6 =	vmax.f32 v4, v21  }
0x384: {  	v4 =	vsel vm10, v6, v4  }
0x385: {  	v4 =	vmax.f32 v20, v4  }
0x386: {  	[tilespmem:v3+s1+$0x0] =	vst.idx.msk $0xffff, v4  }
0x387: {  	v4 =	vld [tilespmem:s19+$0x4020];
	_ =	sdelay $0x3  }
0x388: {  	v22 =	vld.idx.msk [tilespmem:v3+s2+$0x0], $0xffff  }
0x389: {  	v23 =	vperm.xlane v4, v2;
	_ =	sdelay $0x1  }
0x38a: {  	v6 =	vmax.f32 v4, v23  }
0x38b: {  	v4 =	vsel vm10, v6, v4  }
0x38c: {  	v4 =	vmax.f32 v22, v4  }
0x38d: {  	[tilespmem:v3+s2+$0x0] =	vst.idx.msk $0xffff, v4  }
0x38e: {  	v3 =	vld [tilespmem:s19+$0x30];
	_ =	sdelay $0x4  }
0x38f: {  	v3 =	vadd.s32 v0, v3  }
0x390: {  	v4 =	vld [tilespmem:s19+$0x2030];
	_ =	sdelay $0x3  }
0x391: {  	v24 =	vld.idx.msk [tilespmem:v3+s14+$0x0], $0xffff  }
0x392: {  	v26 =	vperm.xlane v4, v2;
	v25 =	vperm.xlane v3, v2;
	_ =	sdelay $0x1  }
0x393: {  	v27 =	vmax.f32 v4, v26;
	vm11 =	veq.s32 v3, v25  }
0x394: {  	v4 =	vsel vm11, v27, v4  }
0x395: {  	v4 =	vmax.f32 v24, v4  }
0x396: {  	[tilespmem:v3+s14+$0x0] =	vst.idx.msk $0xffff, v4  }
0x397: {  	v4 =	vld [tilespmem:s19+$0x3030];
	_ =	sdelay $0x3  }
0x398: {  	v28 =	vld.idx.msk [tilespmem:v3+s26+$0x0], $0xffff  }
0x399: {  	v29 =	vperm.xlane v4, v2;
	_ =	sdelay $0x1  }
0x39a: {  	v6 =	vmax.f32 v4, v29  }
0x39b: {  	v4 =	vsel vm11, v6, v4  }
0x39c: {  	v4 =	vmax.f32 v28, v4  }
0x39d: {  	[tilespmem:v3+s26+$0x0] =	vst.idx.msk $0xffff, v4  }
0x39e: {  	v4 =	vld [tilespmem:s19+$0x4030];
	_ =	sdelay $0x3  }
0x39f: {  	v30 =	vld.idx.msk [tilespmem:v3+s28+$0x0], $0xffff  }
0x3a0: {  	v31 =	vperm.xlane v4, v2;
	_ =	sdelay $0x1  }
0x3a1: {  	v6 =	vmax.f32 v4, v31  }
0x3a2: {  	v4 =	vsel vm11, v6, v4  }
0x3a3: {  	v4 =	vmax.f32 v30, v4  }
0x3a4: {  	[tilespmem:v3+s28+$0x0] =	vst.idx.msk $0xffff, v4  }
0x3a5: {  	v3 =	vld [tilespmem:s19+$0x40];
	_ =	sdelay $0x4  }
0x3a6: {  	v3 =	vadd.s32 v0, v3  }
0x3a7: {  	v4 =	vld [tilespmem:s19+$0x2040];
	_ =	sdelay $0x3  }
0x3a8: {  	v32 =	vld.idx.msk [tilespmem:v3+s29+$0x0], $0xffff  }
0x3a9: {  	v34 =	vperm.xlane v4, v2;
	v33 =	vperm.xlane v3, v2;
	_ =	sdelay $0x1  }
0x3aa: {  	v35 =	vmax.f32 v4, v34;
	vm12 =	veq.s32 v3, v33  }
0x3ab: {  	v4 =	vsel vm12, v35, v4  }
0x3ac: {  	v4 =	vmax.f32 v32, v4  }
0x3ad: {  	[tilespmem:v3+s29+$0x0] =	vst.idx.msk $0xffff, v4  }
0x3ae: {  	v4 =	vld [tilespmem:s19+$0x3040];
	_ =	sdelay $0x3  }
0x3af: {  	v36 =	vld.idx.msk [tilespmem:v3+s30+$0x0], $0xffff  }
0x3b0: {  	v37 =	vperm.xlane v4, v2;
	_ =	sdelay $0x1  }
0x3b1: {  	v6 =	vmax.f32 v4, v37  }
0x3b2: {  	v4 =	vsel vm12, v6, v4  }
0x3b3: {  	v4 =	vmax.f32 v36, v4  }
0x3b4: {  	[tilespmem:v3+s30+$0x0] =	vst.idx.msk $0xffff, v4  }
0x3b5: {  	v4 =	vld [tilespmem:s19+$0x4040];
	_ =	sdelay $0x3  }
0x3b6: {  	v38 =	vld.idx.msk [tilespmem:v3+s31+$0x0], $0xffff  }
0x3b7: {  	v39 =	vperm.xlane v4, v2;
	_ =	sdelay $0x1  }
0x3b8: {  	v6 =	vmax.f32 v4, v39  }
0x3b9: {  	v4 =	vsel vm12, v6, v4  }
0x3ba: {  	v4 =	vmax.f32 v38, v4  }
0x3bb: {  	[tilespmem:v3+s31+$0x0] =	vst.idx.msk $0xffff, v4  }
0x3bc: {  	v3 =	vld [tilespmem:s19+$0x50];
	_ =	sdelay $0x4  }
0x3bd: {  	v3 =	vadd.s32 v0, v3  }
0x3be: {  	v4 =	vld [tilespmem:s19+$0x2050];
	_ =	sdelay $0x3  }
0x3bf: {  	v40 =	vld.idx.msk [tilespmem:v3+s0+$0x0], $0xffff  }
0x3c0: {  	v42 =	vperm.xlane v4, v2;
	v41 =	vperm.xlane v3, v2;
	_ =	sdelay $0x1  }
0x3c1: {  	v43 =	vmax.f32 v4, v42;
	vm13 =	veq.s32 v3, v41  }
0x3c2: {  	v4 =	vsel vm13, v43, v4  }
0x3c3: {  	v4 =	vmax.f32 v40, v4  }
0x3c4: {  	[tilespmem:v3+s0+$0x0] =	vst.idx.msk $0xffff, v4  }
0x3c5: {  	v4 =	vld [tilespmem:s19+$0x3050];
	_ =	sdelay $0x3  }
0x3c6: {  	v44 =	vld.idx.msk [tilespmem:v3+s1+$0x0], $0xffff  }
0x3c7: {  	v45 =	vperm.xlane v4, v2;
	_ =	sdelay $0x1  }
0x3c8: {  	v6 =	vmax.f32 v4, v45  }
0x3c9: {  	v4 =	vsel vm13, v6, v4  }
0x3ca: {  	v4 =	vmax.f32 v44, v4  }
0x3cb: {  	[tilespmem:v3+s1+$0x0] =	vst.idx.msk $0xffff, v4  }
0x3cc: {  	v4 =	vld [tilespmem:s19+$0x4050];
	_ =	sdelay $0x3  }
0x3cd: {  	v46 =	vld.idx.msk [tilespmem:v3+s2+$0x0], $0xffff  }
0x3ce: {  	v47 =	vperm.xlane v4, v2;
	_ =	sdelay $0x1  }
0x3cf: {  	v6 =	vmax.f32 v4, v47  }
0x3d0: {  	v4 =	vsel vm13, v6, v4  }
0x3d1: {  	v4 =	vmax.f32 v46, v4  }
0x3d2: {  	[tilespmem:v3+s2+$0x0] =	vst.idx.msk $0xffff, v4  }
0x3d3: {  	v3 =	vld [tilespmem:s19+$0x60];
	_ =	sdelay $0x4  }
0x3d4: {  	v3 =	vadd.s32 v0, v3  }
0x3d5: {  	v4 =	vld [tilespmem:s19+$0x2060];
	_ =	sdelay $0x3  }
0x3d6: {  	v48 =	vld.idx.msk [tilespmem:v3+s14+$0x0], $0xffff  }
0x3d7: {  	v50 =	vperm.xlane v4, v2;
	v49 =	vperm.xlane v3, v2;
	_ =	sdelay $0x1  }
0x3d8: {  	v51 =	vmax.f32 v4, v50;
	vm14 =	veq.s32 v3, v49  }
0x3d9: {  	v4 =	vsel vm14, v51, v4  }
0x3da: {  	v4 =	vmax.f32 v48, v4  }
0x3db: {  	[tilespmem:v3+s14+$0x0] =	vst.idx.msk $0xffff, v4  }
0x3dc: {  	v4 =	vld [tilespmem:s19+$0x3060];
	_ =	sdelay $0x3  }
0x3dd: {  	v52 =	vld.idx.msk [tilespmem:v3+s26+$0x0], $0xffff  }
0x3de: {  	v53 =	vperm.xlane v4, v2;
	_ =	sdelay $0x1  }
0x3df: {  	v6 =	vmax.f32 v4, v53  }
0x3e0: {  	v4 =	vsel vm14, v6, v4  }
0x3e1: {  	v4 =	vmax.f32 v52, v4  }
0x3e2: {  	[tilespmem:v3+s26+$0x0] =	vst.idx.msk $0xffff, v4  }
0x3e3: {  	v4 =	vld [tilespmem:s19+$0x4060];
	_ =	sdelay $0x3  }
0x3e4: {  	v54 =	vld.idx.msk [tilespmem:v3+s28+$0x0], $0xffff  }
0x3e5: {  	v55 =	vperm.xlane v4, v2;
	_ =	sdelay $0x1  }
0x3e6: {  	v6 =	vmax.f32 v4, v55  }
0x3e7: {  	v4 =	vsel vm14, v6, v4  }
0x3e8: {  	v4 =	vmax.f32 v54, v4  }
0x3e9: {  	[tilespmem:v3+s28+$0x0] =	vst.idx.msk $0xffff, v4  }
0x3ea: {  	v3 =	vld [tilespmem:s19+$0x70];
	_ =	sdelay $0x4  }
0x3eb: {  	v3 =	vadd.s32 v0, v3  }
0x3ec: {  	v4 =	vld [tilespmem:s19+$0x2070];
	_ =	sdelay $0x3  }
0x3ed: {  	v56 =	vld.idx.msk [tilespmem:v3+s29+$0x0], $0xffff  }
0x3ee: {  	v58 =	vperm.xlane v4, v2;
	v57 =	vperm.xlane v3, v2;
	_ =	sdelay $0x1  }
0x3ef: {  	v59 =	vmax.f32 v4, v58;
	vm15 =	veq.s32 v3, v57  }
0x3f0: {  	v4 =	vsel vm15, v59, v4  }
0x3f1: {  	v4 =	vmax.f32 v56, v4  }
0x3f2: {  	[tilespmem:v3+s29+$0x0] =	vst.idx.msk $0xffff, v4  }
0x3f3: {  	v4 =	vld [tilespmem:s19+$0x3070];
	_ =	sdelay $0x3  }
0x3f4: {  	v60 =	vld.idx.msk [tilespmem:v3+s30+$0x0], $0xffff  }
0x3f5: {  	v61 =	vperm.xlane v4, v2;
	_ =	sdelay $0x1  }
0x3f6: {  	v6 =	vmax.f32 v4, v61  }
0x3f7: {  	v4 =	vsel vm15, v6, v4  }
0x3f8: {  	v4 =	vmax.f32 v60, v4  }
0x3f9: {  	[tilespmem:v3+s30+$0x0] =	vst.idx.msk $0xffff, v4  }
0x3fa: {  	v4 =	vld [tilespmem:s19+$0x4070];
	_ =	sdelay $0x3  }
0x3fb: {  	v62 =	vld.idx.msk [tilespmem:v3+s31+$0x0], $0xffff  }
0x3fc: {  	p0 =	sne.s32 s18, $0x3E00;
	v63 =	vperm.xlane v4, v2  }
.Ltmp8:
0x3fd: {  	_ = 	snop;
	(pc) =	sbr.rel @p0 .LBB2_20-.Ltmp8, $4  }
0x3fe: {  	v6 =	vmax.f32 v4, v63  }
0x3ff: {  	v4 =	vsel vm15, v6, v4  }
0x400: {  	v4 =	vmax.f32 v62, v4  }
0x401: {  	s18 =	sadd.s32 $0x200, s18;
	[tilespmem:v3+s31+$0x0] =	vst.idx.msk $0xffff, v4  }
0x402: {  	p0 =	seq.s32 s15, $0x1F  }
0x403: {  	s17 =	sadd.s32 @!p0 $0x2000, s17  }
0x404: {  	s18 =	sadd.s32 @!p0 s13, s17  }
0x405: {  	s19 =	simm.s32 @!p0 $0x0;
	s17 =	sadd.s32 @!p0 s16, s17;
	s18 =	sshrl.u32 @!p0 s18, $0x3  }
0x406: {  	s20 =	simm.s32 @!p0 $0x2000;
	s17 =	sshrl.u32 @!p0 s17, $0x3;
	s18 =	sadd.s32 @!p0 s4, s18  }
0x407: {  	[tilespmem:s19], [sflag:$0x1] =	stream.linear.gather @!p0 [hbm4b:s18+s19], $0x1000, $0x38;
	[tilespmem:$0x1A400] =	vst v63  }
0x408: {  	s17 =	sadd.s32 @!p0 s3, s17;
	s18 =	simm.s32 @!p0 $0x1000;
	s19 =	simm.s32 @!p0 $0x40000  }
0x409: {  	[tilespmem:s20], [sflag:$0x1] =	stream.strided.gather @!p0 [hbm4b:s17+s18], $0x3000, s19, s18, $0x38;
	[tilespmem:$0x1A400] =	vst v63  }
0x40a: {  	_ =	swait.ge [sflag:s7], $0x1000  }
0x40b: {  	[sflag:s7] =	ssyncset.done $0x0  }
0x40c: {  	[sflag:s7] =	ssyncadd.s32 $0xFFFFF000  }
0x40d: {  	_ =	swait.ge [sflag:s7], $0x3000  }
0x40e: {  	[sflag:s7] =	ssyncset.done $0x0  }
0x40f: {  	s15 =	sadd.s32 $0x1, s15;
	s17 =	simm.s32 $0x0;
	[sflag:s7] =	ssyncadd.s32 $0xFFFFD000  }
.LBB2_22:
0x410: {  	s18 =	sshra.s32 s17, $0x2  }
0x411: {  	v3 =	vld [tilespmem:s18+$0x1000];
	_ =	sdelay $0x4  }
0x412: {  	v3 =	vadd.s32 v0, v3  }
0x413: {  	v4 =	vld [tilespmem:s18+$0x5000];
	_ =	sdelay $0x3  }
0x414: {  	v5 =	vld.idx.msk [tilespmem:v3+s14+$0x0], $0xffff  }
0x415: {  	v7 =	vperm.xlane v4, v2;
	v6 =	vperm.xlane v3, v2;
	_ =	sdelay $0x1  }
0x416: {  	v58 =	vmax.f32 v4, v7;
	vm0 =	veq.s32 v3, v6  }
0x417: {  	v4 =	vsel vm0, v58, v4  }
0x418: {  	v4 =	vmax.f32 v5, v4  }
0x419: {  	[tilespmem:v3+s14+$0x0] =	vst.idx.msk $0xffff, v4  }
0x41a: {  	v4 =	vld [tilespmem:s18+$0x6000];
	_ =	sdelay $0x3  }
0x41b: {  	v59 =	vld.idx.msk [tilespmem:v3+s26+$0x0], $0xffff  }
0x41c: {  	v60 =	vperm.xlane v4, v2;
	_ =	sdelay $0x1  }
0x41d: {  	v6 =	vmax.f32 v4, v60  }
0x41e: {  	v4 =	vsel vm0, v6, v4  }
0x41f: {  	v4 =	vmax.f32 v59, v4  }
0x420: {  	[tilespmem:v3+s26+$0x0] =	vst.idx.msk $0xffff, v4  }
0x421: {  	v4 =	vld [tilespmem:s18+$0x7000];
	_ =	sdelay $0x3  }
0x422: {  	v61 =	vld.idx.msk [tilespmem:v3+s28+$0x0], $0xffff  }
0x423: {  	v62 =	vperm.xlane v4, v2;
	_ =	sdelay $0x1  }
0x424: {  	v6 =	vmax.f32 v4, v62  }
0x425: {  	v4 =	vsel vm0, v6, v4  }
0x426: {  	v4 =	vmax.f32 v61, v4  }
0x427: {  	[tilespmem:v3+s28+$0x0] =	vst.idx.msk $0xffff, v4  }
0x428: {  	v3 =	vld [tilespmem:s18+$0x1010];
	_ =	sdelay $0x4  }
0x429: {  	v3 =	vadd.s32 v0, v3  }
0x42a: {  	v4 =	vld [tilespmem:s18+$0x5010];
	_ =	sdelay $0x3  }
0x42b: {  	v63 =	vld.idx.msk [tilespmem:v3+s29+$0x0], $0xffff  }
0x42c: {  	v10 =	vperm.xlane v4, v2;
	v9 =	vperm.xlane v3, v2;
	_ =	sdelay $0x1  }
0x42d: {  	v11 =	vmax.f32 v4, v10;
	vm9 =	veq.s32 v3, v9  }
0x42e: {  	v4 =	vsel vm9, v11, v4  }
0x42f: {  	v4 =	vmax.f32 v63, v4  }
0x430: {  	[tilespmem:v3+s29+$0x0] =	vst.idx.msk $0xffff, v4  }
0x431: {  	v4 =	vld [tilespmem:s18+$0x6010];
	_ =	sdelay $0x3  }
0x432: {  	v12 =	vld.idx.msk [tilespmem:v3+s30+$0x0], $0xffff  }
0x433: {  	v13 =	vperm.xlane v4, v2;
	_ =	sdelay $0x1  }
0x434: {  	v6 =	vmax.f32 v4, v13  }
0x435: {  	v4 =	vsel vm9, v6, v4  }
0x436: {  	v4 =	vmax.f32 v12, v4  }
0x437: {  	[tilespmem:v3+s30+$0x0] =	vst.idx.msk $0xffff, v4  }
0x438: {  	v4 =	vld [tilespmem:s18+$0x7010];
	_ =	sdelay $0x3  }
0x439: {  	v14 =	vld.idx.msk [tilespmem:v3+s31+$0x0], $0xffff  }
0x43a: {  	v15 =	vperm.xlane v4, v2;
	_ =	sdelay $0x1  }
0x43b: {  	v6 =	vmax.f32 v4, v15  }
0x43c: {  	v4 =	vsel vm9, v6, v4  }
0x43d: {  	v4 =	vmax.f32 v14, v4  }
0x43e: {  	[tilespmem:v3+s31+$0x0] =	vst.idx.msk $0xffff, v4  }
0x43f: {  	v3 =	vld [tilespmem:s18+$0x1020];
	_ =	sdelay $0x4  }
0x440: {  	v3 =	vadd.s32 v0, v3  }
0x441: {  	v4 =	vld [tilespmem:s18+$0x5020];
	_ =	sdelay $0x3  }
0x442: {  	v16 =	vld.idx.msk [tilespmem:v3+s0+$0x0], $0xffff  }
0x443: {  	v18 =	vperm.xlane v4, v2;
	v17 =	vperm.xlane v3, v2;
	_ =	sdelay $0x1  }
0x444: {  	v19 =	vmax.f32 v4, v18;
	vm10 =	veq.s32 v3, v17  }
0x445: {  	v4 =	vsel vm10, v19, v4  }
0x446: {  	v4 =	vmax.f32 v16, v4  }
0x447: {  	[tilespmem:v3+s0+$0x0] =	vst.idx.msk $0xffff, v4  }
0x448: {  	v4 =	vld [tilespmem:s18+$0x6020];
	_ =	sdelay $0x3  }
0x449: {  	v20 =	vld.idx.msk [tilespmem:v3+s1+$0x0], $0xffff  }
0x44a: {  	v21 =	vperm.xlane v4, v2;
	_ =	sdelay $0x1  }
0x44b: {  	v6 =	vmax.f32 v4, v21  }
0x44c: {  	v4 =	vsel vm10, v6, v4  }
0x44d: {  	v4 =	vmax.f32 v20, v4  }
0x44e: {  	[tilespmem:v3+s1+$0x0] =	vst.idx.msk $0xffff, v4  }
0x44f: {  	v4 =	vld [tilespmem:s18+$0x7020];
	_ =	sdelay $0x3  }
0x450: {  	v22 =	vld.idx.msk [tilespmem:v3+s2+$0x0], $0xffff  }
0x451: {  	v23 =	vperm.xlane v4, v2;
	_ =	sdelay $0x1  }
0x452: {  	v6 =	vmax.f32 v4, v23  }
0x453: {  	v4 =	vsel vm10, v6, v4  }
0x454: {  	v4 =	vmax.f32 v22, v4  }
0x455: {  	[tilespmem:v3+s2+$0x0] =	vst.idx.msk $0xffff, v4  }
0x456: {  	v3 =	vld [tilespmem:s18+$0x1030];
	_ =	sdelay $0x4  }
0x457: {  	v3 =	vadd.s32 v0, v3  }
0x458: {  	v4 =	vld [tilespmem:s18+$0x5030];
	_ =	sdelay $0x3  }
0x459: {  	v24 =	vld.idx.msk [tilespmem:v3+s14+$0x0], $0xffff  }
0x45a: {  	v26 =	vperm.xlane v4, v2;
	v25 =	vperm.xlane v3, v2;
	_ =	sdelay $0x1  }
0x45b: {  	v27 =	vmax.f32 v4, v26;
	vm11 =	veq.s32 v3, v25  }
0x45c: {  	v4 =	vsel vm11, v27, v4  }
0x45d: {  	v4 =	vmax.f32 v24, v4  }
0x45e: {  	[tilespmem:v3+s14+$0x0] =	vst.idx.msk $0xffff, v4  }
0x45f: {  	v4 =	vld [tilespmem:s18+$0x6030];
	_ =	sdelay $0x3  }
0x460: {  	v28 =	vld.idx.msk [tilespmem:v3+s26+$0x0], $0xffff  }
0x461: {  	v29 =	vperm.xlane v4, v2;
	_ =	sdelay $0x1  }
0x462: {  	v6 =	vmax.f32 v4, v29  }
0x463: {  	v4 =	vsel vm11, v6, v4  }
0x464: {  	v4 =	vmax.f32 v28, v4  }
0x465: {  	[tilespmem:v3+s26+$0x0] =	vst.idx.msk $0xffff, v4  }
0x466: {  	v4 =	vld [tilespmem:s18+$0x7030];
	_ =	sdelay $0x3  }
0x467: {  	v30 =	vld.idx.msk [tilespmem:v3+s28+$0x0], $0xffff  }
0x468: {  	v31 =	vperm.xlane v4, v2;
	_ =	sdelay $0x1  }
0x469: {  	v6 =	vmax.f32 v4, v31  }
0x46a: {  	v4 =	vsel vm11, v6, v4  }
0x46b: {  	v4 =	vmax.f32 v30, v4  }
0x46c: {  	[tilespmem:v3+s28+$0x0] =	vst.idx.msk $0xffff, v4  }
0x46d: {  	v3 =	vld [tilespmem:s18+$0x1040];
	_ =	sdelay $0x4  }
0x46e: {  	v3 =	vadd.s32 v0, v3  }
0x46f: {  	v4 =	vld [tilespmem:s18+$0x5040];
	_ =	sdelay $0x3  }
0x470: {  	v32 =	vld.idx.msk [tilespmem:v3+s29+$0x0], $0xffff  }
0x471: {  	v34 =	vperm.xlane v4, v2;
	v33 =	vperm.xlane v3, v2;
	_ =	sdelay $0x1  }
0x472: {  	v35 =	vmax.f32 v4, v34;
	vm12 =	veq.s32 v3, v33  }
0x473: {  	v4 =	vsel vm12, v35, v4  }
0x474: {  	v4 =	vmax.f32 v32, v4  }
0x475: {  	[tilespmem:v3+s29+$0x0] =	vst.idx.msk $0xffff, v4  }
0x476: {  	v4 =	vld [tilespmem:s18+$0x6040];
	_ =	sdelay $0x3  }
0x477: {  	v36 =	vld.idx.msk [tilespmem:v3+s30+$0x0], $0xffff  }
0x478: {  	v37 =	vperm.xlane v4, v2;
	_ =	sdelay $0x1  }
0x479: {  	v6 =	vmax.f32 v4, v37  }
0x47a: {  	v4 =	vsel vm12, v6, v4  }
0x47b: {  	v4 =	vmax.f32 v36, v4  }
0x47c: {  	[tilespmem:v3+s30+$0x0] =	vst.idx.msk $0xffff, v4  }
0x47d: {  	v4 =	vld [tilespmem:s18+$0x7040];
	_ =	sdelay $0x3  }
0x47e: {  	v38 =	vld.idx.msk [tilespmem:v3+s31+$0x0], $0xffff  }
0x47f: {  	v39 =	vperm.xlane v4, v2;
	_ =	sdelay $0x1  }
0x480: {  	v6 =	vmax.f32 v4, v39  }
0x481: {  	v4 =	vsel vm12, v6, v4  }
0x482: {  	v4 =	vmax.f32 v38, v4  }
0x483: {  	[tilespmem:v3+s31+$0x0] =	vst.idx.msk $0xffff, v4  }
0x484: {  	v3 =	vld [tilespmem:s18+$0x1050];
	_ =	sdelay $0x4  }
0x485: {  	v3 =	vadd.s32 v0, v3  }
0x486: {  	v4 =	vld [tilespmem:s18+$0x5050];
	_ =	sdelay $0x3  }
0x487: {  	v40 =	vld.idx.msk [tilespmem:v3+s0+$0x0], $0xffff  }
0x488: {  	v42 =	vperm.xlane v4, v2;
	v41 =	vperm.xlane v3, v2;
	_ =	sdelay $0x1  }
0x489: {  	v43 =	vmax.f32 v4, v42;
	vm13 =	veq.s32 v3, v41  }
0x48a: {  	v4 =	vsel vm13, v43, v4  }
0x48b: {  	v4 =	vmax.f32 v40, v4  }
0x48c: {  	[tilespmem:v3+s0+$0x0] =	vst.idx.msk $0xffff, v4  }
0x48d: {  	v4 =	vld [tilespmem:s18+$0x6050];
	_ =	sdelay $0x3  }
0x48e: {  	v44 =	vld.idx.msk [tilespmem:v3+s1+$0x0], $0xffff  }
0x48f: {  	v45 =	vperm.xlane v4, v2;
	_ =	sdelay $0x1  }
0x490: {  	v6 =	vmax.f32 v4, v45  }
0x491: {  	v4 =	vsel vm13, v6, v4  }
0x492: {  	v4 =	vmax.f32 v44, v4  }
0x493: {  	[tilespmem:v3+s1+$0x0] =	vst.idx.msk $0xffff, v4  }
0x494: {  	v4 =	vld [tilespmem:s18+$0x7050];
	_ =	sdelay $0x3  }
0x495: {  	v46 =	vld.idx.msk [tilespmem:v3+s2+$0x0], $0xffff  }
0x496: {  	v47 =	vperm.xlane v4, v2;
	_ =	sdelay $0x1  }
0x497: {  	v6 =	vmax.f32 v4, v47  }
0x498: {  	v4 =	vsel vm13, v6, v4  }
0x499: {  	v4 =	vmax.f32 v46, v4  }
0x49a: {  	[tilespmem:v3+s2+$0x0] =	vst.idx.msk $0xffff, v4  }
0x49b: {  	v3 =	vld [tilespmem:s18+$0x1060];
	_ =	sdelay $0x4  }
0x49c: {  	v3 =	vadd.s32 v0, v3  }
0x49d: {  	v4 =	vld [tilespmem:s18+$0x5060];
	_ =	sdelay $0x3  }
0x49e: {  	v48 =	vld.idx.msk [tilespmem:v3+s14+$0x0], $0xffff  }
0x49f: {  	v50 =	vperm.xlane v4, v2;
	v49 =	vperm.xlane v3, v2;
	_ =	sdelay $0x1  }
0x4a0: {  	v51 =	vmax.f32 v4, v50;
	vm14 =	veq.s32 v3, v49  }
0x4a1: {  	v4 =	vsel vm14, v51, v4  }
0x4a2: {  	v4 =	vmax.f32 v48, v4  }
0x4a3: {  	[tilespmem:v3+s14+$0x0] =	vst.idx.msk $0xffff, v4  }
0x4a4: {  	v4 =	vld [tilespmem:s18+$0x6060];
	_ =	sdelay $0x3  }
0x4a5: {  	v52 =	vld.idx.msk [tilespmem:v3+s26+$0x0], $0xffff  }
0x4a6: {  	v53 =	vperm.xlane v4, v2;
	_ =	sdelay $0x1  }
0x4a7: {  	v6 =	vmax.f32 v4, v53  }
0x4a8: {  	v4 =	vsel vm14, v6, v4  }
0x4a9: {  	v4 =	vmax.f32 v52, v4  }
0x4aa: {  	[tilespmem:v3+s26+$0x0] =	vst.idx.msk $0xffff, v4  }
0x4ab: {  	v4 =	vld [tilespmem:s18+$0x7060];
	_ =	sdelay $0x3  }
0x4ac: {  	v54 =	vld.idx.msk [tilespmem:v3+s28+$0x0], $0xffff  }
0x4ad: {  	v55 =	vperm.xlane v4, v2;
	_ =	sdelay $0x1  }
0x4ae: {  	v6 =	vmax.f32 v4, v55  }
0x4af: {  	v4 =	vsel vm14, v6, v4  }
0x4b0: {  	v4 =	vmax.f32 v54, v4  }
0x4b1: {  	[tilespmem:v3+s28+$0x0] =	vst.idx.msk $0xffff, v4  }
0x4b2: {  	v3 =	vld [tilespmem:s18+$0x1070];
	_ =	sdelay $0x4  }
0x4b3: {  	v3 =	vadd.s32 v0, v3  }
0x4b4: {  	v4 =	vld [tilespmem:s18+$0x5070];
	_ =	sdelay $0x3  }
0x4b5: {  	v56 =	vld.idx.msk [tilespmem:v3+s29+$0x0], $0xffff  }
0x4b6: {  	v58 =	vperm.xlane v4, v2;
	v57 =	vperm.xlane v3, v2;
	_ =	sdelay $0x1  }
0x4b7: {  	v59 =	vmax.f32 v4, v58;
	vm15 =	veq.s32 v3, v57  }
0x4b8: {  	v4 =	vsel vm15, v59, v4  }
0x4b9: {  	v4 =	vmax.f32 v56, v4  }
0x4ba: {  	[tilespmem:v3+s29+$0x0] =	vst.idx.msk $0xffff, v4  }
0x4bb: {  	v4 =	vld [tilespmem:s18+$0x6070];
	_ =	sdelay $0x3  }
0x4bc: {  	v60 =	vld.idx.msk [tilespmem:v3+s30+$0x0], $0xffff  }
0x4bd: {  	v61 =	vperm.xlane v4, v2;
	_ =	sdelay $0x1  }
0x4be: {  	v6 =	vmax.f32 v4, v61  }
0x4bf: {  	v4 =	vsel vm15, v6, v4  }
0x4c0: {  	v4 =	vmax.f32 v60, v4  }
0x4c1: {  	[tilespmem:v3+s30+$0x0] =	vst.idx.msk $0xffff, v4  }
0x4c2: {  	v4 =	vld [tilespmem:s18+$0x7070];
	_ =	sdelay $0x3  }
0x4c3: {  	v62 =	vld.idx.msk [tilespmem:v3+s31+$0x0], $0xffff  }
0x4c4: {  	p0 =	seq.s32 s17, $0x3E00;
	v63 =	vperm.xlane v4, v2  }
.Ltmp9:
0x4c5: {  	_ = 	snop;
	(pc) =	sbr.rel @!p0 .LBB2_22-.Ltmp9, $4  }
0x4c6: {  	v6 =	vmax.f32 v4, v63  }
0x4c7: {  	v4 =	vsel vm15, v6, v4  }
0x4c8: {  	v4 =	vmax.f32 v62, v4  }
0x4c9: {  	s17 =	sadd.s32 $0x200, s17;
	[tilespmem:v3+s31+$0x0] =	vst.idx.msk $0xffff, v4  }
0x4ca: {  	p0 =	seq.s32 s15, $0x20  }
.Ltmp10:
0x4cb: {  	_ = 	snop;
	(pc) =	sbr.rel @!p0 .LBB2_19-.Ltmp10, $1  }
0x4cc: {  	_ =	sdelay $0x3  }
0x4cd: {  	s11 =	simm.s32 $0x0  }
0x4ce: {  	v3 =	vld [tilespmem:s11+$0x8000]  }
0x4cf: {  	v4 =	vld [tilespmem:s11+$0x8400]  }
0x4d0: {  	v5 =	vld [tilespmem:s11+$0x8800]  }
0x4d1: {  	v6 =	vld [tilespmem:s11+$0x8C00]  }
0x4d2: {  	v7 =	vld [tilespmem:s11+$0x9000]  }
0x4d3: {  	v8 =	vld [tilespmem:s11+$0x9400]  }
0x4d4: {  	v3 =	vmax.f32 v3, v4;
	v4 =	vld [tilespmem:s11+$0x9800]  }
0x4d5: {  	v3 =	vmax.f32 v3, v5;
	v5 =	vld [tilespmem:s11+$0x9C00]  }
0x4d6: {  	v3 =	vmax.f32 v3, v6;
	v6 =	vld [tilespmem:s11+$0xA000]  }
0x4d7: {  	v3 =	vmax.f32 v3, v7;
	v7 =	vld [tilespmem:s11+$0xA400]  }
0x4d8: {  	v3 =	vmax.f32 v3, v8;
	v8 =	vld [tilespmem:s11+$0xA800]  }
0x4d9: {  	v3 =	vmax.f32 v3, v4;
	v4 =	vld [tilespmem:s11+$0xAC00]  }
0x4da: {  	v3 =	vmax.f32 v3, v5;
	v5 =	vld [tilespmem:s11+$0xB000]  }
0x4db: {  	v3 =	vmax.f32 v3, v6;
	v6 =	vld [tilespmem:s11+$0xB400]  }
0x4dc: {  	v3 =	vmax.f32 v3, v7;
	v7 =	vld [tilespmem:s11+$0xB800]  }
0x4dd: {  	v3 =	vmax.f32 v3, v8;
	v8 =	vld [tilespmem:s11+$0xBC00]  }
0x4de: {  	v9 =	vld [tilespmem:s11+$0xC000];
	v3 =	vmax.f32 v3, v4  }
0x4df: {  	v10 =	vld [tilespmem:s11+$0xC400];
	v3 =	vmax.f32 v3, v5  }
0x4e0: {  	v11 =	vld [tilespmem:s11+$0xC800];
	v3 =	vmax.f32 v3, v6  }
0x4e1: {  	v12 =	vld [tilespmem:s11+$0xCC00];
	v3 =	vmax.f32 v3, v7  }
0x4e2: {  	v4 =	vld [tilespmem:s11+$0xD000];
	v3 =	vmax.f32 v3, v8  }
0x4e3: {  	v5 =	vld [tilespmem:s11+$0xD400];
	v3 =	vmax.f32 v3, v9  }
0x4e4: {  	v6 =	vld [tilespmem:s11+$0xD800];
	v3 =	vmax.f32 v3, v10  }
0x4e5: {  	s15 =	simm.s32 $0x10;
	v7 =	vld [tilespmem:s11+$0xDC00];
	v8 =	vmax.f32 v3, v11  }
0x4e6: {  	s17 =	simm.s32 $0x80;
	v3 =	vld [tilespmem:s15+$0x8000];
	v8 =	vmax.f32 v8, v12  }
.LBB2_24:
0x4e7: {  	p0 =	sne.s32 s17, $0xFC0;
	v9 =	vld [tilespmem:s15+$0x8400];
	v4 =	vmax.f32 v8, v4  }
0x4e8: {  	v8 =	vld [tilespmem:s15+$0x8800];
	v4 =	vmax.f32 v4, v5  }
0x4e9: {  	v5 =	vld [tilespmem:s15+$0x8C00];
	v4 =	vmax.f32 v4, v6  }
0x4ea: {  	v6 =	vld [tilespmem:s15+$0x9000];
	v4 =	vmax.f32 v4, v7  }
0x4eb: {  	v7 =	vld [tilespmem:s15+$0x9400];
	[tilespmem:s11+$0x1A000] =	vst v4;
	s11 =	smov.u32 s15  }
0x4ec: {  	v3 =	vmax.f32 v3, v9;
	v4 =	vld [tilespmem:s11+$0x9800]  }
0x4ed: {  	v3 =	vmax.f32 v3, v8;
	v8 =	vld [tilespmem:s11+$0x9C00]  }
0x4ee: {  	v3 =	vmax.f32 v3, v5;
	v5 =	vld [tilespmem:s11+$0xA000]  }
0x4ef: {  	v3 =	vmax.f32 v3, v6;
	v6 =	vld [tilespmem:s11+$0xA400]  }
0x4f0: {  	v3 =	vmax.f32 v3, v7;
	v7 =	vld [tilespmem:s11+$0xA800]  }
0x4f1: {  	v3 =	vmax.f32 v3, v4;
	v4 =	vld [tilespmem:s11+$0xAC00]  }
0x4f2: {  	v3 =	vmax.f32 v3, v8;
	v8 =	vld [tilespmem:s11+$0xB000]  }
0x4f3: {  	v3 =	vmax.f32 v3, v5;
	v5 =	vld [tilespmem:s11+$0xB400]  }
0x4f4: {  	v3 =	vmax.f32 v3, v6;
	v6 =	vld [tilespmem:s11+$0xB800]  }
0x4f5: {  	v3 =	vmax.f32 v3, v7;
	v7 =	vld [tilespmem:s11+$0xBC00]  }
0x4f6: {  	v3 =	vmax.f32 v3, v4;
	v9 =	vld [tilespmem:s11+$0xC000]  }
0x4f7: {  	v3 =	vmax.f32 v3, v8;
	v8 =	vld [tilespmem:s11+$0xC400]  }
0x4f8: {  	v3 =	vmax.f32 v3, v5;
	v10 =	vld [tilespmem:s11+$0xC800]  }
0x4f9: {  	v3 =	vmax.f32 v3, v6;
	v11 =	vld [tilespmem:s11+$0xCC00]  }
.Ltmp11:
0x4fa: {  	v3 =	vmax.f32 v3, v7;
	v4 =	vld [tilespmem:s11+$0xD000];
	(pc) =	sbr.rel @p0 .LBB2_24-.Ltmp11, $4  }
0x4fb: {  	v3 =	vmax.f32 v3, v9;
	v5 =	vld [tilespmem:s11+$0xD400]  }
0x4fc: {  	v3 =	vmax.f32 v3, v8;
	v6 =	vld [tilespmem:s11+$0xD800]  }
0x4fd: {  	s15 =	sshra.s32 s17, $0x2;
	v8 =	vmax.f32 v3, v10;
	v7 =	vld [tilespmem:s11+$0xDC00]  }
0x4fe: {  	s17 =	sadd.s32 $0x40, s17;
	v3 =	vld [tilespmem:s15+$0x8000];
	v8 =	vmax.f32 v8, v11  }
0x4ff: {  	v9 =	vld [tilespmem:s15+$0x8400];
	v4 =	vmax.f32 v8, v4  }
0x500: {  	v8 =	vld [tilespmem:s15+$0x8800];
	v4 =	vmax.f32 v4, v5  }
0x501: {  	v5 =	vld [tilespmem:s15+$0x8C00];
	v4 =	vmax.f32 v4, v6  }
0x502: {  	v6 =	vld [tilespmem:s15+$0x9000];
	v4 =	vmax.f32 v4, v7  }
0x503: {  	v7 =	vld [tilespmem:s15+$0x9400];
	[tilespmem:s11+$0x1A000] =	vst v4  }
0x504: {  	v3 =	vmax.f32 v3, v9;
	v4 =	vld [tilespmem:s15+$0x9800]  }
0x505: {  	v3 =	vmax.f32 v3, v8;
	v8 =	vld [tilespmem:s15+$0x9C00]  }
0x506: {  	v3 =	vmax.f32 v3, v5;
	v5 =	vld [tilespmem:s15+$0xA000]  }
0x507: {  	v3 =	vmax.f32 v3, v6;
	v6 =	vld [tilespmem:s15+$0xA400]  }
0x508: {  	v3 =	vmax.f32 v3, v7;
	v7 =	vld [tilespmem:s15+$0xA800]  }
0x509: {  	v3 =	vmax.f32 v3, v4;
	v4 =	vld [tilespmem:s15+$0xAC00]  }
0x50a: {  	v3 =	vmax.f32 v3, v8;
	v8 =	vld [tilespmem:s15+$0xB000]  }
0x50b: {  	v3 =	vmax.f32 v3, v5;
	v5 =	vld [tilespmem:s15+$0xB400]  }
0x50c: {  	v3 =	vmax.f32 v3, v6;
	v6 =	vld [tilespmem:s15+$0xB800]  }
0x50d: {  	v3 =	vmax.f32 v3, v7;
	v7 =	vld [tilespmem:s15+$0xBC00]  }
0x50e: {  	v3 =	vmax.f32 v3, v4;
	v4 =	vld [tilespmem:s15+$0xC000]  }
0x50f: {  	v3 =	vmax.f32 v3, v8;
	v8 =	vld [tilespmem:s15+$0xC400]  }
0x510: {  	v3 =	vmax.f32 v3, v5;
	v5 =	vld [tilespmem:s15+$0xC800]  }
0x511: {  	v3 =	vmax.f32 v3, v6;
	v6 =	vld [tilespmem:s15+$0xCC00]  }
0x512: {  	v3 =	vmax.f32 v3, v7;
	v7 =	vld [tilespmem:s15+$0xD000]  }
0x513: {  	v3 =	vmax.f32 v3, v4;
	v4 =	vld [tilespmem:s15+$0xD400]  }
0x514: {  	v3 =	vmax.f32 v3, v8;
	v8 =	vld [tilespmem:s15+$0xD800]  }
0x515: {  	v3 =	vmax.f32 v3, v5;
	v5 =	vld [tilespmem:s15+$0xDC00]  }
0x516: {  	v3 =	vmax.f32 v3, v6  }
0x517: {  	v3 =	vmax.f32 v3, v7  }
0x518: {  	v3 =	vmax.f32 v3, v4  }
0x519: {  	v3 =	vmax.f32 v3, v8  }
0x51a: {  	v3 =	vmax.f32 v3, v5  }
0x51b: {  	s19 =	simm.s32 $0x0;
	s20 =	rddreg [dreg:$0x8];
	[tilespmem:s15+$0x1A000] =	vst v3  }
0x51c: {  	[hbm4b:s20+s19] =	stream.linear.scatter [tilespmem:s23], [sflag:$0x3], $0x400, $0x38;
	[tilespmem:$0x1A400] =	vst v63  }
0x51d: {  	_ =	swait.ge [sflag:s9], $0x400  }
0x51e: {  	[sflag:s9] =	ssyncset.done $0x0  }
0x51f: {  	s11 =	simm.s32 $0x0;
	[sflag:s9] =	ssyncadd.s32 $0xFFFFFC00  }
0x520: {  	v3 =	vld [tilespmem:s11+$0xE000]  }
0x521: {  	v4 =	vld [tilespmem:s11+$0xE400]  }
0x522: {  	v5 =	vld [tilespmem:s11+$0xE800]  }
0x523: {  	v6 =	vld [tilespmem:s11+$0xEC00]  }
0x524: {  	v7 =	vld [tilespmem:s11+$0xF000]  }
0x525: {  	v8 =	vld [tilespmem:s11+$0xF400]  }
0x526: {  	v3 =	vmax.f32 v3, v4;
	v4 =	vld [tilespmem:s11+$0xF800]  }
0x527: {  	v3 =	vmax.f32 v3, v5;
	v5 =	vld [tilespmem:s11+$0xFC00]  }
0x528: {  	v3 =	vmax.f32 v3, v6;
	v6 =	vld [tilespmem:s11+$0x10000]  }
0x529: {  	v3 =	vmax.f32 v3, v7;
	v7 =	vld [tilespmem:s11+$0x10400]  }
0x52a: {  	v3 =	vmax.f32 v3, v8;
	v8 =	vld [tilespmem:s11+$0x10800]  }
0x52b: {  	v3 =	vmax.f32 v3, v4;
	v4 =	vld [tilespmem:s11+$0x10C00]  }
0x52c: {  	v3 =	vmax.f32 v3, v5;
	v5 =	vld [tilespmem:s11+$0x11000]  }
0x52d: {  	v3 =	vmax.f32 v3, v6;
	v6 =	vld [tilespmem:s11+$0x11400]  }
0x52e: {  	v3 =	vmax.f32 v3, v7;
	v7 =	vld [tilespmem:s11+$0x11800]  }
0x52f: {  	v3 =	vmax.f32 v3, v8;
	v8 =	vld [tilespmem:s11+$0x11C00]  }
0x530: {  	v9 =	vld [tilespmem:s11+$0x12000];
	v3 =	vmax.f32 v3, v4  }
0x531: {  	v10 =	vld [tilespmem:s11+$0x12400];
	v3 =	vmax.f32 v3, v5  }
0x532: {  	v11 =	vld [tilespmem:s11+$0x12800];
	v3 =	vmax.f32 v3, v6  }
0x533: {  	v12 =	vld [tilespmem:s11+$0x12C00];
	v3 =	vmax.f32 v3, v7  }
0x534: {  	v4 =	vld [tilespmem:s11+$0x13000];
	v3 =	vmax.f32 v3, v8  }
0x535: {  	v5 =	vld [tilespmem:s11+$0x13400];
	v3 =	vmax.f32 v3, v9  }
0x536: {  	v6 =	vld [tilespmem:s11+$0x13800];
	v3 =	vmax.f32 v3, v10  }
0x537: {  	s15 =	simm.s32 $0x10;
	v7 =	vld [tilespmem:s11+$0x13C00];
	v8 =	vmax.f32 v3, v11  }
0x538: {  	s17 =	simm.s32 $0x80;
	v3 =	vld [tilespmem:s15+$0xE000];
	v8 =	vmax.f32 v8, v12  }
.LBB2_26:
0x539: {  	p0 =	sne.s32 s17, $0xFC0;
	v9 =	vld [tilespmem:s15+$0xE400];
	v4 =	vmax.f32 v8, v4  }
0x53a: {  	v8 =	vld [tilespmem:s15+$0xE800];
	v4 =	vmax.f32 v4, v5  }
0x53b: {  	v5 =	vld [tilespmem:s15+$0xEC00];
	v4 =	vmax.f32 v4, v6  }
0x53c: {  	v6 =	vld [tilespmem:s15+$0xF000];
	v4 =	vmax.f32 v4, v7  }
0x53d: {  	v7 =	vld [tilespmem:s15+$0xF400];
	[tilespmem:s11+$0x1A000] =	vst v4;
	s11 =	smov.u32 s15  }
0x53e: {  	v3 =	vmax.f32 v3, v9;
	v4 =	vld [tilespmem:s11+$0xF800]  }
0x53f: {  	v3 =	vmax.f32 v3, v8;
	v8 =	vld [tilespmem:s11+$0xFC00]  }
0x540: {  	v3 =	vmax.f32 v3, v5;
	v5 =	vld [tilespmem:s11+$0x10000]  }
0x541: {  	v3 =	vmax.f32 v3, v6;
	v6 =	vld [tilespmem:s11+$0x10400]  }
0x542: {  	v3 =	vmax.f32 v3, v7;
	v7 =	vld [tilespmem:s11+$0x10800]  }
0x543: {  	v3 =	vmax.f32 v3, v4;
	v4 =	vld [tilespmem:s11+$0x10C00]  }
0x544: {  	v3 =	vmax.f32 v3, v8;
	v8 =	vld [tilespmem:s11+$0x11000]  }
0x545: {  	v3 =	vmax.f32 v3, v5;
	v5 =	vld [tilespmem:s11+$0x11400]  }
0x546: {  	v3 =	vmax.f32 v3, v6;
	v6 =	vld [tilespmem:s11+$0x11800]  }
0x547: {  	v3 =	vmax.f32 v3, v7;
	v7 =	vld [tilespmem:s11+$0x11C00]  }
0x548: {  	v3 =	vmax.f32 v3, v4;
	v9 =	vld [tilespmem:s11+$0x12000]  }
0x549: {  	v3 =	vmax.f32 v3, v8;
	v8 =	vld [tilespmem:s11+$0x12400]  }
0x54a: {  	v3 =	vmax.f32 v3, v5;
	v10 =	vld [tilespmem:s11+$0x12800]  }
0x54b: {  	v3 =	vmax.f32 v3, v6;
	v11 =	vld [tilespmem:s11+$0x12C00]  }
.Ltmp12:
0x54c: {  	v3 =	vmax.f32 v3, v7;
	v4 =	vld [tilespmem:s11+$0x13000];
	(pc) =	sbr.rel @p0 .LBB2_26-.Ltmp12, $4  }
0x54d: {  	v3 =	vmax.f32 v3, v9;
	v5 =	vld [tilespmem:s11+$0x13400]  }
0x54e: {  	v3 =	vmax.f32 v3, v8;
	v6 =	vld [tilespmem:s11+$0x13800]  }
0x54f: {  	s15 =	sshra.s32 s17, $0x2;
	v8 =	vmax.f32 v3, v10;
	v7 =	vld [tilespmem:s11+$0x13C00]  }
0x550: {  	s17 =	sadd.s32 $0x40, s17;
	v3 =	vld [tilespmem:s15+$0xE000];
	v8 =	vmax.f32 v8, v11  }
0x551: {  	v9 =	vld [tilespmem:s15+$0xE400];
	v4 =	vmax.f32 v8, v4  }
0x552: {  	v8 =	vld [tilespmem:s15+$0xE800];
	v4 =	vmax.f32 v4, v5  }
0x553: {  	v5 =	vld [tilespmem:s15+$0xEC00];
	v4 =	vmax.f32 v4, v6  }
0x554: {  	v6 =	vld [tilespmem:s15+$0xF000];
	v4 =	vmax.f32 v4, v7  }
0x555: {  	v7 =	vld [tilespmem:s15+$0xF400];
	[tilespmem:s11+$0x1A000] =	vst v4  }
0x556: {  	v3 =	vmax.f32 v3, v9;
	v4 =	vld [tilespmem:s15+$0xF800]  }
0x557: {  	v3 =	vmax.f32 v3, v8;
	v8 =	vld [tilespmem:s15+$0xFC00]  }
0x558: {  	v3 =	vmax.f32 v3, v5;
	v5 =	vld [tilespmem:s15+$0x10000]  }
0x559: {  	v3 =	vmax.f32 v3, v6;
	v6 =	vld [tilespmem:s15+$0x10400]  }
0x55a: {  	v3 =	vmax.f32 v3, v7;
	v7 =	vld [tilespmem:s15+$0x10800]  }
0x55b: {  	v3 =	vmax.f32 v3, v4;
	v4 =	vld [tilespmem:s15+$0x10C00]  }
0x55c: {  	v3 =	vmax.f32 v3, v8;
	v8 =	vld [tilespmem:s15+$0x11000]  }
0x55d: {  	v3 =	vmax.f32 v3, v5;
	v5 =	vld [tilespmem:s15+$0x11400]  }
0x55e: {  	v3 =	vmax.f32 v3, v6;
	v6 =	vld [tilespmem:s15+$0x11800]  }
0x55f: {  	v3 =	vmax.f32 v3, v7;
	v7 =	vld [tilespmem:s15+$0x11C00]  }
0x560: {  	v3 =	vmax.f32 v3, v4;
	v4 =	vld [tilespmem:s15+$0x12000]  }
0x561: {  	v3 =	vmax.f32 v3, v8;
	v8 =	vld [tilespmem:s15+$0x12400]  }
0x562: {  	v3 =	vmax.f32 v3, v5;
	v5 =	vld [tilespmem:s15+$0x12800]  }
0x563: {  	v3 =	vmax.f32 v3, v6;
	v6 =	vld [tilespmem:s15+$0x12C00]  }
0x564: {  	v3 =	vmax.f32 v3, v7;
	v7 =	vld [tilespmem:s15+$0x13000]  }
0x565: {  	v3 =	vmax.f32 v3, v4;
	v4 =	vld [tilespmem:s15+$0x13400]  }
0x566: {  	v3 =	vmax.f32 v3, v8;
	v8 =	vld [tilespmem:s15+$0x13800]  }
0x567: {  	v3 =	vmax.f32 v3, v5;
	v5 =	vld [tilespmem:s15+$0x13C00]  }
0x568: {  	v3 =	vmax.f32 v3, v6  }
0x569: {  	v3 =	vmax.f32 v3, v7  }
0x56a: {  	v3 =	vmax.f32 v3, v4  }
0x56b: {  	v3 =	vmax.f32 v3, v8  }
0x56c: {  	v3 =	vmax.f32 v3, v5  }
0x56d: {  	s19 =	simm.s32 $0x0;
	s20 =	rddreg [dreg:$0x9];
	[tilespmem:s15+$0x1A000] =	vst v3  }
0x56e: {  	[hbm4b:s20+s19] =	stream.linear.scatter [tilespmem:s23], [sflag:$0x3], $0x400, $0x38;
	[tilespmem:$0x1A400] =	vst v63  }
0x56f: {  	_ =	swait.ge [sflag:s9], $0x400  }
0x570: {  	[sflag:s9] =	ssyncset.done $0x0  }
0x571: {  	s11 =	simm.s32 $0x0;
	[sflag:s9] =	ssyncadd.s32 $0xFFFFFC00  }
0x572: {  	v3 =	vld [tilespmem:s11+$0x14000]  }
0x573: {  	v4 =	vld [tilespmem:s11+$0x14400]  }
0x574: {  	v5 =	vld [tilespmem:s11+$0x14800]  }
0x575: {  	v6 =	vld [tilespmem:s11+$0x14C00]  }
0x576: {  	v7 =	vld [tilespmem:s11+$0x15000]  }
0x577: {  	v8 =	vld [tilespmem:s11+$0x15400]  }
0x578: {  	v3 =	vmax.f32 v3, v4;
	v4 =	vld [tilespmem:s11+$0x15800]  }
0x579: {  	v3 =	vmax.f32 v3, v5;
	v5 =	vld [tilespmem:s11+$0x15C00]  }
0x57a: {  	v3 =	vmax.f32 v3, v6;
	v6 =	vld [tilespmem:s11+$0x16000]  }
0x57b: {  	v3 =	vmax.f32 v3, v7;
	v7 =	vld [tilespmem:s11+$0x16400]  }
0x57c: {  	v3 =	vmax.f32 v3, v8;
	v8 =	vld [tilespmem:s11+$0x16800]  }
0x57d: {  	v3 =	vmax.f32 v3, v4;
	v4 =	vld [tilespmem:s11+$0x16C00]  }
0x57e: {  	v3 =	vmax.f32 v3, v5;
	v5 =	vld [tilespmem:s11+$0x17000]  }
0x57f: {  	v3 =	vmax.f32 v3, v6;
	v6 =	vld [tilespmem:s11+$0x17400]  }
0x580: {  	v3 =	vmax.f32 v3, v7;
	v7 =	vld [tilespmem:s11+$0x17800]  }
0x581: {  	v3 =	vmax.f32 v3, v8;
	v8 =	vld [tilespmem:s11+$0x17C00]  }
0x582: {  	v9 =	vld [tilespmem:s11+$0x18000];
	v3 =	vmax.f32 v3, v4  }
0x583: {  	v10 =	vld [tilespmem:s11+$0x18400];
	v3 =	vmax.f32 v3, v5  }
0x584: {  	v11 =	vld [tilespmem:s11+$0x18800];
	v3 =	vmax.f32 v3, v6  }
0x585: {  	v12 =	vld [tilespmem:s11+$0x18C00];
	v3 =	vmax.f32 v3, v7  }
0x586: {  	v4 =	vld [tilespmem:s11+$0x19000];
	v3 =	vmax.f32 v3, v8  }
0x587: {  	v5 =	vld [tilespmem:s11+$0x19400];
	v3 =	vmax.f32 v3, v9  }
0x588: {  	v6 =	vld [tilespmem:s11+$0x19800];
	v3 =	vmax.f32 v3, v10  }
0x589: {  	s15 =	simm.s32 $0x10;
	v7 =	vld [tilespmem:s11+$0x19C00];
	v8 =	vmax.f32 v3, v11  }
0x58a: {  	s17 =	simm.s32 $0x80;
	v3 =	vld [tilespmem:s15+$0x14000];
	v8 =	vmax.f32 v8, v12  }
.LBB2_28:
0x58b: {  	p0 =	sne.s32 s17, $0xFC0;
	v9 =	vld [tilespmem:s15+$0x14400];
	v4 =	vmax.f32 v8, v4  }
0x58c: {  	v8 =	vld [tilespmem:s15+$0x14800];
	v4 =	vmax.f32 v4, v5  }
0x58d: {  	v5 =	vld [tilespmem:s15+$0x14C00];
	v4 =	vmax.f32 v4, v6  }
0x58e: {  	v6 =	vld [tilespmem:s15+$0x15000];
	v4 =	vmax.f32 v4, v7  }
0x58f: {  	v7 =	vld [tilespmem:s15+$0x15400];
	[tilespmem:s11+$0x1A000] =	vst v4;
	s11 =	smov.u32 s15  }
0x590: {  	v3 =	vmax.f32 v3, v9;
	v4 =	vld [tilespmem:s11+$0x15800]  }
0x591: {  	v3 =	vmax.f32 v3, v8;
	v8 =	vld [tilespmem:s11+$0x15C00]  }
0x592: {  	v3 =	vmax.f32 v3, v5;
	v5 =	vld [tilespmem:s11+$0x16000]  }
0x593: {  	v3 =	vmax.f32 v3, v6;
	v6 =	vld [tilespmem:s11+$0x16400]  }
0x594: {  	v3 =	vmax.f32 v3, v7;
	v7 =	vld [tilespmem:s11+$0x16800]  }
0x595: {  	v3 =	vmax.f32 v3, v4;
	v4 =	vld [tilespmem:s11+$0x16C00]  }
0x596: {  	v3 =	vmax.f32 v3, v8;
	v8 =	vld [tilespmem:s11+$0x17000]  }
0x597: {  	v3 =	vmax.f32 v3, v5;
	v5 =	vld [tilespmem:s11+$0x17400]  }
0x598: {  	v3 =	vmax.f32 v3, v6;
	v6 =	vld [tilespmem:s11+$0x17800]  }
0x599: {  	v3 =	vmax.f32 v3, v7;
	v7 =	vld [tilespmem:s11+$0x17C00]  }
0x59a: {  	v3 =	vmax.f32 v3, v4;
	v9 =	vld [tilespmem:s11+$0x18000]  }
0x59b: {  	v3 =	vmax.f32 v3, v8;
	v8 =	vld [tilespmem:s11+$0x18400]  }
0x59c: {  	v3 =	vmax.f32 v3, v5;
	v10 =	vld [tilespmem:s11+$0x18800]  }
0x59d: {  	v3 =	vmax.f32 v3, v6;
	v11 =	vld [tilespmem:s11+$0x18C00]  }
.Ltmp13:
0x59e: {  	v3 =	vmax.f32 v3, v7;
	v4 =	vld [tilespmem:s11+$0x19000];
	(pc) =	sbr.rel @p0 .LBB2_28-.Ltmp13, $4  }
0x59f: {  	v3 =	vmax.f32 v3, v9;
	v5 =	vld [tilespmem:s11+$0x19400]  }
0x5a0: {  	v3 =	vmax.f32 v3, v8;
	v6 =	vld [tilespmem:s11+$0x19800]  }
0x5a1: {  	s15 =	sshra.s32 s17, $0x2;
	v8 =	vmax.f32 v3, v10;
	v7 =	vld [tilespmem:s11+$0x19C00]  }
0x5a2: {  	s17 =	sadd.s32 $0x40, s17;
	v3 =	vld [tilespmem:s15+$0x14000];
	v8 =	vmax.f32 v8, v11  }
0x5a3: {  	v9 =	vld [tilespmem:s15+$0x14400];
	v4 =	vmax.f32 v8, v4  }
0x5a4: {  	v43 =	vld [tilespmem:s15+$0x14800];
	v4 =	vmax.f32 v4, v5  }
0x5a5: {  	v44 =	vld [tilespmem:s15+$0x14C00];
	v4 =	vmax.f32 v4, v6  }
0x5a6: {  	v45 =	vld [tilespmem:s15+$0x15000];
	v4 =	vmax.f32 v4, v7  }
0x5a7: {  	v46 =	vld [tilespmem:s15+$0x15400];
	[tilespmem:s11+$0x1A000] =	vst v4  }
0x5a8: {  	v3 =	vmax.f32 v3, v9;
	v4 =	vld [tilespmem:s15+$0x15800]  }
0x5a9: {  	v47 =	vld [tilespmem:s15+$0x15C00];
	v3 =	vmax.f32 v3, v43  }
0x5aa: {  	v48 =	vld [tilespmem:s15+$0x16000];
	v3 =	vmax.f32 v3, v44  }
0x5ab: {  	v49 =	vld [tilespmem:s15+$0x16400];
	v3 =	vmax.f32 v3, v45  }
0x5ac: {  	v50 =	vld [tilespmem:s15+$0x16800];
	v3 =	vmax.f32 v3, v46  }
0x5ad: {  	v51 =	vld [tilespmem:s15+$0x16C00];
	v3 =	vmax.f32 v3, v4  }
0x5ae: {  	v52 =	vld [tilespmem:s15+$0x17000];
	v3 =	vmax.f32 v3, v47  }
0x5af: {  	v53 =	vld [tilespmem:s15+$0x17400];
	v3 =	vmax.f32 v3, v48  }
0x5b0: {  	v54 =	vld [tilespmem:s15+$0x17800];
	v3 =	vmax.f32 v3, v49  }
0x5b1: {  	v55 =	vld [tilespmem:s15+$0x17C00];
	v3 =	vmax.f32 v3, v50  }
0x5b2: {  	v56 =	vld [tilespmem:s15+$0x18000];
	v3 =	vmax.f32 v3, v51  }
0x5b3: {  	v57 =	vld [tilespmem:s15+$0x18400];
	v3 =	vmax.f32 v3, v52  }
0x5b4: {  	v58 =	vld [tilespmem:s15+$0x18800];
	v3 =	vmax.f32 v3, v53  }
0x5b5: {  	v59 =	vld [tilespmem:s15+$0x18C00];
	v3 =	vmax.f32 v3, v54  }
0x5b6: {  	v60 =	vld [tilespmem:s15+$0x19000];
	v3 =	vmax.f32 v3, v55  }
0x5b7: {  	v61 =	vld [tilespmem:s15+$0x19400];
	v3 =	vmax.f32 v3, v56  }
0x5b8: {  	v62 =	vld [tilespmem:s15+$0x19800];
	v3 =	vmax.f32 v3, v57  }
0x5b9: {  	v63 =	vld [tilespmem:s15+$0x19C00];
	v3 =	vmax.f32 v3, v58  }
0x5ba: {  	v3 =	vmax.f32 v3, v59  }
0x5bb: {  	v3 =	vmax.f32 v3, v60  }
0x5bc: {  	v3 =	vmax.f32 v3, v61  }
0x5bd: {  	s10 =	sadd.s32 $0x1, s10;
	v3 =	vmax.f32 v3, v62  }
0x5be: {  	p0 =	sne.s32 s10, s21;
	v3 =	vmax.f32 v3, v63  }
.Ltmp14:
0x5bf: {  	s19 =	simm.s32 $0x0;
	s20 =	rddreg [dreg:$0xa];
	[tilespmem:s15+$0x1A000] =	vst v3;
	(pc) =	sbr.rel @p0 .LBB2_1-.Ltmp14, $4  }
0x5c0: {  	[hbm4b:s20+s19] =	stream.linear.scatter [tilespmem:s23], [sflag:$0x3], $0x400, $0x38;
	[tilespmem:$0x1A400] =	vst v63  }
0x5c1: {  	_ =	swait.ge [sflag:s9], $0x400  }
0x5c2: {  	[sflag:s9] =	ssyncset.done $0x0  }
0x5c3: {  	[sflag:s9] =	ssyncadd.s32 $0xFFFFFC00  }
0x5c4: {  	_ =	sfence.sel $0x180000  }
0x5c5: {  	[bflag:$0x0] =	sbarrier.arrive $0xFFFF  }
0x5c6: {  	_ =	strace $0x9000004A  }
0x5c7: {  	s0 =	stileid.u32;
	[bflag:$0x2] =	sbarrier.arrive $0xFFFF  }
0x5c8: {  	p0 =	sne.s32 s0, $0x0;
	s0 =	rddreg [dreg:$0x1]  }
0x5c9: {  	s0 =	sadd.s32 @!p0 $0x100000, s0  }
0x5ca: {  	[sflag:s0] =	ssyncadd.tile.s32 @!p0 $0x1;
	_ =	shalt  }
.Lfunc_end2:
_tile_overlayer_lowered:
.L_overlay_start_2:
0x5cb: {  	(tag) =	ssettag $0x2  }
0x5cc: {  	s0 =	rddreg [dreg:$0x0];
	s2 =	stileid.u32  }
0x5cd: {  	s1 =	rddreg [dreg:$0x1];
	p0 =	sne.s32 s2, $0x0  }
0x5ce: {  	s3 =	rddreg [dreg:$0x2];
	[bflag:$0x3] =	sbarrier.arrive $0xFFFF;
	s2 =	simm.s32 @!p0 $0x1C03  }
0x5cf: {  	[timem:s3], [sflag:s2] =	dma.local @!p0 [hbm:s0], s1  }
0x5d0: {  	s0 =	simm.s32 @!p0 $0x3  }
0x5d1: {  	_ =	swait.ge @!p0 [sflag:s0], s1  }
0x5d2: {  	s1 =	ssub.s32 @!p0 $0x0, s1;
	[sflag:s0] =	ssyncset.done @!p0 $0x0  }
0x5d3: {  	[sflag:s0] =	ssyncadd.s32 @!p0 s1  }
0x5d4: {  	[bflag:$0x3] =	sbarrier.arrive $0xFFFF  }
0x5d5: {  	_ =	shalt  }

// kernel: sparse-core-data-format-call.cloned.1.call-start
scs
called_computation_lowered:
.L_overlay_start_0:
0x0: {  	s2 =	sld [smem:$0x3FD9]  }
0x1: {  	s3 =	sld [smem:$0x3FFE];
	_ =	sdelay $0x1  }
0x2: {  	s1 =	srdreg.scid  }
0x3: {  	s0 =	sand.u32 $0x1, s1  }
0x4: {  	s18 =	sshll.u32 s0, $0xA;
	s2 =	sadd.s32 s3, s2  }
0x5: {  	s2 =	sadd.s32 s2, s18  }
0x6: {  	[smem:$0x3FC6] =	sst s2  }
0x7: {  	_ = 	snop  }
0x8: {  	s2 =	sld [smem:$0x3FC9];
	(tm) =	ssettm $0x1  }
0x9: {  	s19 =	sld [smem:$0x3FFB];
	_ =	sdelay $0x3  }
0xa: {  	_ =	strace s19  }
0xb: {  	s3 =	sld [smem:$0x3FFC];
	_ =	sdelay $0x3  }
0xc: {  	_ =	strace s3  }
0xd: {  	s3 =	sld [smem:$0x3FFD];
	_ =	sdelay $0x3  }
0xe: {  	_ =	strace s3  }
0xf: {  	_ =	strace $0x8FFFFFFF  }
0x10: {  	s20 =	sld [smem:$0x3FDB];
	_ =	sdelay $0x1  }
0x11: {  	s4 =	simm.s32 $_scs_section_size  }
0x12: {  	s5 =	simm.s32 $_size__tile_overlayer_lowered;
	s6 =	simm.s32 $_tile_overlayer_lowered  }
0x13: {  	s23 =	simm.s32 $0x1BFF;
	s22 =	sshll.u32 s6, $0x1;
	s3 =	sadd.s32 s4, s20  }
0x14: {  	s7 =	simm.s32 $0x0;
	s21 =	sshll.u32 s5, $0x1;
	s5 =	sadd.s32 s22, s3  }
0x15: {  	[timem:s7], [sflag:s23] =	dma.local [hbm:s5], s21  }
0x16: {  	_ =	swait.ge [sflag:s23], s21  }
0x17: {  	s4 =	ssub.s32 $0x0, s21;
	[sflag:s23] =	ssyncset.done $0x0  }
0x18: {  	[sflag:s23] =	ssyncadd.s32 s4;
	_ =	sdelay $0x1  }
0x19: {  	s24 =	simm.s32 $0x1B8B  }
0x1a: {  	_ =	swait.ge [sflag:s24], $0x1  }
0x1b: {  	[sflag:s24] =	ssyncset.done $0x0  }
0x1c: {  	s26 =	simm.s32 $0x1B8E;
	s25 =	sld [smem:$0x3FFE];
	[sflag:s24] =	ssyncadd.s32 $0xFFFFFFFF  }
0x1d: {  	s27 =	simm.s32 $execute0_lowered;
	[smem:$0x3FD2] =	sst s26  }
0x1e: {  	s5 =	sshll.u32 s27, $0x1;
	_ =	strace $0x80000046;
	[dreg:$0x1] =	wrdreg $0xFFFFFFFF  }
0x1f: {  	s28 =	simm.s32 $_size_execute0_lowered;
	s3 =	sadd.s32 s3, s5;
	[dreg:$0x0] =	wrdreg $0x0  }
0x20: {  	s5 =	sshll.u32 s28, $0x1;
	[dreg:$0x2] =	wrdreg s3  }
0x21: {  	[dreg:$0x3] =	wrdreg s5  }
0x22: {  	[dreg:$0x4] =	wrdreg $0xC0  }
0x23: {  	_ =	task [dreg:s7], $0x5FFFF  }
0x24: {  	[dreg:$0x1] =	wrdreg $0xFFFFFFFF  }
0x25: {  	[dreg:$0x0] =	wrdreg $0x60  }
0x26: {  	[dreg:$0x2] =	wrdreg s2  }
0x27: {  	[dreg:$0x3] =	wrdreg s25  }
0x28: {  	[dreg:$0x4] =	wrdreg $0x9  }
0x29: {  	_ =	task.clear_ibuf [dreg:s7], $0x5FFFF;
	_ =	strace $0x90000046  }
0x2a: {  	s29 =	simm.s32 $0x9;
	_ =	strace $0x80000048  }
0x2b: {  	_ =	swait.ge [sflag:s29], $0x1  }
0x2c: {  	[sflag:s29] =	ssyncadd.s32 $0xFFFFFFFF  }
0x2d: {  	_ =	strace $0x90000048  }
0x2e: {  	_ =	sfence  }
0x2f: {  	s30 =	sld [smem:$0x0];
	_ =	sdelay $0x2  }
0x30: {  	s31 =	sshll.u32 s1, $0xD;
	s1 =	sshrl.u32 s1, $0x2  }
0x31: {  	s3 =	sand.u32 $0x4000, s31;
	s1 =	sadd.s32 s1, s30  }
0x32: {  	s0 =	sor.u32 s3, s0;
	s1 =	sshll.u32 s1, $0x11  }
0x33: {  	s0 =	sor.u32 s1, s0  }
0x34: {  	s0 =	sadd.s32 $0x8F2B, s0  }
0x35: {  	[sflag:s0] =	ssyncadd.remote.s32 $0x1  }
0x36: {  	_ =	sfence.sel $0xFFFF  }
0x37: {  	[dreg:$0x0] =	wrdreg $0xFFFFFFFF;
	(pc) =	sbr.abs _section_cstart, $3  }
0x38: {  	[dreg:$0x1] =	wrdreg $0xFFFFFFFF  }
0x39: {  	_ =	task.clear_ibuf [dreg:s7], $0x2FFFF;
	_ =	strace $0x9FFFFFFF  }
0x3a: {  	(tm) =	ssettm $0x7FFFFFFF  }
0x3b: {  	_ =	shalt  }
tec
execute0_lowered:
.L_overlay_start_1:
0x0: {  	(tag) =	ssettag $0x1  }
0x1: {  	s0 =	srdreg.scid  }
0x2: {  	s1 =	sshll.u32 s0, $0x4  }
0x3: {  	s2 =	rddreg [dreg:$0x0];
	s0 =	stileid.u32;
	s1 =	sand.u32 $0x10, s1  }
0x4: {  	s4 =	rddreg [dreg:$0x1];
	s7 =	simm.s32 $0x1;
	s1 =	sor.u32 s0, s1  }
0x5: {  	s8 =	simm.s32 $0x2;
	s9 =	simm.s32 $0x0;
	s3 =	sshll.u32 s1, $0x2  }
0x6: {  	s12 =	simm.s32 $0x0;
	s11 =	simm.s32 $0x0;
	s6 =	ssub.s32 $0x3000, s3  }
.Ltmp0:
0x7: {  	s4 =	sadd.s32 $0xA00, s4;
	s5 =	sand.u32 $0x7C, s6;
	(pc) =	sbr.rel .LBB1_1-.Ltmp0, $4  }
0x8: {  	s1 =	rddreg [dreg:$0x2];
	_ =	strace $0x80000047;
	p0 =	sne.s32 s5, $0x0  }
0x9: {  	s6 =	sshrl.u32 s6, $0x7;
	s5 =	simm.s32 $0x1;
	s7 =	simm.s32 @!p0 $0x0  }
0xa: {  	s10 =	smov.u32 s3;
	[sflag:s5] =	ssyncpa.u1 $0x0;
	s6 =	sadd.s32 s7, s6  }
0xb: {  	[sflag:s8] =	ssyncpa.u1 $0x0;
	s8 =	simm.s32 $0x0;
	s7 =	sadd.s32 $0x1, s6  }
.LBB1_9:
0xc: {  	s14 =	sadd.s32 $0x80, s10  }
0xd: {  	p1 =	sgt.s32 s14, $0x2FFF  }
0xe: {  	s14 =	smov.u32 @p1 s3;
	p1 =	sne.s32 s11, s7  }
.Ltmp1:
0xf: {  	p0 =	slt.u32 s11, $0x2;
	(pc) =	sbr.rel @!p1 .LBB1_10-.Ltmp1, $4  }
0x10: {  	s13 =	simm.s32 @!p0 $0x2  }
0x11: {  	s15 =	sadd.s32 $0x1, s11;
	_ =	swait.ge @!p0 [sflag:s13], $0x4000  }
0x12: {  	s12 =	smov.u32 s10;
	s9 =	sadd.s32 $0x4000, s9;
	[sflag:s13] =	ssyncset.done @!p0 $0x0  }
0x13: {  	s11 =	smov.u32 s15;
	s10 =	smov.u32 s14;
	[sflag:s13] =	ssyncadd.s32 @!p0 $0xFFFFC000  }
.LBB1_1:
0x14: {  	p0 =	sge.u32 s11, s6  }
0x15: {  	s13 =	sxor.u32 @!p0 $0xFFFFFFFF, s11  }
0x16: {  	s31 =	sadd.s32 $0xFFFFFFFF, s11;
	s14 =	sshll.u32 @!p0 s10, $0x9;
	s13 =	sshll.u32 @!p0 s13, $0xE  }
0x17: {  	s15 =	simm.s32 @!p0 $0x0;
	s14 =	sadd.s32 @!p0 s2, s14;
	s13 =	sand.u32 @!p0 $0x4000, s13  }
0x18: {  	[tilespmem:s13], [sflag:$0x1] =	stream.linear.gather @!p0 [hbm4b:s14+s15], $0x4000, $0x38;
	[tilespmem:$0x10000] =	vst v63  }
0x19: {  	p0 =	sge.u32 s31, s6  }
.Ltmp2:
0x1a: {  	_ = 	snop;
	(pc) =	sbr.rel @p0 .LBB1_9-.Ltmp2, $1  }
0x1b: {  	_ =	sdelay $0x3  }
0x1c: {  	s14 =	sand.u32 $0x4000, s9  }
0x1d: {  	_ =	swait.ge [sflag:s5], $0x4000;
	s15 =	sshll.u32 s11, $0xE;
	s16 =	simm.s32 $0x0  }
0x1e: {  	s13 =	sor.u32 $0x40, s14;
	[sflag:s5] =	ssyncset.done $0x0;
	s15 =	sand.u32 $0x4000, s15  }
0x1f: {  	s14 =	sor.u32 $0x8040, s14;
	[sflag:s5] =	ssyncadd.s32 $0xFFFFC000;
	s15 =	sor.u32 $0x8000, s15  }
.LBB1_3:
0x20: {  	s17 =	smov.u32 s14;
	s18 =	smov.u32 s13;
	s19 =	simm.s32 $0x0  }
.LBB1_4:
0x21: {  	v0 =	vmov s17;
	v2 =	vld [tilespmem:s18+$0x30]  }
0x22: {  	v4 =	vld [tilespmem:s18+$0xFFFFFFD0]  }
0x23: {  	v6 =	vld [tilespmem:s18+$0xFFFFFFE0]  }
0x24: {  	v7 =	vld [tilespmem:s18+$0xFFFFFFF0]  }
0x25: {  	s20 =	simm.s32 $0x0;
	v1 =	vld [tilespmem:s18+$0x0]  }
0x26: {  	v3 =	vld [tilespmem:s18+$0x10];
	[tilespmem:v0+s20+$0x30 ss:$0x1] =	vst.idx.msk $0xffff, v2  }
0x27: {  	v5 =	vld [tilespmem:s18+$0x20];
	[tilespmem:v0+s20+$0xFFFFFFD0 ss:$0x1] =	vst.idx.msk $0xffff, v4  }
0x28: {  	s21 =	sadd.s32 $0x80, s18;
	v2 =	vld [tilespmem:s18+$0xFFFFFFC0];
	[tilespmem:v0+s20+$0xFFFFFFE0 ss:$0x1] =	vst.idx.msk $0xffff, v6  }
0x29: {  	s22 =	simm.s32 $0x800;
	s23 =	simm.s32 $0x1000;
	v4 =	vld [tilespmem:s21+$0x30];
	[tilespmem:v0+s20+$0xFFFFFFF0 ss:$0x1] =	vst.idx.msk $0xffff, v7  }
.LBB1_5:
0x2a: {  	p0 =	sne.s32 s23, $0x3800;
	v6 =	vld [tilespmem:s21+$0xFFFFFFD0];
	[tilespmem:v0+s20+$0x0 ss:$0x1] =	vst.idx.msk $0xffff, v1  }
0x2b: {  	v7 =	vld [tilespmem:s21+$0xFFFFFFE0];
	[tilespmem:v0+s20+$0x10 ss:$0x1] =	vst.idx.msk $0xffff, v3  }
0x2c: {  	v8 =	vld [tilespmem:s21+$0xFFFFFFF0];
	[tilespmem:v0+s20+$0x20 ss:$0x1] =	vst.idx.msk $0xffff, v5  }
.Ltmp3:
0x2d: {  	v1 =	vld [tilespmem:s21+$0x0];
	[tilespmem:v0+s20+$0xFFFFFFC0 ss:$0x1] =	vst.idx.msk $0xffff, v2;
	s20 =	sshra.s32 s22, $0x2;
	s22 =	smov.u32 s23;
	(pc) =	sbr.rel @p0 .LBB1_5-.Ltmp3, $4  }
0x2e: {  	v3 =	vld [tilespmem:s21+$0x10];
	[tilespmem:v0+s20+$0x30 ss:$0x1] =	vst.idx.msk $0xffff, v4  }
0x2f: {  	[tilespmem:v0+s20+$0xFFFFFFD0 ss:$0x1] =	vst.idx.msk $0xffff, v6;
	v5 =	vld [tilespmem:s21+$0x20]  }
0x30: {  	v2 =	vld [tilespmem:s21+$0xFFFFFFC0];
	[tilespmem:v0+s20+$0xFFFFFFE0 ss:$0x1] =	vst.idx.msk $0xffff, v7;
	s21 =	sadd.s32 $0x80, s21  }
0x31: {  	s23 =	sadd.s32 $0x800, s23;
	v4 =	vld [tilespmem:s21+$0x30];
	[tilespmem:v0+s20+$0xFFFFFFF0 ss:$0x1] =	vst.idx.msk $0xffff, v8  }
0x32: {  	_ =	sdelay $0x3  }
0x33: {  	v6 =	vld [tilespmem:s21+$0xFFFFFFD0];
	[tilespmem:v0+s20+$0x0 ss:$0x1] =	vst.idx.msk $0xffff, v1  }
0x34: {  	v58 =	vld [tilespmem:s21+$0xFFFFFFE0];
	[tilespmem:v0+s20+$0x10 ss:$0x1] =	vst.idx.msk $0xffff, v3  }
0x35: {  	v59 =	vld [tilespmem:s21+$0xFFFFFFF0];
	[tilespmem:v0+s20+$0x20 ss:$0x1] =	vst.idx.msk $0xffff, v5  }
0x36: {  	s22 =	sshra.s32 s22, $0x2;
	v60 =	vld [tilespmem:s21+$0x0];
	[tilespmem:v0+s20+$0xFFFFFFC0 ss:$0x1] =	vst.idx.msk $0xffff, v2  }
0x37: {  	v61 =	vld [tilespmem:s21+$0x10];
	[tilespmem:v0+s22+$0x30 ss:$0x1] =	vst.idx.msk $0xffff, v4  }
0x38: {  	v62 =	vld [tilespmem:s21+$0x20];
	s19 =	sadd.s32 $0x1, s19;
	[tilespmem:v0+s22+$0xFFFFFFD0 ss:$0x1] =	vst.idx.msk $0xffff, v6  }
0x39: {  	v63 =	vld [tilespmem:s21+$0xFFFFFFC0];
	p0 =	sne.s32 s19, $0x4;
	[tilespmem:v0+s22+$0xFFFFFFE0 ss:$0x1] =	vst.idx.msk $0xffff, v58  }
.Ltmp4:
0x3a: {  	[tilespmem:v0+s22+$0xFFFFFFF0 ss:$0x1] =	vst.idx.msk $0xffff, v59;
	(pc) =	sbr.rel @p0 .LBB1_4-.Ltmp4, $4  }
0x3b: {  	[tilespmem:v0+s22+$0x0 ss:$0x1] =	vst.idx.msk $0xffff, v60  }
0x3c: {  	[tilespmem:v0+s22+$0x10 ss:$0x1] =	vst.idx.msk $0xffff, v61  }
0x3d: {  	[tilespmem:v0+s22+$0x20 ss:$0x1] =	vst.idx.msk $0xffff, v62  }
0x3e: {  	s18 =	sadd.s32 $0x400, s18;
	s17 =	sadd.s32 $0x80, s17;
	[tilespmem:v0+s22+$0xFFFFFFC0 ss:$0x1] =	vst.idx.msk $0xffff, v63  }
0x3f: {  	s16 =	sadd.s32 $0x1, s16  }
0x40: {  	p0 =	sne.s32 s16, $0x4  }
.Ltmp5:
0x41: {  	_ = 	snop;
	(pc) =	sbr.rel @p0 .LBB1_3-.Ltmp5, $2  }
0x42: {  	_ =	sdelay $0x2  }
0x43: {  	s13 =	sadd.s32 $0x1000, s13;
	s14 =	sadd.s32 $0x1000, s14  }
.Ltmp6:
0x44: {  	(pc) =	sbr.rel .LBB1_9-.Ltmp6, $4  }
0x45: {  	_ = 	snop  }
0x46: {  	s12 =	sshll.u32 s12, $0x9  }
0x47: {  	s12 =	sadd.s32 s4, s12  }
0x48: {  	[hbm4b:s12+s8] =	stream.linear.scatter [tilespmem:s15], [sflag:$0x2], $0x4000, $0x38;
	[tilespmem:$0x10000] =	vst v63  }
.LBB1_10:
0x49: {  	_ =	sfence.sel $0x180000  }
0x4a: {  	s2 =	simm.s32 $0x1;
	[bflag:$0x0] =	sbarrier.arrive $0xFFFF  }
0x4b: {  	s31 =	simm.s32 $0x2;
	[sflag:s2] =	ssyncpa.u1 $0x1  }
0x4c: {  	[sflag:s31] =	ssyncpa.u1 $0x1  }
0x4d: {  	p0 =	sne.s32 s0, $0x0;
	_ =	strace $0x90000047  }
0x4e: {  	s0 =	sadd.s32 @!p0 $0x100000, s1;
	[bflag:$0x2] =	sbarrier.arrive $0xFFFF  }
0x4f: {  	[sflag:s0] =	ssyncadd.tile.s32 @!p0 $0x1;
	_ =	shalt  }
.Lfunc_end1:
_tile_overlayer_lowered:
.L_overlay_start_2:
0x50: {  	(tag) =	ssettag $0x2  }
0x51: {  	s0 =	rddreg [dreg:$0x0];
	s2 =	stileid.u32  }
0x52: {  	s1 =	rddreg [dreg:$0x1];
	p0 =	sne.s32 s2, $0x0  }
0x53: {  	s3 =	rddreg [dreg:$0x2];
	[bflag:$0x3] =	sbarrier.arrive $0xFFFF;
	s2 =	simm.s32 @!p0 $0x1C01  }
0x54: {  	[timem:s3], [sflag:s2] =	dma.local @!p0 [hbm:s0], s1  }
0x55: {  	s0 =	simm.s32 @!p0 $0x1  }
0x56: {  	_ =	swait.ge @!p0 [sflag:s0], s1  }
0x57: {  	s1 =	ssub.s32 @!p0 $0x0, s1;
	[sflag:s0] =	ssyncset.done @!p0 $0x0  }
0x58: {  	[sflag:s0] =	ssyncadd.s32 @!p0 s1  }
0x59: {  	[bflag:$0x3] =	sbarrier.arrive $0xFFFF  }
0x5a: {  	_ =	shalt  }

</sc_bundles>
